<compile_context>
chip_gen: v7x
topology: tpu7x:2x2x1
jax: 0.10.2.dev20260603
libtpu: 0.0.44.dev20260713+nightly
codegen_flags: <defaults>
</compile_context>

<pallas_src>
import functools

import jax
import jax.numpy as jnp
from jax import lax
from jax.experimental import pallas as pl
from jax.experimental.pallas import tpu as pltpu
from jax.experimental.pallas import tpu_sc as plsc

N_ROWS = 320000
D = 128
NUM_SEG = 10000

NC = 2
NS = 16
NW = NC * NS
ROWS_W = N_ROWS // NW
CH = 40
NCH = ROWS_W // CH
NBUF = 5
LAG = NBUF - 2
ACC_SLAB = 624
ACC_TAIL = NUM_SEG - NS * ACC_SLAB


def _sc_scatter_exp(feats, batch):
    mesh = plsc.VectorSubcoreMesh(core_axis_name="c", subcore_axis_name="s")

    @functools.partial(
        pl.kernel,
        mesh=mesh,
        out_type=jax.ShapeDtypeStruct((NC, NUM_SEG, D), jnp.float32),
        scratch_types=[
            pltpu.VMEM_SHARED((NUM_SEG, D), jnp.float32),
            pltpu.VMEM((NBUF, CH, D), jnp.float32),
            pltpu.VMEM((NBUF, CH), jnp.int32),
        ] + [pltpu.SemaphoreType.DMA] * (3 * NBUF),
    )
    def body(feats_hbm, batch_hbm, out_hbm, acc, inbuf, idsb, *sems):
        in_sem = sems[0:NBUF]
        id_sem = sems[NBUF:2 * NBUF]
        sc_sem = sems[2 * NBUF:3 * NBUF]
        cid = lax.axis_index("c")
        sid = lax.axis_index("s")
        wid = sid * NC + cid
        base0 = wid * ROWS_W
        zv = jnp.zeros((16,), jnp.float32)

        def zfill(i, carry):
            r = i // 8
            c8 = i % 8
            inbuf[0, r, pl.ds(c8 * 16, 16)] = zv
            return carry

        lax.fori_loop(0, CH * 8, zfill, 0)

        rb = sid * ACC_SLAB
        for j in range(ACC_SLAB // CH):
            pltpu.sync_copy(inbuf.at[0], acc.at[pl.ds(rb + j * CH, CH)])
        rem = ACC_SLAB % CH
        if rem:
            pltpu.sync_copy(inbuf.at[0, pl.ds(0, rem)],
                            acc.at[pl.ds(rb + ACC_SLAB - rem, rem)])

        @pl.when(sid == NS - 1)
        def _zero_tail():
            pltpu.sync_copy(inbuf.at[0, pl.ds(0, ACC_TAIL)],
                            acc.at[pl.ds(NS * ACC_SLAB, ACC_TAIL)])

        plsc.subcore_barrier()

        def start_in(ch, b):
            base = base0 + ch * CH
            pltpu.async_copy(feats_hbm.at[pl.ds(base, CH)], inbuf.at[b],
                             in_sem[b])
            pltpu.async_copy(batch_hbm.at[pl.ds(base, CH)], idsb.at[b],
                             id_sem[b])

        def wait_in(b):
            pltpu.make_async_copy(feats_hbm.at[pl.ds(0, CH)], inbuf.at[b],
                                  in_sem[b]).wait()
            pltpu.make_async_copy(batch_hbm.at[pl.ds(0, CH)], idsb.at[b],
                                  id_sem[b]).wait()

        def wait_sc(b):
            pltpu.make_async_copy(inbuf.at[b], acc.at[idsb.at[b]],
                                  sc_sem[b]).wait()

        def process(ch, b):
            wait_in(b)

            def row4(r4, carry, b=b):
                r = r4 * 4
                for u in range(4):
                    for c8 in range(8):
                        sl = pl.ds(c8 * 16, 16)
                        inbuf[b, r + u, sl] = jnp.exp(inbuf[b, r + u, sl])
                return carry

            lax.fori_loop(0, CH // 4, row4, 0)
            pltpu.async_copy(inbuf.at[b], acc.at[idsb.at[b]], sc_sem[b],
                             add=True)

        start_in(0, 0)
        start_in(1, 1)

        @pl.loop(0, NCH, step=NBUF)
        def _ring(ch0):
            for b in range(NBUF):
                ch = ch0 + b
                b2 = (b + 2) % NBUF
                @pl.when(ch >= LAG)
                def _drain(b2=b2):
                    wait_sc(b2)

                @pl.when(ch + 2 < NCH)
                def _refill(ch=ch, b2=b2):
                    start_in(ch + 2, b2)

                process(ch, b)

        for ch in range(NCH - LAG, NCH):
            wait_sc(ch % NBUF)

        plsc.subcore_barrier()

        for j in range(4):
            pltpu.sync_copy(acc.at[pl.ds(rb + j * 128, 128)],
                            out_hbm.at[cid, pl.ds(rb + j * 128, 128)])
        pltpu.sync_copy(acc.at[pl.ds(rb + 512, ACC_SLAB - 512)],
                        out_hbm.at[cid, pl.ds(rb + 512, ACC_SLAB - 512)])

        @pl.when(sid == NS - 1)
        def _write_tail():
            pltpu.sync_copy(acc.at[pl.ds(NS * ACC_SLAB, ACC_TAIL)],
                            out_hbm.at[cid, pl.ds(NS * ACC_SLAB, ACC_TAIL)])

    return body(feats, batch)


def _merge_log_body(p_ref, o_ref):
    s = p_ref[0] + p_ref[1]
    o_ref[...] = jnp.where(s > 0, jnp.log(s), -jnp.inf)


def _merge_log(partials):
    blk = 1000
    return pl.pallas_call(
        _merge_log_body,
        grid=(NUM_SEG // blk,),
        in_specs=[pl.BlockSpec((NC, blk, D), lambda i: (0, i, 0))],
        out_specs=pl.BlockSpec((blk, D), lambda i: (i, 0)),
        out_shape=jax.ShapeDtypeStruct((NUM_SEG, D), jnp.float32),
    )(partials)


def kernel(feats, batch):
    partials = _sc_scatter_exp(feats, batch.astype(jnp.int32))
    return _merge_log(partials)

# --- scband reference (transcript-rebuilt; emitter-appended) ---
"""Pipeline reference for scband-pool-log-sum-exp-6871947674134 (READ-ONLY COPY).

The authoritative reference and input builder live on the scoring server;
editing this copy changes nothing except your own understanding.
"""

import jax, jax.numpy as jnp
import numpy as np

NUM_SEGMENTS = 10000


def setup_inputs(seed: int = 0) -> dict:
    key = jax.random.key(seed)
    k1, k2 = jax.random.split(key)
    feats = jax.random.normal(k1, (320000, 128), dtype=jnp.float32)
    batch = jnp.sort(jax.random.randint(k2, (320000,), 0, NUM_SEGMENTS, dtype=jnp.int64))
    return {"feats": feats, "batch": batch}


def scatter_logsumexp(feats, batch, num_segments):
    # per-segment max (empty segments get -inf)
    seg_max = jax.ops.segment_max(feats, batch, num_segments=num_segments)
    # make max safe for subtraction (empty segments -> 0 offset)
    seg_max_safe = jnp.where(jnp.isfinite(seg_max), seg_max, 0.0)
    shifted = jnp.exp(feats - seg_max_safe[batch])
    sums = jax.ops.segment_sum(shifted, batch, num_segments=num_segments)
    # safe log to avoid nan grads; empty segments map to -inf like torch_scatter
    safe_sums = jnp.where(sums > 0, sums, 1.0)
    out = jnp.where(sums > 0, jnp.log(safe_sums) + seg_max_safe, -jnp.inf)
    return out


def reference(feats, batch):
    return scatter_logsumexp(feats, batch, NUM_SEGMENTS)

if __name__ == "__main__":
    import jax
    _d = setup_inputs()
    print(jax.jit(kernel)(*tuple(_d.values())))

</pallas_src>

<mosaic_0001>
#map = affine_map<(d0, d1) -> (0, 0)>
#map1 = affine_map<(d0, d1) -> (0)>
#map2 = affine_map<(d0, d1) -> (0, 0, 0)>
module attributes {stable_mosaic.version = 14 : i64} {
  func.func @body(%arg0: i32, %arg1: i32, %arg2: memref<320000x128xf32, #tpu.memory_space<hbm>>, %arg3: memref<320000xi32, #tpu.memory_space<hbm>>, %arg4: memref<2x10000x128xf32, #tpu.memory_space<hbm>>, %arg5: memref<10000x128xf32, #tpu.memory_space<vmem_shared>>, %arg6: memref<5x40x128xf32, #tpu.memory_space<vmem>>, %arg7: memref<5x40xi32, #tpu.memory_space<vmem>>, %arg8: memref<!tpu.dma_semaphore, #tpu.memory_space<semaphore_mem>>, %arg9: memref<!tpu.dma_semaphore, #tpu.memory_space<semaphore_mem>>, %arg10: memref<!tpu.dma_semaphore, #tpu.memory_space<semaphore_mem>>, %arg11: memref<!tpu.dma_semaphore, #tpu.memory_space<semaphore_mem>>, %arg12: memref<!tpu.dma_semaphore, #tpu.memory_space<semaphore_mem>>, %arg13: memref<!tpu.dma_semaphore, #tpu.memory_space<semaphore_mem>>, %arg14: memref<!tpu.dma_semaphore, #tpu.memory_space<semaphore_mem>>, %arg15: memref<!tpu.dma_semaphore, #tpu.memory_space<semaphore_mem>>, %arg16: memref<!tpu.dma_semaphore, #tpu.memory_space<semaphore_mem>>, %arg17: memref<!tpu.dma_semaphore, #tpu.memory_space<semaphore_mem>>, %arg18: memref<!tpu.dma_semaphore, #tpu.memory_space<semaphore_mem>>, %arg19: memref<!tpu.dma_semaphore, #tpu.memory_space<semaphore_mem>>, %arg20: memref<!tpu.dma_semaphore, #tpu.memory_space<semaphore_mem>>, %arg21: memref<!tpu.dma_semaphore, #tpu.memory_space<semaphore_mem>>, %arg22: memref<!tpu.dma_semaphore, #tpu.memory_space<semaphore_mem>>) attributes {dimension_semantics = [#tpu.dimension_semantics<core_parallel>, #tpu.dimension_semantics<subcore_parallel>], iteration_bounds = array<i64: 2, 16>, scalar_prefetch = 0 : i64, scratch_operands = 18 : i64, tpu.core_type = #tpu.core_type<sc_vector_subcore>, window_params = [{transform_indices = #map}, {transform_indices = #map1}, {transform_indices = #map2}]} {
    %mul3A = arith.constant 2 : i32
    %mul3A_0 = arith.muli %arg1, %mul3A : i32
    %add3A = arith.addi %mul3A_0, %arg0 : i32
    %mul3A_1 = arith.constant 10000 : i32
    %mul3A_2 = arith.muli %add3A, %mul3A_1 : i32
    %broadcast_in_dim3A = arith.constant 0.000000e+00 : f32
    %broadcast_in_dim3A_3 = vector.broadcast %broadcast_in_dim3A : f32 to vector<16xf32>
    %scan3A = arith.constant 0 : i32
    %scan3A_4 = arith.constant 0 : i32
    %scan3A_5 = arith.constant 320 : i32
    %scan3A_6 = arith.addi %scan3A_4, %scan3A_5 : i32
    %scan3A_7 = arith.constant 1 : i32
    scf.for %scan3A_174 = %scan3A_4 to %scan3A_6 step %scan3A_7  : i32 {
      %jit3A = arith.constant 8 : i32
      %div3A = arith.divsi %scan3A_174, %jit3A : i32
      %sign3A = arith.constant 0 : i32
      %sign3A_175 = arith.cmpi sgt, %scan3A_174, %sign3A : i32
      %sign3A_176 = arith.extui %sign3A_175 : i1 to i32
      %sign3A_177 = arith.constant 0 : i32
      %sign3A_178 = arith.cmpi slt, %scan3A_174, %sign3A_177 : i32
      %sign3A_179 = arith.extui %sign3A_178 : i1 to i32
      %sign3A_180 = arith.subi %sign3A_176, %sign3A_179 : i32
      %sign3A_181 = arith.constant 0 : i32
      %sign3A_182 = arith.cmpi sgt, %jit3A, %sign3A_181 : i32
      %sign3A_183 = arith.extui %sign3A_182 : i1 to i32
      %sign3A_184 = arith.constant 0 : i32
      %sign3A_185 = arith.cmpi slt, %jit3A, %sign3A_184 : i32
      %sign3A_186 = arith.extui %sign3A_185 : i1 to i32
      %sign3A_187 = arith.subi %sign3A_183, %sign3A_186 : i32
      %ne3A = arith.cmpi ne, %sign3A_180, %sign3A_187 : i32
      %rem3A = arith.remsi %scan3A_174, %jit3A : i32
      %ne3A_188 = arith.constant 0 : i32
      %ne3A_189 = arith.cmpi ne, %rem3A, %ne3A_188 : i32
      %and3A = arith.andi %ne3A, %ne3A_189 : i1
      %sub3A_190 = arith.constant 1 : i32
      %sub3A_191 = arith.subi %div3A, %sub3A_190 : i32
      %select_n3A = arith.select %and3A, %sub3A_191, %div3A : i32
      %jit3A_192 = arith.constant 8 : i32
      %eq3A_193 = arith.constant 0 : i32
      %eq3A_194 = arith.cmpi eq, %jit3A_192, %eq3A_193 : i32
      %jit3A_195 = arith.constant 1 : i32
      %select_n3A_196 = arith.select %eq3A_194, %jit3A_195, %jit3A_192 : i32
      %rem3A_197 = arith.remsi %scan3A_174, %select_n3A_196 : i32
      %ne3A_198 = arith.constant 0 : i32
      %ne3A_199 = arith.cmpi ne, %rem3A_197, %ne3A_198 : i32
      %lt3A = arith.constant 0 : i32
      %lt3A_200 = arith.cmpi slt, %rem3A_197, %lt3A : i32
      %lt3A_201 = arith.constant 0 : i32
      %lt3A_202 = arith.cmpi slt, %select_n3A_196, %lt3A_201 : i32
      %ne3A_203 = arith.xori %lt3A_200, %lt3A_202 : i1
      %and3A_204 = arith.andi %ne3A_203, %ne3A_199 : i1
      %add3A_205 = arith.addi %rem3A_197, %select_n3A_196 : i32
      %select_n3A_206 = arith.select %and3A_204, %add3A_205, %rem3A_197 : i32
      %mul3A_207 = arith.constant 16 : i32
      %mul3A_208 = arith.muli %select_n3A_206, %mul3A_207 : i32
      %swap3A = arith.constant 0 : i32
      %swap3A_209 = arith.index_cast %swap3A : i32 to index
      %swap3A_210 = arith.index_cast %select_n3A : i32 to index
      %swap3A_211 = arith.index_cast %mul3A_208 : i32 to index
      %swap3A_212 = tpu.vector_load %arg6[%swap3A_209, %swap3A_210, %swap3A_211] {strides = array<i32>} : memref<5x40x128xf32, #tpu.memory_space<vmem>>, vector<1x1x16xf32>,
      %swap3A_213 = vector.shape_cast %swap3A_212 : vector<1x1x16xf32> to vector<16xf32>
      %swap3A_214 = vector.shape_cast %broadcast_in_dim3A_3 : vector<16xf32> to vector<1x1x16xf32>
      tpu.vector_store %arg6[%swap3A_209, %swap3A_210, %swap3A_211], %swap3A_214 {strides = array<i32>} : memref<5x40x128xf32, #tpu.memory_space<vmem>>, vector<1x1x16xf32>,
    }
    %scan3A_8 = arith.constant 320 : i32
    %mul3A_9 = arith.constant 624 : i32
    %mul3A_10 = arith.muli %arg1, %mul3A_9 : i32
    %add3A_11 = arith.constant 0 : i32
    %add3A_12 = arith.addi %mul3A_10, %add3A_11 : i32
    %run_scoped3A = arith.constant 0 : i32
    "tpu.region"() ({
      %run_scoped3A_174 = tpu.sem_alloc : memref<!tpu.dma_semaphore, #tpu.memory_space<semaphore_mem>>
      %dma_start3A_175 = arith.constant 0 : i32
      %dma_start3A_176 = arith.constant 0 : i32
      %dma_start3A_177 = tpu.memref_slice %arg6[%run_scoped3A, %dma_start3A_175, %dma_start3A_176] : memref<5x40x128xf32, #tpu.memory_space<vmem>> -> memref<1x40x128xf32, #tpu.memory_space<vmem>>
      %dma_start3A_178 = tpu.memref_squeeze %dma_start3A_177 : memref<1x40x128xf32, #tpu.memory_space<vmem>> -> memref<40x128xf32, #tpu.memory_space<vmem>>
      %dma_start3A_179 = arith.constant 0 : i32
      %dma_start3A_180 = tpu.memref_slice %arg5[%add3A_12, %dma_start3A_179] : memref<10000x128xf32, #tpu.memory_space<vmem_shared>> -> memref<40x128xf32, #tpu.memory_space<vmem_shared>>
      %dma_start3A_181 = arith.constant 0 : i32
      %dma_start3A_182 = tpu.memref_slice %arg5[%add3A_12, %dma_start3A_181] : memref<10000x128xf32, #tpu.memory_space<vmem_shared>> -> memref<40x128xf32, #tpu.memory_space<vmem_shared>>
      %dma_start3A_183 = arith.constant 0 : i32
      %dma_start3A_184 = arith.constant 0 : i32
      %dma_start3A_185 = tpu.memref_slice %arg6[%run_scoped3A, %dma_start3A_183, %dma_start3A_184] : memref<5x40x128xf32, #tpu.memory_space<vmem>> -> memref<1x40x128xf32, #tpu.memory_space<vmem>>
      %dma_start3A_186 = tpu.memref_squeeze %dma_start3A_185 : memref<1x40x128xf32, #tpu.memory_space<vmem>> -> memref<40x128xf32, #tpu.memory_space<vmem>>
      tpu.enqueue_dma source(%dma_start3A_186 : memref<40x128xf32, #tpu.memory_space<vmem>>) target(%dma_start3A_182 : memref<40x128xf32, #tpu.memory_space<vmem_shared>>) target_semaphore(%run_scoped3A_174 : memref<!tpu.dma_semaphore, #tpu.memory_space<semaphore_mem>>)
      %dma_wait3A_187 = arith.constant 0 : i32
      %dma_wait3A_188 = arith.constant 0 : i32
      %dma_wait3A_189 = tpu.memref_slice %arg6[%run_scoped3A, %dma_wait3A_187, %dma_wait3A_188] : memref<5x40x128xf32, #tpu.memory_space<vmem>> -> memref<1x40x128xf32, #tpu.memory_space<vmem>>
      %dma_wait3A_190 = tpu.memref_squeeze %dma_wait3A_189 : memref<1x40x128xf32, #tpu.memory_space<vmem>> -> memref<40x128xf32, #tpu.memory_space<vmem>>
      %dma_wait3A_191 = arith.constant 0 : i32
      %dma_wait3A_192 = tpu.memref_slice %arg5[%add3A_12, %dma_wait3A_191] : memref<10000x128xf32, #tpu.memory_space<vmem_shared>> -> memref<40x128xf32, #tpu.memory_space<vmem_shared>>
      %dma_wait3A_193 = arith.constant 0 : i32
      %dma_wait3A_194 = tpu.memref_slice %arg5[%add3A_12, %dma_wait3A_193] : memref<10000x128xf32, #tpu.memory_space<vmem_shared>> -> memref<40x128xf32, #tpu.memory_space<vmem_shared>>
      %dma_wait3A_195 = arith.constant 0 : i32
      %dma_wait3A_196 = arith.constant 0 : i32
      %dma_wait3A_197 = tpu.memref_slice %arg6[%run_scoped3A, %dma_wait3A_195, %dma_wait3A_196] : memref<5x40x128xf32, #tpu.memory_space<vmem>> -> memref<1x40x128xf32, #tpu.memory_space<vmem>>
      %dma_wait3A_198 = tpu.memref_squeeze %dma_wait3A_197 : memref<1x40x128xf32, #tpu.memory_space<vmem>> -> memref<40x128xf32, #tpu.memory_space<vmem>>
      tpu.wait_dma2 semaphore(%run_scoped3A_174 : memref<!tpu.dma_semaphore, #tpu.memory_space<semaphore_mem>>) src(%dma_wait3A_198 : memref<40x128xf32, #tpu.memory_space<vmem>>) dst(%dma_wait3A_194 : memref<40x128xf32, #tpu.memory_space<vmem_shared>>)
      tpu.yield
    }) : () -> ()
    %add3A_13 = arith.constant 40 : i32
    %add3A_14 = arith.addi %mul3A_10, %add3A_13 : i32
    %run_scoped3A_15 = arith.constant 0 : i32
    "tpu.region"() ({
      %run_scoped3A_174 = tpu.sem_alloc : memref<!tpu.dma_semaphore, #tpu.memory_space<semaphore_mem>>
      %dma_start3A_175 = arith.constant 0 : i32
      %dma_start3A_176 = arith.constant 0 : i32
      %dma_start3A_177 = tpu.memref_slice %arg6[%run_scoped3A_15, %dma_start3A_175, %dma_start3A_176] : memref<5x40x128xf32, #tpu.memory_space<vmem>> -> memref<1x40x128xf32, #tpu.memory_space<vmem>>
      %dma_start3A_178 = tpu.memref_squeeze %dma_start3A_177 : memref<1x40x128xf32, #tpu.memory_space<vmem>> -> memref<40x128xf32, #tpu.memory_space<vmem>>
      %dma_start3A_179 = arith.constant 0 : i32
      %dma_start3A_180 = tpu.memref_slice %arg5[%add3A_14, %dma_start3A_179] : memref<10000x128xf32, #tpu.memory_space<vmem_shared>> -> memref<40x128xf32, #tpu.memory_space<vmem_shared>>
      %dma_start3A_181 = arith.constant 0 : i32
      %dma_start3A_182 = tpu.memref_slice %arg5[%add3A_14, %dma_start3A_181] : memref<10000x128xf32, #tpu.memory_space<vmem_shared>> -> memref<40x128xf32, #tpu.memory_space<vmem_shared>>
      %dma_start3A_183 = arith.constant 0 : i32
      %dma_start3A_184 = arith.constant 0 : i32
      %dma_start3A_185 = tpu.memref_slice %arg6[%run_scoped3A_15, %dma_start3A_183, %dma_start3A_184] : memref<5x40x128xf32, #tpu.memory_space<vmem>> -> memref<1x40x128xf32, #tpu.memory_space<vmem>>
      %dma_start3A_186 = tpu.memref_squeeze %dma_start3A_185 : memref<1x40x128xf32, #tpu.memory_space<vmem>> -> memref<40x128xf32, #tpu.memory_space<vmem>>
      tpu.enqueue_dma source(%dma_start3A_186 : memref<40x128xf32, #tpu.memory_space<vmem>>) target(%dma_start3A_182 : memref<40x128xf32, #tpu.memory_space<vmem_shared>>) target_semaphore(%run_scoped3A_174 : memref<!tpu.dma_semaphore, #tpu.memory_space<semaphore_mem>>)
      %dma_wait3A_187 = arith.constant 0 : i32
      %dma_wait3A_188 = arith.constant 0 : i32
      %dma_wait3A_189 = tpu.memref_slice %arg6[%run_scoped3A_15, %dma_wait3A_187, %dma_wait3A_188] : memref<5x40x128xf32, #tpu.memory_space<vmem>> -> memref<1x40x128xf32, #tpu.memory_space<vmem>>
      %dma_wait3A_190 = tpu.memref_squeeze %dma_wait3A_189 : memref<1x40x128xf32, #tpu.memory_space<vmem>> -> memref<40x128xf32, #tpu.memory_space<vmem>>
      %dma_wait3A_191 = arith.constant 0 : i32
      %dma_wait3A_192 = tpu.memref_slice %arg5[%add3A_14, %dma_wait3A_191] : memref<10000x128xf32, #tpu.memory_space<vmem_shared>> -> memref<40x128xf32, #tpu.memory_space<vmem_shared>>
      %dma_wait3A_193 = arith.constant 0 : i32
      %dma_wait3A_194 = tpu.memref_slice %arg5[%add3A_14, %dma_wait3A_193] : memref<10000x128xf32, #tpu.memory_space<vmem_shared>> -> memref<40x128xf32, #tpu.memory_space<vmem_shared>>
      %dma_wait3A_195 = arith.constant 0 : i32
      %dma_wait3A_196 = arith.constant 0 : i32
      %dma_wait3A_197 = tpu.memref_slice %arg6[%run_scoped3A_15, %dma_wait3A_195, %dma_wait3A_196] : memref<5x40x128xf32, #tpu.memory_space<vmem>> -> memref<1x40x128xf32, #tpu.memory_space<vmem>>
      %dma_wait3A_198 = tpu.memref_squeeze %dma_wait3A_197 : memref<1x40x128xf32, #tpu.memory_space<vmem>> -> memref<40x128xf32, #tpu.memory_space<vmem>>
      tpu.wait_dma2 semaphore(%run_scoped3A_174 : memref<!tpu.dma_semaphore, #tpu.memory_space<semaphore_mem>>) src(%dma_wait3A_198 : memref<40x128xf32, #tpu.memory_space<vmem>>) dst(%dma_wait3A_194 : memref<40x128xf32, #tpu.memory_space<vmem_shared>>)
      tpu.yield
    }) : () -> ()
    %add3A_16 = arith.constant 80 : i32
    %add3A_17 = arith.addi %mul3A_10, %add3A_16 : i32
    %run_scoped3A_18 = arith.constant 0 : i32
    "tpu.region"() ({
      %run_scoped3A_174 = tpu.sem_alloc : memref<!tpu.dma_semaphore, #tpu.memory_space<semaphore_mem>>
      %dma_start3A_175 = arith.constant 0 : i32
      %dma_start3A_176 = arith.constant 0 : i32
      %dma_start3A_177 = tpu.memref_slice %arg6[%run_scoped3A_18, %dma_start3A_175, %dma_start3A_176] : memref<5x40x128xf32, #tpu.memory_space<vmem>> -> memref<1x40x128xf32, #tpu.memory_space<vmem>>
      %dma_start3A_178 = tpu.memref_squeeze %dma_start3A_177 : memref<1x40x128xf32, #tpu.memory_space<vmem>> -> memref<40x128xf32, #tpu.memory_space<vmem>>
      %dma_start3A_179 = arith.constant 0 : i32
      %dma_start3A_180 = tpu.memref_slice %arg5[%add3A_17, %dma_start3A_179] : memref<10000x128xf32, #tpu.memory_space<vmem_shared>> -> memref<40x128xf32, #tpu.memory_space<vmem_shared>>
      %dma_start3A_181 = arith.constant 0 : i32
      %dma_start3A_182 = tpu.memref_slice %arg5[%add3A_17, %dma_start3A_181] : memref<10000x128xf32, #tpu.memory_space<vmem_shared>> -> memref<40x128xf32, #tpu.memory_space<vmem_shared>>
      %dma_start3A_183 = arith.constant 0 : i32
      %dma_start3A_184 = arith.constant 0 : i32
      %dma_start3A_185 = tpu.memref_slice %arg6[%run_scoped3A_18, %dma_start3A_183, %dma_start3A_184] : memref<5x40x128xf32, #tpu.memory_space<vmem>> -> memref<1x40x128xf32, #tpu.memory_space<vmem>>
      %dma_start3A_186 = tpu.memref_squeeze %dma_start3A_185 : memref<1x40x128xf32, #tpu.memory_space<vmem>> -> memref<40x128xf32, #tpu.memory_space<vmem>>
      tpu.enqueue_dma source(%dma_start3A_186 : memref<40x128xf32, #tpu.memory_space<vmem>>) target(%dma_start3A_182 : memref<40x128xf32, #tpu.memory_space<vmem_shared>>) target_semaphore(%run_scoped3A_174 : memref<!tpu.dma_semaphore, #tpu.memory_space<semaphore_mem>>)
      %dma_wait3A_187 = arith.constant 0 : i32
      %dma_wait3A_188 = arith.constant 0 : i32
      %dma_wait3A_189 = tpu.memref_slice %arg6[%run_scoped3A_18, %dma_wait3A_187, %dma_wait3A_188] : memref<5x40x128xf32, #tpu.memory_space<vmem>> -> memref<1x40x128xf32, #tpu.memory_space<vmem>>
      %dma_wait3A_190 = tpu.memref_squeeze %dma_wait3A_189 : memref<1x40x128xf32, #tpu.memory_space<vmem>> -> memref<40x128xf32, #tpu.memory_space<vmem>>
      %dma_wait3A_191 = arith.constant 0 : i32
      %dma_wait3A_192 = tpu.memref_slice %arg5[%add3A_17, %dma_wait3A_191] : memref<10000x128xf32, #tpu.memory_space<vmem_shared>> -> memref<40x128xf32, #tpu.memory_space<vmem_shared>>
      %dma_wait3A_193 = arith.constant 0 : i32
      %dma_wait3A_194 = tpu.memref_slice %arg5[%add3A_17, %dma_wait3A_193] : memref<10000x128xf32, #tpu.memory_space<vmem_shared>> -> memref<40x128xf32, #tpu.memory_space<vmem_shared>>
      %dma_wait3A_195 = arith.constant 0 : i32
      %dma_wait3A_196 = arith.constant 0 : i32
      %dma_wait3A_197 = tpu.memref_slice %arg6[%run_scoped3A_18, %dma_wait3A_195, %dma_wait3A_196] : memref<5x40x128xf32, #tpu.memory_space<vmem>> -> memref<1x40x128xf32, #tpu.memory_space<vmem>>
      %dma_wait3A_198 = tpu.memref_squeeze %dma_wait3A_197 : memref<1x40x128xf32, #tpu.memory_space<vmem>> -> memref<40x128xf32, #tpu.memory_space<vmem>>
      tpu.wait_dma2 semaphore(%run_scoped3A_174 : memref<!tpu.dma_semaphore, #tpu.memory_space<semaphore_mem>>) src(%dma_wait3A_198 : memref<40x128xf32, #tpu.memory_space<vmem>>) dst(%dma_wait3A_194 : memref<40x128xf32, #tpu.memory_space<vmem_shared>>)
      tpu.yield
    }) : () -> ()
    %add3A_19 = arith.constant 120 : i32
    %add3A_20 = arith.addi %mul3A_10, %add3A_19 : i32
    %run_scoped3A_21 = arith.constant 0 : i32
    "tpu.region"() ({
      %run_scoped3A_174 = tpu.sem_alloc : memref<!tpu.dma_semaphore, #tpu.memory_space<semaphore_mem>>
      %dma_start3A_175 = arith.constant 0 : i32
      %dma_start3A_176 = arith.constant 0 : i32
      %dma_start3A_177 = tpu.memref_slice %arg6[%run_scoped3A_21, %dma_start3A_175, %dma_start3A_176] : memref<5x40x128xf32, #tpu.memory_space<vmem>> -> memref<1x40x128xf32, #tpu.memory_space<vmem>>
      %dma_start3A_178 = tpu.memref_squeeze %dma_start3A_177 : memref<1x40x128xf32, #tpu.memory_space<vmem>> -> memref<40x128xf32, #tpu.memory_space<vmem>>
      %dma_start3A_179 = arith.constant 0 : i32
      %dma_start3A_180 = tpu.memref_slice %arg5[%add3A_20, %dma_start3A_179] : memref<10000x128xf32, #tpu.memory_space<vmem_shared>> -> memref<40x128xf32, #tpu.memory_space<vmem_shared>>
      %dma_start3A_181 = arith.constant 0 : i32
      %dma_start3A_182 = tpu.memref_slice %arg5[%add3A_20, %dma_start3A_181] : memref<10000x128xf32, #tpu.memory_space<vmem_shared>> -> memref<40x128xf32, #tpu.memory_space<vmem_shared>>
      %dma_start3A_183 = arith.constant 0 : i32
      %dma_start3A_184 = arith.constant 0 : i32
      %dma_start3A_185 = tpu.memref_slice %arg6[%run_scoped3A_21, %dma_start3A_183, %dma_start3A_184] : memref<5x40x128xf32, #tpu.memory_space<vmem>> -> memref<1x40x128xf32, #tpu.memory_space<vmem>>
      %dma_start3A_186 = tpu.memref_squeeze %dma_start3A_185 : memref<1x40x128xf32, #tpu.memory_space<vmem>> -> memref<40x128xf32, #tpu.memory_space<vmem>>
      tpu.enqueue_dma source(%dma_start3A_186 : memref<40x128xf32, #tpu.memory_space<vmem>>) target(%dma_start3A_182 : memref<40x128xf32, #tpu.memory_space<vmem_shared>>) target_semaphore(%run_scoped3A_174 : memref<!tpu.dma_semaphore, #tpu.memory_space<semaphore_mem>>)
      %dma_wait3A_187 = arith.constant 0 : i32
      %dma_wait3A_188 = arith.constant 0 : i32
      %dma_wait3A_189 = tpu.memref_slice %arg6[%run_scoped3A_21, %dma_wait3A_187, %dma_wait3A_188] : memref<5x40x128xf32, #tpu.memory_space<vmem>> -> memref<1x40x128xf32, #tpu.memory_space<vmem>>
      %dma_wait3A_190 = tpu.memref_squeeze %dma_wait3A_189 : memref<1x40x128xf32, #tpu.memory_space<vmem>> -> memref<40x128xf32, #tpu.memory_space<vmem>>
      %dma_wait3A_191 = arith.constant 0 : i32
      %dma_wait3A_192 = tpu.memref_slice %arg5[%add3A_20, %dma_wait3A_191] : memref<10000x128xf32, #tpu.memory_space<vmem_shared>> -> memref<40x128xf32, #tpu.memory_space<vmem_shared>>
      %dma_wait3A_193 = arith.constant 0 : i32
      %dma_wait3A_194 = tpu.memref_slice %arg5[%add3A_20, %dma_wait3A_193] : memref<10000x128xf32, #tpu.memory_space<vmem_shared>> -> memref<40x128xf32, #tpu.memory_space<vmem_shared>>
      %dma_wait3A_195 = arith.constant 0 : i32
      %dma_wait3A_196 = arith.constant 0 : i32
      %dma_wait3A_197 = tpu.memref_slice %arg6[%run_scoped3A_21, %dma_wait3A_195, %dma_wait3A_196] : memref<5x40x128xf32, #tpu.memory_space<vmem>> -> memref<1x40x128xf32, #tpu.memory_space<vmem>>
      %dma_wait3A_198 = tpu.memref_squeeze %dma_wait3A_197 : memref<1x40x128xf32, #tpu.memory_space<vmem>> -> memref<40x128xf32, #tpu.memory_space<vmem>>
      tpu.wait_dma2 semaphore(%run_scoped3A_174 : memref<!tpu.dma_semaphore, #tpu.memory_space<semaphore_mem>>) src(%dma_wait3A_198 : memref<40x128xf32, #tpu.memory_space<vmem>>) dst(%dma_wait3A_194 : memref<40x128xf32, #tpu.memory_space<vmem_shared>>)
      tpu.yield
    }) : () -> ()
    %add3A_22 = arith.constant 160 : i32
    %add3A_23 = arith.addi %mul3A_10, %add3A_22 : i32
    %run_scoped3A_24 = arith.constant 0 : i32
    "tpu.region"() ({
      %run_scoped3A_174 = tpu.sem_alloc : memref<!tpu.dma_semaphore, #tpu.memory_space<semaphore_mem>>
      %dma_start3A_175 = arith.constant 0 : i32
      %dma_start3A_176 = arith.constant 0 : i32
      %dma_start3A_177 = tpu.memref_slice %arg6[%run_scoped3A_24, %dma_start3A_175, %dma_start3A_176] : memref<5x40x128xf32, #tpu.memory_space<vmem>> -> memref<1x40x128xf32, #tpu.memory_space<vmem>>
      %dma_start3A_178 = tpu.memref_squeeze %dma_start3A_177 : memref<1x40x128xf32, #tpu.memory_space<vmem>> -> memref<40x128xf32, #tpu.memory_space<vmem>>
      %dma_start3A_179 = arith.constant 0 : i32
      %dma_start3A_180 = tpu.memref_slice %arg5[%add3A_23, %dma_start3A_179] : memref<10000x128xf32, #tpu.memory_space<vmem_shared>> -> memref<40x128xf32, #tpu.memory_space<vmem_shared>>
      %dma_start3A_181 = arith.constant 0 : i32
      %dma_start3A_182 = tpu.memref_slice %arg5[%add3A_23, %dma_start3A_181] : memref<10000x128xf32, #tpu.memory_space<vmem_shared>> -> memref<40x128xf32, #tpu.memory_space<vmem_shared>>
      %dma_start3A_183 = arith.constant 0 : i32
      %dma_start3A_184 = arith.constant 0 : i32
      %dma_start3A_185 = tpu.memref_slice %arg6[%run_scoped3A_24, %dma_start3A_183, %dma_start3A_184] : memref<5x40x128xf32, #tpu.memory_space<vmem>> -> memref<1x40x128xf32, #tpu.memory_space<vmem>>
      %dma_start3A_186 = tpu.memref_squeeze %dma_start3A_185 : memref<1x40x128xf32, #tpu.memory_space<vmem>> -> memref<40x128xf32, #tpu.memory_space<vmem>>
      tpu.enqueue_dma source(%dma_start3A_186 : memref<40x128xf32, #tpu.memory_space<vmem>>) target(%dma_start3A_182 : memref<40x128xf32, #tpu.memory_space<vmem_shared>>) target_semaphore(%run_scoped3A_174 : memref<!tpu.dma_semaphore, #tpu.memory_space<semaphore_mem>>)
      %dma_wait3A_187 = arith.constant 0 : i32
      %dma_wait3A_188 = arith.constant 0 : i32
      %dma_wait3A_189 = tpu.memref_slice %arg6[%run_scoped3A_24, %dma_wait3A_187, %dma_wait3A_188] : memref<5x40x128xf32, #tpu.memory_space<vmem>> -> memref<1x40x128xf32, #tpu.memory_space<vmem>>
      %dma_wait3A_190 = tpu.memref_squeeze %dma_wait3A_189 : memref<1x40x128xf32, #tpu.memory_space<vmem>> -> memref<40x128xf32, #tpu.memory_space<vmem>>
      %dma_wait3A_191 = arith.constant 0 : i32
      %dma_wait3A_192 = tpu.memref_slice %arg5[%add3A_23, %dma_wait3A_191] : memref<10000x128xf32, #tpu.memory_space<vmem_shared>> -> memref<40x128xf32, #tpu.memory_space<vmem_shared>>
      %dma_wait3A_193 = arith.constant 0 : i32
      %dma_wait3A_194 = tpu.memref_slice %arg5[%add3A_23, %dma_wait3A_193] : memref<10000x128xf32, #tpu.memory_space<vmem_shared>> -> memref<40x128xf32, #tpu.memory_space<vmem_shared>>
      %dma_wait3A_195 = arith.constant 0 : i32
      %dma_wait3A_196 = arith.constant 0 : i32
      %dma_wait3A_197 = tpu.memref_slice %arg6[%run_scoped3A_24, %dma_wait3A_195, %dma_wait3A_196] : memref<5x40x128xf32, #tpu.memory_space<vmem>> -> memref<1x40x128xf32, #tpu.memory_space<vmem>>
      %dma_wait3A_198 = tpu.memref_squeeze %dma_wait3A_197 : memref<1x40x128xf32, #tpu.memory_space<vmem>> -> memref<40x128xf32, #tpu.memory_space<vmem>>
      tpu.wait_dma2 semaphore(%run_scoped3A_174 : memref<!tpu.dma_semaphore, #tpu.memory_space<semaphore_mem>>) src(%dma_wait3A_198 : memref<40x128xf32, #tpu.memory_space<vmem>>) dst(%dma_wait3A_194 : memref<40x128xf32, #tpu.memory_space<vmem_shared>>)
      tpu.yield
    }) : () -> ()
    %add3A_25 = arith.constant 200 : i32
    %add3A_26 = arith.addi %mul3A_10, %add3A_25 : i32
    %run_scoped3A_27 = arith.constant 0 : i32
    "tpu.region"() ({
      %run_scoped3A_174 = tpu.sem_alloc : memref<!tpu.dma_semaphore, #tpu.memory_space<semaphore_mem>>
      %dma_start3A_175 = arith.constant 0 : i32
      %dma_start3A_176 = arith.constant 0 : i32
      %dma_start3A_177 = tpu.memref_slice %arg6[%run_scoped3A_27, %dma_start3A_175, %dma_start3A_176] : memref<5x40x128xf32, #tpu.memory_space<vmem>> -> memref<1x40x128xf32, #tpu.memory_space<vmem>>
      %dma_start3A_178 = tpu.memref_squeeze %dma_start3A_177 : memref<1x40x128xf32, #tpu.memory_space<vmem>> -> memref<40x128xf32, #tpu.memory_space<vmem>>
      %dma_start3A_179 = arith.constant 0 : i32
      %dma_start3A_180 = tpu.memref_slice %arg5[%add3A_26, %dma_start3A_179] : memref<10000x128xf32, #tpu.memory_space<vmem_shared>> -> memref<40x128xf32, #tpu.memory_space<vmem_shared>>
      %dma_start3A_181 = arith.constant 0 : i32
      %dma_start3A_182 = tpu.memref_slice %arg5[%add3A_26, %dma_start3A_181] : memref<10000x128xf32, #tpu.memory_space<vmem_shared>> -> memref<40x128xf32, #tpu.memory_space<vmem_shared>>
      %dma_start3A_183 = arith.constant 0 : i32
      %dma_start3A_184 = arith.constant 0 : i32
      %dma_start3A_185 = tpu.memref_slice %arg6[%run_scoped3A_27, %dma_start3A_183, %dma_start3A_184] : memref<5x40x128xf32, #tpu.memory_space<vmem>> -> memref<1x40x128xf32, #tpu.memory_space<vmem>>
      %dma_start3A_186 = tpu.memref_squeeze %dma_start3A_185 : memref<1x40x128xf32, #tpu.memory_space<vmem>> -> memref<40x128xf32, #tpu.memory_space<vmem>>
      tpu.enqueue_dma source(%dma_start3A_186 : memref<40x128xf32, #tpu.memory_space<vmem>>) target(%dma_start3A_182 : memref<40x128xf32, #tpu.memory_space<vmem_shared>>) target_semaphore(%run_scoped3A_174 : memref<!tpu.dma_semaphore, #tpu.memory_space<semaphore_mem>>)
      %dma_wait3A_187 = arith.constant 0 : i32
      %dma_wait3A_188 = arith.constant 0 : i32
      %dma_wait3A_189 = tpu.memref_slice %arg6[%run_scoped3A_27, %dma_wait3A_187, %dma_wait3A_188] : memref<5x40x128xf32, #tpu.memory_space<vmem>> -> memref<1x40x128xf32, #tpu.memory_space<vmem>>
      %dma_wait3A_190 = tpu.memref_squeeze %dma_wait3A_189 : memref<1x40x128xf32, #tpu.memory_space<vmem>> -> memref<40x128xf32, #tpu.memory_space<vmem>>
      %dma_wait3A_191 = arith.constant 0 : i32
      %dma_wait3A_192 = tpu.memref_slice %arg5[%add3A_26, %dma_wait3A_191] : memref<10000x128xf32, #tpu.memory_space<vmem_shared>> -> memref<40x128xf32, #tpu.memory_space<vmem_shared>>
      %dma_wait3A_193 = arith.constant 0 : i32
      %dma_wait3A_194 = tpu.memref_slice %arg5[%add3A_26, %dma_wait3A_193] : memref<10000x128xf32, #tpu.memory_space<vmem_shared>> -> memref<40x128xf32, #tpu.memory_space<vmem_shared>>
      %dma_wait3A_195 = arith.constant 0 : i32
      %dma_wait3A_196 = arith.constant 0 : i32
      %dma_wait3A_197 = tpu.memref_slice %arg6[%run_scoped3A_27, %dma_wait3A_195, %dma_wait3A_196] : memref<5x40x128xf32, #tpu.memory_space<vmem>> -> memref<1x40x128xf32, #tpu.memory_space<vmem>>
      %dma_wait3A_198 = tpu.memref_squeeze %dma_wait3A_197 : memref<1x40x128xf32, #tpu.memory_space<vmem>> -> memref<40x128xf32, #tpu.memory_space<vmem>>
      tpu.wait_dma2 semaphore(%run_scoped3A_174 : memref<!tpu.dma_semaphore, #tpu.memory_space<semaphore_mem>>) src(%dma_wait3A_198 : memref<40x128xf32, #tpu.memory_space<vmem>>) dst(%dma_wait3A_194 : memref<40x128xf32, #tpu.memory_space<vmem_shared>>)
      tpu.yield
    }) : () -> ()
    %add3A_28 = arith.constant 240 : i32
    %add3A_29 = arith.addi %mul3A_10, %add3A_28 : i32
    %run_scoped3A_30 = arith.constant 0 : i32
    "tpu.region"() ({
      %run_scoped3A_174 = tpu.sem_alloc : memref<!tpu.dma_semaphore, #tpu.memory_space<semaphore_mem>>
      %dma_start3A_175 = arith.constant 0 : i32
      %dma_start3A_176 = arith.constant 0 : i32
      %dma_start3A_177 = tpu.memref_slice %arg6[%run_scoped3A_30, %dma_start3A_175, %dma_start3A_176] : memref<5x40x128xf32, #tpu.memory_space<vmem>> -> memref<1x40x128xf32, #tpu.memory_space<vmem>>
      %dma_start3A_178 = tpu.memref_squeeze %dma_start3A_177 : memref<1x40x128xf32, #tpu.memory_space<vmem>> -> memref<40x128xf32, #tpu.memory_space<vmem>>
      %dma_start3A_179 = arith.constant 0 : i32
      %dma_start3A_180 = tpu.memref_slice %arg5[%add3A_29, %dma_start3A_179] : memref<10000x128xf32, #tpu.memory_space<vmem_shared>> -> memref<40x128xf32, #tpu.memory_space<vmem_shared>>
      %dma_start3A_181 = arith.constant 0 : i32
      %dma_start3A_182 = tpu.memref_slice %arg5[%add3A_29, %dma_start3A_181] : memref<10000x128xf32, #tpu.memory_space<vmem_shared>> -> memref<40x128xf32, #tpu.memory_space<vmem_shared>>
      %dma_start3A_183 = arith.constant 0 : i32
      %dma_start3A_184 = arith.constant 0 : i32
      %dma_start3A_185 = tpu.memref_slice %arg6[%run_scoped3A_30, %dma_start3A_183, %dma_start3A_184] : memref<5x40x128xf32, #tpu.memory_space<vmem>> -> memref<1x40x128xf32, #tpu.memory_space<vmem>>
      %dma_start3A_186 = tpu.memref_squeeze %dma_start3A_185 : memref<1x40x128xf32, #tpu.memory_space<vmem>> -> memref<40x128xf32, #tpu.memory_space<vmem>>
      tpu.enqueue_dma source(%dma_start3A_186 : memref<40x128xf32, #tpu.memory_space<vmem>>) target(%dma_start3A_182 : memref<40x128xf32, #tpu.memory_space<vmem_shared>>) target_semaphore(%run_scoped3A_174 : memref<!tpu.dma_semaphore, #tpu.memory_space<semaphore_mem>>)
      %dma_wait3A_187 = arith.constant 0 : i32
      %dma_wait3A_188 = arith.constant 0 : i32
      %dma_wait3A_189 = tpu.memref_slice %arg6[%run_scoped3A_30, %dma_wait3A_187, %dma_wait3A_188] : memref<5x40x128xf32, #tpu.memory_space<vmem>> -> memref<1x40x128xf32, #tpu.memory_space<vmem>>
      %dma_wait3A_190 = tpu.memref_squeeze %dma_wait3A_189 : memref<1x40x128xf32, #tpu.memory_space<vmem>> -> memref<40x128xf32, #tpu.memory_space<vmem>>
      %dma_wait3A_191 = arith.constant 0 : i32
      %dma_wait3A_192 = tpu.memref_slice %arg5[%add3A_29, %dma_wait3A_191] : memref<10000x128xf32, #tpu.memory_space<vmem_shared>> -> memref<40x128xf32, #tpu.memory_space<vmem_shared>>
      %dma_wait3A_193 = arith.constant 0 : i32
      %dma_wait3A_194 = tpu.memref_slice %arg5[%add3A_29, %dma_wait3A_193] : memref<10000x128xf32, #tpu.memory_space<vmem_shared>> -> memref<40x128xf32, #tpu.memory_space<vmem_shared>>
      %dma_wait3A_195 = arith.constant 0 : i32
      %dma_wait3A_196 = arith.constant 0 : i32
      %dma_wait3A_197 = tpu.memref_slice %arg6[%run_scoped3A_30, %dma_wait3A_195, %dma_wait3A_196] : memref<5x40x128xf32, #tpu.memory_space<vmem>> -> memref<1x40x128xf32, #tpu.memory_space<vmem>>
      %dma_wait3A_198 = tpu.memref_squeeze %dma_wait3A_197 : memref<1x40x128xf32, #tpu.memory_space<vmem>> -> memref<40x128xf32, #tpu.memory_space<vmem>>
      tpu.wait_dma2 semaphore(%run_scoped3A_174 : memref<!tpu.dma_semaphore, #tpu.memory_space<semaphore_mem>>) src(%dma_wait3A_198 : memref<40x128xf32, #tpu.memory_space<vmem>>) dst(%dma_wait3A_194 : memref<40x128xf32, #tpu.memory_space<vmem_shared>>)
      tpu.yield
    }) : () -> ()
    %add3A_31 = arith.constant 280 : i32
    %add3A_32 = arith.addi %mul3A_10, %add3A_31 : i32
    %run_scoped3A_33 = arith.constant 0 : i32
    "tpu.region"() ({
      %run_scoped3A_174 = tpu.sem_alloc : memref<!tpu.dma_semaphore, #tpu.memory_space<semaphore_mem>>
      %dma_start3A_175 = arith.constant 0 : i32
      %dma_start3A_176 = arith.constant 0 : i32
      %dma_start3A_177 = tpu.memref_slice %arg6[%run_scoped3A_33, %dma_start3A_175, %dma_start3A_176] : memref<5x40x128xf32, #tpu.memory_space<vmem>> -> memref<1x40x128xf32, #tpu.memory_space<vmem>>
      %dma_start3A_178 = tpu.memref_squeeze %dma_start3A_177 : memref<1x40x128xf32, #tpu.memory_space<vmem>> -> memref<40x128xf32, #tpu.memory_space<vmem>>
      %dma_start3A_179 = arith.constant 0 : i32
      %dma_start3A_180 = tpu.memref_slice %arg5[%add3A_32, %dma_start3A_179] : memref<10000x128xf32, #tpu.memory_space<vmem_shared>> -> memref<40x128xf32, #tpu.memory_space<vmem_shared>>
      %dma_start3A_181 = arith.constant 0 : i32
      %dma_start3A_182 = tpu.memref_slice %arg5[%add3A_32, %dma_start3A_181] : memref<10000x128xf32, #tpu.memory_space<vmem_shared>> -> memref<40x128xf32, #tpu.memory_space<vmem_shared>>
      %dma_start3A_183 = arith.constant 0 : i32
      %dma_start3A_184 = arith.constant 0 : i32
      %dma_start3A_185 = tpu.memref_slice %arg6[%run_scoped3A_33, %dma_start3A_183, %dma_start3A_184] : memref<5x40x128xf32, #tpu.memory_space<vmem>> -> memref<1x40x128xf32, #tpu.memory_space<vmem>>
      %dma_start3A_186 = tpu.memref_squeeze %dma_start3A_185 : memref<1x40x128xf32, #tpu.memory_space<vmem>> -> memref<40x128xf32, #tpu.memory_space<vmem>>
      tpu.enqueue_dma source(%dma_start3A_186 : memref<40x128xf32, #tpu.memory_space<vmem>>) target(%dma_start3A_182 : memref<40x128xf32, #tpu.memory_space<vmem_shared>>) target_semaphore(%run_scoped3A_174 : memref<!tpu.dma_semaphore, #tpu.memory_space<semaphore_mem>>)
      %dma_wait3A_187 = arith.constant 0 : i32
      %dma_wait3A_188 = arith.constant 0 : i32
      %dma_wait3A_189 = tpu.memref_slice %arg6[%run_scoped3A_33, %dma_wait3A_187, %dma_wait3A_188] : memref<5x40x128xf32, #tpu.memory_space<vmem>> -> memref<1x40x128xf32, #tpu.memory_space<vmem>>
      %dma_wait3A_190 = tpu.memref_squeeze %dma_wait3A_189 : memref<1x40x128xf32, #tpu.memory_space<vmem>> -> memref<40x128xf32, #tpu.memory_space<vmem>>
      %dma_wait3A_191 = arith.constant 0 : i32
      %dma_wait3A_192 = tpu.memref_slice %arg5[%add3A_32, %dma_wait3A_191] : memref<10000x128xf32, #tpu.memory_space<vmem_shared>> -> memref<40x128xf32, #tpu.memory_space<vmem_shared>>
      %dma_wait3A_193 = arith.constant 0 : i32
      %dma_wait3A_194 = tpu.memref_slice %arg5[%add3A_32, %dma_wait3A_193] : memref<10000x128xf32, #tpu.memory_space<vmem_shared>> -> memref<40x128xf32, #tpu.memory_space<vmem_shared>>
      %dma_wait3A_195 = arith.constant 0 : i32
      %dma_wait3A_196 = arith.constant 0 : i32
      %dma_wait3A_197 = tpu.memref_slice %arg6[%run_scoped3A_33, %dma_wait3A_195, %dma_wait3A_196] : memref<5x40x128xf32, #tpu.memory_space<vmem>> -> memref<1x40x128xf32, #tpu.memory_space<vmem>>
      %dma_wait3A_198 = tpu.memref_squeeze %dma_wait3A_197 : memref<1x40x128xf32, #tpu.memory_space<vmem>> -> memref<40x128xf32, #tpu.memory_space<vmem>>
      tpu.wait_dma2 semaphore(%run_scoped3A_174 : memref<!tpu.dma_semaphore, #tpu.memory_space<semaphore_mem>>) src(%dma_wait3A_198 : memref<40x128xf32, #tpu.memory_space<vmem>>) dst(%dma_wait3A_194 : memref<40x128xf32, #tpu.memory_space<vmem_shared>>)
      tpu.yield
    }) : () -> ()
    %add3A_34 = arith.constant 320 : i32
    %add3A_35 = arith.addi %mul3A_10, %add3A_34 : i32
    %run_scoped3A_36 = arith.constant 0 : i32
    "tpu.region"() ({
      %run_scoped3A_174 = tpu.sem_alloc : memref<!tpu.dma_semaphore, #tpu.memory_space<semaphore_mem>>
      %dma_start3A_175 = arith.constant 0 : i32
      %dma_start3A_176 = arith.constant 0 : i32
      %dma_start3A_177 = tpu.memref_slice %arg6[%run_scoped3A_36, %dma_start3A_175, %dma_start3A_176] : memref<5x40x128xf32, #tpu.memory_space<vmem>> -> memref<1x40x128xf32, #tpu.memory_space<vmem>>
      %dma_start3A_178 = tpu.memref_squeeze %dma_start3A_177 : memref<1x40x128xf32, #tpu.memory_space<vmem>> -> memref<40x128xf32, #tpu.memory_space<vmem>>
      %dma_start3A_179 = arith.constant 0 : i32
      %dma_start3A_180 = tpu.memref_slice %arg5[%add3A_35, %dma_start3A_179] : memref<10000x128xf32, #tpu.memory_space<vmem_shared>> -> memref<40x128xf32, #tpu.memory_space<vmem_shared>>
      %dma_start3A_181 = arith.constant 0 : i32
      %dma_start3A_182 = tpu.memref_slice %arg5[%add3A_35, %dma_start3A_181] : memref<10000x128xf32, #tpu.memory_space<vmem_shared>> -> memref<40x128xf32, #tpu.memory_space<vmem_shared>>
      %dma_start3A_183 = arith.constant 0 : i32
      %dma_start3A_184 = arith.constant 0 : i32
      %dma_start3A_185 = tpu.memref_slice %arg6[%run_scoped3A_36, %dma_start3A_183, %dma_start3A_184] : memref<5x40x128xf32, #tpu.memory_space<vmem>> -> memref<1x40x128xf32, #tpu.memory_space<vmem>>
      %dma_start3A_186 = tpu.memref_squeeze %dma_start3A_185 : memref<1x40x128xf32, #tpu.memory_space<vmem>> -> memref<40x128xf32, #tpu.memory_space<vmem>>
      tpu.enqueue_dma source(%dma_start3A_186 : memref<40x128xf32, #tpu.memory_space<vmem>>) target(%dma_start3A_182 : memref<40x128xf32, #tpu.memory_space<vmem_shared>>) target_semaphore(%run_scoped3A_174 : memref<!tpu.dma_semaphore, #tpu.memory_space<semaphore_mem>>)
      %dma_wait3A_187 = arith.constant 0 : i32
      %dma_wait3A_188 = arith.constant 0 : i32
      %dma_wait3A_189 = tpu.memref_slice %arg6[%run_scoped3A_36, %dma_wait3A_187, %dma_wait3A_188] : memref<5x40x128xf32, #tpu.memory_space<vmem>> -> memref<1x40x128xf32, #tpu.memory_space<vmem>>
      %dma_wait3A_190 = tpu.memref_squeeze %dma_wait3A_189 : memref<1x40x128xf32, #tpu.memory_space<vmem>> -> memref<40x128xf32, #tpu.memory_space<vmem>>
      %dma_wait3A_191 = arith.constant 0 : i32
      %dma_wait3A_192 = tpu.memref_slice %arg5[%add3A_35, %dma_wait3A_191] : memref<10000x128xf32, #tpu.memory_space<vmem_shared>> -> memref<40x128xf32, #tpu.memory_space<vmem_shared>>
      %dma_wait3A_193 = arith.constant 0 : i32
      %dma_wait3A_194 = tpu.memref_slice %arg5[%add3A_35, %dma_wait3A_193] : memref<10000x128xf32, #tpu.memory_space<vmem_shared>> -> memref<40x128xf32, #tpu.memory_space<vmem_shared>>
      %dma_wait3A_195 = arith.constant 0 : i32
      %dma_wait3A_196 = arith.constant 0 : i32
      %dma_wait3A_197 = tpu.memref_slice %arg6[%run_scoped3A_36, %dma_wait3A_195, %dma_wait3A_196] : memref<5x40x128xf32, #tpu.memory_space<vmem>> -> memref<1x40x128xf32, #tpu.memory_space<vmem>>
      %dma_wait3A_198 = tpu.memref_squeeze %dma_wait3A_197 : memref<1x40x128xf32, #tpu.memory_space<vmem>> -> memref<40x128xf32, #tpu.memory_space<vmem>>
      tpu.wait_dma2 semaphore(%run_scoped3A_174 : memref<!tpu.dma_semaphore, #tpu.memory_space<semaphore_mem>>) src(%dma_wait3A_198 : memref<40x128xf32, #tpu.memory_space<vmem>>) dst(%dma_wait3A_194 : memref<40x128xf32, #tpu.memory_space<vmem_shared>>)
      tpu.yield
    }) : () -> ()
    %add3A_37 = arith.constant 360 : i32
    %add3A_38 = arith.addi %mul3A_10, %add3A_37 : i32
    %run_scoped3A_39 = arith.constant 0 : i32
    "tpu.region"() ({
      %run_scoped3A_174 = tpu.sem_alloc : memref<!tpu.dma_semaphore, #tpu.memory_space<semaphore_mem>>
      %dma_start3A_175 = arith.constant 0 : i32
      %dma_start3A_176 = arith.constant 0 : i32
      %dma_start3A_177 = tpu.memref_slice %arg6[%run_scoped3A_39, %dma_start3A_175, %dma_start3A_176] : memref<5x40x128xf32, #tpu.memory_space<vmem>> -> memref<1x40x128xf32, #tpu.memory_space<vmem>>
      %dma_start3A_178 = tpu.memref_squeeze %dma_start3A_177 : memref<1x40x128xf32, #tpu.memory_space<vmem>> -> memref<40x128xf32, #tpu.memory_space<vmem>>
      %dma_start3A_179 = arith.constant 0 : i32
      %dma_start3A_180 = tpu.memref_slice %arg5[%add3A_38, %dma_start3A_179] : memref<10000x128xf32, #tpu.memory_space<vmem_shared>> -> memref<40x128xf32, #tpu.memory_space<vmem_shared>>
      %dma_start3A_181 = arith.constant 0 : i32
      %dma_start3A_182 = tpu.memref_slice %arg5[%add3A_38, %dma_start3A_181] : memref<10000x128xf32, #tpu.memory_space<vmem_shared>> -> memref<40x128xf32, #tpu.memory_space<vmem_shared>>
      %dma_start3A_183 = arith.constant 0 : i32
      %dma_start3A_184 = arith.constant 0 : i32
      %dma_start3A_185 = tpu.memref_slice %arg6[%run_scoped3A_39, %dma_start3A_183, %dma_start3A_184] : memref<5x40x128xf32, #tpu.memory_space<vmem>> -> memref<1x40x128xf32, #tpu.memory_space<vmem>>
      %dma_start3A_186 = tpu.memref_squeeze %dma_start3A_185 : memref<1x40x128xf32, #tpu.memory_space<vmem>> -> memref<40x128xf32, #tpu.memory_space<vmem>>
      tpu.enqueue_dma source(%dma_start3A_186 : memref<40x128xf32, #tpu.memory_space<vmem>>) target(%dma_start3A_182 : memref<40x128xf32, #tpu.memory_space<vmem_shared>>) target_semaphore(%run_scoped3A_174 : memref<!tpu.dma_semaphore, #tpu.memory_space<semaphore_mem>>)
      %dma_wait3A_187 = arith.constant 0 : i32
      %dma_wait3A_188 = arith.constant 0 : i32
      %dma_wait3A_189 = tpu.memref_slice %arg6[%run_scoped3A_39, %dma_wait3A_187, %dma_wait3A_188] : memref<5x40x128xf32, #tpu.memory_space<vmem>> -> memref<1x40x128xf32, #tpu.memory_space<vmem>>
      %dma_wait3A_190 = tpu.memref_squeeze %dma_wait3A_189 : memref<1x40x128xf32, #tpu.memory_space<vmem>> -> memref<40x128xf32, #tpu.memory_space<vmem>>
      %dma_wait3A_191 = arith.constant 0 : i32
      %dma_wait3A_192 = tpu.memref_slice %arg5[%add3A_38, %dma_wait3A_191] : memref<10000x128xf32, #tpu.memory_space<vmem_shared>> -> memref<40x128xf32, #tpu.memory_space<vmem_shared>>
      %dma_wait3A_193 = arith.constant 0 : i32
      %dma_wait3A_194 = tpu.memref_slice %arg5[%add3A_38, %dma_wait3A_193] : memref<10000x128xf32, #tpu.memory_space<vmem_shared>> -> memref<40x128xf32, #tpu.memory_space<vmem_shared>>
      %dma_wait3A_195 = arith.constant 0 : i32
      %dma_wait3A_196 = arith.constant 0 : i32
      %dma_wait3A_197 = tpu.memref_slice %arg6[%run_scoped3A_39, %dma_wait3A_195, %dma_wait3A_196] : memref<5x40x128xf32, #tpu.memory_space<vmem>> -> memref<1x40x128xf32, #tpu.memory_space<vmem>>
      %dma_wait3A_198 = tpu.memref_squeeze %dma_wait3A_197 : memref<1x40x128xf32, #tpu.memory_space<vmem>> -> memref<40x128xf32, #tpu.memory_space<vmem>>
      tpu.wait_dma2 semaphore(%run_scoped3A_174 : memref<!tpu.dma_semaphore, #tpu.memory_space<semaphore_mem>>) src(%dma_wait3A_198 : memref<40x128xf32, #tpu.memory_space<vmem>>) dst(%dma_wait3A_194 : memref<40x128xf32, #tpu.memory_space<vmem_shared>>)
      tpu.yield
    }) : () -> ()
    %add3A_40 = arith.constant 400 : i32
    %add3A_41 = arith.addi %mul3A_10, %add3A_40 : i32
    %run_scoped3A_42 = arith.constant 0 : i32
    "tpu.region"() ({
      %run_scoped3A_174 = tpu.sem_alloc : memref<!tpu.dma_semaphore, #tpu.memory_space<semaphore_mem>>
      %dma_start3A_175 = arith.constant 0 : i32
      %dma_start3A_176 = arith.constant 0 : i32
      %dma_start3A_177 = tpu.memref_slice %arg6[%run_scoped3A_42, %dma_start3A_175, %dma_start3A_176] : memref<5x40x128xf32, #tpu.memory_space<vmem>> -> memref<1x40x128xf32, #tpu.memory_space<vmem>>
      %dma_start3A_178 = tpu.memref_squeeze %dma_start3A_177 : memref<1x40x128xf32, #tpu.memory_space<vmem>> -> memref<40x128xf32, #tpu.memory_space<vmem>>
      %dma_start3A_179 = arith.constant 0 : i32
      %dma_start3A_180 = tpu.memref_slice %arg5[%add3A_41, %dma_start3A_179] : memref<10000x128xf32, #tpu.memory_space<vmem_shared>> -> memref<40x128xf32, #tpu.memory_space<vmem_shared>>
      %dma_start3A_181 = arith.constant 0 : i32
      %dma_start3A_182 = tpu.memref_slice %arg5[%add3A_41, %dma_start3A_181] : memref<10000x128xf32, #tpu.memory_space<vmem_shared>> -> memref<40x128xf32, #tpu.memory_space<vmem_shared>>
      %dma_start3A_183 = arith.constant 0 : i32
      %dma_start3A_184 = arith.constant 0 : i32
      %dma_start3A_185 = tpu.memref_slice %arg6[%run_scoped3A_42, %dma_start3A_183, %dma_start3A_184] : memref<5x40x128xf32, #tpu.memory_space<vmem>> -> memref<1x40x128xf32, #tpu.memory_space<vmem>>
      %dma_start3A_186 = tpu.memref_squeeze %dma_start3A_185 : memref<1x40x128xf32, #tpu.memory_space<vmem>> -> memref<40x128xf32, #tpu.memory_space<vmem>>
      tpu.enqueue_dma source(%dma_start3A_186 : memref<40x128xf32, #tpu.memory_space<vmem>>) target(%dma_start3A_182 : memref<40x128xf32, #tpu.memory_space<vmem_shared>>) target_semaphore(%run_scoped3A_174 : memref<!tpu.dma_semaphore, #tpu.memory_space<semaphore_mem>>)
      %dma_wait3A_187 = arith.constant 0 : i32
      %dma_wait3A_188 = arith.constant 0 : i32
      %dma_wait3A_189 = tpu.memref_slice %arg6[%run_scoped3A_42, %dma_wait3A_187, %dma_wait3A_188] : memref<5x40x128xf32, #tpu.memory_space<vmem>> -> memref<1x40x128xf32, #tpu.memory_space<vmem>>
      %dma_wait3A_190 = tpu.memref_squeeze %dma_wait3A_189 : memref<1x40x128xf32, #tpu.memory_space<vmem>> -> memref<40x128xf32, #tpu.memory_space<vmem>>
      %dma_wait3A_191 = arith.constant 0 : i32
      %dma_wait3A_192 = tpu.memref_slice %arg5[%add3A_41, %dma_wait3A_191] : memref<10000x128xf32, #tpu.memory_space<vmem_shared>> -> memref<40x128xf32, #tpu.memory_space<vmem_shared>>
      %dma_wait3A_193 = arith.constant 0 : i32
      %dma_wait3A_194 = tpu.memref_slice %arg5[%add3A_41, %dma_wait3A_193] : memref<10000x128xf32, #tpu.memory_space<vmem_shared>> -> memref<40x128xf32, #tpu.memory_space<vmem_shared>>
      %dma_wait3A_195 = arith.constant 0 : i32
      %dma_wait3A_196 = arith.constant 0 : i32
      %dma_wait3A_197 = tpu.memref_slice %arg6[%run_scoped3A_42, %dma_wait3A_195, %dma_wait3A_196] : memref<5x40x128xf32, #tpu.memory_space<vmem>> -> memref<1x40x128xf32, #tpu.memory_space<vmem>>
      %dma_wait3A_198 = tpu.memref_squeeze %dma_wait3A_197 : memref<1x40x128xf32, #tpu.memory_space<vmem>> -> memref<40x128xf32, #tpu.memory_space<vmem>>
      tpu.wait_dma2 semaphore(%run_scoped3A_174 : memref<!tpu.dma_semaphore, #tpu.memory_space<semaphore_mem>>) src(%dma_wait3A_198 : memref<40x128xf32, #tpu.memory_space<vmem>>) dst(%dma_wait3A_194 : memref<40x128xf32, #tpu.memory_space<vmem_shared>>)
      tpu.yield
    }) : () -> ()
    %add3A_43 = arith.constant 440 : i32
    %add3A_44 = arith.addi %mul3A_10, %add3A_43 : i32
    %run_scoped3A_45 = arith.constant 0 : i32
    "tpu.region"() ({
      %run_scoped3A_174 = tpu.sem_alloc : memref<!tpu.dma_semaphore, #tpu.memory_space<semaphore_mem>>
      %dma_start3A_175 = arith.constant 0 : i32
      %dma_start3A_176 = arith.constant 0 : i32
      %dma_start3A_177 = tpu.memref_slice %arg6[%run_scoped3A_45, %dma_start3A_175, %dma_start3A_176] : memref<5x40x128xf32, #tpu.memory_space<vmem>> -> memref<1x40x128xf32, #tpu.memory_space<vmem>>
      %dma_start3A_178 = tpu.memref_squeeze %dma_start3A_177 : memref<1x40x128xf32, #tpu.memory_space<vmem>> -> memref<40x128xf32, #tpu.memory_space<vmem>>
      %dma_start3A_179 = arith.constant 0 : i32
      %dma_start3A_180 = tpu.memref_slice %arg5[%add3A_44, %dma_start3A_179] : memref<10000x128xf32, #tpu.memory_space<vmem_shared>> -> memref<40x128xf32, #tpu.memory_space<vmem_shared>>
      %dma_start3A_181 = arith.constant 0 : i32
      %dma_start3A_182 = tpu.memref_slice %arg5[%add3A_44, %dma_start3A_181] : memref<10000x128xf32, #tpu.memory_space<vmem_shared>> -> memref<40x128xf32, #tpu.memory_space<vmem_shared>>
      %dma_start3A_183 = arith.constant 0 : i32
      %dma_start3A_184 = arith.constant 0 : i32
      %dma_start3A_185 = tpu.memref_slice %arg6[%run_scoped3A_45, %dma_start3A_183, %dma_start3A_184] : memref<5x40x128xf32, #tpu.memory_space<vmem>> -> memref<1x40x128xf32, #tpu.memory_space<vmem>>
      %dma_start3A_186 = tpu.memref_squeeze %dma_start3A_185 : memref<1x40x128xf32, #tpu.memory_space<vmem>> -> memref<40x128xf32, #tpu.memory_space<vmem>>
      tpu.enqueue_dma source(%dma_start3A_186 : memref<40x128xf32, #tpu.memory_space<vmem>>) target(%dma_start3A_182 : memref<40x128xf32, #tpu.memory_space<vmem_shared>>) target_semaphore(%run_scoped3A_174 : memref<!tpu.dma_semaphore, #tpu.memory_space<semaphore_mem>>)
      %dma_wait3A_187 = arith.constant 0 : i32
      %dma_wait3A_188 = arith.constant 0 : i32
      %dma_wait3A_189 = tpu.memref_slice %arg6[%run_scoped3A_45, %dma_wait3A_187, %dma_wait3A_188] : memref<5x40x128xf32, #tpu.memory_space<vmem>> -> memref<1x40x128xf32, #tpu.memory_space<vmem>>
      %dma_wait3A_190 = tpu.memref_squeeze %dma_wait3A_189 : memref<1x40x128xf32, #tpu.memory_space<vmem>> -> memref<40x128xf32, #tpu.memory_space<vmem>>
      %dma_wait3A_191 = arith.constant 0 : i32
      %dma_wait3A_192 = tpu.memref_slice %arg5[%add3A_44, %dma_wait3A_191] : memref<10000x128xf32, #tpu.memory_space<vmem_shared>> -> memref<40x128xf32, #tpu.memory_space<vmem_shared>>
      %dma_wait3A_193 = arith.constant 0 : i32
      %dma_wait3A_194 = tpu.memref_slice %arg5[%add3A_44, %dma_wait3A_193] : memref<10000x128xf32, #tpu.memory_space<vmem_shared>> -> memref<40x128xf32, #tpu.memory_space<vmem_shared>>
      %dma_wait3A_195 = arith.constant 0 : i32
      %dma_wait3A_196 = arith.constant 0 : i32
      %dma_wait3A_197 = tpu.memref_slice %arg6[%run_scoped3A_45, %dma_wait3A_195, %dma_wait3A_196] : memref<5x40x128xf32, #tpu.memory_space<vmem>> -> memref<1x40x128xf32, #tpu.memory_space<vmem>>
      %dma_wait3A_198 = tpu.memref_squeeze %dma_wait3A_197 : memref<1x40x128xf32, #tpu.memory_space<vmem>> -> memref<40x128xf32, #tpu.memory_space<vmem>>
      tpu.wait_dma2 semaphore(%run_scoped3A_174 : memref<!tpu.dma_semaphore, #tpu.memory_space<semaphore_mem>>) src(%dma_wait3A_198 : memref<40x128xf32, #tpu.memory_space<vmem>>) dst(%dma_wait3A_194 : memref<40x128xf32, #tpu.memory_space<vmem_shared>>)
      tpu.yield
    }) : () -> ()
    %add3A_46 = arith.constant 480 : i32
    %add3A_47 = arith.addi %mul3A_10, %add3A_46 : i32
    %run_scoped3A_48 = arith.constant 0 : i32
    "tpu.region"() ({
      %run_scoped3A_174 = tpu.sem_alloc : memref<!tpu.dma_semaphore, #tpu.memory_space<semaphore_mem>>
      %dma_start3A_175 = arith.constant 0 : i32
      %dma_start3A_176 = arith.constant 0 : i32
      %dma_start3A_177 = tpu.memref_slice %arg6[%run_scoped3A_48, %dma_start3A_175, %dma_start3A_176] : memref<5x40x128xf32, #tpu.memory_space<vmem>> -> memref<1x40x128xf32, #tpu.memory_space<vmem>>
      %dma_start3A_178 = tpu.memref_squeeze %dma_start3A_177 : memref<1x40x128xf32, #tpu.memory_space<vmem>> -> memref<40x128xf32, #tpu.memory_space<vmem>>
      %dma_start3A_179 = arith.constant 0 : i32
      %dma_start3A_180 = tpu.memref_slice %arg5[%add3A_47, %dma_start3A_179] : memref<10000x128xf32, #tpu.memory_space<vmem_shared>> -> memref<40x128xf32, #tpu.memory_space<vmem_shared>>
      %dma_start3A_181 = arith.constant 0 : i32
      %dma_start3A_182 = tpu.memref_slice %arg5[%add3A_47, %dma_start3A_181] : memref<10000x128xf32, #tpu.memory_space<vmem_shared>> -> memref<40x128xf32, #tpu.memory_space<vmem_shared>>
      %dma_start3A_183 = arith.constant 0 : i32
      %dma_start3A_184 = arith.constant 0 : i32
      %dma_start3A_185 = tpu.memref_slice %arg6[%run_scoped3A_48, %dma_start3A_183, %dma_start3A_184] : memref<5x40x128xf32, #tpu.memory_space<vmem>> -> memref<1x40x128xf32, #tpu.memory_space<vmem>>
      %dma_start3A_186 = tpu.memref_squeeze %dma_start3A_185 : memref<1x40x128xf32, #tpu.memory_space<vmem>> -> memref<40x128xf32, #tpu.memory_space<vmem>>
      tpu.enqueue_dma source(%dma_start3A_186 : memref<40x128xf32, #tpu.memory_space<vmem>>) target(%dma_start3A_182 : memref<40x128xf32, #tpu.memory_space<vmem_shared>>) target_semaphore(%run_scoped3A_174 : memref<!tpu.dma_semaphore, #tpu.memory_space<semaphore_mem>>)
      %dma_wait3A_187 = arith.constant 0 : i32
      %dma_wait3A_188 = arith.constant 0 : i32
      %dma_wait3A_189 = tpu.memref_slice %arg6[%run_scoped3A_48, %dma_wait3A_187, %dma_wait3A_188] : memref<5x40x128xf32, #tpu.memory_space<vmem>> -> memref<1x40x128xf32, #tpu.memory_space<vmem>>
      %dma_wait3A_190 = tpu.memref_squeeze %dma_wait3A_189 : memref<1x40x128xf32, #tpu.memory_space<vmem>> -> memref<40x128xf32, #tpu.memory_space<vmem>>
      %dma_wait3A_191 = arith.constant 0 : i32
      %dma_wait3A_192 = tpu.memref_slice %arg5[%add3A_47, %dma_wait3A_191] : memref<10000x128xf32, #tpu.memory_space<vmem_shared>> -> memref<40x128xf32, #tpu.memory_space<vmem_shared>>
      %dma_wait3A_193 = arith.constant 0 : i32
      %dma_wait3A_194 = tpu.memref_slice %arg5[%add3A_47, %dma_wait3A_193] : memref<10000x128xf32, #tpu.memory_space<vmem_shared>> -> memref<40x128xf32, #tpu.memory_space<vmem_shared>>
      %dma_wait3A_195 = arith.constant 0 : i32
      %dma_wait3A_196 = arith.constant 0 : i32
      %dma_wait3A_197 = tpu.memref_slice %arg6[%run_scoped3A_48, %dma_wait3A_195, %dma_wait3A_196] : memref<5x40x128xf32, #tpu.memory_space<vmem>> -> memref<1x40x128xf32, #tpu.memory_space<vmem>>
      %dma_wait3A_198 = tpu.memref_squeeze %dma_wait3A_197 : memref<1x40x128xf32, #tpu.memory_space<vmem>> -> memref<40x128xf32, #tpu.memory_space<vmem>>
      tpu.wait_dma2 semaphore(%run_scoped3A_174 : memref<!tpu.dma_semaphore, #tpu.memory_space<semaphore_mem>>) src(%dma_wait3A_198 : memref<40x128xf32, #tpu.memory_space<vmem>>) dst(%dma_wait3A_194 : memref<40x128xf32, #tpu.memory_space<vmem_shared>>)
      tpu.yield
    }) : () -> ()
    %add3A_49 = arith.constant 520 : i32
    %add3A_50 = arith.addi %mul3A_10, %add3A_49 : i32
    %run_scoped3A_51 = arith.constant 0 : i32
    "tpu.region"() ({
      %run_scoped3A_174 = tpu.sem_alloc : memref<!tpu.dma_semaphore, #tpu.memory_space<semaphore_mem>>
      %dma_start3A_175 = arith.constant 0 : i32
      %dma_start3A_176 = arith.constant 0 : i32
      %dma_start3A_177 = tpu.memref_slice %arg6[%run_scoped3A_51, %dma_start3A_175, %dma_start3A_176] : memref<5x40x128xf32, #tpu.memory_space<vmem>> -> memref<1x40x128xf32, #tpu.memory_space<vmem>>
      %dma_start3A_178 = tpu.memref_squeeze %dma_start3A_177 : memref<1x40x128xf32, #tpu.memory_space<vmem>> -> memref<40x128xf32, #tpu.memory_space<vmem>>
      %dma_start3A_179 = arith.constant 0 : i32
      %dma_start3A_180 = tpu.memref_slice %arg5[%add3A_50, %dma_start3A_179] : memref<10000x128xf32, #tpu.memory_space<vmem_shared>> -> memref<40x128xf32, #tpu.memory_space<vmem_shared>>
      %dma_start3A_181 = arith.constant 0 : i32
      %dma_start3A_182 = tpu.memref_slice %arg5[%add3A_50, %dma_start3A_181] : memref<10000x128xf32, #tpu.memory_space<vmem_shared>> -> memref<40x128xf32, #tpu.memory_space<vmem_shared>>
      %dma_start3A_183 = arith.constant 0 : i32
      %dma_start3A_184 = arith.constant 0 : i32
      %dma_start3A_185 = tpu.memref_slice %arg6[%run_scoped3A_51, %dma_start3A_183, %dma_start3A_184] : memref<5x40x128xf32, #tpu.memory_space<vmem>> -> memref<1x40x128xf32, #tpu.memory_space<vmem>>
      %dma_start3A_186 = tpu.memref_squeeze %dma_start3A_185 : memref<1x40x128xf32, #tpu.memory_space<vmem>> -> memref<40x128xf32, #tpu.memory_space<vmem>>
      tpu.enqueue_dma source(%dma_start3A_186 : memref<40x128xf32, #tpu.memory_space<vmem>>) target(%dma_start3A_182 : memref<40x128xf32, #tpu.memory_space<vmem_shared>>) target_semaphore(%run_scoped3A_174 : memref<!tpu.dma_semaphore, #tpu.memory_space<semaphore_mem>>)
      %dma_wait3A_187 = arith.constant 0 : i32
      %dma_wait3A_188 = arith.constant 0 : i32
      %dma_wait3A_189 = tpu.memref_slice %arg6[%run_scoped3A_51, %dma_wait3A_187, %dma_wait3A_188] : memref<5x40x128xf32, #tpu.memory_space<vmem>> -> memref<1x40x128xf32, #tpu.memory_space<vmem>>
      %dma_wait3A_190 = tpu.memref_squeeze %dma_wait3A_189 : memref<1x40x128xf32, #tpu.memory_space<vmem>> -> memref<40x128xf32, #tpu.memory_space<vmem>>
      %dma_wait3A_191 = arith.constant 0 : i32
      %dma_wait3A_192 = tpu.memref_slice %arg5[%add3A_50, %dma_wait3A_191] : memref<10000x128xf32, #tpu.memory_space<vmem_shared>> -> memref<40x128xf32, #tpu.memory_space<vmem_shared>>
      %dma_wait3A_193 = arith.constant 0 : i32
      %dma_wait3A_194 = tpu.memref_slice %arg5[%add3A_50, %dma_wait3A_193] : memref<10000x128xf32, #tpu.memory_space<vmem_shared>> -> memref<40x128xf32, #tpu.memory_space<vmem_shared>>
      %dma_wait3A_195 = arith.constant 0 : i32
      %dma_wait3A_196 = arith.constant 0 : i32
      %dma_wait3A_197 = tpu.memref_slice %arg6[%run_scoped3A_51, %dma_wait3A_195, %dma_wait3A_196] : memref<5x40x128xf32, #tpu.memory_space<vmem>> -> memref<1x40x128xf32, #tpu.memory_space<vmem>>
      %dma_wait3A_198 = tpu.memref_squeeze %dma_wait3A_197 : memref<1x40x128xf32, #tpu.memory_space<vmem>> -> memref<40x128xf32, #tpu.memory_space<vmem>>
      tpu.wait_dma2 semaphore(%run_scoped3A_174 : memref<!tpu.dma_semaphore, #tpu.memory_space<semaphore_mem>>) src(%dma_wait3A_198 : memref<40x128xf32, #tpu.memory_space<vmem>>) dst(%dma_wait3A_194 : memref<40x128xf32, #tpu.memory_space<vmem_shared>>)
      tpu.yield
    }) : () -> ()
    %add3A_52 = arith.constant 560 : i32
    %add3A_53 = arith.addi %mul3A_10, %add3A_52 : i32
    %run_scoped3A_54 = arith.constant 0 : i32
    "tpu.region"() ({
      %run_scoped3A_174 = tpu.sem_alloc : memref<!tpu.dma_semaphore, #tpu.memory_space<semaphore_mem>>
      %dma_start3A_175 = arith.constant 0 : i32
      %dma_start3A_176 = arith.constant 0 : i32
      %dma_start3A_177 = tpu.memref_slice %arg6[%run_scoped3A_54, %dma_start3A_175, %dma_start3A_176] : memref<5x40x128xf32, #tpu.memory_space<vmem>> -> memref<1x40x128xf32, #tpu.memory_space<vmem>>
      %dma_start3A_178 = tpu.memref_squeeze %dma_start3A_177 : memref<1x40x128xf32, #tpu.memory_space<vmem>> -> memref<40x128xf32, #tpu.memory_space<vmem>>
      %dma_start3A_179 = arith.constant 0 : i32
      %dma_start3A_180 = tpu.memref_slice %arg5[%add3A_53, %dma_start3A_179] : memref<10000x128xf32, #tpu.memory_space<vmem_shared>> -> memref<40x128xf32, #tpu.memory_space<vmem_shared>>
      %dma_start3A_181 = arith.constant 0 : i32
      %dma_start3A_182 = tpu.memref_slice %arg5[%add3A_53, %dma_start3A_181] : memref<10000x128xf32, #tpu.memory_space<vmem_shared>> -> memref<40x128xf32, #tpu.memory_space<vmem_shared>>
      %dma_start3A_183 = arith.constant 0 : i32
      %dma_start3A_184 = arith.constant 0 : i32
      %dma_start3A_185 = tpu.memref_slice %arg6[%run_scoped3A_54, %dma_start3A_183, %dma_start3A_184] : memref<5x40x128xf32, #tpu.memory_space<vmem>> -> memref<1x40x128xf32, #tpu.memory_space<vmem>>
      %dma_start3A_186 = tpu.memref_squeeze %dma_start3A_185 : memref<1x40x128xf32, #tpu.memory_space<vmem>> -> memref<40x128xf32, #tpu.memory_space<vmem>>
      tpu.enqueue_dma source(%dma_start3A_186 : memref<40x128xf32, #tpu.memory_space<vmem>>) target(%dma_start3A_182 : memref<40x128xf32, #tpu.memory_space<vmem_shared>>) target_semaphore(%run_scoped3A_174 : memref<!tpu.dma_semaphore, #tpu.memory_space<semaphore_mem>>)
      %dma_wait3A_187 = arith.constant 0 : i32
      %dma_wait3A_188 = arith.constant 0 : i32
      %dma_wait3A_189 = tpu.memref_slice %arg6[%run_scoped3A_54, %dma_wait3A_187, %dma_wait3A_188] : memref<5x40x128xf32, #tpu.memory_space<vmem>> -> memref<1x40x128xf32, #tpu.memory_space<vmem>>
      %dma_wait3A_190 = tpu.memref_squeeze %dma_wait3A_189 : memref<1x40x128xf32, #tpu.memory_space<vmem>> -> memref<40x128xf32, #tpu.memory_space<vmem>>
      %dma_wait3A_191 = arith.constant 0 : i32
      %dma_wait3A_192 = tpu.memref_slice %arg5[%add3A_53, %dma_wait3A_191] : memref<10000x128xf32, #tpu.memory_space<vmem_shared>> -> memref<40x128xf32, #tpu.memory_space<vmem_shared>>
      %dma_wait3A_193 = arith.constant 0 : i32
      %dma_wait3A_194 = tpu.memref_slice %arg5[%add3A_53, %dma_wait3A_193] : memref<10000x128xf32, #tpu.memory_space<vmem_shared>> -> memref<40x128xf32, #tpu.memory_space<vmem_shared>>
      %dma_wait3A_195 = arith.constant 0 : i32
      %dma_wait3A_196 = arith.constant 0 : i32
      %dma_wait3A_197 = tpu.memref_slice %arg6[%run_scoped3A_54, %dma_wait3A_195, %dma_wait3A_196] : memref<5x40x128xf32, #tpu.memory_space<vmem>> -> memref<1x40x128xf32, #tpu.memory_space<vmem>>
      %dma_wait3A_198 = tpu.memref_squeeze %dma_wait3A_197 : memref<1x40x128xf32, #tpu.memory_space<vmem>> -> memref<40x128xf32, #tpu.memory_space<vmem>>
      tpu.wait_dma2 semaphore(%run_scoped3A_174 : memref<!tpu.dma_semaphore, #tpu.memory_space<semaphore_mem>>) src(%dma_wait3A_198 : memref<40x128xf32, #tpu.memory_space<vmem>>) dst(%dma_wait3A_194 : memref<40x128xf32, #tpu.memory_space<vmem_shared>>)
      tpu.yield
    }) : () -> ()
    %add3A_55 = arith.constant 624 : i32
    %add3A_56 = arith.addi %mul3A_10, %add3A_55 : i32
    %sub3A = arith.constant 24 : i32
    %sub3A_57 = arith.subi %add3A_56, %sub3A : i32
    %run_scoped3A_58 = arith.constant 0 : i32
    "tpu.region"() ({
      %run_scoped3A_174 = tpu.sem_alloc : memref<!tpu.dma_semaphore, #tpu.memory_space<semaphore_mem>>
      %dma_start3A_175 = arith.constant 0 : i32
      %dma_start3A_176 = arith.constant 0 : i32
      %dma_start3A_177 = tpu.memref_slice %arg6[%run_scoped3A_58, %dma_start3A_175, %dma_start3A_176] : memref<5x40x128xf32, #tpu.memory_space<vmem>> -> memref<1x24x128xf32, #tpu.memory_space<vmem>>
      %dma_start3A_178 = tpu.memref_squeeze %dma_start3A_177 : memref<1x24x128xf32, #tpu.memory_space<vmem>> -> memref<24x128xf32, #tpu.memory_space<vmem>>
      %dma_start3A_179 = arith.constant 0 : i32
      %dma_start3A_180 = tpu.memref_slice %arg5[%sub3A_57, %dma_start3A_179] : memref<10000x128xf32, #tpu.memory_space<vmem_shared>> -> memref<24x128xf32, #tpu.memory_space<vmem_shared>>
      %dma_start3A_181 = arith.constant 0 : i32
      %dma_start3A_182 = tpu.memref_slice %arg5[%sub3A_57, %dma_start3A_181] : memref<10000x128xf32, #tpu.memory_space<vmem_shared>> -> memref<24x128xf32, #tpu.memory_space<vmem_shared>>
      %dma_start3A_183 = arith.constant 0 : i32
      %dma_start3A_184 = arith.constant 0 : i32
      %dma_start3A_185 = tpu.memref_slice %arg6[%run_scoped3A_58, %dma_start3A_183, %dma_start3A_184] : memref<5x40x128xf32, #tpu.memory_space<vmem>> -> memref<1x24x128xf32, #tpu.memory_space<vmem>>
      %dma_start3A_186 = tpu.memref_squeeze %dma_start3A_185 : memref<1x24x128xf32, #tpu.memory_space<vmem>> -> memref<24x128xf32, #tpu.memory_space<vmem>>
      tpu.enqueue_dma source(%dma_start3A_186 : memref<24x128xf32, #tpu.memory_space<vmem>>) target(%dma_start3A_182 : memref<24x128xf32, #tpu.memory_space<vmem_shared>>) target_semaphore(%run_scoped3A_174 : memref<!tpu.dma_semaphore, #tpu.memory_space<semaphore_mem>>)
      %dma_wait3A_187 = arith.constant 0 : i32
      %dma_wait3A_188 = arith.constant 0 : i32
      %dma_wait3A_189 = tpu.memref_slice %arg6[%run_scoped3A_58, %dma_wait3A_187, %dma_wait3A_188] : memref<5x40x128xf32, #tpu.memory_space<vmem>> -> memref<1x24x128xf32, #tpu.memory_space<vmem>>
      %dma_wait3A_190 = tpu.memref_squeeze %dma_wait3A_189 : memref<1x24x128xf32, #tpu.memory_space<vmem>> -> memref<24x128xf32, #tpu.memory_space<vmem>>
      %dma_wait3A_191 = arith.constant 0 : i32
      %dma_wait3A_192 = tpu.memref_slice %arg5[%sub3A_57, %dma_wait3A_191] : memref<10000x128xf32, #tpu.memory_space<vmem_shared>> -> memref<24x128xf32, #tpu.memory_space<vmem_shared>>
      %dma_wait3A_193 = arith.constant 0 : i32
      %dma_wait3A_194 = tpu.memref_slice %arg5[%sub3A_57, %dma_wait3A_193] : memref<10000x128xf32, #tpu.memory_space<vmem_shared>> -> memref<24x128xf32, #tpu.memory_space<vmem_shared>>
      %dma_wait3A_195 = arith.constant 0 : i32
      %dma_wait3A_196 = arith.constant 0 : i32
      %dma_wait3A_197 = tpu.memref_slice %arg6[%run_scoped3A_58, %dma_wait3A_195, %dma_wait3A_196] : memref<5x40x128xf32, #tpu.memory_space<vmem>> -> memref<1x24x128xf32, #tpu.memory_space<vmem>>
      %dma_wait3A_198 = tpu.memref_squeeze %dma_wait3A_197 : memref<1x24x128xf32, #tpu.memory_space<vmem>> -> memref<24x128xf32, #tpu.memory_space<vmem>>
      tpu.wait_dma2 semaphore(%run_scoped3A_174 : memref<!tpu.dma_semaphore, #tpu.memory_space<semaphore_mem>>) src(%dma_wait3A_198 : memref<24x128xf32, #tpu.memory_space<vmem>>) dst(%dma_wait3A_194 : memref<24x128xf32, #tpu.memory_space<vmem_shared>>)
      tpu.yield
    }) : () -> ()
    %eq3A = arith.constant 15 : i32
    %eq3A_59 = arith.cmpi eq, %arg1, %eq3A : i32
    %convert_element_type3A = arith.extui %eq3A_59 : i1 to i32
    %cond3A = arith.constant 0 : i32
    %cond3A_60 = arith.cmpi ne, %convert_element_type3A, %cond3A : i32
    scf.if %cond3A_60 {
      %run_scoped3A_174 = arith.constant 0 : i32
      "tpu.region"() ({
        %run_scoped3A_175 = tpu.sem_alloc : memref<!tpu.dma_semaphore, #tpu.memory_space<semaphore_mem>>
        %dma_start3A_176 = arith.constant 0 : i32
        %dma_start3A_177 = arith.constant 0 : i32
        %dma_start3A_178 = tpu.memref_slice %arg6[%run_scoped3A_174, %dma_start3A_176, %dma_start3A_177] : memref<5x40x128xf32, #tpu.memory_space<vmem>> -> memref<1x16x128xf32, #tpu.memory_space<vmem>>
        %dma_start3A_179 = tpu.memref_squeeze %dma_start3A_178 : memref<1x16x128xf32, #tpu.memory_space<vmem>> -> memref<16x128xf32, #tpu.memory_space<vmem>>
        %dma_start3A_180 = arith.constant 9984 : i32
        %dma_start3A_181 = arith.constant 0 : i32
        %dma_start3A_182 = tpu.memref_slice %arg5[%dma_start3A_180, %dma_start3A_181] : memref<10000x128xf32, #tpu.memory_space<vmem_shared>> -> memref<16x128xf32, #tpu.memory_space<vmem_shared>>
        %dma_start3A_183 = arith.constant 9984 : i32
        %dma_start3A_184 = arith.constant 0 : i32
        %dma_start3A_185 = tpu.memref_slice %arg5[%dma_start3A_183, %dma_start3A_184] : memref<10000x128xf32, #tpu.memory_space<vmem_shared>> -> memref<16x128xf32, #tpu.memory_space<vmem_shared>>
        %dma_start3A_186 = arith.constant 0 : i32
        %dma_start3A_187 = arith.constant 0 : i32
        %dma_start3A_188 = tpu.memref_slice %arg6[%run_scoped3A_174, %dma_start3A_186, %dma_start3A_187] : memref<5x40x128xf32, #tpu.memory_space<vmem>> -> memref<1x16x128xf32, #tpu.memory_space<vmem>>
        %dma_start3A_189 = tpu.memref_squeeze %dma_start3A_188 : memref<1x16x128xf32, #tpu.memory_space<vmem>> -> memref<16x128xf32, #tpu.memory_space<vmem>>
        tpu.enqueue_dma source(%dma_start3A_189 : memref<16x128xf32, #tpu.memory_space<vmem>>) target(%dma_start3A_185 : memref<16x128xf32, #tpu.memory_space<vmem_shared>>) target_semaphore(%run_scoped3A_175 : memref<!tpu.dma_semaphore, #tpu.memory_space<semaphore_mem>>)
        %dma_wait3A_190 = arith.constant 0 : i32
        %dma_wait3A_191 = arith.constant 0 : i32
        %dma_wait3A_192 = tpu.memref_slice %arg6[%run_scoped3A_174, %dma_wait3A_190, %dma_wait3A_191] : memref<5x40x128xf32, #tpu.memory_space<vmem>> -> memref<1x16x128xf32, #tpu.memory_space<vmem>>
        %dma_wait3A_193 = tpu.memref_squeeze %dma_wait3A_192 : memref<1x16x128xf32, #tpu.memory_space<vmem>> -> memref<16x128xf32, #tpu.memory_space<vmem>>
        %dma_wait3A_194 = arith.constant 9984 : i32
        %dma_wait3A_195 = arith.constant 0 : i32
        %dma_wait3A_196 = tpu.memref_slice %arg5[%dma_wait3A_194, %dma_wait3A_195] : memref<10000x128xf32, #tpu.memory_space<vmem_shared>> -> memref<16x128xf32, #tpu.memory_space<vmem_shared>>
        %dma_wait3A_197 = arith.constant 9984 : i32
        %dma_wait3A_198 = arith.constant 0 : i32
        %dma_wait3A_199 = tpu.memref_slice %arg5[%dma_wait3A_197, %dma_wait3A_198] : memref<10000x128xf32, #tpu.memory_space<vmem_shared>> -> memref<16x128xf32, #tpu.memory_space<vmem_shared>>
        %dma_wait3A_200 = arith.constant 0 : i32
        %dma_wait3A_201 = arith.constant 0 : i32
        %dma_wait3A_202 = tpu.memref_slice %arg6[%run_scoped3A_174, %dma_wait3A_200, %dma_wait3A_201] : memref<5x40x128xf32, #tpu.memory_space<vmem>> -> memref<1x16x128xf32, #tpu.memory_space<vmem>>
        %dma_wait3A_203 = tpu.memref_squeeze %dma_wait3A_202 : memref<1x16x128xf32, #tpu.memory_space<vmem>> -> memref<16x128xf32, #tpu.memory_space<vmem>>
        tpu.wait_dma2 semaphore(%run_scoped3A_175 : memref<!tpu.dma_semaphore, #tpu.memory_space<semaphore_mem>>) src(%dma_wait3A_203 : memref<16x128xf32, #tpu.memory_space<vmem>>) dst(%dma_wait3A_199 : memref<16x128xf32, #tpu.memory_space<vmem_shared>>)
        tpu.yield
      }) : () -> ()
    } else {
    }
    %barrier3A = arith.constant 0 : index
    tpu.barrier barrier_id(%barrier3A)
    %add3A_61 = arith.constant 0 : i32
    %add3A_62 = arith.addi %mul3A_2, %add3A_61 : i32
    %dma_start3A = arith.constant 0 : i32
    %dma_start3A_63 = arith.constant 0 : i32
    %dma_start3A_64 = arith.constant 0 : i32
    %dma_start3A_65 = tpu.memref_slice %arg6[%dma_start3A, %dma_start3A_63, %dma_start3A_64] : memref<5x40x128xf32, #tpu.memory_space<vmem>> -> memref<1x40x128xf32, #tpu.memory_space<vmem>>
    %dma_start3A_66 = tpu.memref_squeeze %dma_start3A_65 : memref<1x40x128xf32, #tpu.memory_space<vmem>> -> memref<40x128xf32, #tpu.memory_space<vmem>>
    %dma_start3A_67 = arith.constant 0 : i32
    %dma_start3A_68 = tpu.memref_slice %arg2[%add3A_62, %dma_start3A_67] : memref<320000x128xf32, #tpu.memory_space<hbm>> -> memref<40x128xf32, #tpu.memory_space<hbm>>
    %dma_start3A_69 = arith.constant 0 : i32
    %dma_start3A_70 = arith.constant 0 : i32
    %dma_start3A_71 = tpu.memref_slice %arg6[%dma_start3A, %dma_start3A_69, %dma_start3A_70] : memref<5x40x128xf32, #tpu.memory_space<vmem>> -> memref<1x40x128xf32, #tpu.memory_space<vmem>>
    %dma_start3A_72 = tpu.memref_squeeze %dma_start3A_71 : memref<1x40x128xf32, #tpu.memory_space<vmem>> -> memref<40x128xf32, #tpu.memory_space<vmem>>
    %dma_start3A_73 = arith.constant 0 : i32
    %dma_start3A_74 = tpu.memref_slice %arg2[%add3A_62, %dma_start3A_73] : memref<320000x128xf32, #tpu.memory_space<hbm>> -> memref<40x128xf32, #tpu.memory_space<hbm>>
    tpu.enqueue_dma source(%dma_start3A_74 : memref<40x128xf32, #tpu.memory_space<hbm>>) target(%dma_start3A_72 : memref<40x128xf32, #tpu.memory_space<vmem>>) target_semaphore(%arg8 : memref<!tpu.dma_semaphore, #tpu.memory_space<semaphore_mem>>)
    %dma_start3A_75 = arith.constant 0 : i32
    %dma_start3A_76 = arith.constant 0 : i32
    %dma_start3A_77 = tpu.memref_slice %arg7[%dma_start3A_75, %dma_start3A_76] : memref<5x40xi32, #tpu.memory_space<vmem>> -> memref<1x40xi32, #tpu.memory_space<vmem>>
    %dma_start3A_78 = tpu.memref_squeeze %dma_start3A_77 : memref<1x40xi32, #tpu.memory_space<vmem>> -> memref<40xi32, #tpu.memory_space<vmem>>
    %dma_start3A_79 = tpu.memref_slice %arg3[%add3A_62] : memref<320000xi32, #tpu.memory_space<hbm>> -> memref<40xi32, #tpu.memory_space<hbm>>
    %dma_start3A_80 = arith.constant 0 : i32
    %dma_start3A_81 = tpu.memref_slice %arg7[%dma_start3A_75, %dma_start3A_80] : memref<5x40xi32, #tpu.memory_space<vmem>> -> memref<1x40xi32, #tpu.memory_space<vmem>>
    %dma_start3A_82 = tpu.memref_squeeze %dma_start3A_81 : memref<1x40xi32, #tpu.memory_space<vmem>> -> memref<40xi32, #tpu.memory_space<vmem>>
    %dma_start3A_83 = tpu.memref_slice %arg3[%add3A_62] : memref<320000xi32, #tpu.memory_space<hbm>> -> memref<40xi32, #tpu.memory_space<hbm>>
    tpu.enqueue_dma source(%dma_start3A_83 : memref<40xi32, #tpu.memory_space<hbm>>) target(%dma_start3A_82 : memref<40xi32, #tpu.memory_space<vmem>>) target_semaphore(%arg13 : memref<!tpu.dma_semaphore, #tpu.memory_space<semaphore_mem>>)
    %add3A_84 = arith.constant 40 : i32
    %add3A_85 = arith.addi %mul3A_2, %add3A_84 : i32
    %dma_start3A_86 = arith.constant 1 : i32
    %dma_start3A_87 = arith.constant 0 : i32
    %dma_start3A_88 = arith.constant 0 : i32
    %dma_start3A_89 = tpu.memref_slice %arg6[%dma_start3A_86, %dma_start3A_87, %dma_start3A_88] : memref<5x40x128xf32, #tpu.memory_space<vmem>> -> memref<1x40x128xf32, #tpu.memory_space<vmem>>
    %dma_start3A_90 = tpu.memref_squeeze %dma_start3A_89 : memref<1x40x128xf32, #tpu.memory_space<vmem>> -> memref<40x128xf32, #tpu.memory_space<vmem>>
    %dma_start3A_91 = arith.constant 0 : i32
    %dma_start3A_92 = tpu.memref_slice %arg2[%add3A_85, %dma_start3A_91] : memref<320000x128xf32, #tpu.memory_space<hbm>> -> memref<40x128xf32, #tpu.memory_space<hbm>>
    %dma_start3A_93 = arith.constant 0 : i32
    %dma_start3A_94 = arith.constant 0 : i32
    %dma_start3A_95 = tpu.memref_slice %arg6[%dma_start3A_86, %dma_start3A_93, %dma_start3A_94] : memref<5x40x128xf32, #tpu.memory_space<vmem>> -> memref<1x40x128xf32, #tpu.memory_space<vmem>>
    %dma_start3A_96 = tpu.memref_squeeze %dma_start3A_95 : memref<1x40x128xf32, #tpu.memory_space<vmem>> -> memref<40x128xf32, #tpu.memory_space<vmem>>
    %dma_start3A_97 = arith.constant 0 : i32
    %dma_start3A_98 = tpu.memref_slice %arg2[%add3A_85, %dma_start3A_97] : memref<320000x128xf32, #tpu.memory_space<hbm>> -> memref<40x128xf32, #tpu.memory_space<hbm>>
    tpu.enqueue_dma source(%dma_start3A_98 : memref<40x128xf32, #tpu.memory_space<hbm>>) target(%dma_start3A_96 : memref<40x128xf32, #tpu.memory_space<vmem>>) target_semaphore(%arg9 : memref<!tpu.dma_semaphore, #tpu.memory_space<semaphore_mem>>)
    %dma_start3A_99 = arith.constant 1 : i32
    %dma_start3A_100 = arith.constant 0 : i32
    %dma_start3A_101 = tpu.memref_slice %arg7[%dma_start3A_99, %dma_start3A_100] : memref<5x40xi32, #tpu.memory_space<vmem>> -> memref<1x40xi32, #tpu.memory_space<vmem>>
    %dma_start3A_102 = tpu.memref_squeeze %dma_start3A_101 : memref<1x40xi32, #tpu.memory_space<vmem>> -> memref<40xi32, #tpu.memory_space<vmem>>
    %dma_start3A_103 = tpu.memref_slice %arg3[%add3A_85] : memref<320000xi32, #tpu.memory_space<hbm>> -> memref<40xi32, #tpu.memory_space<hbm>>
    %dma_start3A_104 = arith.constant 0 : i32
    %dma_start3A_105 = tpu.memref_slice %arg7[%dma_start3A_99, %dma_start3A_104] : memref<5x40xi32, #tpu.memory_space<vmem>> -> memref<1x40xi32, #tpu.memory_space<vmem>>
    %dma_start3A_106 = tpu.memref_squeeze %dma_start3A_105 : memref<1x40xi32, #tpu.memory_space<vmem>> -> memref<40xi32, #tpu.memory_space<vmem>>
    %dma_start3A_107 = tpu.memref_slice %arg3[%add3A_85] : memref<320000xi32, #tpu.memory_space<hbm>> -> memref<40xi32, #tpu.memory_space<hbm>>
    tpu.enqueue_dma source(%dma_start3A_107 : memref<40xi32, #tpu.memory_space<hbm>>) target(%dma_start3A_106 : memref<40xi32, #tpu.memory_space<vmem>>) target_semaphore(%arg14 : memref<!tpu.dma_semaphore, #tpu.memory_space<semaphore_mem>>)
    %scan3A_108 = arith.constant 0 : i32
    %scan3A_109 = arith.constant 50 : i32
    %scan3A_110 = arith.addi %scan3A_108, %scan3A_109 : i32
    %scan3A_111 = arith.constant 1 : i32
    scf.for %scan3A_174 = %scan3A_108 to %scan3A_110 step %scan3A_111  : i32 {
      %mul3A_175 = arith.constant 5 : i32
      %mul3A_176 = arith.muli %scan3A_174, %mul3A_175 : i32
      %add3A_177 = arith.constant 0 : i32
      %add3A_178 = arith.addi %add3A_177, %mul3A_176 : i32
      %add3A_179 = arith.constant 0 : i32
      %add3A_180 = arith.addi %add3A_178, %add3A_179 : i32
      %ge3A = arith.constant 3 : i32
      %ge3A_181 = arith.cmpi sge, %add3A_180, %ge3A : i32
      %convert_element_type3A_182 = arith.extui %ge3A_181 : i1 to i32
      %cond3A_183 = arith.constant 0 : i32
      %cond3A_184 = arith.cmpi ne, %convert_element_type3A_182, %cond3A_183 : i32
      scf.if %cond3A_184 {
        %dma_wait3A_467 = arith.constant 2 : i32
        %dma_wait3A_468 = arith.constant 2 : i32
        %dma_wait3A_469 = arith.constant 0 : i32
        %dma_wait3A_470 = arith.constant 0 : i32
        %dma_wait3A_471 = tpu.memref_slice %arg6[%dma_wait3A_467, %dma_wait3A_469, %dma_wait3A_470] : memref<5x40x128xf32, #tpu.memory_space<vmem>> -> memref<1x40x128xf32, #tpu.memory_space<vmem>>
        %dma_wait3A_472 = tpu.memref_squeeze %dma_wait3A_471 : memref<1x40x128xf32, #tpu.memory_space<vmem>> -> memref<40x128xf32, #tpu.memory_space<vmem>>
        %dma_wait3A_473 = arith.constant 0 : i32
        %dma_wait3A_474 = tpu.memref_slice %arg7[%dma_wait3A_468, %dma_wait3A_473] : memref<5x40xi32, #tpu.memory_space<vmem>> -> memref<1x40xi32, #tpu.memory_space<vmem>>
        %dma_wait3A_475 = tpu.memref_squeeze %dma_wait3A_474 : memref<1x40xi32, #tpu.memory_space<vmem>> -> memref<40xi32, #tpu.memory_space<vmem>>
        %dma_wait3A_476 = arith.constant 0 : i32
        %dma_wait3A_477 = arith.constant 0 : i32
        %dma_wait3A_478 = tpu.memref_slice %arg5[%dma_wait3A_476, %dma_wait3A_477] : memref<10000x128xf32, #tpu.memory_space<vmem_shared>> -> memref<10000x128xf32, #tpu.memory_space<vmem_shared>>
        tpu.wait_indirect_dma semaphore(%arg20 : memref<!tpu.dma_semaphore, #tpu.memory_space<semaphore_mem>>) src(%dma_wait3A_472 : memref<40x128xf32, #tpu.memory_space<vmem>>) dst(%dma_wait3A_478 : memref<10000x128xf32, #tpu.memory_space<vmem_shared>>)
      } else {
      }
      %add3A_185 = arith.constant 2 : i32
      %add3A_186 = arith.addi %add3A_180, %add3A_185 : i32
      %lt3A = arith.constant 250 : i32
      %lt3A_187 = arith.cmpi slt, %add3A_186, %lt3A : i32
      %convert_element_type3A_188 = arith.extui %lt3A_187 : i1 to i32
      %cond3A_189 = arith.constant 0 : i32
      %cond3A_190 = arith.cmpi ne, %convert_element_type3A_188, %cond3A_189 : i32
      scf.if %cond3A_190 {
        %add3A_467 = arith.constant 2 : i32
        %add3A_468 = arith.addi %add3A_180, %add3A_467 : i32
        %mul3A_469 = arith.constant 40 : i32
        %mul3A_470 = arith.muli %add3A_468, %mul3A_469 : i32
        %add3A_471 = arith.addi %mul3A_2, %mul3A_470 : i32
        %dma_start3A_472 = arith.constant 2 : i32
        %dma_start3A_473 = arith.constant 0 : i32
        %dma_start3A_474 = arith.constant 0 : i32
        %dma_start3A_475 = tpu.memref_slice %arg6[%dma_start3A_472, %dma_start3A_473, %dma_start3A_474] : memref<5x40x128xf32, #tpu.memory_space<vmem>> -> memref<1x40x128xf32, #tpu.memory_space<vmem>>
        %dma_start3A_476 = tpu.memref_squeeze %dma_start3A_475 : memref<1x40x128xf32, #tpu.memory_space<vmem>> -> memref<40x128xf32, #tpu.memory_space<vmem>>
        %dma_start3A_477 = arith.constant 0 : i32
        %dma_start3A_478 = tpu.memref_slice %arg2[%add3A_471, %dma_start3A_477] : memref<320000x128xf32, #tpu.memory_space<hbm>> -> memref<40x128xf32, #tpu.memory_space<hbm>>
        %dma_start3A_479 = arith.constant 0 : i32
        %dma_start3A_480 = arith.constant 0 : i32
        %dma_start3A_481 = tpu.memref_slice %arg6[%dma_start3A_472, %dma_start3A_479, %dma_start3A_480] : memref<5x40x128xf32, #tpu.memory_space<vmem>> -> memref<1x40x128xf32, #tpu.memory_space<vmem>>
        %dma_start3A_482 = tpu.memref_squeeze %dma_start3A_481 : memref<1x40x128xf32, #tpu.memory_space<vmem>> -> memref<40x128xf32, #tpu.memory_space<vmem>>
        %dma_start3A_483 = arith.constant 0 : i32
        %dma_start3A_484 = tpu.memref_slice %arg2[%add3A_471, %dma_start3A_483] : memref<320000x128xf32, #tpu.memory_space<hbm>> -> memref<40x128xf32, #tpu.memory_space<hbm>>
        tpu.enqueue_dma source(%dma_start3A_484 : memref<40x128xf32, #tpu.memory_space<hbm>>) target(%dma_start3A_482 : memref<40x128xf32, #tpu.memory_space<vmem>>) target_semaphore(%arg10 : memref<!tpu.dma_semaphore, #tpu.memory_space<semaphore_mem>>)
        %dma_start3A_485 = arith.constant 2 : i32
        %dma_start3A_486 = arith.constant 0 : i32
        %dma_start3A_487 = tpu.memref_slice %arg7[%dma_start3A_485, %dma_start3A_486] : memref<5x40xi32, #tpu.memory_space<vmem>> -> memref<1x40xi32, #tpu.memory_space<vmem>>
        %dma_start3A_488 = tpu.memref_squeeze %dma_start3A_487 : memref<1x40xi32, #tpu.memory_space<vmem>> -> memref<40xi32, #tpu.memory_space<vmem>>
        %dma_start3A_489 = tpu.memref_slice %arg3[%add3A_471] : memref<320000xi32, #tpu.memory_space<hbm>> -> memref<40xi32, #tpu.memory_space<hbm>>
        %dma_start3A_490 = arith.constant 0 : i32
        %dma_start3A_491 = tpu.memref_slice %arg7[%dma_start3A_485, %dma_start3A_490] : memref<5x40xi32, #tpu.memory_space<vmem>> -> memref<1x40xi32, #tpu.memory_space<vmem>>
        %dma_start3A_492 = tpu.memref_squeeze %dma_start3A_491 : memref<1x40xi32, #tpu.memory_space<vmem>> -> memref<40xi32, #tpu.memory_space<vmem>>
        %dma_start3A_493 = tpu.memref_slice %arg3[%add3A_471] : memref<320000xi32, #tpu.memory_space<hbm>> -> memref<40xi32, #tpu.memory_space<hbm>>
        tpu.enqueue_dma source(%dma_start3A_493 : memref<40xi32, #tpu.memory_space<hbm>>) target(%dma_start3A_492 : memref<40xi32, #tpu.memory_space<vmem>>) target_semaphore(%arg15 : memref<!tpu.dma_semaphore, #tpu.memory_space<semaphore_mem>>)
      } else {
      }
      %dma_wait3A_191 = arith.constant 0 : i32
      %dma_wait3A_192 = arith.constant 0 : i32
      %dma_wait3A_193 = arith.constant 0 : i32
      %dma_wait3A_194 = tpu.memref_slice %arg6[%dma_wait3A_191, %dma_wait3A_192, %dma_wait3A_193] : memref<5x40x128xf32, #tpu.memory_space<vmem>> -> memref<1x40x128xf32, #tpu.memory_space<vmem>>
      %dma_wait3A_195 = tpu.memref_squeeze %dma_wait3A_194 : memref<1x40x128xf32, #tpu.memory_space<vmem>> -> memref<40x128xf32, #tpu.memory_space<vmem>>
      %dma_wait3A_196 = arith.constant 0 : i32
      %dma_wait3A_197 = arith.constant 0 : i32
      %dma_wait3A_198 = tpu.memref_slice %arg2[%dma_wait3A_196, %dma_wait3A_197] : memref<320000x128xf32, #tpu.memory_space<hbm>> -> memref<40x128xf32, #tpu.memory_space<hbm>>
      %dma_wait3A_199 = arith.constant 0 : i32
      %dma_wait3A_200 = arith.constant 0 : i32
      %dma_wait3A_201 = tpu.memref_slice %arg6[%dma_wait3A_191, %dma_wait3A_199, %dma_wait3A_200] : memref<5x40x128xf32, #tpu.memory_space<vmem>> -> memref<1x40x128xf32, #tpu.memory_space<vmem>>
      %dma_wait3A_202 = tpu.memref_squeeze %dma_wait3A_201 : memref<1x40x128xf32, #tpu.memory_space<vmem>> -> memref<40x128xf32, #tpu.memory_space<vmem>>
      %dma_wait3A_203 = arith.constant 0 : i32
      %dma_wait3A_204 = arith.constant 0 : i32
      %dma_wait3A_205 = tpu.memref_slice %arg2[%dma_wait3A_203, %dma_wait3A_204] : memref<320000x128xf32, #tpu.memory_space<hbm>> -> memref<40x128xf32, #tpu.memory_space<hbm>>
      tpu.wait_dma2 semaphore(%arg8 : memref<!tpu.dma_semaphore, #tpu.memory_space<semaphore_mem>>) src(%dma_wait3A_205 : memref<40x128xf32, #tpu.memory_space<hbm>>) dst(%dma_wait3A_202 : memref<40x128xf32, #tpu.memory_space<vmem>>)
      %dma_wait3A_206 = arith.constant 0 : i32
      %dma_wait3A_207 = arith.constant 0 : i32
      %dma_wait3A_208 = tpu.memref_slice %arg7[%dma_wait3A_206, %dma_wait3A_207] : memref<5x40xi32, #tpu.memory_space<vmem>> -> memref<1x40xi32, #tpu.memory_space<vmem>>
      %dma_wait3A_209 = tpu.memref_squeeze %dma_wait3A_208 : memref<1x40xi32, #tpu.memory_space<vmem>> -> memref<40xi32, #tpu.memory_space<vmem>>
      %dma_wait3A_210 = arith.constant 0 : i32
      %dma_wait3A_211 = tpu.memref_slice %arg3[%dma_wait3A_210] : memref<320000xi32, #tpu.memory_space<hbm>> -> memref<40xi32, #tpu.memory_space<hbm>>
      %dma_wait3A_212 = arith.constant 0 : i32
      %dma_wait3A_213 = tpu.memref_slice %arg7[%dma_wait3A_206, %dma_wait3A_212] : memref<5x40xi32, #tpu.memory_space<vmem>> -> memref<1x40xi32, #tpu.memory_space<vmem>>
      %dma_wait3A_214 = tpu.memref_squeeze %dma_wait3A_213 : memref<1x40xi32, #tpu.memory_space<vmem>> -> memref<40xi32, #tpu.memory_space<vmem>>
      %dma_wait3A_215 = arith.constant 0 : i32
      %dma_wait3A_216 = tpu.memref_slice %arg3[%dma_wait3A_215] : memref<320000xi32, #tpu.memory_space<hbm>> -> memref<40xi32, #tpu.memory_space<hbm>>
      tpu.wait_dma2 semaphore(%arg13 : memref<!tpu.dma_semaphore, #tpu.memory_space<semaphore_mem>>) src(%dma_wait3A_216 : memref<40xi32, #tpu.memory_space<hbm>>) dst(%dma_wait3A_214 : memref<40xi32, #tpu.memory_space<vmem>>)
      %scan3A_217 = arith.constant 0 : i32
      %scan3A_218 = arith.constant 0 : i32
      %scan3A_219 = arith.constant 10 : i32
      %scan3A_220 = arith.addi %scan3A_218, %scan3A_219 : i32
      %scan3A_221 = arith.constant 1 : i32
      scf.for %scan3A_467 = %scan3A_218 to %scan3A_220 step %scan3A_221  : i32 {
        %mul3A_468 = arith.constant 4 : i32
        %mul3A_469 = arith.muli %scan3A_467, %mul3A_468 : i32
        %add3A_470 = arith.constant 0 : i32
        %add3A_471 = arith.addi %mul3A_469, %add3A_470 : i32
        %get3A = arith.constant 0 : i32
        %get3A_472 = arith.index_cast %get3A : i32 to index
        %get3A_473 = arith.index_cast %add3A_471 : i32 to index
        %get3A_474 = arith.constant 0 : index
        %get3A_475 = tpu.vector_load %arg6[%get3A_472, %get3A_473, %get3A_474] {strides = array<i32>} : memref<5x40x128xf32, #tpu.memory_space<vmem>>, vector<1x1x16xf32>,
        %get3A_476 = vector.shape_cast %get3A_475 : vector<1x1x16xf32> to vector<16xf32>
        %exp3A = math.exp %get3A_476 : vector<16xf32>
        %add3A_477 = arith.constant 0 : i32
        %add3A_478 = arith.addi %mul3A_469, %add3A_477 : i32
        %swap3A = arith.constant 0 : i32
        %swap3A_479 = arith.index_cast %swap3A : i32 to index
        %swap3A_480 = arith.index_cast %add3A_478 : i32 to index
        %swap3A_481 = arith.constant 0 : index
        %swap3A_482 = tpu.vector_load %arg6[%swap3A_479, %swap3A_480, %swap3A_481] {strides = array<i32>} : memref<5x40x128xf32, #tpu.memory_space<vmem>>, vector<1x1x16xf32>,
        %swap3A_483 = vector.shape_cast %swap3A_482 : vector<1x1x16xf32> to vector<16xf32>
        %swap3A_484 = vector.shape_cast %exp3A : vector<16xf32> to vector<1x1x16xf32>
        tpu.vector_store %arg6[%swap3A_479, %swap3A_480, %swap3A_481], %swap3A_484 {strides = array<i32>} : memref<5x40x128xf32, #tpu.memory_space<vmem>>, vector<1x1x16xf32>,
        %add3A_485 = arith.constant 0 : i32
        %add3A_486 = arith.addi %mul3A_469, %add3A_485 : i32
        %get3A_487 = arith.constant 0 : i32
        %get3A_488 = arith.index_cast %get3A_487 : i32 to index
        %get3A_489 = arith.index_cast %add3A_486 : i32 to index
        %get3A_490 = arith.constant 16 : index
        %get3A_491 = tpu.vector_load %arg6[%get3A_488, %get3A_489, %get3A_490] {strides = array<i32>} : memref<5x40x128xf32, #tpu.memory_space<vmem>>, vector<1x1x16xf32>,
        %get3A_492 = vector.shape_cast %get3A_491 : vector<1x1x16xf32> to vector<16xf32>
        %exp3A_493 = math.exp %get3A_492 : vector<16xf32>
        %add3A_494 = arith.constant 0 : i32
        %add3A_495 = arith.addi %mul3A_469, %add3A_494 : i32
        %swap3A_496 = arith.constant 0 : i32
        %swap3A_497 = arith.index_cast %swap3A_496 : i32 to index
        %swap3A_498 = arith.index_cast %add3A_495 : i32 to index
        %swap3A_499 = arith.constant 16 : index
        %swap3A_500 = tpu.vector_load %arg6[%swap3A_497, %swap3A_498, %swap3A_499] {strides = array<i32>} : memref<5x40x128xf32, #tpu.memory_space<vmem>>, vector<1x1x16xf32>,
        %swap3A_501 = vector.shape_cast %swap3A_500 : vector<1x1x16xf32> to vector<16xf32>
        %swap3A_502 = vector.shape_cast %exp3A_493 : vector<16xf32> to vector<1x1x16xf32>
        tpu.vector_store %arg6[%swap3A_497, %swap3A_498, %swap3A_499], %swap3A_502 {strides = array<i32>} : memref<5x40x128xf32, #tpu.memory_space<vmem>>, vector<1x1x16xf32>,
        %add3A_503 = arith.constant 0 : i32
        %add3A_504 = arith.addi %mul3A_469, %add3A_503 : i32
        %get3A_505 = arith.constant 0 : i32
        %get3A_506 = arith.index_cast %get3A_505 : i32 to index
        %get3A_507 = arith.index_cast %add3A_504 : i32 to index
        %get3A_508 = arith.constant 32 : index
        %get3A_509 = tpu.vector_load %arg6[%get3A_506, %get3A_507, %get3A_508] {strides = array<i32>} : memref<5x40x128xf32, #tpu.memory_space<vmem>>, vector<1x1x16xf32>,
        %get3A_510 = vector.shape_cast %get3A_509 : vector<1x1x16xf32> to vector<16xf32>
        %exp3A_511 = math.exp %get3A_510 : vector<16xf32>
        %add3A_512 = arith.constant 0 : i32
        %add3A_513 = arith.addi %mul3A_469, %add3A_512 : i32
        %swap3A_514 = arith.constant 0 : i32
        %swap3A_515 = arith.index_cast %swap3A_514 : i32 to index
        %swap3A_516 = arith.index_cast %add3A_513 : i32 to index
        %swap3A_517 = arith.constant 32 : index
        %swap3A_518 = tpu.vector_load %arg6[%swap3A_515, %swap3A_516, %swap3A_517] {strides = array<i32>} : memref<5x40x128xf32, #tpu.memory_space<vmem>>, vector<1x1x16xf32>,
        %swap3A_519 = vector.shape_cast %swap3A_518 : vector<1x1x16xf32> to vector<16xf32>
        %swap3A_520 = vector.shape_cast %exp3A_511 : vector<16xf32> to vector<1x1x16xf32>
        tpu.vector_store %arg6[%swap3A_515, %swap3A_516, %swap3A_517], %swap3A_520 {strides = array<i32>} : memref<5x40x128xf32, #tpu.memory_space<vmem>>, vector<1x1x16xf32>,
        %add3A_521 = arith.constant 0 : i32
        %add3A_522 = arith.addi %mul3A_469, %add3A_521 : i32
        %get3A_523 = arith.constant 0 : i32
        %get3A_524 = arith.index_cast %get3A_523 : i32 to index
        %get3A_525 = arith.index_cast %add3A_522 : i32 to index
        %get3A_526 = arith.constant 48 : index
        %get3A_527 = tpu.vector_load %arg6[%get3A_524, %get3A_525, %get3A_526] {strides = array<i32>} : memref<5x40x128xf32, #tpu.memory_space<vmem>>, vector<1x1x16xf32>,
        %get3A_528 = vector.shape_cast %get3A_527 : vector<1x1x16xf32> to vector<16xf32>
        %exp3A_529 = math.exp %get3A_528 : vector<16xf32>
        %add3A_530 = arith.constant 0 : i32
        %add3A_531 = arith.addi %mul3A_469, %add3A_530 : i32
        %swap3A_532 = arith.constant 0 : i32
        %swap3A_533 = arith.index_cast %swap3A_532 : i32 to index
        %swap3A_534 = arith.index_cast %add3A_531 : i32 to index
        %swap3A_535 = arith.constant 48 : index
        %swap3A_536 = tpu.vector_load %arg6[%swap3A_533, %swap3A_534, %swap3A_535] {strides = array<i32>} : memref<5x40x128xf32, #tpu.memory_space<vmem>>, vector<1x1x16xf32>,
        %swap3A_537 = vector.shape_cast %swap3A_536 : vector<1x1x16xf32> to vector<16xf32>
        %swap3A_538 = vector.shape_cast %exp3A_529 : vector<16xf32> to vector<1x1x16xf32>
        tpu.vector_store %arg6[%swap3A_533, %swap3A_534, %swap3A_535], %swap3A_538 {strides = array<i32>} : memref<5x40x128xf32, #tpu.memory_space<vmem>>, vector<1x1x16xf32>,
        %add3A_539 = arith.constant 0 : i32
        %add3A_540 = arith.addi %mul3A_469, %add3A_539 : i32
        %get3A_541 = arith.constant 0 : i32
        %get3A_542 = arith.index_cast %get3A_541 : i32 to index
        %get3A_543 = arith.index_cast %add3A_540 : i32 to index
        %get3A_544 = arith.constant 64 : index
        %get3A_545 = tpu.vector_load %arg6[%get3A_542, %get3A_543, %get3A_544] {strides = array<i32>} : memref<5x40x128xf32, #tpu.memory_space<vmem>>, vector<1x1x16xf32>,
        %get3A_546 = vector.shape_cast %get3A_545 : vector<1x1x16xf32> to vector<16xf32>
        %exp3A_547 = math.exp %get3A_546 : vector<16xf32>
        %add3A_548 = arith.constant 0 : i32
        %add3A_549 = arith.addi %mul3A_469, %add3A_548 : i32
        %swap3A_550 = arith.constant 0 : i32
        %swap3A_551 = arith.index_cast %swap3A_550 : i32 to index
        %swap3A_552 = arith.index_cast %add3A_549 : i32 to index
        %swap3A_553 = arith.constant 64 : index
        %swap3A_554 = tpu.vector_load %arg6[%swap3A_551, %swap3A_552, %swap3A_553] {strides = array<i32>} : memref<5x40x128xf32, #tpu.memory_space<vmem>>, vector<1x1x16xf32>,
        %swap3A_555 = vector.shape_cast %swap3A_554 : vector<1x1x16xf32> to vector<16xf32>
        %swap3A_556 = vector.shape_cast %exp3A_547 : vector<16xf32> to vector<1x1x16xf32>
        tpu.vector_store %arg6[%swap3A_551, %swap3A_552, %swap3A_553], %swap3A_556 {strides = array<i32>} : memref<5x40x128xf32, #tpu.memory_space<vmem>>, vector<1x1x16xf32>,
        %add3A_557 = arith.constant 0 : i32
        %add3A_558 = arith.addi %mul3A_469, %add3A_557 : i32
        %get3A_559 = arith.constant 0 : i32
        %get3A_560 = arith.index_cast %get3A_559 : i32 to index
        %get3A_561 = arith.index_cast %add3A_558 : i32 to index
        %get3A_562 = arith.constant 80 : index
        %get3A_563 = tpu.vector_load %arg6[%get3A_560, %get3A_561, %get3A_562] {strides = array<i32>} : memref<5x40x128xf32, #tpu.memory_space<vmem>>, vector<1x1x16xf32>,
        %get3A_564 = vector.shape_cast %get3A_563 : vector<1x1x16xf32> to vector<16xf32>
        %exp3A_565 = math.exp %get3A_564 : vector<16xf32>
        %add3A_566 = arith.constant 0 : i32
        %add3A_567 = arith.addi %mul3A_469, %add3A_566 : i32
        %swap3A_568 = arith.constant 0 : i32
        %swap3A_569 = arith.index_cast %swap3A_568 : i32 to index
        %swap3A_570 = arith.index_cast %add3A_567 : i32 to index
        %swap3A_571 = arith.constant 80 : index
        %swap3A_572 = tpu.vector_load %arg6[%swap3A_569, %swap3A_570, %swap3A_571] {strides = array<i32>} : memref<5x40x128xf32, #tpu.memory_space<vmem>>, vector<1x1x16xf32>,
        %swap3A_573 = vector.shape_cast %swap3A_572 : vector<1x1x16xf32> to vector<16xf32>
        %swap3A_574 = vector.shape_cast %exp3A_565 : vector<16xf32> to vector<1x1x16xf32>
        tpu.vector_store %arg6[%swap3A_569, %swap3A_570, %swap3A_571], %swap3A_574 {strides = array<i32>} : memref<5x40x128xf32, #tpu.memory_space<vmem>>, vector<1x1x16xf32>,
        %add3A_575 = arith.constant 0 : i32
        %add3A_576 = arith.addi %mul3A_469, %add3A_575 : i32
        %get3A_577 = arith.constant 0 : i32
        %get3A_578 = arith.index_cast %get3A_577 : i32 to index
        %get3A_579 = arith.index_cast %add3A_576 : i32 to index
        %get3A_580 = arith.constant 96 : index
        %get3A_581 = tpu.vector_load %arg6[%get3A_578, %get3A_579, %get3A_580] {strides = array<i32>} : memref<5x40x128xf32, #tpu.memory_space<vmem>>, vector<1x1x16xf32>,
        %get3A_582 = vector.shape_cast %get3A_581 : vector<1x1x16xf32> to vector<16xf32>
        %exp3A_583 = math.exp %get3A_582 : vector<16xf32>
        %add3A_584 = arith.constant 0 : i32
        %add3A_585 = arith.addi %mul3A_469, %add3A_584 : i32
        %swap3A_586 = arith.constant 0 : i32
        %swap3A_587 = arith.index_cast %swap3A_586 : i32 to index
        %swap3A_588 = arith.index_cast %add3A_585 : i32 to index
        %swap3A_589 = arith.constant 96 : index
        %swap3A_590 = tpu.vector_load %arg6[%swap3A_587, %swap3A_588, %swap3A_589] {strides = array<i32>} : memref<5x40x128xf32, #tpu.memory_space<vmem>>, vector<1x1x16xf32>,
        %swap3A_591 = vector.shape_cast %swap3A_590 : vector<1x1x16xf32> to vector<16xf32>
        %swap3A_592 = vector.shape_cast %exp3A_583 : vector<16xf32> to vector<1x1x16xf32>
        tpu.vector_store %arg6[%swap3A_587, %swap3A_588, %swap3A_589], %swap3A_592 {strides = array<i32>} : memref<5x40x128xf32, #tpu.memory_space<vmem>>, vector<1x1x16xf32>,
        %add3A_593 = arith.constant 0 : i32
        %add3A_594 = arith.addi %mul3A_469, %add3A_593 : i32
        %get3A_595 = arith.constant 0 : i32
        %get3A_596 = arith.index_cast %get3A_595 : i32 to index
        %get3A_597 = arith.index_cast %add3A_594 : i32 to index
        %get3A_598 = arith.constant 112 : index
        %get3A_599 = tpu.vector_load %arg6[%get3A_596, %get3A_597, %get3A_598] {strides = array<i32>} : memref<5x40x128xf32, #tpu.memory_space<vmem>>, vector<1x1x16xf32>,
        %get3A_600 = vector.shape_cast %get3A_599 : vector<1x1x16xf32> to vector<16xf32>
        %exp3A_601 = math.exp %get3A_600 : vector<16xf32>
        %add3A_602 = arith.constant 0 : i32
        %add3A_603 = arith.addi %mul3A_469, %add3A_602 : i32
        %swap3A_604 = arith.constant 0 : i32
        %swap3A_605 = arith.index_cast %swap3A_604 : i32 to index
        %swap3A_606 = arith.index_cast %add3A_603 : i32 to index
        %swap3A_607 = arith.constant 112 : index
        %swap3A_608 = tpu.vector_load %arg6[%swap3A_605, %swap3A_606, %swap3A_607] {strides = array<i32>} : memref<5x40x128xf32, #tpu.memory_space<vmem>>, vector<1x1x16xf32>,
        %swap3A_609 = vector.shape_cast %swap3A_608 : vector<1x1x16xf32> to vector<16xf32>
        %swap3A_610 = vector.shape_cast %exp3A_601 : vector<16xf32> to vector<1x1x16xf32>
        tpu.vector_store %arg6[%swap3A_605, %swap3A_606, %swap3A_607], %swap3A_610 {strides = array<i32>} : memref<5x40x128xf32, #tpu.memory_space<vmem>>, vector<1x1x16xf32>,
        %add3A_611 = arith.constant 1 : i32
        %add3A_612 = arith.addi %mul3A_469, %add3A_611 : i32
        %get3A_613 = arith.constant 0 : i32
        %get3A_614 = arith.index_cast %get3A_613 : i32 to index
        %get3A_615 = arith.index_cast %add3A_612 : i32 to index
        %get3A_616 = arith.constant 0 : index
        %get3A_617 = tpu.vector_load %arg6[%get3A_614, %get3A_615, %get3A_616] {strides = array<i32>} : memref<5x40x128xf32, #tpu.memory_space<vmem>>, vector<1x1x16xf32>,
        %get3A_618 = vector.shape_cast %get3A_617 : vector<1x1x16xf32> to vector<16xf32>
        %exp3A_619 = math.exp %get3A_618 : vector<16xf32>
        %add3A_620 = arith.constant 1 : i32
        %add3A_621 = arith.addi %mul3A_469, %add3A_620 : i32
        %swap3A_622 = arith.constant 0 : i32
        %swap3A_623 = arith.index_cast %swap3A_622 : i32 to index
        %swap3A_624 = arith.index_cast %add3A_621 : i32 to index
        %swap3A_625 = arith.constant 0 : index
        %swap3A_626 = tpu.vector_load %arg6[%swap3A_623, %swap3A_624, %swap3A_625] {strides = array<i32>} : memref<5x40x128xf32, #tpu.memory_space<vmem>>, vector<1x1x16xf32>,
        %swap3A_627 = vector.shape_cast %swap3A_626 : vector<1x1x16xf32> to vector<16xf32>
        %swap3A_628 = vector.shape_cast %exp3A_619 : vector<16xf32> to vector<1x1x16xf32>
        tpu.vector_store %arg6[%swap3A_623, %swap3A_624, %swap3A_625], %swap3A_628 {strides = array<i32>} : memref<5x40x128xf32, #tpu.memory_space<vmem>>, vector<1x1x16xf32>,
        %add3A_629 = arith.constant 1 : i32
        %add3A_630 = arith.addi %mul3A_469, %add3A_629 : i32
        %get3A_631 = arith.constant 0 : i32
        %get3A_632 = arith.index_cast %get3A_631 : i32 to index
        %get3A_633 = arith.index_cast %add3A_630 : i32 to index
        %get3A_634 = arith.constant 16 : index
        %get3A_635 = tpu.vector_load %arg6[%get3A_632, %get3A_633, %get3A_634] {strides = array<i32>} : memref<5x40x128xf32, #tpu.memory_space<vmem>>, vector<1x1x16xf32>,
        %get3A_636 = vector.shape_cast %get3A_635 : vector<1x1x16xf32> to vector<16xf32>
        %exp3A_637 = math.exp %get3A_636 : vector<16xf32>
        %add3A_638 = arith.constant 1 : i32
        %add3A_639 = arith.addi %mul3A_469, %add3A_638 : i32
        %swap3A_640 = arith.constant 0 : i32
        %swap3A_641 = arith.index_cast %swap3A_640 : i32 to index
        %swap3A_642 = arith.index_cast %add3A_639 : i32 to index
        %swap3A_643 = arith.constant 16 : index
        %swap3A_644 = tpu.vector_load %arg6[%swap3A_641, %swap3A_642, %swap3A_643] {strides = array<i32>} : memref<5x40x128xf32, #tpu.memory_space<vmem>>, vector<1x1x16xf32>,
        %swap3A_645 = vector.shape_cast %swap3A_644 : vector<1x1x16xf32> to vector<16xf32>
        %swap3A_646 = vector.shape_cast %exp3A_637 : vector<16xf32> to vector<1x1x16xf32>
        tpu.vector_store %arg6[%swap3A_641, %swap3A_642, %swap3A_643], %swap3A_646 {strides = array<i32>} : memref<5x40x128xf32, #tpu.memory_space<vmem>>, vector<1x1x16xf32>,
        %add3A_647 = arith.constant 1 : i32
        %add3A_648 = arith.addi %mul3A_469, %add3A_647 : i32
        %get3A_649 = arith.constant 0 : i32
        %get3A_650 = arith.index_cast %get3A_649 : i32 to index
        %get3A_651 = arith.index_cast %add3A_648 : i32 to index
        %get3A_652 = arith.constant 32 : index
        %get3A_653 = tpu.vector_load %arg6[%get3A_650, %get3A_651, %get3A_652] {strides = array<i32>} : memref<5x40x128xf32, #tpu.memory_space<vmem>>, vector<1x1x16xf32>,
        %get3A_654 = vector.shape_cast %get3A_653 : vector<1x1x16xf32> to vector<16xf32>
        %exp3A_655 = math.exp %get3A_654 : vector<16xf32>
        %add3A_656 = arith.constant 1 : i32
        %add3A_657 = arith.addi %mul3A_469, %add3A_656 : i32
        %swap3A_658 = arith.constant 0 : i32
        %swap3A_659 = arith.index_cast %swap3A_658 : i32 to index
        %swap3A_660 = arith.index_cast %add3A_657 : i32 to index
        %swap3A_661 = arith.constant 32 : index
        %swap3A_662 = tpu.vector_load %arg6[%swap3A_659, %swap3A_660, %swap3A_661] {strides = array<i32>} : memref<5x40x128xf32, #tpu.memory_space<vmem>>, vector<1x1x16xf32>,
        %swap3A_663 = vector.shape_cast %swap3A_662 : vector<1x1x16xf32> to vector<16xf32>
        %swap3A_664 = vector.shape_cast %exp3A_655 : vector<16xf32> to vector<1x1x16xf32>
        tpu.vector_store %arg6[%swap3A_659, %swap3A_660, %swap3A_661], %swap3A_664 {strides = array<i32>} : memref<5x40x128xf32, #tpu.memory_space<vmem>>, vector<1x1x16xf32>,
        %add3A_665 = arith.constant 1 : i32
        %add3A_666 = arith.addi %mul3A_469, %add3A_665 : i32
        %get3A_667 = arith.constant 0 : i32
        %get3A_668 = arith.index_cast %get3A_667 : i32 to index
        %get3A_669 = arith.index_cast %add3A_666 : i32 to index
        %get3A_670 = arith.constant 48 : index
        %get3A_671 = tpu.vector_load %arg6[%get3A_668, %get3A_669, %get3A_670] {strides = array<i32>} : memref<5x40x128xf32, #tpu.memory_space<vmem>>, vector<1x1x16xf32>,
        %get3A_672 = vector.shape_cast %get3A_671 : vector<1x1x16xf32> to vector<16xf32>
        %exp3A_673 = math.exp %get3A_672 : vector<16xf32>
        %add3A_674 = arith.constant 1 : i32
        %add3A_675 = arith.addi %mul3A_469, %add3A_674 : i32
        %swap3A_676 = arith.constant 0 : i32
        %swap3A_677 = arith.index_cast %swap3A_676 : i32 to index
        %swap3A_678 = arith.index_cast %add3A_675 : i32 to index
        %swap3A_679 = arith.constant 48 : index
        %swap3A_680 = tpu.vector_load %arg6[%swap3A_677, %swap3A_678, %swap3A_679] {strides = array<i32>} : memref<5x40x128xf32, #tpu.memory_space<vmem>>, vector<1x1x16xf32>,
        %swap3A_681 = vector.shape_cast %swap3A_680 : vector<1x1x16xf32> to vector<16xf32>
        %swap3A_682 = vector.shape_cast %exp3A_673 : vector<16xf32> to vector<1x1x16xf32>
        tpu.vector_store %arg6[%swap3A_677, %swap3A_678, %swap3A_679], %swap3A_682 {strides = array<i32>} : memref<5x40x128xf32, #tpu.memory_space<vmem>>, vector<1x1x16xf32>,
        %add3A_683 = arith.constant 1 : i32
        %add3A_684 = arith.addi %mul3A_469, %add3A_683 : i32
        %get3A_685 = arith.constant 0 : i32
        %get3A_686 = arith.index_cast %get3A_685 : i32 to index
        %get3A_687 = arith.index_cast %add3A_684 : i32 to index
        %get3A_688 = arith.constant 64 : index
        %get3A_689 = tpu.vector_load %arg6[%get3A_686, %get3A_687, %get3A_688] {strides = array<i32>} : memref<5x40x128xf32, #tpu.memory_space<vmem>>, vector<1x1x16xf32>,
        %get3A_690 = vector.shape_cast %get3A_689 : vector<1x1x16xf32> to vector<16xf32>
        %exp3A_691 = math.exp %get3A_690 : vector<16xf32>
        %add3A_692 = arith.constant 1 : i32
        %add3A_693 = arith.addi %mul3A_469, %add3A_692 : i32
        %swap3A_694 = arith.constant 0 : i32
        %swap3A_695 = arith.index_cast %swap3A_694 : i32 to index
        %swap3A_696 = arith.index_cast %add3A_693 : i32 to index
        %swap3A_697 = arith.constant 64 : index
        %swap3A_698 = tpu.vector_load %arg6[%swap3A_695, %swap3A_696, %swap3A_697] {strides = array<i32>} : memref<5x40x128xf32, #tpu.memory_space<vmem>>, vector<1x1x16xf32>,
        %swap3A_699 = vector.shape_cast %swap3A_698 : vector<1x1x16xf32> to vector<16xf32>
        %swap3A_700 = vector.shape_cast %exp3A_691 : vector<16xf32> to vector<1x1x16xf32>
        tpu.vector_store %arg6[%swap3A_695, %swap3A_696, %swap3A_697], %swap3A_700 {strides = array<i32>} : memref<5x40x128xf32, #tpu.memory_space<vmem>>, vector<1x1x16xf32>,
        %add3A_701 = arith.constant 1 : i32
        %add3A_702 = arith.addi %mul3A_469, %add3A_701 : i32
        %get3A_703 = arith.constant 0 : i32
        %get3A_704 = arith.index_cast %get3A_703 : i32 to index
        %get3A_705 = arith.index_cast %add3A_702 : i32 to index
        %get3A_706 = arith.constant 80 : index
        %get3A_707 = tpu.vector_load %arg6[%get3A_704, %get3A_705, %get3A_706] {strides = array<i32>} : memref<5x40x128xf32, #tpu.memory_space<vmem>>, vector<1x1x16xf32>,
        %get3A_708 = vector.shape_cast %get3A_707 : vector<1x1x16xf32> to vector<16xf32>
        %exp3A_709 = math.exp %get3A_708 : vector<16xf32>
        %add3A_710 = arith.constant 1 : i32
        %add3A_711 = arith.addi %mul3A_469, %add3A_710 : i32
        %swap3A_712 = arith.constant 0 : i32
        %swap3A_713 = arith.index_cast %swap3A_712 : i32 to index
        %swap3A_714 = arith.index_cast %add3A_711 : i32 to index
        %swap3A_715 = arith.constant 80 : index
        %swap3A_716 = tpu.vector_load %arg6[%swap3A_713, %swap3A_714, %swap3A_715] {strides = array<i32>} : memref<5x40x128xf32, #tpu.memory_space<vmem>>, vector<1x1x16xf32>,
        %swap3A_717 = vector.shape_cast %swap3A_716 : vector<1x1x16xf32> to vector<16xf32>
        %swap3A_718 = vector.shape_cast %exp3A_709 : vector<16xf32> to vector<1x1x16xf32>
        tpu.vector_store %arg6[%swap3A_713, %swap3A_714, %swap3A_715], %swap3A_718 {strides = array<i32>} : memref<5x40x128xf32, #tpu.memory_space<vmem>>, vector<1x1x16xf32>,
        %add3A_719 = arith.constant 1 : i32
        %add3A_720 = arith.addi %mul3A_469, %add3A_719 : i32
        %get3A_721 = arith.constant 0 : i32
        %get3A_722 = arith.index_cast %get3A_721 : i32 to index
        %get3A_723 = arith.index_cast %add3A_720 : i32 to index
        %get3A_724 = arith.constant 96 : index
        %get3A_725 = tpu.vector_load %arg6[%get3A_722, %get3A_723, %get3A_724] {strides = array<i32>} : memref<5x40x128xf32, #tpu.memory_space<vmem>>, vector<1x1x16xf32>,
        %get3A_726 = vector.shape_cast %get3A_725 : vector<1x1x16xf32> to vector<16xf32>
        %exp3A_727 = math.exp %get3A_726 : vector<16xf32>
        %add3A_728 = arith.constant 1 : i32
        %add3A_729 = arith.addi %mul3A_469, %add3A_728 : i32
        %swap3A_730 = arith.constant 0 : i32
        %swap3A_731 = arith.index_cast %swap3A_730 : i32 to index
        %swap3A_732 = arith.index_cast %add3A_729 : i32 to index
        %swap3A_733 = arith.constant 96 : index
        %swap3A_734 = tpu.vector_load %arg6[%swap3A_731, %swap3A_732, %swap3A_733] {strides = array<i32>} : memref<5x40x128xf32, #tpu.memory_space<vmem>>, vector<1x1x16xf32>,
        %swap3A_735 = vector.shape_cast %swap3A_734 : vector<1x1x16xf32> to vector<16xf32>
        %swap3A_736 = vector.shape_cast %exp3A_727 : vector<16xf32> to vector<1x1x16xf32>
        tpu.vector_store %arg6[%swap3A_731, %swap3A_732, %swap3A_733], %swap3A_736 {strides = array<i32>} : memref<5x40x128xf32, #tpu.memory_space<vmem>>, vector<1x1x16xf32>,
        %add3A_737 = arith.constant 1 : i32
        %add3A_738 = arith.addi %mul3A_469, %add3A_737 : i32
        %get3A_739 = arith.constant 0 : i32
        %get3A_740 = arith.index_cast %get3A_739 : i32 to index
        %get3A_741 = arith.index_cast %add3A_738 : i32 to index
        %get3A_742 = arith.constant 112 : index
        %get3A_743 = tpu.vector_load %arg6[%get3A_740, %get3A_741, %get3A_742] {strides = array<i32>} : memref<5x40x128xf32, #tpu.memory_space<vmem>>, vector<1x1x16xf32>,
        %get3A_744 = vector.shape_cast %get3A_743 : vector<1x1x16xf32> to vector<16xf32>
        %exp3A_745 = math.exp %get3A_744 : vector<16xf32>
        %add3A_746 = arith.constant 1 : i32
        %add3A_747 = arith.addi %mul3A_469, %add3A_746 : i32
        %swap3A_748 = arith.constant 0 : i32
        %swap3A_749 = arith.index_cast %swap3A_748 : i32 to index
        %swap3A_750 = arith.index_cast %add3A_747 : i32 to index
        %swap3A_751 = arith.constant 112 : index
        %swap3A_752 = tpu.vector_load %arg6[%swap3A_749, %swap3A_750, %swap3A_751] {strides = array<i32>} : memref<5x40x128xf32, #tpu.memory_space<vmem>>, vector<1x1x16xf32>,
        %swap3A_753 = vector.shape_cast %swap3A_752 : vector<1x1x16xf32> to vector<16xf32>
        %swap3A_754 = vector.shape_cast %exp3A_745 : vector<16xf32> to vector<1x1x16xf32>
        tpu.vector_store %arg6[%swap3A_749, %swap3A_750, %swap3A_751], %swap3A_754 {strides = array<i32>} : memref<5x40x128xf32, #tpu.memory_space<vmem>>, vector<1x1x16xf32>,
        %add3A_755 = arith.constant 2 : i32
        %add3A_756 = arith.addi %mul3A_469, %add3A_755 : i32
        %get3A_757 = arith.constant 0 : i32
        %get3A_758 = arith.index_cast %get3A_757 : i32 to index
        %get3A_759 = arith.index_cast %add3A_756 : i32 to index
        %get3A_760 = arith.constant 0 : index
        %get3A_761 = tpu.vector_load %arg6[%get3A_758, %get3A_759, %get3A_760] {strides = array<i32>} : memref<5x40x128xf32, #tpu.memory_space<vmem>>, vector<1x1x16xf32>,
        %get3A_762 = vector.shape_cast %get3A_761 : vector<1x1x16xf32> to vector<16xf32>
        %exp3A_763 = math.exp %get3A_762 : vector<16xf32>
        %add3A_764 = arith.constant 2 : i32
        %add3A_765 = arith.addi %mul3A_469, %add3A_764 : i32
        %swap3A_766 = arith.constant 0 : i32
        %swap3A_767 = arith.index_cast %swap3A_766 : i32 to index
        %swap3A_768 = arith.index_cast %add3A_765 : i32 to index
        %swap3A_769 = arith.constant 0 : index
        %swap3A_770 = tpu.vector_load %arg6[%swap3A_767, %swap3A_768, %swap3A_769] {strides = array<i32>} : memref<5x40x128xf32, #tpu.memory_space<vmem>>, vector<1x1x16xf32>,
        %swap3A_771 = vector.shape_cast %swap3A_770 : vector<1x1x16xf32> to vector<16xf32>
        %swap3A_772 = vector.shape_cast %exp3A_763 : vector<16xf32> to vector<1x1x16xf32>
        tpu.vector_store %arg6[%swap3A_767, %swap3A_768, %swap3A_769], %swap3A_772 {strides = array<i32>} : memref<5x40x128xf32, #tpu.memory_space<vmem>>, vector<1x1x16xf32>,
        %add3A_773 = arith.constant 2 : i32
        %add3A_774 = arith.addi %mul3A_469, %add3A_773 : i32
        %get3A_775 = arith.constant 0 : i32
        %get3A_776 = arith.index_cast %get3A_775 : i32 to index
        %get3A_777 = arith.index_cast %add3A_774 : i32 to index
        %get3A_778 = arith.constant 16 : index
        %get3A_779 = tpu.vector_load %arg6[%get3A_776, %get3A_777, %get3A_778] {strides = array<i32>} : memref<5x40x128xf32, #tpu.memory_space<vmem>>, vector<1x1x16xf32>,
        %get3A_780 = vector.shape_cast %get3A_779 : vector<1x1x16xf32> to vector<16xf32>
        %exp3A_781 = math.exp %get3A_780 : vector<16xf32>
        %add3A_782 = arith.constant 2 : i32
        %add3A_783 = arith.addi %mul3A_469, %add3A_782 : i32
        %swap3A_784 = arith.constant 0 : i32
        %swap3A_785 = arith.index_cast %swap3A_784 : i32 to index
        %swap3A_786 = arith.index_cast %add3A_783 : i32 to index
        %swap3A_787 = arith.constant 16 : index
        %swap3A_788 = tpu.vector_load %arg6[%swap3A_785, %swap3A_786, %swap3A_787] {strides = array<i32>} : memref<5x40x128xf32, #tpu.memory_space<vmem>>, vector<1x1x16xf32>,
        %swap3A_789 = vector.shape_cast %swap3A_788 : vector<1x1x16xf32> to vector<16xf32>
        %swap3A_790 = vector.shape_cast %exp3A_781 : vector<16xf32> to vector<1x1x16xf32>
        tpu.vector_store %arg6[%swap3A_785, %swap3A_786, %swap3A_787], %swap3A_790 {strides = array<i32>} : memref<5x40x128xf32, #tpu.memory_space<vmem>>, vector<1x1x16xf32>,
        %add3A_791 = arith.constant 2 : i32
        %add3A_792 = arith.addi %mul3A_469, %add3A_791 : i32
        %get3A_793 = arith.constant 0 : i32
        %get3A_794 = arith.index_cast %get3A_793 : i32 to index
        %get3A_795 = arith.index_cast %add3A_792 : i32 to index
        %get3A_796 = arith.constant 32 : index
        %get3A_797 = tpu.vector_load %arg6[%get3A_794, %get3A_795, %get3A_796] {strides = array<i32>} : memref<5x40x128xf32, #tpu.memory_space<vmem>>, vector<1x1x16xf32>,
        %get3A_798 = vector.shape_cast %get3A_797 : vector<1x1x16xf32> to vector<16xf32>
        %exp3A_799 = math.exp %get3A_798 : vector<16xf32>
        %add3A_800 = arith.constant 2 : i32
        %add3A_801 = arith.addi %mul3A_469, %add3A_800 : i32
        %swap3A_802 = arith.constant 0 : i32
        %swap3A_803 = arith.index_cast %swap3A_802 : i32 to index
        %swap3A_804 = arith.index_cast %add3A_801 : i32 to index
        %swap3A_805 = arith.constant 32 : index
        %swap3A_806 = tpu.vector_load %arg6[%swap3A_803, %swap3A_804, %swap3A_805] {strides = array<i32>} : memref<5x40x128xf32, #tpu.memory_space<vmem>>, vector<1x1x16xf32>,
        %swap3A_807 = vector.shape_cast %swap3A_806 : vector<1x1x16xf32> to vector<16xf32>
        %swap3A_808 = vector.shape_cast %exp3A_799 : vector<16xf32> to vector<1x1x16xf32>
        tpu.vector_store %arg6[%swap3A_803, %swap3A_804, %swap3A_805], %swap3A_808 {strides = array<i32>} : memref<5x40x128xf32, #tpu.memory_space<vmem>>, vector<1x1x16xf32>,
        %add3A_809 = arith.constant 2 : i32
        %add3A_810 = arith.addi %mul3A_469, %add3A_809 : i32
        %get3A_811 = arith.constant 0 : i32
        %get3A_812 = arith.index_cast %get3A_811 : i32 to index
        %get3A_813 = arith.index_cast %add3A_810 : i32 to index
        %get3A_814 = arith.constant 48 : index
        %get3A_815 = tpu.vector_load %arg6[%get3A_812, %get3A_813, %get3A_814] {strides = array<i32>} : memref<5x40x128xf32, #tpu.memory_space<vmem>>, vector<1x1x16xf32>,
        %get3A_816 = vector.shape_cast %get3A_815 : vector<1x1x16xf32> to vector<16xf32>
        %exp3A_817 = math.exp %get3A_816 : vector<16xf32>
        %add3A_818 = arith.constant 2 : i32
        %add3A_819 = arith.addi %mul3A_469, %add3A_818 : i32
        %swap3A_820 = arith.constant 0 : i32
        %swap3A_821 = arith.index_cast %swap3A_820 : i32 to index
        %swap3A_822 = arith.index_cast %add3A_819 : i32 to index
        %swap3A_823 = arith.constant 48 : index
        %swap3A_824 = tpu.vector_load %arg6[%swap3A_821, %swap3A_822, %swap3A_823] {strides = array<i32>} : memref<5x40x128xf32, #tpu.memory_space<vmem>>, vector<1x1x16xf32>,
        %swap3A_825 = vector.shape_cast %swap3A_824 : vector<1x1x16xf32> to vector<16xf32>
        %swap3A_826 = vector.shape_cast %exp3A_817 : vector<16xf32> to vector<1x1x16xf32>
        tpu.vector_store %arg6[%swap3A_821, %swap3A_822, %swap3A_823], %swap3A_826 {strides = array<i32>} : memref<5x40x128xf32, #tpu.memory_space<vmem>>, vector<1x1x16xf32>,
        %add3A_827 = arith.constant 2 : i32
        %add3A_828 = arith.addi %mul3A_469, %add3A_827 : i32
        %get3A_829 = arith.constant 0 : i32
        %get3A_830 = arith.index_cast %get3A_829 : i32 to index
        %get3A_831 = arith.index_cast %add3A_828 : i32 to index
        %get3A_832 = arith.constant 64 : index
        %get3A_833 = tpu.vector_load %arg6[%get3A_830, %get3A_831, %get3A_832] {strides = array<i32>} : memref<5x40x128xf32, #tpu.memory_space<vmem>>, vector<1x1x16xf32>,
        %get3A_834 = vector.shape_cast %get3A_833 : vector<1x1x16xf32> to vector<16xf32>
        %exp3A_835 = math.exp %get3A_834 : vector<16xf32>
        %add3A_836 = arith.constant 2 : i32
        %add3A_837 = arith.addi %mul3A_469, %add3A_836 : i32
        %swap3A_838 = arith.constant 0 : i32
        %swap3A_839 = arith.index_cast %swap3A_838 : i32 to index
        %swap3A_840 = arith.index_cast %add3A_837 : i32 to index
        %swap3A_841 = arith.constant 64 : index
        %swap3A_842 = tpu.vector_load %arg6[%swap3A_839, %swap3A_840, %swap3A_841] {strides = array<i32>} : memref<5x40x128xf32, #tpu.memory_space<vmem>>, vector<1x1x16xf32>,
        %swap3A_843 = vector.shape_cast %swap3A_842 : vector<1x1x16xf32> to vector<16xf32>
        %swap3A_844 = vector.shape_cast %exp3A_835 : vector<16xf32> to vector<1x1x16xf32>
        tpu.vector_store %arg6[%swap3A_839, %swap3A_840, %swap3A_841], %swap3A_844 {strides = array<i32>} : memref<5x40x128xf32, #tpu.memory_space<vmem>>, vector<1x1x16xf32>,
        %add3A_845 = arith.constant 2 : i32
        %add3A_846 = arith.addi %mul3A_469, %add3A_845 : i32
        %get3A_847 = arith.constant 0 : i32
        %get3A_848 = arith.index_cast %get3A_847 : i32 to index
        %get3A_849 = arith.index_cast %add3A_846 : i32 to index
        %get3A_850 = arith.constant 80 : index
        %get3A_851 = tpu.vector_load %arg6[%get3A_848, %get3A_849, %get3A_850] {strides = array<i32>} : memref<5x40x128xf32, #tpu.memory_space<vmem>>, vector<1x1x16xf32>,
        %get3A_852 = vector.shape_cast %get3A_851 : vector<1x1x16xf32> to vector<16xf32>
        %exp3A_853 = math.exp %get3A_852 : vector<16xf32>
        %add3A_854 = arith.constant 2 : i32
        %add3A_855 = arith.addi %mul3A_469, %add3A_854 : i32
        %swap3A_856 = arith.constant 0 : i32
        %swap3A_857 = arith.index_cast %swap3A_856 : i32 to index
        %swap3A_858 = arith.index_cast %add3A_855 : i32 to index
        %swap3A_859 = arith.constant 80 : index
        %swap3A_860 = tpu.vector_load %arg6[%swap3A_857, %swap3A_858, %swap3A_859] {strides = array<i32>} : memref<5x40x128xf32, #tpu.memory_space<vmem>>, vector<1x1x16xf32>,
        %swap3A_861 = vector.shape_cast %swap3A_860 : vector<1x1x16xf32> to vector<16xf32>
        %swap3A_862 = vector.shape_cast %exp3A_853 : vector<16xf32> to vector<1x1x16xf32>
        tpu.vector_store %arg6[%swap3A_857, %swap3A_858, %swap3A_859], %swap3A_862 {strides = array<i32>} : memref<5x40x128xf32, #tpu.memory_space<vmem>>, vector<1x1x16xf32>,
        %add3A_863 = arith.constant 2 : i32
        %add3A_864 = arith.addi %mul3A_469, %add3A_863 : i32
        %get3A_865 = arith.constant 0 : i32
        %get3A_866 = arith.index_cast %get3A_865 : i32 to index
        %get3A_867 = arith.index_cast %add3A_864 : i32 to index
        %get3A_868 = arith.constant 96 : index
        %get3A_869 = tpu.vector_load %arg6[%get3A_866, %get3A_867, %get3A_868] {strides = array<i32>} : memref<5x40x128xf32, #tpu.memory_space<vmem>>, vector<1x1x16xf32>,
        %get3A_870 = vector.shape_cast %get3A_869 : vector<1x1x16xf32> to vector<16xf32>
        %exp3A_871 = math.exp %get3A_870 : vector<16xf32>
        %add3A_872 = arith.constant 2 : i32
        %add3A_873 = arith.addi %mul3A_469, %add3A_872 : i32
        %swap3A_874 = arith.constant 0 : i32
        %swap3A_875 = arith.index_cast %swap3A_874 : i32 to index
        %swap3A_876 = arith.index_cast %add3A_873 : i32 to index
        %swap3A_877 = arith.constant 96 : index
        %swap3A_878 = tpu.vector_load %arg6[%swap3A_875, %swap3A_876, %swap3A_877] {strides = array<i32>} : memref<5x40x128xf32, #tpu.memory_space<vmem>>, vector<1x1x16xf32>,
        %swap3A_879 = vector.shape_cast %swap3A_878 : vector<1x1x16xf32> to vector<16xf32>
        %swap3A_880 = vector.shape_cast %exp3A_871 : vector<16xf32> to vector<1x1x16xf32>
        tpu.vector_store %arg6[%swap3A_875, %swap3A_876, %swap3A_877], %swap3A_880 {strides = array<i32>} : memref<5x40x128xf32, #tpu.memory_space<vmem>>, vector<1x1x16xf32>,
        %add3A_881 = arith.constant 2 : i32
        %add3A_882 = arith.addi %mul3A_469, %add3A_881 : i32
        %get3A_883 = arith.constant 0 : i32
        %get3A_884 = arith.index_cast %get3A_883 : i32 to index
        %get3A_885 = arith.index_cast %add3A_882 : i32 to index
        %get3A_886 = arith.constant 112 : index
        %get3A_887 = tpu.vector_load %arg6[%get3A_884, %get3A_885, %get3A_886] {strides = array<i32>} : memref<5x40x128xf32, #tpu.memory_space<vmem>>, vector<1x1x16xf32>,
        %get3A_888 = vector.shape_cast %get3A_887 : vector<1x1x16xf32> to vector<16xf32>
        %exp3A_889 = math.exp %get3A_888 : vector<16xf32>
        %add3A_890 = arith.constant 2 : i32
        %add3A_891 = arith.addi %mul3A_469, %add3A_890 : i32
        %swap3A_892 = arith.constant 0 : i32
        %swap3A_893 = arith.index_cast %swap3A_892 : i32 to index
        %swap3A_894 = arith.index_cast %add3A_891 : i32 to index
        %swap3A_895 = arith.constant 112 : index
        %swap3A_896 = tpu.vector_load %arg6[%swap3A_893, %swap3A_894, %swap3A_895] {strides = array<i32>} : memref<5x40x128xf32, #tpu.memory_space<vmem>>, vector<1x1x16xf32>,
        %swap3A_897 = vector.shape_cast %swap3A_896 : vector<1x1x16xf32> to vector<16xf32>
        %swap3A_898 = vector.shape_cast %exp3A_889 : vector<16xf32> to vector<1x1x16xf32>
        tpu.vector_store %arg6[%swap3A_893, %swap3A_894, %swap3A_895], %swap3A_898 {strides = array<i32>} : memref<5x40x128xf32, #tpu.memory_space<vmem>>, vector<1x1x16xf32>,
        %add3A_899 = arith.constant 3 : i32
        %add3A_900 = arith.addi %mul3A_469, %add3A_899 : i32
        %get3A_901 = arith.constant 0 : i32
        %get3A_902 = arith.index_cast %get3A_901 : i32 to index
        %get3A_903 = arith.index_cast %add3A_900 : i32 to index
        %get3A_904 = arith.constant 0 : index
        %get3A_905 = tpu.vector_load %arg6[%get3A_902, %get3A_903, %get3A_904] {strides = array<i32>} : memref<5x40x128xf32, #tpu.memory_space<vmem>>, vector<1x1x16xf32>,
        %get3A_906 = vector.shape_cast %get3A_905 : vector<1x1x16xf32> to vector<16xf32>
        %exp3A_907 = math.exp %get3A_906 : vector<16xf32>
        %add3A_908 = arith.constant 3 : i32
        %add3A_909 = arith.addi %mul3A_469, %add3A_908 : i32
        %swap3A_910 = arith.constant 0 : i32
        %swap3A_911 = arith.index_cast %swap3A_910 : i32 to index
        %swap3A_912 = arith.index_cast %add3A_909 : i32 to index
        %swap3A_913 = arith.constant 0 : index
        %swap3A_914 = tpu.vector_load %arg6[%swap3A_911, %swap3A_912, %swap3A_913] {strides = array<i32>} : memref<5x40x128xf32, #tpu.memory_space<vmem>>, vector<1x1x16xf32>,
        %swap3A_915 = vector.shape_cast %swap3A_914 : vector<1x1x16xf32> to vector<16xf32>
        %swap3A_916 = vector.shape_cast %exp3A_907 : vector<16xf32> to vector<1x1x16xf32>
        tpu.vector_store %arg6[%swap3A_911, %swap3A_912, %swap3A_913], %swap3A_916 {strides = array<i32>} : memref<5x40x128xf32, #tpu.memory_space<vmem>>, vector<1x1x16xf32>,
        %add3A_917 = arith.constant 3 : i32
        %add3A_918 = arith.addi %mul3A_469, %add3A_917 : i32
        %get3A_919 = arith.constant 0 : i32
        %get3A_920 = arith.index_cast %get3A_919 : i32 to index
        %get3A_921 = arith.index_cast %add3A_918 : i32 to index
        %get3A_922 = arith.constant 16 : index
        %get3A_923 = tpu.vector_load %arg6[%get3A_920, %get3A_921, %get3A_922] {strides = array<i32>} : memref<5x40x128xf32, #tpu.memory_space<vmem>>, vector<1x1x16xf32>,
        %get3A_924 = vector.shape_cast %get3A_923 : vector<1x1x16xf32> to vector<16xf32>
        %exp3A_925 = math.exp %get3A_924 : vector<16xf32>
        %add3A_926 = arith.constant 3 : i32
        %add3A_927 = arith.addi %mul3A_469, %add3A_926 : i32
        %swap3A_928 = arith.constant 0 : i32
        %swap3A_929 = arith.index_cast %swap3A_928 : i32 to index
        %swap3A_930 = arith.index_cast %add3A_927 : i32 to index
        %swap3A_931 = arith.constant 16 : index
        %swap3A_932 = tpu.vector_load %arg6[%swap3A_929, %swap3A_930, %swap3A_931] {strides = array<i32>} : memref<5x40x128xf32, #tpu.memory_space<vmem>>, vector<1x1x16xf32>,
        %swap3A_933 = vector.shape_cast %swap3A_932 : vector<1x1x16xf32> to vector<16xf32>
        %swap3A_934 = vector.shape_cast %exp3A_925 : vector<16xf32> to vector<1x1x16xf32>
        tpu.vector_store %arg6[%swap3A_929, %swap3A_930, %swap3A_931], %swap3A_934 {strides = array<i32>} : memref<5x40x128xf32, #tpu.memory_space<vmem>>, vector<1x1x16xf32>,
        %add3A_935 = arith.constant 3 : i32
        %add3A_936 = arith.addi %mul3A_469, %add3A_935 : i32
        %get3A_937 = arith.constant 0 : i32
        %get3A_938 = arith.index_cast %get3A_937 : i32 to index
        %get3A_939 = arith.index_cast %add3A_936 : i32 to index
        %get3A_940 = arith.constant 32 : index
        %get3A_941 = tpu.vector_load %arg6[%get3A_938, %get3A_939, %get3A_940] {strides = array<i32>} : memref<5x40x128xf32, #tpu.memory_space<vmem>>, vector<1x1x16xf32>,
        %get3A_942 = vector.shape_cast %get3A_941 : vector<1x1x16xf32> to vector<16xf32>
        %exp3A_943 = math.exp %get3A_942 : vector<16xf32>
        %add3A_944 = arith.constant 3 : i32
        %add3A_945 = arith.addi %mul3A_469, %add3A_944 : i32
        %swap3A_946 = arith.constant 0 : i32
        %swap3A_947 = arith.index_cast %swap3A_946 : i32 to index
        %swap3A_948 = arith.index_cast %add3A_945 : i32 to index
        %swap3A_949 = arith.constant 32 : index
        %swap3A_950 = tpu.vector_load %arg6[%swap3A_947, %swap3A_948, %swap3A_949] {strides = array<i32>} : memref<5x40x128xf32, #tpu.memory_space<vmem>>, vector<1x1x16xf32>,
        %swap3A_951 = vector.shape_cast %swap3A_950 : vector<1x1x16xf32> to vector<16xf32>
        %swap3A_952 = vector.shape_cast %exp3A_943 : vector<16xf32> to vector<1x1x16xf32>
        tpu.vector_store %arg6[%swap3A_947, %swap3A_948, %swap3A_949], %swap3A_952 {strides = array<i32>} : memref<5x40x128xf32, #tpu.memory_space<vmem>>, vector<1x1x16xf32>,
        %add3A_953 = arith.constant 3 : i32
        %add3A_954 = arith.addi %mul3A_469, %add3A_953 : i32
        %get3A_955 = arith.constant 0 : i32
        %get3A_956 = arith.index_cast %get3A_955 : i32 to index
        %get3A_957 = arith.index_cast %add3A_954 : i32 to index
        %get3A_958 = arith.constant 48 : index
        %get3A_959 = tpu.vector_load %arg6[%get3A_956, %get3A_957, %get3A_958] {strides = array<i32>} : memref<5x40x128xf32, #tpu.memory_space<vmem>>, vector<1x1x16xf32>,
        %get3A_960 = vector.shape_cast %get3A_959 : vector<1x1x16xf32> to vector<16xf32>
        %exp3A_961 = math.exp %get3A_960 : vector<16xf32>
        %add3A_962 = arith.constant 3 : i32
        %add3A_963 = arith.addi %mul3A_469, %add3A_962 : i32
        %swap3A_964 = arith.constant 0 : i32
        %swap3A_965 = arith.index_cast %swap3A_964 : i32 to index
        %swap3A_966 = arith.index_cast %add3A_963 : i32 to index
        %swap3A_967 = arith.constant 48 : index
        %swap3A_968 = tpu.vector_load %arg6[%swap3A_965, %swap3A_966, %swap3A_967] {strides = array<i32>} : memref<5x40x128xf32, #tpu.memory_space<vmem>>, vector<1x1x16xf32>,
        %swap3A_969 = vector.shape_cast %swap3A_968 : vector<1x1x16xf32> to vector<16xf32>
        %swap3A_970 = vector.shape_cast %exp3A_961 : vector<16xf32> to vector<1x1x16xf32>
        tpu.vector_store %arg6[%swap3A_965, %swap3A_966, %swap3A_967], %swap3A_970 {strides = array<i32>} : memref<5x40x128xf32, #tpu.memory_space<vmem>>, vector<1x1x16xf32>,
        %add3A_971 = arith.constant 3 : i32
        %add3A_972 = arith.addi %mul3A_469, %add3A_971 : i32
        %get3A_973 = arith.constant 0 : i32
        %get3A_974 = arith.index_cast %get3A_973 : i32 to index
        %get3A_975 = arith.index_cast %add3A_972 : i32 to index
        %get3A_976 = arith.constant 64 : index
        %get3A_977 = tpu.vector_load %arg6[%get3A_974, %get3A_975, %get3A_976] {strides = array<i32>} : memref<5x40x128xf32, #tpu.memory_space<vmem>>, vector<1x1x16xf32>,
        %get3A_978 = vector.shape_cast %get3A_977 : vector<1x1x16xf32> to vector<16xf32>
        %exp3A_979 = math.exp %get3A_978 : vector<16xf32>
        %add3A_980 = arith.constant 3 : i32
        %add3A_981 = arith.addi %mul3A_469, %add3A_980 : i32
        %swap3A_982 = arith.constant 0 : i32
        %swap3A_983 = arith.index_cast %swap3A_982 : i32 to index
        %swap3A_984 = arith.index_cast %add3A_981 : i32 to index
        %swap3A_985 = arith.constant 64 : index
        %swap3A_986 = tpu.vector_load %arg6[%swap3A_983, %swap3A_984, %swap3A_985] {strides = array<i32>} : memref<5x40x128xf32, #tpu.memory_space<vmem>>, vector<1x1x16xf32>,
        %swap3A_987 = vector.shape_cast %swap3A_986 : vector<1x1x16xf32> to vector<16xf32>
        %swap3A_988 = vector.shape_cast %exp3A_979 : vector<16xf32> to vector<1x1x16xf32>
        tpu.vector_store %arg6[%swap3A_983, %swap3A_984, %swap3A_985], %swap3A_988 {strides = array<i32>} : memref<5x40x128xf32, #tpu.memory_space<vmem>>, vector<1x1x16xf32>,
        %add3A_989 = arith.constant 3 : i32
        %add3A_990 = arith.addi %mul3A_469, %add3A_989 : i32
        %get3A_991 = arith.constant 0 : i32
        %get3A_992 = arith.index_cast %get3A_991 : i32 to index
        %get3A_993 = arith.index_cast %add3A_990 : i32 to index
        %get3A_994 = arith.constant 80 : index
        %get3A_995 = tpu.vector_load %arg6[%get3A_992, %get3A_993, %get3A_994] {strides = array<i32>} : memref<5x40x128xf32, #tpu.memory_space<vmem>>, vector<1x1x16xf32>,
        %get3A_996 = vector.shape_cast %get3A_995 : vector<1x1x16xf32> to vector<16xf32>
        %exp3A_997 = math.exp %get3A_996 : vector<16xf32>
        %add3A_998 = arith.constant 3 : i32
        %add3A_999 = arith.addi %mul3A_469, %add3A_998 : i32
        %swap3A_1000 = arith.constant 0 : i32
        %swap3A_1001 = arith.index_cast %swap3A_1000 : i32 to index
        %swap3A_1002 = arith.index_cast %add3A_999 : i32 to index
        %swap3A_1003 = arith.constant 80 : index
        %swap3A_1004 = tpu.vector_load %arg6[%swap3A_1001, %swap3A_1002, %swap3A_1003] {strides = array<i32>} : memref<5x40x128xf32, #tpu.memory_space<vmem>>, vector<1x1x16xf32>,
        %swap3A_1005 = vector.shape_cast %swap3A_1004 : vector<1x1x16xf32> to vector<16xf32>
        %swap3A_1006 = vector.shape_cast %exp3A_997 : vector<16xf32> to vector<1x1x16xf32>
        tpu.vector_store %arg6[%swap3A_1001, %swap3A_1002, %swap3A_1003], %swap3A_1006 {strides = array<i32>} : memref<5x40x128xf32, #tpu.memory_space<vmem>>, vector<1x1x16xf32>,
        %add3A_1007 = arith.constant 3 : i32
        %add3A_1008 = arith.addi %mul3A_469, %add3A_1007 : i32
        %get3A_1009 = arith.constant 0 : i32
        %get3A_1010 = arith.index_cast %get3A_1009 : i32 to index
        %get3A_1011 = arith.index_cast %add3A_1008 : i32 to index
        %get3A_1012 = arith.constant 96 : index
        %get3A_1013 = tpu.vector_load %arg6[%get3A_1010, %get3A_1011, %get3A_1012] {strides = array<i32>} : memref<5x40x128xf32, #tpu.memory_space<vmem>>, vector<1x1x16xf32>,
        %get3A_1014 = vector.shape_cast %get3A_1013 : vector<1x1x16xf32> to vector<16xf32>
        %exp3A_1015 = math.exp %get3A_1014 : vector<16xf32>
        %add3A_1016 = arith.constant 3 : i32
        %add3A_1017 = arith.addi %mul3A_469, %add3A_1016 : i32
        %swap3A_1018 = arith.constant 0 : i32
        %swap3A_1019 = arith.index_cast %swap3A_1018 : i32 to index
        %swap3A_1020 = arith.index_cast %add3A_1017 : i32 to index
        %swap3A_1021 = arith.constant 96 : index
        %swap3A_1022 = tpu.vector_load %arg6[%swap3A_1019, %swap3A_1020, %swap3A_1021] {strides = array<i32>} : memref<5x40x128xf32, #tpu.memory_space<vmem>>, vector<1x1x16xf32>,
        %swap3A_1023 = vector.shape_cast %swap3A_1022 : vector<1x1x16xf32> to vector<16xf32>
        %swap3A_1024 = vector.shape_cast %exp3A_1015 : vector<16xf32> to vector<1x1x16xf32>
        tpu.vector_store %arg6[%swap3A_1019, %swap3A_1020, %swap3A_1021], %swap3A_1024 {strides = array<i32>} : memref<5x40x128xf32, #tpu.memory_space<vmem>>, vector<1x1x16xf32>,
        %add3A_1025 = arith.constant 3 : i32
        %add3A_1026 = arith.addi %mul3A_469, %add3A_1025 : i32
        %get3A_1027 = arith.constant 0 : i32
        %get3A_1028 = arith.index_cast %get3A_1027 : i32 to index
        %get3A_1029 = arith.index_cast %add3A_1026 : i32 to index
        %get3A_1030 = arith.constant 112 : index
        %get3A_1031 = tpu.vector_load %arg6[%get3A_1028, %get3A_1029, %get3A_1030] {strides = array<i32>} : memref<5x40x128xf32, #tpu.memory_space<vmem>>, vector<1x1x16xf32>,
        %get3A_1032 = vector.shape_cast %get3A_1031 : vector<1x1x16xf32> to vector<16xf32>
        %exp3A_1033 = math.exp %get3A_1032 : vector<16xf32>
        %add3A_1034 = arith.constant 3 : i32
        %add3A_1035 = arith.addi %mul3A_469, %add3A_1034 : i32
        %swap3A_1036 = arith.constant 0 : i32
        %swap3A_1037 = arith.index_cast %swap3A_1036 : i32 to index
        %swap3A_1038 = arith.index_cast %add3A_1035 : i32 to index
        %swap3A_1039 = arith.constant 112 : index
        %swap3A_1040 = tpu.vector_load %arg6[%swap3A_1037, %swap3A_1038, %swap3A_1039] {strides = array<i32>} : memref<5x40x128xf32, #tpu.memory_space<vmem>>, vector<1x1x16xf32>,
        %swap3A_1041 = vector.shape_cast %swap3A_1040 : vector<1x1x16xf32> to vector<16xf32>
        %swap3A_1042 = vector.shape_cast %exp3A_1033 : vector<16xf32> to vector<1x1x16xf32>
        tpu.vector_store %arg6[%swap3A_1037, %swap3A_1038, %swap3A_1039], %swap3A_1042 {strides = array<i32>} : memref<5x40x128xf32, #tpu.memory_space<vmem>>, vector<1x1x16xf32>,
      }
      %scan3A_222 = arith.constant 10 : i32
      %dma_start3A_223 = arith.constant 0 : i32
      %dma_start3A_224 = arith.constant 0 : i32
      %dma_start3A_225 = arith.constant 0 : i32
      %dma_start3A_226 = arith.constant 0 : i32
      %dma_start3A_227 = tpu.memref_slice %arg6[%dma_start3A_223, %dma_start3A_225, %dma_start3A_226] : memref<5x40x128xf32, #tpu.memory_space<vmem>> -> memref<1x40x128xf32, #tpu.memory_space<vmem>>
      %dma_start3A_228 = tpu.memref_squeeze %dma_start3A_227 : memref<1x40x128xf32, #tpu.memory_space<vmem>> -> memref<40x128xf32, #tpu.memory_space<vmem>>
      %dma_start3A_229 = arith.constant 0 : i32
      %dma_start3A_230 = tpu.memref_slice %arg7[%dma_start3A_224, %dma_start3A_229] : memref<5x40xi32, #tpu.memory_space<vmem>> -> memref<1x40xi32, #tpu.memory_space<vmem>>
      %dma_start3A_231 = tpu.memref_squeeze %dma_start3A_230 : memref<1x40xi32, #tpu.memory_space<vmem>> -> memref<40xi32, #tpu.memory_space<vmem>>
      %dma_start3A_232 = arith.constant 0 : i32
      %dma_start3A_233 = arith.constant 0 : i32
      %dma_start3A_234 = tpu.memref_slice %arg5[%dma_start3A_232, %dma_start3A_233] : memref<10000x128xf32, #tpu.memory_space<vmem_shared>> -> memref<10000x128xf32, #tpu.memory_space<vmem_shared>>
      tpu.enqueue_indirect_dma source(%dma_start3A_228 : memref<40x128xf32, #tpu.memory_space<vmem>>) target(%dma_start3A_234 : memref<10000x128xf32, #tpu.memory_space<vmem_shared>>) offsets(%dma_start3A_231 : memref<40xi32, #tpu.memory_space<vmem>>) semaphore(%arg18 : memref<!tpu.dma_semaphore, #tpu.memory_space<semaphore_mem>>) {add = true}
      %add3A_235 = arith.constant 1 : i32
      %add3A_236 = arith.addi %add3A_178, %add3A_235 : i32
      %ge3A_237 = arith.constant 3 : i32
      %ge3A_238 = arith.cmpi sge, %add3A_236, %ge3A_237 : i32
      %convert_element_type3A_239 = arith.extui %ge3A_238 : i1 to i32
      %cond3A_240 = arith.constant 0 : i32
      %cond3A_241 = arith.cmpi ne, %convert_element_type3A_239, %cond3A_240 : i32
      scf.if %cond3A_241 {
        %dma_wait3A_467 = arith.constant 3 : i32
        %dma_wait3A_468 = arith.constant 3 : i32
        %dma_wait3A_469 = arith.constant 0 : i32
        %dma_wait3A_470 = arith.constant 0 : i32
        %dma_wait3A_471 = tpu.memref_slice %arg6[%dma_wait3A_467, %dma_wait3A_469, %dma_wait3A_470] : memref<5x40x128xf32, #tpu.memory_space<vmem>> -> memref<1x40x128xf32, #tpu.memory_space<vmem>>
        %dma_wait3A_472 = tpu.memref_squeeze %dma_wait3A_471 : memref<1x40x128xf32, #tpu.memory_space<vmem>> -> memref<40x128xf32, #tpu.memory_space<vmem>>
        %dma_wait3A_473 = arith.constant 0 : i32
        %dma_wait3A_474 = tpu.memref_slice %arg7[%dma_wait3A_468, %dma_wait3A_473] : memref<5x40xi32, #tpu.memory_space<vmem>> -> memref<1x40xi32, #tpu.memory_space<vmem>>
        %dma_wait3A_475 = tpu.memref_squeeze %dma_wait3A_474 : memref<1x40xi32, #tpu.memory_space<vmem>> -> memref<40xi32, #tpu.memory_space<vmem>>
        %dma_wait3A_476 = arith.constant 0 : i32
        %dma_wait3A_477 = arith.constant 0 : i32
        %dma_wait3A_478 = tpu.memref_slice %arg5[%dma_wait3A_476, %dma_wait3A_477] : memref<10000x128xf32, #tpu.memory_space<vmem_shared>> -> memref<10000x128xf32, #tpu.memory_space<vmem_shared>>
        tpu.wait_indirect_dma semaphore(%arg21 : memref<!tpu.dma_semaphore, #tpu.memory_space<semaphore_mem>>) src(%dma_wait3A_472 : memref<40x128xf32, #tpu.memory_space<vmem>>) dst(%dma_wait3A_478 : memref<10000x128xf32, #tpu.memory_space<vmem_shared>>)
      } else {
      }
      %add3A_242 = arith.constant 2 : i32
      %add3A_243 = arith.addi %add3A_236, %add3A_242 : i32
      %lt3A_244 = arith.constant 250 : i32
      %lt3A_245 = arith.cmpi slt, %add3A_243, %lt3A_244 : i32
      %convert_element_type3A_246 = arith.extui %lt3A_245 : i1 to i32
      %cond3A_247 = arith.constant 0 : i32
      %cond3A_248 = arith.cmpi ne, %convert_element_type3A_246, %cond3A_247 : i32
      scf.if %cond3A_248 {
        %add3A_467 = arith.constant 2 : i32
        %add3A_468 = arith.addi %add3A_236, %add3A_467 : i32
        %mul3A_469 = arith.constant 40 : i32
        %mul3A_470 = arith.muli %add3A_468, %mul3A_469 : i32
        %add3A_471 = arith.addi %mul3A_2, %mul3A_470 : i32
        %dma_start3A_472 = arith.constant 3 : i32
        %dma_start3A_473 = arith.constant 0 : i32
        %dma_start3A_474 = arith.constant 0 : i32
        %dma_start3A_475 = tpu.memref_slice %arg6[%dma_start3A_472, %dma_start3A_473, %dma_start3A_474] : memref<5x40x128xf32, #tpu.memory_space<vmem>> -> memref<1x40x128xf32, #tpu.memory_space<vmem>>
        %dma_start3A_476 = tpu.memref_squeeze %dma_start3A_475 : memref<1x40x128xf32, #tpu.memory_space<vmem>> -> memref<40x128xf32, #tpu.memory_space<vmem>>
        %dma_start3A_477 = arith.constant 0 : i32
        %dma_start3A_478 = tpu.memref_slice %arg2[%add3A_471, %dma_start3A_477] : memref<320000x128xf32, #tpu.memory_space<hbm>> -> memref<40x128xf32, #tpu.memory_space<hbm>>
        %dma_start3A_479 = arith.constant 0 : i32
        %dma_start3A_480 = arith.constant 0 : i32
        %dma_start3A_481 = tpu.memref_slice %arg6[%dma_start3A_472, %dma_start3A_479, %dma_start3A_480] : memref<5x40x128xf32, #tpu.memory_space<vmem>> -> memref<1x40x128xf32, #tpu.memory_space<vmem>>
        %dma_start3A_482 = tpu.memref_squeeze %dma_start3A_481 : memref<1x40x128xf32, #tpu.memory_space<vmem>> -> memref<40x128xf32, #tpu.memory_space<vmem>>
        %dma_start3A_483 = arith.constant 0 : i32
        %dma_start3A_484 = tpu.memref_slice %arg2[%add3A_471, %dma_start3A_483] : memref<320000x128xf32, #tpu.memory_space<hbm>> -> memref<40x128xf32, #tpu.memory_space<hbm>>
        tpu.enqueue_dma source(%dma_start3A_484 : memref<40x128xf32, #tpu.memory_space<hbm>>) target(%dma_start3A_482 : memref<40x128xf32, #tpu.memory_space<vmem>>) target_semaphore(%arg11 : memref<!tpu.dma_semaphore, #tpu.memory_space<semaphore_mem>>)
        %dma_start3A_485 = arith.constant 3 : i32
        %dma_start3A_486 = arith.constant 0 : i32
        %dma_start3A_487 = tpu.memref_slice %arg7[%dma_start3A_485, %dma_start3A_486] : memref<5x40xi32, #tpu.memory_space<vmem>> -> memref<1x40xi32, #tpu.memory_space<vmem>>
        %dma_start3A_488 = tpu.memref_squeeze %dma_start3A_487 : memref<1x40xi32, #tpu.memory_space<vmem>> -> memref<40xi32, #tpu.memory_space<vmem>>
        %dma_start3A_489 = tpu.memref_slice %arg3[%add3A_471] : memref<320000xi32, #tpu.memory_space<hbm>> -> memref<40xi32, #tpu.memory_space<hbm>>
        %dma_start3A_490 = arith.constant 0 : i32
        %dma_start3A_491 = tpu.memref_slice %arg7[%dma_start3A_485, %dma_start3A_490] : memref<5x40xi32, #tpu.memory_space<vmem>> -> memref<1x40xi32, #tpu.memory_space<vmem>>
        %dma_start3A_492 = tpu.memref_squeeze %dma_start3A_491 : memref<1x40xi32, #tpu.memory_space<vmem>> -> memref<40xi32, #tpu.memory_space<vmem>>
        %dma_start3A_493 = tpu.memref_slice %arg3[%add3A_471] : memref<320000xi32, #tpu.memory_space<hbm>> -> memref<40xi32, #tpu.memory_space<hbm>>
        tpu.enqueue_dma source(%dma_start3A_493 : memref<40xi32, #tpu.memory_space<hbm>>) target(%dma_start3A_492 : memref<40xi32, #tpu.memory_space<vmem>>) target_semaphore(%arg16 : memref<!tpu.dma_semaphore, #tpu.memory_space<semaphore_mem>>)
      } else {
      }
      %dma_wait3A_249 = arith.constant 1 : i32
      %dma_wait3A_250 = arith.constant 0 : i32
      %dma_wait3A_251 = arith.constant 0 : i32
      %dma_wait3A_252 = tpu.memref_slice %arg6[%dma_wait3A_249, %dma_wait3A_250, %dma_wait3A_251] : memref<5x40x128xf32, #tpu.memory_space<vmem>> -> memref<1x40x128xf32, #tpu.memory_space<vmem>>
      %dma_wait3A_253 = tpu.memref_squeeze %dma_wait3A_252 : memref<1x40x128xf32, #tpu.memory_space<vmem>> -> memref<40x128xf32, #tpu.memory_space<vmem>>
      %dma_wait3A_254 = arith.constant 0 : i32
      %dma_wait3A_255 = arith.constant 0 : i32
      %dma_wait3A_256 = tpu.memref_slice %arg2[%dma_wait3A_254, %dma_wait3A_255] : memref<320000x128xf32, #tpu.memory_space<hbm>> -> memref<40x128xf32, #tpu.memory_space<hbm>>
      %dma_wait3A_257 = arith.constant 0 : i32
      %dma_wait3A_258 = arith.constant 0 : i32
      %dma_wait3A_259 = tpu.memref_slice %arg6[%dma_wait3A_249, %dma_wait3A_257, %dma_wait3A_258] : memref<5x40x128xf32, #tpu.memory_space<vmem>> -> memref<1x40x128xf32, #tpu.memory_space<vmem>>
      %dma_wait3A_260 = tpu.memref_squeeze %dma_wait3A_259 : memref<1x40x128xf32, #tpu.memory_space<vmem>> -> memref<40x128xf32, #tpu.memory_space<vmem>>
      %dma_wait3A_261 = arith.constant 0 : i32
      %dma_wait3A_262 = arith.constant 0 : i32
      %dma_wait3A_263 = tpu.memref_slice %arg2[%dma_wait3A_261, %dma_wait3A_262] : memref<320000x128xf32, #tpu.memory_space<hbm>> -> memref<40x128xf32, #tpu.memory_space<hbm>>
      tpu.wait_dma2 semaphore(%arg9 : memref<!tpu.dma_semaphore, #tpu.memory_space<semaphore_mem>>) src(%dma_wait3A_263 : memref<40x128xf32, #tpu.memory_space<hbm>>) dst(%dma_wait3A_260 : memref<40x128xf32, #tpu.memory_space<vmem>>)
      %dma_wait3A_264 = arith.constant 1 : i32
      %dma_wait3A_265 = arith.constant 0 : i32
      %dma_wait3A_266 = tpu.memref_slice %arg7[%dma_wait3A_264, %dma_wait3A_265] : memref<5x40xi32, #tpu.memory_space<vmem>> -> memref<1x40xi32, #tpu.memory_space<vmem>>
      %dma_wait3A_267 = tpu.memref_squeeze %dma_wait3A_266 : memref<1x40xi32, #tpu.memory_space<vmem>> -> memref<40xi32, #tpu.memory_space<vmem>>
      %dma_wait3A_268 = arith.constant 0 : i32
      %dma_wait3A_269 = tpu.memref_slice %arg3[%dma_wait3A_268] : memref<320000xi32, #tpu.memory_space<hbm>> -> memref<40xi32, #tpu.memory_space<hbm>>
      %dma_wait3A_270 = arith.constant 0 : i32
      %dma_wait3A_271 = tpu.memref_slice %arg7[%dma_wait3A_264, %dma_wait3A_270] : memref<5x40xi32, #tpu.memory_space<vmem>> -> memref<1x40xi32, #tpu.memory_space<vmem>>
      %dma_wait3A_272 = tpu.memref_squeeze %dma_wait3A_271 : memref<1x40xi32, #tpu.memory_space<vmem>> -> memref<40xi32, #tpu.memory_space<vmem>>
      %dma_wait3A_273 = arith.constant 0 : i32
      %dma_wait3A_274 = tpu.memref_slice %arg3[%dma_wait3A_273] : memref<320000xi32, #tpu.memory_space<hbm>> -> memref<40xi32, #tpu.memory_space<hbm>>
      tpu.wait_dma2 semaphore(%arg14 : memref<!tpu.dma_semaphore, #tpu.memory_space<semaphore_mem>>) src(%dma_wait3A_274 : memref<40xi32, #tpu.memory_space<hbm>>) dst(%dma_wait3A_272 : memref<40xi32, #tpu.memory_space<vmem>>)
      %scan3A_275 = arith.constant 0 : i32
      %scan3A_276 = arith.constant 0 : i32
      %scan3A_277 = arith.constant 10 : i32
      %scan3A_278 = arith.addi %scan3A_276, %scan3A_277 : i32
      %scan3A_279 = arith.constant 1 : i32
      scf.for %scan3A_467 = %scan3A_276 to %scan3A_278 step %scan3A_279  : i32 {
        %mul3A_468 = arith.constant 4 : i32
        %mul3A_469 = arith.muli %scan3A_467, %mul3A_468 : i32
        %add3A_470 = arith.constant 0 : i32
        %add3A_471 = arith.addi %mul3A_469, %add3A_470 : i32
        %get3A = arith.constant 1 : i32
        %get3A_472 = arith.index_cast %get3A : i32 to index
        %get3A_473 = arith.index_cast %add3A_471 : i32 to index
        %get3A_474 = arith.constant 0 : index
        %get3A_475 = tpu.vector_load %arg6[%get3A_472, %get3A_473, %get3A_474] {strides = array<i32>} : memref<5x40x128xf32, #tpu.memory_space<vmem>>, vector<1x1x16xf32>,
        %get3A_476 = vector.shape_cast %get3A_475 : vector<1x1x16xf32> to vector<16xf32>
        %exp3A = math.exp %get3A_476 : vector<16xf32>
        %add3A_477 = arith.constant 0 : i32
        %add3A_478 = arith.addi %mul3A_469, %add3A_477 : i32
        %swap3A = arith.constant 1 : i32
        %swap3A_479 = arith.index_cast %swap3A : i32 to index
        %swap3A_480 = arith.index_cast %add3A_478 : i32 to index
        %swap3A_481 = arith.constant 0 : index
        %swap3A_482 = tpu.vector_load %arg6[%swap3A_479, %swap3A_480, %swap3A_481] {strides = array<i32>} : memref<5x40x128xf32, #tpu.memory_space<vmem>>, vector<1x1x16xf32>,
        %swap3A_483 = vector.shape_cast %swap3A_482 : vector<1x1x16xf32> to vector<16xf32>
        %swap3A_484 = vector.shape_cast %exp3A : vector<16xf32> to vector<1x1x16xf32>
        tpu.vector_store %arg6[%swap3A_479, %swap3A_480, %swap3A_481], %swap3A_484 {strides = array<i32>} : memref<5x40x128xf32, #tpu.memory_space<vmem>>, vector<1x1x16xf32>,
        %add3A_485 = arith.constant 0 : i32
        %add3A_486 = arith.addi %mul3A_469, %add3A_485 : i32
        %get3A_487 = arith.constant 1 : i32
        %get3A_488 = arith.index_cast %get3A_487 : i32 to index
        %get3A_489 = arith.index_cast %add3A_486 : i32 to index
        %get3A_490 = arith.constant 16 : index
        %get3A_491 = tpu.vector_load %arg6[%get3A_488, %get3A_489, %get3A_490] {strides = array<i32>} : memref<5x40x128xf32, #tpu.memory_space<vmem>>, vector<1x1x16xf32>,
        %get3A_492 = vector.shape_cast %get3A_491 : vector<1x1x16xf32> to vector<16xf32>
        %exp3A_493 = math.exp %get3A_492 : vector<16xf32>
        %add3A_494 = arith.constant 0 : i32
        %add3A_495 = arith.addi %mul3A_469, %add3A_494 : i32
        %swap3A_496 = arith.constant 1 : i32
        %swap3A_497 = arith.index_cast %swap3A_496 : i32 to index
        %swap3A_498 = arith.index_cast %add3A_495 : i32 to index
        %swap3A_499 = arith.constant 16 : index
        %swap3A_500 = tpu.vector_load %arg6[%swap3A_497, %swap3A_498, %swap3A_499] {strides = array<i32>} : memref<5x40x128xf32, #tpu.memory_space<vmem>>, vector<1x1x16xf32>,
        %swap3A_501 = vector.shape_cast %swap3A_500 : vector<1x1x16xf32> to vector<16xf32>
        %swap3A_502 = vector.shape_cast %exp3A_493 : vector<16xf32> to vector<1x1x16xf32>
        tpu.vector_store %arg6[%swap3A_497, %swap3A_498, %swap3A_499], %swap3A_502 {strides = array<i32>} : memref<5x40x128xf32, #tpu.memory_space<vmem>>, vector<1x1x16xf32>,
        %add3A_503 = arith.constant 0 : i32
        %add3A_504 = arith.addi %mul3A_469, %add3A_503 : i32
        %get3A_505 = arith.constant 1 : i32
        %get3A_506 = arith.index_cast %get3A_505 : i32 to index
        %get3A_507 = arith.index_cast %add3A_504 : i32 to index
        %get3A_508 = arith.constant 32 : index
        %get3A_509 = tpu.vector_load %arg6[%get3A_506, %get3A_507, %get3A_508] {strides = array<i32>} : memref<5x40x128xf32, #tpu.memory_space<vmem>>, vector<1x1x16xf32>,
        %get3A_510 = vector.shape_cast %get3A_509 : vector<1x1x16xf32> to vector<16xf32>
        %exp3A_511 = math.exp %get3A_510 : vector<16xf32>
        %add3A_512 = arith.constant 0 : i32
        %add3A_513 = arith.addi %mul3A_469, %add3A_512 : i32
        %swap3A_514 = arith.constant 1 : i32
        %swap3A_515 = arith.index_cast %swap3A_514 : i32 to index
        %swap3A_516 = arith.index_cast %add3A_513 : i32 to index
        %swap3A_517 = arith.constant 32 : index
        %swap3A_518 = tpu.vector_load %arg6[%swap3A_515, %swap3A_516, %swap3A_517] {strides = array<i32>} : memref<5x40x128xf32, #tpu.memory_space<vmem>>, vector<1x1x16xf32>,
        %swap3A_519 = vector.shape_cast %swap3A_518 : vector<1x1x16xf32> to vector<16xf32>
        %swap3A_520 = vector.shape_cast %exp3A_511 : vector<16xf32> to vector<1x1x16xf32>
        tpu.vector_store %arg6[%swap3A_515, %swap3A_516, %swap3A_517], %swap3A_520 {strides = array<i32>} : memref<5x40x128xf32, #tpu.memory_space<vmem>>, vector<1x1x16xf32>,
        %add3A_521 = arith.constant 0 : i32
        %add3A_522 = arith.addi %mul3A_469, %add3A_521 : i32
        %get3A_523 = arith.constant 1 : i32
        %get3A_524 = arith.index_cast %get3A_523 : i32 to index
        %get3A_525 = arith.index_cast %add3A_522 : i32 to index
        %get3A_526 = arith.constant 48 : index
        %get3A_527 = tpu.vector_load %arg6[%get3A_524, %get3A_525, %get3A_526] {strides = array<i32>} : memref<5x40x128xf32, #tpu.memory_space<vmem>>, vector<1x1x16xf32>,
        %get3A_528 = vector.shape_cast %get3A_527 : vector<1x1x16xf32> to vector<16xf32>
        %exp3A_529 = math.exp %get3A_528 : vector<16xf32>
        %add3A_530 = arith.constant 0 : i32
        %add3A_531 = arith.addi %mul3A_469, %add3A_530 : i32
        %swap3A_532 = arith.constant 1 : i32
        %swap3A_533 = arith.index_cast %swap3A_532 : i32 to index
        %swap3A_534 = arith.index_cast %add3A_531 : i32 to index
        %swap3A_535 = arith.constant 48 : index
        %swap3A_536 = tpu.vector_load %arg6[%swap3A_533, %swap3A_534, %swap3A_535] {strides = array<i32>} : memref<5x40x128xf32, #tpu.memory_space<vmem>>, vector<1x1x16xf32>,
        %swap3A_537 = vector.shape_cast %swap3A_536 : vector<1x1x16xf32> to vector<16xf32>
        %swap3A_538 = vector.shape_cast %exp3A_529 : vector<16xf32> to vector<1x1x16xf32>
        tpu.vector_store %arg6[%swap3A_533, %swap3A_534, %swap3A_535], %swap3A_538 {strides = array<i32>} : memref<5x40x128xf32, #tpu.memory_space<vmem>>, vector<1x1x16xf32>,
        %add3A_539 = arith.constant 0 : i32
        %add3A_540 = arith.addi %mul3A_469, %add3A_539 : i32
        %get3A_541 = arith.constant 1 : i32
        %get3A_542 = arith.index_cast %get3A_541 : i32 to index
        %get3A_543 = arith.index_cast %add3A_540 : i32 to index
        %get3A_544 = arith.constant 64 : index
        %get3A_545 = tpu.vector_load %arg6[%get3A_542, %get3A_543, %get3A_544] {strides = array<i32>} : memref<5x40x128xf32, #tpu.memory_space<vmem>>, vector<1x1x16xf32>,
        %get3A_546 = vector.shape_cast %get3A_545 : vector<1x1x16xf32> to vector<16xf32>
        %exp3A_547 = math.exp %get3A_546 : vector<16xf32>
        %add3A_548 = arith.constant 0 : i32
        %add3A_549 = arith.addi %mul3A_469, %add3A_548 : i32
        %swap3A_550 = arith.constant 1 : i32
        %swap3A_551 = arith.index_cast %swap3A_550 : i32 to index
        %swap3A_552 = arith.index_cast %add3A_549 : i32 to index
        %swap3A_553 = arith.constant 64 : index
        %swap3A_554 = tpu.vector_load %arg6[%swap3A_551, %swap3A_552, %swap3A_553] {strides = array<i32>} : memref<5x40x128xf32, #tpu.memory_space<vmem>>, vector<1x1x16xf32>,
        %swap3A_555 = vector.shape_cast %swap3A_554 : vector<1x1x16xf32> to vector<16xf32>
        %swap3A_556 = vector.shape_cast %exp3A_547 : vector<16xf32> to vector<1x1x16xf32>
        tpu.vector_store %arg6[%swap3A_551, %swap3A_552, %swap3A_553], %swap3A_556 {strides = array<i32>} : memref<5x40x128xf32, #tpu.memory_space<vmem>>, vector<1x1x16xf32>,
        %add3A_557 = arith.constant 0 : i32
        %add3A_558 = arith.addi %mul3A_469, %add3A_557 : i32
        %get3A_559 = arith.constant 1 : i32
        %get3A_560 = arith.index_cast %get3A_559 : i32 to index
        %get3A_561 = arith.index_cast %add3A_558 : i32 to index
        %get3A_562 = arith.constant 80 : index
        %get3A_563 = tpu.vector_load %arg6[%get3A_560, %get3A_561, %get3A_562] {strides = array<i32>} : memref<5x40x128xf32, #tpu.memory_space<vmem>>, vector<1x1x16xf32>,
        %get3A_564 = vector.shape_cast %get3A_563 : vector<1x1x16xf32> to vector<16xf32>
        %exp3A_565 = math.exp %get3A_564 : vector<16xf32>
        %add3A_566 = arith.constant 0 : i32
        %add3A_567 = arith.addi %mul3A_469, %add3A_566 : i32
        %swap3A_568 = arith.constant 1 : i32
        %swap3A_569 = arith.index_cast %swap3A_568 : i32 to index
        %swap3A_570 = arith.index_cast %add3A_567 : i32 to index
        %swap3A_571 = arith.constant 80 : index
        %swap3A_572 = tpu.vector_load %arg6[%swap3A_569, %swap3A_570, %swap3A_571] {strides = array<i32>} : memref<5x40x128xf32, #tpu.memory_space<vmem>>, vector<1x1x16xf32>,
        %swap3A_573 = vector.shape_cast %swap3A_572 : vector<1x1x16xf32> to vector<16xf32>
        %swap3A_574 = vector.shape_cast %exp3A_565 : vector<16xf32> to vector<1x1x16xf32>
        tpu.vector_store %arg6[%swap3A_569, %swap3A_570, %swap3A_571], %swap3A_574 {strides = array<i32>} : memref<5x40x128xf32, #tpu.memory_space<vmem>>, vector<1x1x16xf32>,
        %add3A_575 = arith.constant 0 : i32
        %add3A_576 = arith.addi %mul3A_469, %add3A_575 : i32
        %get3A_577 = arith.constant 1 : i32
        %get3A_578 = arith.index_cast %get3A_577 : i32 to index
        %get3A_579 = arith.index_cast %add3A_576 : i32 to index
        %get3A_580 = arith.constant 96 : index
        %get3A_581 = tpu.vector_load %arg6[%get3A_578, %get3A_579, %get3A_580] {strides = array<i32>} : memref<5x40x128xf32, #tpu.memory_space<vmem>>, vector<1x1x16xf32>,
        %get3A_582 = vector.shape_cast %get3A_581 : vector<1x1x16xf32> to vector<16xf32>
        %exp3A_583 = math.exp %get3A_582 : vector<16xf32>
        %add3A_584 = arith.constant 0 : i32
        %add3A_585 = arith.addi %mul3A_469, %add3A_584 : i32
        %swap3A_586 = arith.constant 1 : i32
        %swap3A_587 = arith.index_cast %swap3A_586 : i32 to index
        %swap3A_588 = arith.index_cast %add3A_585 : i32 to index
        %swap3A_589 = arith.constant 96 : index
        %swap3A_590 = tpu.vector_load %arg6[%swap3A_587, %swap3A_588, %swap3A_589] {strides = array<i32>} : memref<5x40x128xf32, #tpu.memory_space<vmem>>, vector<1x1x16xf32>,
        %swap3A_591 = vector.shape_cast %swap3A_590 : vector<1x1x16xf32> to vector<16xf32>
        %swap3A_592 = vector.shape_cast %exp3A_583 : vector<16xf32> to vector<1x1x16xf32>
        tpu.vector_store %arg6[%swap3A_587, %swap3A_588, %swap3A_589], %swap3A_592 {strides = array<i32>} : memref<5x40x128xf32, #tpu.memory_space<vmem>>, vector<1x1x16xf32>,
        %add3A_593 = arith.constant 0 : i32
        %add3A_594 = arith.addi %mul3A_469, %add3A_593 : i32
        %get3A_595 = arith.constant 1 : i32
        %get3A_596 = arith.index_cast %get3A_595 : i32 to index
        %get3A_597 = arith.index_cast %add3A_594 : i32 to index
        %get3A_598 = arith.constant 112 : index
        %get3A_599 = tpu.vector_load %arg6[%get3A_596, %get3A_597, %get3A_598] {strides = array<i32>} : memref<5x40x128xf32, #tpu.memory_space<vmem>>, vector<1x1x16xf32>,
        %get3A_600 = vector.shape_cast %get3A_599 : vector<1x1x16xf32> to vector<16xf32>
        %exp3A_601 = math.exp %get3A_600 : vector<16xf32>
        %add3A_602 = arith.constant 0 : i32
        %add3A_603 = arith.addi %mul3A_469, %add3A_602 : i32
        %swap3A_604 = arith.constant 1 : i32
        %swap3A_605 = arith.index_cast %swap3A_604 : i32 to index
        %swap3A_606 = arith.index_cast %add3A_603 : i32 to index
        %swap3A_607 = arith.constant 112 : index
        %swap3A_608 = tpu.vector_load %arg6[%swap3A_605, %swap3A_606, %swap3A_607] {strides = array<i32>} : memref<5x40x128xf32, #tpu.memory_space<vmem>>, vector<1x1x16xf32>,
        %swap3A_609 = vector.shape_cast %swap3A_608 : vector<1x1x16xf32> to vector<16xf32>
        %swap3A_610 = vector.shape_cast %exp3A_601 : vector<16xf32> to vector<1x1x16xf32>
        tpu.vector_store %arg6[%swap3A_605, %swap3A_606, %swap3A_607], %swap3A_610 {strides = array<i32>} : memref<5x40x128xf32, #tpu.memory_space<vmem>>, vector<1x1x16xf32>,
        %add3A_611 = arith.constant 1 : i32
        %add3A_612 = arith.addi %mul3A_469, %add3A_611 : i32
        %get3A_613 = arith.constant 1 : i32
        %get3A_614 = arith.index_cast %get3A_613 : i32 to index
        %get3A_615 = arith.index_cast %add3A_612 : i32 to index
        %get3A_616 = arith.constant 0 : index
        %get3A_617 = tpu.vector_load %arg6[%get3A_614, %get3A_615, %get3A_616] {strides = array<i32>} : memref<5x40x128xf32, #tpu.memory_space<vmem>>, vector<1x1x16xf32>,
        %get3A_618 = vector.shape_cast %get3A_617 : vector<1x1x16xf32> to vector<16xf32>
        %exp3A_619 = math.exp %get3A_618 : vector<16xf32>
        %add3A_620 = arith.constant 1 : i32
        %add3A_621 = arith.addi %mul3A_469, %add3A_620 : i32
        %swap3A_622 = arith.constant 1 : i32
        %swap3A_623 = arith.index_cast %swap3A_622 : i32 to index
        %swap3A_624 = arith.index_cast %add3A_621 : i32 to index
        %swap3A_625 = arith.constant 0 : index
        %swap3A_626 = tpu.vector_load %arg6[%swap3A_623, %swap3A_624, %swap3A_625] {strides = array<i32>} : memref<5x40x128xf32, #tpu.memory_space<vmem>>, vector<1x1x16xf32>,
        %swap3A_627 = vector.shape_cast %swap3A_626 : vector<1x1x16xf32> to vector<16xf32>
        %swap3A_628 = vector.shape_cast %exp3A_619 : vector<16xf32> to vector<1x1x16xf32>
        tpu.vector_store %arg6[%swap3A_623, %swap3A_624, %swap3A_625], %swap3A_628 {strides = array<i32>} : memref<5x40x128xf32, #tpu.memory_space<vmem>>, vector<1x1x16xf32>,
        %add3A_629 = arith.constant 1 : i32
        %add3A_630 = arith.addi %mul3A_469, %add3A_629 : i32
        %get3A_631 = arith.constant 1 : i32
        %get3A_632 = arith.index_cast %get3A_631 : i32 to index
        %get3A_633 = arith.index_cast %add3A_630 : i32 to index
        %get3A_634 = arith.constant 16 : index
        %get3A_635 = tpu.vector_load %arg6[%get3A_632, %get3A_633, %get3A_634] {strides = array<i32>} : memref<5x40x128xf32, #tpu.memory_space<vmem>>, vector<1x1x16xf32>,
        %get3A_636 = vector.shape_cast %get3A_635 : vector<1x1x16xf32> to vector<16xf32>
        %exp3A_637 = math.exp %get3A_636 : vector<16xf32>
        %add3A_638 = arith.constant 1 : i32
        %add3A_639 = arith.addi %mul3A_469, %add3A_638 : i32
        %swap3A_640 = arith.constant 1 : i32
        %swap3A_641 = arith.index_cast %swap3A_640 : i32 to index
        %swap3A_642 = arith.index_cast %add3A_639 : i32 to index
        %swap3A_643 = arith.constant 16 : index
        %swap3A_644 = tpu.vector_load %arg6[%swap3A_641, %swap3A_642, %swap3A_643] {strides = array<i32>} : memref<5x40x128xf32, #tpu.memory_space<vmem>>, vector<1x1x16xf32>,
        %swap3A_645 = vector.shape_cast %swap3A_644 : vector<1x1x16xf32> to vector<16xf32>
        %swap3A_646 = vector.shape_cast %exp3A_637 : vector<16xf32> to vector<1x1x16xf32>
        tpu.vector_store %arg6[%swap3A_641, %swap3A_642, %swap3A_643], %swap3A_646 {strides = array<i32>} : memref<5x40x128xf32, #tpu.memory_space<vmem>>, vector<1x1x16xf32>,
        %add3A_647 = arith.constant 1 : i32
        %add3A_648 = arith.addi %mul3A_469, %add3A_647 : i32
        %get3A_649 = arith.constant 1 : i32
        %get3A_650 = arith.index_cast %get3A_649 : i32 to index
        %get3A_651 = arith.index_cast %add3A_648 : i32 to index
        %get3A_652 = arith.constant 32 : index
        %get3A_653 = tpu.vector_load %arg6[%get3A_650, %get3A_651, %get3A_652] {strides = array<i32>} : memref<5x40x128xf32, #tpu.memory_space<vmem>>, vector<1x1x16xf32>,
        %get3A_654 = vector.shape_cast %get3A_653 : vector<1x1x16xf32> to vector<16xf32>
        %exp3A_655 = math.exp %get3A_654 : vector<16xf32>
        %add3A_656 = arith.constant 1 : i32
        %add3A_657 = arith.addi %mul3A_469, %add3A_656 : i32
        %swap3A_658 = arith.constant 1 : i32
        %swap3A_659 = arith.index_cast %swap3A_658 : i32 to index
        %swap3A_660 = arith.index_cast %add3A_657 : i32 to index
        %swap3A_661 = arith.constant 32 : index
        %swap3A_662 = tpu.vector_load %arg6[%swap3A_659, %swap3A_660, %swap3A_661] {strides = array<i32>} : memref<5x40x128xf32, #tpu.memory_space<vmem>>, vector<1x1x16xf32>,
        %swap3A_663 = vector.shape_cast %swap3A_662 : vector<1x1x16xf32> to vector<16xf32>
        %swap3A_664 = vector.shape_cast %exp3A_655 : vector<16xf32> to vector<1x1x16xf32>
        tpu.vector_store %arg6[%swap3A_659, %swap3A_660, %swap3A_661], %swap3A_664 {strides = array<i32>} : memref<5x40x128xf32, #tpu.memory_space<vmem>>, vector<1x1x16xf32>,
        %add3A_665 = arith.constant 1 : i32
        %add3A_666 = arith.addi %mul3A_469, %add3A_665 : i32
        %get3A_667 = arith.constant 1 : i32
        %get3A_668 = arith.index_cast %get3A_667 : i32 to index
        %get3A_669 = arith.index_cast %add3A_666 : i32 to index
        %get3A_670 = arith.constant 48 : index
        %get3A_671 = tpu.vector_load %arg6[%get3A_668, %get3A_669, %get3A_670] {strides = array<i32>} : memref<5x40x128xf32, #tpu.memory_space<vmem>>, vector<1x1x16xf32>,
        %get3A_672 = vector.shape_cast %get3A_671 : vector<1x1x16xf32> to vector<16xf32>
        %exp3A_673 = math.exp %get3A_672 : vector<16xf32>
        %add3A_674 = arith.constant 1 : i32
        %add3A_675 = arith.addi %mul3A_469, %add3A_674 : i32
        %swap3A_676 = arith.constant 1 : i32
        %swap3A_677 = arith.index_cast %swap3A_676 : i32 to index
        %swap3A_678 = arith.index_cast %add3A_675 : i32 to index
        %swap3A_679 = arith.constant 48 : index
        %swap3A_680 = tpu.vector_load %arg6[%swap3A_677, %swap3A_678, %swap3A_679] {strides = array<i32>} : memref<5x40x128xf32, #tpu.memory_space<vmem>>, vector<1x1x16xf32>,
        %swap3A_681 = vector.shape_cast %swap3A_680 : vector<1x1x16xf32> to vector<16xf32>
        %swap3A_682 = vector.shape_cast %exp3A_673 : vector<16xf32> to vector<1x1x16xf32>
        tpu.vector_store %arg6[%swap3A_677, %swap3A_678, %swap3A_679], %swap3A_682 {strides = array<i32>} : memref<5x40x128xf32, #tpu.memory_space<vmem>>, vector<1x1x16xf32>,
        %add3A_683 = arith.constant 1 : i32
        %add3A_684 = arith.addi %mul3A_469, %add3A_683 : i32
        %get3A_685 = arith.constant 1 : i32
        %get3A_686 = arith.index_cast %get3A_685 : i32 to index
        %get3A_687 = arith.index_cast %add3A_684 : i32 to index
        %get3A_688 = arith.constant 64 : index
        %get3A_689 = tpu.vector_load %arg6[%get3A_686, %get3A_687, %get3A_688] {strides = array<i32>} : memref<5x40x128xf32, #tpu.memory_space<vmem>>, vector<1x1x16xf32>,
        %get3A_690 = vector.shape_cast %get3A_689 : vector<1x1x16xf32> to vector<16xf32>
        %exp3A_691 = math.exp %get3A_690 : vector<16xf32>
        %add3A_692 = arith.constant 1 : i32
        %add3A_693 = arith.addi %mul3A_469, %add3A_692 : i32
        %swap3A_694 = arith.constant 1 : i32
        %swap3A_695 = arith.index_cast %swap3A_694 : i32 to index
        %swap3A_696 = arith.index_cast %add3A_693 : i32 to index
        %swap3A_697 = arith.constant 64 : index
        %swap3A_698 = tpu.vector_load %arg6[%swap3A_695, %swap3A_696, %swap3A_697] {strides = array<i32>} : memref<5x40x128xf32, #tpu.memory_space<vmem>>, vector<1x1x16xf32>,
        %swap3A_699 = vector.shape_cast %swap3A_698 : vector<1x1x16xf32> to vector<16xf32>
        %swap3A_700 = vector.shape_cast %exp3A_691 : vector<16xf32> to vector<1x1x16xf32>
        tpu.vector_store %arg6[%swap3A_695, %swap3A_696, %swap3A_697], %swap3A_700 {strides = array<i32>} : memref<5x40x128xf32, #tpu.memory_space<vmem>>, vector<1x1x16xf32>,
        %add3A_701 = arith.constant 1 : i32
        %add3A_702 = arith.addi %mul3A_469, %add3A_701 : i32
        %get3A_703 = arith.constant 1 : i32
        %get3A_704 = arith.index_cast %get3A_703 : i32 to index
        %get3A_705 = arith.index_cast %add3A_702 : i32 to index
        %get3A_706 = arith.constant 80 : index
        %get3A_707 = tpu.vector_load %arg6[%get3A_704, %get3A_705, %get3A_706] {strides = array<i32>} : memref<5x40x128xf32, #tpu.memory_space<vmem>>, vector<1x1x16xf32>,
        %get3A_708 = vector.shape_cast %get3A_707 : vector<1x1x16xf32> to vector<16xf32>
        %exp3A_709 = math.exp %get3A_708 : vector<16xf32>
        %add3A_710 = arith.constant 1 : i32
        %add3A_711 = arith.addi %mul3A_469, %add3A_710 : i32
        %swap3A_712 = arith.constant 1 : i32
        %swap3A_713 = arith.index_cast %swap3A_712 : i32 to index
        %swap3A_714 = arith.index_cast %add3A_711 : i32 to index
        %swap3A_715 = arith.constant 80 : index
        %swap3A_716 = tpu.vector_load %arg6[%swap3A_713, %swap3A_714, %swap3A_715] {strides = array<i32>} : memref<5x40x128xf32, #tpu.memory_space<vmem>>, vector<1x1x16xf32>,
        %swap3A_717 = vector.shape_cast %swap3A_716 : vector<1x1x16xf32> to vector<16xf32>
        %swap3A_718 = vector.shape_cast %exp3A_709 : vector<16xf32> to vector<1x1x16xf32>
        tpu.vector_store %arg6[%swap3A_713, %swap3A_714, %swap3A_715], %swap3A_718 {strides = array<i32>} : memref<5x40x128xf32, #tpu.memory_space<vmem>>, vector<1x1x16xf32>,
        %add3A_719 = arith.constant 1 : i32
        %add3A_720 = arith.addi %mul3A_469, %add3A_719 : i32
        %get3A_721 = arith.constant 1 : i32
        %get3A_722 = arith.index_cast %get3A_721 : i32 to index
        %get3A_723 = arith.index_cast %add3A_720 : i32 to index
        %get3A_724 = arith.constant 96 : index
        %get3A_725 = tpu.vector_load %arg6[%get3A_722, %get3A_723, %get3A_724] {strides = array<i32>} : memref<5x40x128xf32, #tpu.memory_space<vmem>>, vector<1x1x16xf32>,
        %get3A_726 = vector.shape_cast %get3A_725 : vector<1x1x16xf32> to vector<16xf32>
        %exp3A_727 = math.exp %get3A_726 : vector<16xf32>
        %add3A_728 = arith.constant 1 : i32
        %add3A_729 = arith.addi %mul3A_469, %add3A_728 : i32
        %swap3A_730 = arith.constant 1 : i32
        %swap3A_731 = arith.index_cast %swap3A_730 : i32 to index
        %swap3A_732 = arith.index_cast %add3A_729 : i32 to index
        %swap3A_733 = arith.constant 96 : index
        %swap3A_734 = tpu.vector_load %arg6[%swap3A_731, %swap3A_732, %swap3A_733] {strides = array<i32>} : memref<5x40x128xf32, #tpu.memory_space<vmem>>, vector<1x1x16xf32>,
        %swap3A_735 = vector.shape_cast %swap3A_734 : vector<1x1x16xf32> to vector<16xf32>
        %swap3A_736 = vector.shape_cast %exp3A_727 : vector<16xf32> to vector<1x1x16xf32>
        tpu.vector_store %arg6[%swap3A_731, %swap3A_732, %swap3A_733], %swap3A_736 {strides = array<i32>} : memref<5x40x128xf32, #tpu.memory_space<vmem>>, vector<1x1x16xf32>,
        %add3A_737 = arith.constant 1 : i32
        %add3A_738 = arith.addi %mul3A_469, %add3A_737 : i32
        %get3A_739 = arith.constant 1 : i32
        %get3A_740 = arith.index_cast %get3A_739 : i32 to index
        %get3A_741 = arith.index_cast %add3A_738 : i32 to index
        %get3A_742 = arith.constant 112 : index
        %get3A_743 = tpu.vector_load %arg6[%get3A_740, %get3A_741, %get3A_742] {strides = array<i32>} : memref<5x40x128xf32, #tpu.memory_space<vmem>>, vector<1x1x16xf32>,
        %get3A_744 = vector.shape_cast %get3A_743 : vector<1x1x16xf32> to vector<16xf32>
        %exp3A_745 = math.exp %get3A_744 : vector<16xf32>
        %add3A_746 = arith.constant 1 : i32
        %add3A_747 = arith.addi %mul3A_469, %add3A_746 : i32
        %swap3A_748 = arith.constant 1 : i32
        %swap3A_749 = arith.index_cast %swap3A_748 : i32 to index
        %swap3A_750 = arith.index_cast %add3A_747 : i32 to index
        %swap3A_751 = arith.constant 112 : index
        %swap3A_752 = tpu.vector_load %arg6[%swap3A_749, %swap3A_750, %swap3A_751] {strides = array<i32>} : memref<5x40x128xf32, #tpu.memory_space<vmem>>, vector<1x1x16xf32>,
        %swap3A_753 = vector.shape_cast %swap3A_752 : vector<1x1x16xf32> to vector<16xf32>
        %swap3A_754 = vector.shape_cast %exp3A_745 : vector<16xf32> to vector<1x1x16xf32>
        tpu.vector_store %arg6[%swap3A_749, %swap3A_750, %swap3A_751], %swap3A_754 {strides = array<i32>} : memref<5x40x128xf32, #tpu.memory_space<vmem>>, vector<1x1x16xf32>,
        %add3A_755 = arith.constant 2 : i32
        %add3A_756 = arith.addi %mul3A_469, %add3A_755 : i32
        %get3A_757 = arith.constant 1 : i32
        %get3A_758 = arith.index_cast %get3A_757 : i32 to index
        %get3A_759 = arith.index_cast %add3A_756 : i32 to index
        %get3A_760 = arith.constant 0 : index
        %get3A_761 = tpu.vector_load %arg6[%get3A_758, %get3A_759, %get3A_760] {strides = array<i32>} : memref<5x40x128xf32, #tpu.memory_space<vmem>>, vector<1x1x16xf32>,
        %get3A_762 = vector.shape_cast %get3A_761 : vector<1x1x16xf32> to vector<16xf32>
        %exp3A_763 = math.exp %get3A_762 : vector<16xf32>
        %add3A_764 = arith.constant 2 : i32
        %add3A_765 = arith.addi %mul3A_469, %add3A_764 : i32
        %swap3A_766 = arith.constant 1 : i32
        %swap3A_767 = arith.index_cast %swap3A_766 : i32 to index
        %swap3A_768 = arith.index_cast %add3A_765 : i32 to index
        %swap3A_769 = arith.constant 0 : index
        %swap3A_770 = tpu.vector_load %arg6[%swap3A_767, %swap3A_768, %swap3A_769] {strides = array<i32>} : memref<5x40x128xf32, #tpu.memory_space<vmem>>, vector<1x1x16xf32>,
        %swap3A_771 = vector.shape_cast %swap3A_770 : vector<1x1x16xf32> to vector<16xf32>
        %swap3A_772 = vector.shape_cast %exp3A_763 : vector<16xf32> to vector<1x1x16xf32>
        tpu.vector_store %arg6[%swap3A_767, %swap3A_768, %swap3A_769], %swap3A_772 {strides = array<i32>} : memref<5x40x128xf32, #tpu.memory_space<vmem>>, vector<1x1x16xf32>,
        %add3A_773 = arith.constant 2 : i32
        %add3A_774 = arith.addi %mul3A_469, %add3A_773 : i32
        %get3A_775 = arith.constant 1 : i32
        %get3A_776 = arith.index_cast %get3A_775 : i32 to index
        %get3A_777 = arith.index_cast %add3A_774 : i32 to index
        %get3A_778 = arith.constant 16 : index
        %get3A_779 = tpu.vector_load %arg6[%get3A_776, %get3A_777, %get3A_778] {strides = array<i32>} : memref<5x40x128xf32, #tpu.memory_space<vmem>>, vector<1x1x16xf32>,
        %get3A_780 = vector.shape_cast %get3A_779 : vector<1x1x16xf32> to vector<16xf32>
        %exp3A_781 = math.exp %get3A_780 : vector<16xf32>
        %add3A_782 = arith.constant 2 : i32
        %add3A_783 = arith.addi %mul3A_469, %add3A_782 : i32
        %swap3A_784 = arith.constant 1 : i32
        %swap3A_785 = arith.index_cast %swap3A_784 : i32 to index
        %swap3A_786 = arith.index_cast %add3A_783 : i32 to index
        %swap3A_787 = arith.constant 16 : index
        %swap3A_788 = tpu.vector_load %arg6[%swap3A_785, %swap3A_786, %swap3A_787] {strides = array<i32>} : memref<5x40x128xf32, #tpu.memory_space<vmem>>, vector<1x1x16xf32>,
        %swap3A_789 = vector.shape_cast %swap3A_788 : vector<1x1x16xf32> to vector<16xf32>
        %swap3A_790 = vector.shape_cast %exp3A_781 : vector<16xf32> to vector<1x1x16xf32>
        tpu.vector_store %arg6[%swap3A_785, %swap3A_786, %swap3A_787], %swap3A_790 {strides = array<i32>} : memref<5x40x128xf32, #tpu.memory_space<vmem>>, vector<1x1x16xf32>,
        %add3A_791 = arith.constant 2 : i32
        %add3A_792 = arith.addi %mul3A_469, %add3A_791 : i32
        %get3A_793 = arith.constant 1 : i32
        %get3A_794 = arith.index_cast %get3A_793 : i32 to index
        %get3A_795 = arith.index_cast %add3A_792 : i32 to index
        %get3A_796 = arith.constant 32 : index
        %get3A_797 = tpu.vector_load %arg6[%get3A_794, %get3A_795, %get3A_796] {strides = array<i32>} : memref<5x40x128xf32, #tpu.memory_space<vmem>>, vector<1x1x16xf32>,
        %get3A_798 = vector.shape_cast %get3A_797 : vector<1x1x16xf32> to vector<16xf32>
        %exp3A_799 = math.exp %get3A_798 : vector<16xf32>
        %add3A_800 = arith.constant 2 : i32
        %add3A_801 = arith.addi %mul3A_469, %add3A_800 : i32
        %swap3A_802 = arith.constant 1 : i32
        %swap3A_803 = arith.index_cast %swap3A_802 : i32 to index
        %swap3A_804 = arith.index_cast %add3A_801 : i32 to index
        %swap3A_805 = arith.constant 32 : index
        %swap3A_806 = tpu.vector_load %arg6[%swap3A_803, %swap3A_804, %swap3A_805] {strides = array<i32>} : memref<5x40x128xf32, #tpu.memory_space<vmem>>, vector<1x1x16xf32>,
        %swap3A_807 = vector.shape_cast %swap3A_806 : vector<1x1x16xf32> to vector<16xf32>
        %swap3A_808 = vector.shape_cast %exp3A_799 : vector<16xf32> to vector<1x1x16xf32>
        tpu.vector_store %arg6[%swap3A_803, %swap3A_804, %swap3A_805], %swap3A_808 {strides = array<i32>} : memref<5x40x128xf32, #tpu.memory_space<vmem>>, vector<1x1x16xf32>,
        %add3A_809 = arith.constant 2 : i32
        %add3A_810 = arith.addi %mul3A_469, %add3A_809 : i32
        %get3A_811 = arith.constant 1 : i32
        %get3A_812 = arith.index_cast %get3A_811 : i32 to index
        %get3A_813 = arith.index_cast %add3A_810 : i32 to index
        %get3A_814 = arith.constant 48 : index
        %get3A_815 = tpu.vector_load %arg6[%get3A_812, %get3A_813, %get3A_814] {strides = array<i32>} : memref<5x40x128xf32, #tpu.memory_space<vmem>>, vector<1x1x16xf32>,
        %get3A_816 = vector.shape_cast %get3A_815 : vector<1x1x16xf32> to vector<16xf32>
        %exp3A_817 = math.exp %get3A_816 : vector<16xf32>
        %add3A_818 = arith.constant 2 : i32
        %add3A_819 = arith.addi %mul3A_469, %add3A_818 : i32
        %swap3A_820 = arith.constant 1 : i32
        %swap3A_821 = arith.index_cast %swap3A_820 : i32 to index
        %swap3A_822 = arith.index_cast %add3A_819 : i32 to index
        %swap3A_823 = arith.constant 48 : index
        %swap3A_824 = tpu.vector_load %arg6[%swap3A_821, %swap3A_822, %swap3A_823] {strides = array<i32>} : memref<5x40x128xf32, #tpu.memory_space<vmem>>, vector<1x1x16xf32>,
        %swap3A_825 = vector.shape_cast %swap3A_824 : vector<1x1x16xf32> to vector<16xf32>
        %swap3A_826 = vector.shape_cast %exp3A_817 : vector<16xf32> to vector<1x1x16xf32>
        tpu.vector_store %arg6[%swap3A_821, %swap3A_822, %swap3A_823], %swap3A_826 {strides = array<i32>} : memref<5x40x128xf32, #tpu.memory_space<vmem>>, vector<1x1x16xf32>,
        %add3A_827 = arith.constant 2 : i32
        %add3A_828 = arith.addi %mul3A_469, %add3A_827 : i32
        %get3A_829 = arith.constant 1 : i32
        %get3A_830 = arith.index_cast %get3A_829 : i32 to index
        %get3A_831 = arith.index_cast %add3A_828 : i32 to index
        %get3A_832 = arith.constant 64 : index
        %get3A_833 = tpu.vector_load %arg6[%get3A_830, %get3A_831, %get3A_832] {strides = array<i32>} : memref<5x40x128xf32, #tpu.memory_space<vmem>>, vector<1x1x16xf32>,
        %get3A_834 = vector.shape_cast %get3A_833 : vector<1x1x16xf32> to vector<16xf32>
        %exp3A_835 = math.exp %get3A_834 : vector<16xf32>
        %add3A_836 = arith.constant 2 : i32
        %add3A_837 = arith.addi %mul3A_469, %add3A_836 : i32
        %swap3A_838 = arith.constant 1 : i32
        %swap3A_839 = arith.index_cast %swap3A_838 : i32 to index
        %swap3A_840 = arith.index_cast %add3A_837 : i32 to index
        %swap3A_841 = arith.constant 64 : index
        %swap3A_842 = tpu.vector_load %arg6[%swap3A_839, %swap3A_840, %swap3A_841] {strides = array<i32>} : memref<5x40x128xf32, #tpu.memory_space<vmem>>, vector<1x1x16xf32>,
        %swap3A_843 = vector.shape_cast %swap3A_842 : vector<1x1x16xf32> to vector<16xf32>
        %swap3A_844 = vector.shape_cast %exp3A_835 : vector<16xf32> to vector<1x1x16xf32>
        tpu.vector_store %arg6[%swap3A_839, %swap3A_840, %swap3A_841], %swap3A_844 {strides = array<i32>} : memref<5x40x128xf32, #tpu.memory_space<vmem>>, vector<1x1x16xf32>,
        %add3A_845 = arith.constant 2 : i32
        %add3A_846 = arith.addi %mul3A_469, %add3A_845 : i32
        %get3A_847 = arith.constant 1 : i32
        %get3A_848 = arith.index_cast %get3A_847 : i32 to index
        %get3A_849 = arith.index_cast %add3A_846 : i32 to index
        %get3A_850 = arith.constant 80 : index
        %get3A_851 = tpu.vector_load %arg6[%get3A_848, %get3A_849, %get3A_850] {strides = array<i32>} : memref<5x40x128xf32, #tpu.memory_space<vmem>>, vector<1x1x16xf32>,
        %get3A_852 = vector.shape_cast %get3A_851 : vector<1x1x16xf32> to vector<16xf32>
        %exp3A_853 = math.exp %get3A_852 : vector<16xf32>
        %add3A_854 = arith.constant 2 : i32
        %add3A_855 = arith.addi %mul3A_469, %add3A_854 : i32
        %swap3A_856 = arith.constant 1 : i32
        %swap3A_857 = arith.index_cast %swap3A_856 : i32 to index
        %swap3A_858 = arith.index_cast %add3A_855 : i32 to index
        %swap3A_859 = arith.constant 80 : index
        %swap3A_860 = tpu.vector_load %arg6[%swap3A_857, %swap3A_858, %swap3A_859] {strides = array<i32>} : memref<5x40x128xf32, #tpu.memory_space<vmem>>, vector<1x1x16xf32>,
        %swap3A_861 = vector.shape_cast %swap3A_860 : vector<1x1x16xf32> to vector<16xf32>
        %swap3A_862 = vector.shape_cast %exp3A_853 : vector<16xf32> to vector<1x1x16xf32>
        tpu.vector_store %arg6[%swap3A_857, %swap3A_858, %swap3A_859], %swap3A_862 {strides = array<i32>} : memref<5x40x128xf32, #tpu.memory_space<vmem>>, vector<1x1x16xf32>,
        %add3A_863 = arith.constant 2 : i32
        %add3A_864 = arith.addi %mul3A_469, %add3A_863 : i32
        %get3A_865 = arith.constant 1 : i32
        %get3A_866 = arith.index_cast %get3A_865 : i32 to index
        %get3A_867 = arith.index_cast %add3A_864 : i32 to index
        %get3A_868 = arith.constant 96 : index
        %get3A_869 = tpu.vector_load %arg6[%get3A_866, %get3A_867, %get3A_868] {strides = array<i32>} : memref<5x40x128xf32, #tpu.memory_space<vmem>>, vector<1x1x16xf32>,
        %get3A_870 = vector.shape_cast %get3A_869 : vector<1x1x16xf32> to vector<16xf32>
        %exp3A_871 = math.exp %get3A_870 : vector<16xf32>
        %add3A_872 = arith.constant 2 : i32
        %add3A_873 = arith.addi %mul3A_469, %add3A_872 : i32
        %swap3A_874 = arith.constant 1 : i32
        %swap3A_875 = arith.index_cast %swap3A_874 : i32 to index
        %swap3A_876 = arith.index_cast %add3A_873 : i32 to index
        %swap3A_877 = arith.constant 96 : index
        %swap3A_878 = tpu.vector_load %arg6[%swap3A_875, %swap3A_876, %swap3A_877] {strides = array<i32>} : memref<5x40x128xf32, #tpu.memory_space<vmem>>, vector<1x1x16xf32>,
        %swap3A_879 = vector.shape_cast %swap3A_878 : vector<1x1x16xf32> to vector<16xf32>
        %swap3A_880 = vector.shape_cast %exp3A_871 : vector<16xf32> to vector<1x1x16xf32>
        tpu.vector_store %arg6[%swap3A_875, %swap3A_876, %swap3A_877], %swap3A_880 {strides = array<i32>} : memref<5x40x128xf32, #tpu.memory_space<vmem>>, vector<1x1x16xf32>,
        %add3A_881 = arith.constant 2 : i32
        %add3A_882 = arith.addi %mul3A_469, %add3A_881 : i32
        %get3A_883 = arith.constant 1 : i32
        %get3A_884 = arith.index_cast %get3A_883 : i32 to index
        %get3A_885 = arith.index_cast %add3A_882 : i32 to index
        %get3A_886 = arith.constant 112 : index
        %get3A_887 = tpu.vector_load %arg6[%get3A_884, %get3A_885, %get3A_886] {strides = array<i32>} : memref<5x40x128xf32, #tpu.memory_space<vmem>>, vector<1x1x16xf32>,
        %get3A_888 = vector.shape_cast %get3A_887 : vector<1x1x16xf32> to vector<16xf32>
        %exp3A_889 = math.exp %get3A_888 : vector<16xf32>
        %add3A_890 = arith.constant 2 : i32
        %add3A_891 = arith.addi %mul3A_469, %add3A_890 : i32
        %swap3A_892 = arith.constant 1 : i32
        %swap3A_893 = arith.index_cast %swap3A_892 : i32 to index
        %swap3A_894 = arith.index_cast %add3A_891 : i32 to index
        %swap3A_895 = arith.constant 112 : index
        %swap3A_896 = tpu.vector_load %arg6[%swap3A_893, %swap3A_894, %swap3A_895] {strides = array<i32>} : memref<5x40x128xf32, #tpu.memory_space<vmem>>, vector<1x1x16xf32>,
        %swap3A_897 = vector.shape_cast %swap3A_896 : vector<1x1x16xf32> to vector<16xf32>
        %swap3A_898 = vector.shape_cast %exp3A_889 : vector<16xf32> to vector<1x1x16xf32>
        tpu.vector_store %arg6[%swap3A_893, %swap3A_894, %swap3A_895], %swap3A_898 {strides = array<i32>} : memref<5x40x128xf32, #tpu.memory_space<vmem>>, vector<1x1x16xf32>,
        %add3A_899 = arith.constant 3 : i32
        %add3A_900 = arith.addi %mul3A_469, %add3A_899 : i32
        %get3A_901 = arith.constant 1 : i32
        %get3A_902 = arith.index_cast %get3A_901 : i32 to index
        %get3A_903 = arith.index_cast %add3A_900 : i32 to index
        %get3A_904 = arith.constant 0 : index
        %get3A_905 = tpu.vector_load %arg6[%get3A_902, %get3A_903, %get3A_904] {strides = array<i32>} : memref<5x40x128xf32, #tpu.memory_space<vmem>>, vector<1x1x16xf32>,
        %get3A_906 = vector.shape_cast %get3A_905 : vector<1x1x16xf32> to vector<16xf32>
        %exp3A_907 = math.exp %get3A_906 : vector<16xf32>
        %add3A_908 = arith.constant 3 : i32
        %add3A_909 = arith.addi %mul3A_469, %add3A_908 : i32
        %swap3A_910 = arith.constant 1 : i32
        %swap3A_911 = arith.index_cast %swap3A_910 : i32 to index
        %swap3A_912 = arith.index_cast %add3A_909 : i32 to index
        %swap3A_913 = arith.constant 0 : index
        %swap3A_914 = tpu.vector_load %arg6[%swap3A_911, %swap3A_912, %swap3A_913] {strides = array<i32>} : memref<5x40x128xf32, #tpu.memory_space<vmem>>, vector<1x1x16xf32>,
        %swap3A_915 = vector.shape_cast %swap3A_914 : vector<1x1x16xf32> to vector<16xf32>
        %swap3A_916 = vector.shape_cast %exp3A_907 : vector<16xf32> to vector<1x1x16xf32>
        tpu.vector_store %arg6[%swap3A_911, %swap3A_912, %swap3A_913], %swap3A_916 {strides = array<i32>} : memref<5x40x128xf32, #tpu.memory_space<vmem>>, vector<1x1x16xf32>,
        %add3A_917 = arith.constant 3 : i32
        %add3A_918 = arith.addi %mul3A_469, %add3A_917 : i32
        %get3A_919 = arith.constant 1 : i32
        %get3A_920 = arith.index_cast %get3A_919 : i32 to index
        %get3A_921 = arith.index_cast %add3A_918 : i32 to index
        %get3A_922 = arith.constant 16 : index
        %get3A_923 = tpu.vector_load %arg6[%get3A_920, %get3A_921, %get3A_922] {strides = array<i32>} : memref<5x40x128xf32, #tpu.memory_space<vmem>>, vector<1x1x16xf32>,
        %get3A_924 = vector.shape_cast %get3A_923 : vector<1x1x16xf32> to vector<16xf32>
        %exp3A_925 = math.exp %get3A_924 : vector<16xf32>
        %add3A_926 = arith.constant 3 : i32
        %add3A_927 = arith.addi %mul3A_469, %add3A_926 : i32
        %swap3A_928 = arith.constant 1 : i32
        %swap3A_929 = arith.index_cast %swap3A_928 : i32 to index
        %swap3A_930 = arith.index_cast %add3A_927 : i32 to index
        %swap3A_931 = arith.constant 16 : index
        %swap3A_932 = tpu.vector_load %arg6[%swap3A_929, %swap3A_930, %swap3A_931] {strides = array<i32>} : memref<5x40x128xf32, #tpu.memory_space<vmem>>, vector<1x1x16xf32>,
        %swap3A_933 = vector.shape_cast %swap3A_932 : vector<1x1x16xf32> to vector<16xf32>
        %swap3A_934 = vector.shape_cast %exp3A_925 : vector<16xf32> to vector<1x1x16xf32>
        tpu.vector_store %arg6[%swap3A_929, %swap3A_930, %swap3A_931], %swap3A_934 {strides = array<i32>} : memref<5x40x128xf32, #tpu.memory_space<vmem>>, vector<1x1x16xf32>,
        %add3A_935 = arith.constant 3 : i32
        %add3A_936 = arith.addi %mul3A_469, %add3A_935 : i32
        %get3A_937 = arith.constant 1 : i32
        %get3A_938 = arith.index_cast %get3A_937 : i32 to index
        %get3A_939 = arith.index_cast %add3A_936 : i32 to index
        %get3A_940 = arith.constant 32 : index
        %get3A_941 = tpu.vector_load %arg6[%get3A_938, %get3A_939, %get3A_940] {strides = array<i32>} : memref<5x40x128xf32, #tpu.memory_space<vmem>>, vector<1x1x16xf32>,
        %get3A_942 = vector.shape_cast %get3A_941 : vector<1x1x16xf32> to vector<16xf32>
        %exp3A_943 = math.exp %get3A_942 : vector<16xf32>
        %add3A_944 = arith.constant 3 : i32
        %add3A_945 = arith.addi %mul3A_469, %add3A_944 : i32
        %swap3A_946 = arith.constant 1 : i32
        %swap3A_947 = arith.index_cast %swap3A_946 : i32 to index
        %swap3A_948 = arith.index_cast %add3A_945 : i32 to index
        %swap3A_949 = arith.constant 32 : index
        %swap3A_950 = tpu.vector_load %arg6[%swap3A_947, %swap3A_948, %swap3A_949] {strides = array<i32>} : memref<5x40x128xf32, #tpu.memory_space<vmem>>, vector<1x1x16xf32>,
        %swap3A_951 = vector.shape_cast %swap3A_950 : vector<1x1x16xf32> to vector<16xf32>
        %swap3A_952 = vector.shape_cast %exp3A_943 : vector<16xf32> to vector<1x1x16xf32>
        tpu.vector_store %arg6[%swap3A_947, %swap3A_948, %swap3A_949], %swap3A_952 {strides = array<i32>} : memref<5x40x128xf32, #tpu.memory_space<vmem>>, vector<1x1x16xf32>,
        %add3A_953 = arith.constant 3 : i32
        %add3A_954 = arith.addi %mul3A_469, %add3A_953 : i32
        %get3A_955 = arith.constant 1 : i32
        %get3A_956 = arith.index_cast %get3A_955 : i32 to index
        %get3A_957 = arith.index_cast %add3A_954 : i32 to index
        %get3A_958 = arith.constant 48 : index
        %get3A_959 = tpu.vector_load %arg6[%get3A_956, %get3A_957, %get3A_958] {strides = array<i32>} : memref<5x40x128xf32, #tpu.memory_space<vmem>>, vector<1x1x16xf32>,
        %get3A_960 = vector.shape_cast %get3A_959 : vector<1x1x16xf32> to vector<16xf32>
        %exp3A_961 = math.exp %get3A_960 : vector<16xf32>
        %add3A_962 = arith.constant 3 : i32
        %add3A_963 = arith.addi %mul3A_469, %add3A_962 : i32
        %swap3A_964 = arith.constant 1 : i32
        %swap3A_965 = arith.index_cast %swap3A_964 : i32 to index
        %swap3A_966 = arith.index_cast %add3A_963 : i32 to index
        %swap3A_967 = arith.constant 48 : index
        %swap3A_968 = tpu.vector_load %arg6[%swap3A_965, %swap3A_966, %swap3A_967] {strides = array<i32>} : memref<5x40x128xf32, #tpu.memory_space<vmem>>, vector<1x1x16xf32>,
        %swap3A_969 = vector.shape_cast %swap3A_968 : vector<1x1x16xf32> to vector<16xf32>
        %swap3A_970 = vector.shape_cast %exp3A_961 : vector<16xf32> to vector<1x1x16xf32>
        tpu.vector_store %arg6[%swap3A_965, %swap3A_966, %swap3A_967], %swap3A_970 {strides = array<i32>} : memref<5x40x128xf32, #tpu.memory_space<vmem>>, vector<1x1x16xf32>,
        %add3A_971 = arith.constant 3 : i32
        %add3A_972 = arith.addi %mul3A_469, %add3A_971 : i32
        %get3A_973 = arith.constant 1 : i32
        %get3A_974 = arith.index_cast %get3A_973 : i32 to index
        %get3A_975 = arith.index_cast %add3A_972 : i32 to index
        %get3A_976 = arith.constant 64 : index
        %get3A_977 = tpu.vector_load %arg6[%get3A_974, %get3A_975, %get3A_976] {strides = array<i32>} : memref<5x40x128xf32, #tpu.memory_space<vmem>>, vector<1x1x16xf32>,
        %get3A_978 = vector.shape_cast %get3A_977 : vector<1x1x16xf32> to vector<16xf32>
        %exp3A_979 = math.exp %get3A_978 : vector<16xf32>
        %add3A_980 = arith.constant 3 : i32
        %add3A_981 = arith.addi %mul3A_469, %add3A_980 : i32
        %swap3A_982 = arith.constant 1 : i32
        %swap3A_983 = arith.index_cast %swap3A_982 : i32 to index
        %swap3A_984 = arith.index_cast %add3A_981 : i32 to index
        %swap3A_985 = arith.constant 64 : index
        %swap3A_986 = tpu.vector_load %arg6[%swap3A_983, %swap3A_984, %swap3A_985] {strides = array<i32>} : memref<5x40x128xf32, #tpu.memory_space<vmem>>, vector<1x1x16xf32>,
        %swap3A_987 = vector.shape_cast %swap3A_986 : vector<1x1x16xf32> to vector<16xf32>
        %swap3A_988 = vector.shape_cast %exp3A_979 : vector<16xf32> to vector<1x1x16xf32>
        tpu.vector_store %arg6[%swap3A_983, %swap3A_984, %swap3A_985], %swap3A_988 {strides = array<i32>} : memref<5x40x128xf32, #tpu.memory_space<vmem>>, vector<1x1x16xf32>,
        %add3A_989 = arith.constant 3 : i32
        %add3A_990 = arith.addi %mul3A_469, %add3A_989 : i32
        %get3A_991 = arith.constant 1 : i32
        %get3A_992 = arith.index_cast %get3A_991 : i32 to index
        %get3A_993 = arith.index_cast %add3A_990 : i32 to index
        %get3A_994 = arith.constant 80 : index
        %get3A_995 = tpu.vector_load %arg6[%get3A_992, %get3A_993, %get3A_994] {strides = array<i32>} : memref<5x40x128xf32, #tpu.memory_space<vmem>>, vector<1x1x16xf32>,
        %get3A_996 = vector.shape_cast %get3A_995 : vector<1x1x16xf32> to vector<16xf32>
        %exp3A_997 = math.exp %get3A_996 : vector<16xf32>
        %add3A_998 = arith.constant 3 : i32
        %add3A_999 = arith.addi %mul3A_469, %add3A_998 : i32
        %swap3A_1000 = arith.constant 1 : i32
        %swap3A_1001 = arith.index_cast %swap3A_1000 : i32 to index
        %swap3A_1002 = arith.index_cast %add3A_999 : i32 to index
        %swap3A_1003 = arith.constant 80 : index
        %swap3A_1004 = tpu.vector_load %arg6[%swap3A_1001, %swap3A_1002, %swap3A_1003] {strides = array<i32>} : memref<5x40x128xf32, #tpu.memory_space<vmem>>, vector<1x1x16xf32>,
        %swap3A_1005 = vector.shape_cast %swap3A_1004 : vector<1x1x16xf32> to vector<16xf32>
        %swap3A_1006 = vector.shape_cast %exp3A_997 : vector<16xf32> to vector<1x1x16xf32>
        tpu.vector_store %arg6[%swap3A_1001, %swap3A_1002, %swap3A_1003], %swap3A_1006 {strides = array<i32>} : memref<5x40x128xf32, #tpu.memory_space<vmem>>, vector<1x1x16xf32>,
        %add3A_1007 = arith.constant 3 : i32
        %add3A_1008 = arith.addi %mul3A_469, %add3A_1007 : i32
        %get3A_1009 = arith.constant 1 : i32
        %get3A_1010 = arith.index_cast %get3A_1009 : i32 to index
        %get3A_1011 = arith.index_cast %add3A_1008 : i32 to index
        %get3A_1012 = arith.constant 96 : index
        %get3A_1013 = tpu.vector_load %arg6[%get3A_1010, %get3A_1011, %get3A_1012] {strides = array<i32>} : memref<5x40x128xf32, #tpu.memory_space<vmem>>, vector<1x1x16xf32>,
        %get3A_1014 = vector.shape_cast %get3A_1013 : vector<1x1x16xf32> to vector<16xf32>
        %exp3A_1015 = math.exp %get3A_1014 : vector<16xf32>
        %add3A_1016 = arith.constant 3 : i32
        %add3A_1017 = arith.addi %mul3A_469, %add3A_1016 : i32
        %swap3A_1018 = arith.constant 1 : i32
        %swap3A_1019 = arith.index_cast %swap3A_1018 : i32 to index
        %swap3A_1020 = arith.index_cast %add3A_1017 : i32 to index
        %swap3A_1021 = arith.constant 96 : index
        %swap3A_1022 = tpu.vector_load %arg6[%swap3A_1019, %swap3A_1020, %swap3A_1021] {strides = array<i32>} : memref<5x40x128xf32, #tpu.memory_space<vmem>>, vector<1x1x16xf32>,
        %swap3A_1023 = vector.shape_cast %swap3A_1022 : vector<1x1x16xf32> to vector<16xf32>
        %swap3A_1024 = vector.shape_cast %exp3A_1015 : vector<16xf32> to vector<1x1x16xf32>
        tpu.vector_store %arg6[%swap3A_1019, %swap3A_1020, %swap3A_1021], %swap3A_1024 {strides = array<i32>} : memref<5x40x128xf32, #tpu.memory_space<vmem>>, vector<1x1x16xf32>,
        %add3A_1025 = arith.constant 3 : i32
        %add3A_1026 = arith.addi %mul3A_469, %add3A_1025 : i32
        %get3A_1027 = arith.constant 1 : i32
        %get3A_1028 = arith.index_cast %get3A_1027 : i32 to index
        %get3A_1029 = arith.index_cast %add3A_1026 : i32 to index
        %get3A_1030 = arith.constant 112 : index
        %get3A_1031 = tpu.vector_load %arg6[%get3A_1028, %get3A_1029, %get3A_1030] {strides = array<i32>} : memref<5x40x128xf32, #tpu.memory_space<vmem>>, vector<1x1x16xf32>,
        %get3A_1032 = vector.shape_cast %get3A_1031 : vector<1x1x16xf32> to vector<16xf32>
        %exp3A_1033 = math.exp %get3A_1032 : vector<16xf32>
        %add3A_1034 = arith.constant 3 : i32
        %add3A_1035 = arith.addi %mul3A_469, %add3A_1034 : i32
        %swap3A_1036 = arith.constant 1 : i32
        %swap3A_1037 = arith.index_cast %swap3A_1036 : i32 to index
        %swap3A_1038 = arith.index_cast %add3A_1035 : i32 to index
        %swap3A_1039 = arith.constant 112 : index
        %swap3A_1040 = tpu.vector_load %arg6[%swap3A_1037, %swap3A_1038, %swap3A_1039] {strides = array<i32>} : memref<5x40x128xf32, #tpu.memory_space<vmem>>, vector<1x1x16xf32>,
        %swap3A_1041 = vector.shape_cast %swap3A_1040 : vector<1x1x16xf32> to vector<16xf32>
        %swap3A_1042 = vector.shape_cast %exp3A_1033 : vector<16xf32> to vector<1x1x16xf32>
        tpu.vector_store %arg6[%swap3A_1037, %swap3A_1038, %swap3A_1039], %swap3A_1042 {strides = array<i32>} : memref<5x40x128xf32, #tpu.memory_space<vmem>>, vector<1x1x16xf32>,
      }
      %scan3A_280 = arith.constant 10 : i32
      %dma_start3A_281 = arith.constant 1 : i32
      %dma_start3A_282 = arith.constant 1 : i32
      %dma_start3A_283 = arith.constant 0 : i32
      %dma_start3A_284 = arith.constant 0 : i32
      %dma_start3A_285 = tpu.memref_slice %arg6[%dma_start3A_281, %dma_start3A_283, %dma_start3A_284] : memref<5x40x128xf32, #tpu.memory_space<vmem>> -> memref<1x40x128xf32, #tpu.memory_space<vmem>>
      %dma_start3A_286 = tpu.memref_squeeze %dma_start3A_285 : memref<1x40x128xf32, #tpu.memory_space<vmem>> -> memref<40x128xf32, #tpu.memory_space<vmem>>
      %dma_start3A_287 = arith.constant 0 : i32
      %dma_start3A_288 = tpu.memref_slice %arg7[%dma_start3A_282, %dma_start3A_287] : memref<5x40xi32, #tpu.memory_space<vmem>> -> memref<1x40xi32, #tpu.memory_space<vmem>>
      %dma_start3A_289 = tpu.memref_squeeze %dma_start3A_288 : memref<1x40xi32, #tpu.memory_space<vmem>> -> memref<40xi32, #tpu.memory_space<vmem>>
      %dma_start3A_290 = arith.constant 0 : i32
      %dma_start3A_291 = arith.constant 0 : i32
      %dma_start3A_292 = tpu.memref_slice %arg5[%dma_start3A_290, %dma_start3A_291] : memref<10000x128xf32, #tpu.memory_space<vmem_shared>> -> memref<10000x128xf32, #tpu.memory_space<vmem_shared>>
      tpu.enqueue_indirect_dma source(%dma_start3A_286 : memref<40x128xf32, #tpu.memory_space<vmem>>) target(%dma_start3A_292 : memref<10000x128xf32, #tpu.memory_space<vmem_shared>>) offsets(%dma_start3A_289 : memref<40xi32, #tpu.memory_space<vmem>>) semaphore(%arg19 : memref<!tpu.dma_semaphore, #tpu.memory_space<semaphore_mem>>) {add = true}
      %add3A_293 = arith.constant 2 : i32
      %add3A_294 = arith.addi %add3A_178, %add3A_293 : i32
      %ge3A_295 = arith.constant 3 : i32
      %ge3A_296 = arith.cmpi sge, %add3A_294, %ge3A_295 : i32
      %convert_element_type3A_297 = arith.extui %ge3A_296 : i1 to i32
      %cond3A_298 = arith.constant 0 : i32
      %cond3A_299 = arith.cmpi ne, %convert_element_type3A_297, %cond3A_298 : i32
      scf.if %cond3A_299 {
        %dma_wait3A_467 = arith.constant 4 : i32
        %dma_wait3A_468 = arith.constant 4 : i32
        %dma_wait3A_469 = arith.constant 0 : i32
        %dma_wait3A_470 = arith.constant 0 : i32
        %dma_wait3A_471 = tpu.memref_slice %arg6[%dma_wait3A_467, %dma_wait3A_469, %dma_wait3A_470] : memref<5x40x128xf32, #tpu.memory_space<vmem>> -> memref<1x40x128xf32, #tpu.memory_space<vmem>>
        %dma_wait3A_472 = tpu.memref_squeeze %dma_wait3A_471 : memref<1x40x128xf32, #tpu.memory_space<vmem>> -> memref<40x128xf32, #tpu.memory_space<vmem>>
        %dma_wait3A_473 = arith.constant 0 : i32
        %dma_wait3A_474 = tpu.memref_slice %arg7[%dma_wait3A_468, %dma_wait3A_473] : memref<5x40xi32, #tpu.memory_space<vmem>> -> memref<1x40xi32, #tpu.memory_space<vmem>>
        %dma_wait3A_475 = tpu.memref_squeeze %dma_wait3A_474 : memref<1x40xi32, #tpu.memory_space<vmem>> -> memref<40xi32, #tpu.memory_space<vmem>>
        %dma_wait3A_476 = arith.constant 0 : i32
        %dma_wait3A_477 = arith.constant 0 : i32
        %dma_wait3A_478 = tpu.memref_slice %arg5[%dma_wait3A_476, %dma_wait3A_477] : memref<10000x128xf32, #tpu.memory_space<vmem_shared>> -> memref<10000x128xf32, #tpu.memory_space<vmem_shared>>
        tpu.wait_indirect_dma semaphore(%arg22 : memref<!tpu.dma_semaphore, #tpu.memory_space<semaphore_mem>>) src(%dma_wait3A_472 : memref<40x128xf32, #tpu.memory_space<vmem>>) dst(%dma_wait3A_478 : memref<10000x128xf32, #tpu.memory_space<vmem_shared>>)
      } else {
      }
      %add3A_300 = arith.constant 2 : i32
      %add3A_301 = arith.addi %add3A_294, %add3A_300 : i32
      %lt3A_302 = arith.constant 250 : i32
      %lt3A_303 = arith.cmpi slt, %add3A_301, %lt3A_302 : i32
      %convert_element_type3A_304 = arith.extui %lt3A_303 : i1 to i32
      %cond3A_305 = arith.constant 0 : i32
      %cond3A_306 = arith.cmpi ne, %convert_element_type3A_304, %cond3A_305 : i32
      scf.if %cond3A_306 {
        %add3A_467 = arith.constant 2 : i32
        %add3A_468 = arith.addi %add3A_294, %add3A_467 : i32
        %mul3A_469 = arith.constant 40 : i32
        %mul3A_470 = arith.muli %add3A_468, %mul3A_469 : i32
        %add3A_471 = arith.addi %mul3A_2, %mul3A_470 : i32
        %dma_start3A_472 = arith.constant 4 : i32
        %dma_start3A_473 = arith.constant 0 : i32
        %dma_start3A_474 = arith.constant 0 : i32
        %dma_start3A_475 = tpu.memref_slice %arg6[%dma_start3A_472, %dma_start3A_473, %dma_start3A_474] : memref<5x40x128xf32, #tpu.memory_space<vmem>> -> memref<1x40x128xf32, #tpu.memory_space<vmem>>
        %dma_start3A_476 = tpu.memref_squeeze %dma_start3A_475 : memref<1x40x128xf32, #tpu.memory_space<vmem>> -> memref<40x128xf32, #tpu.memory_space<vmem>>
        %dma_start3A_477 = arith.constant 0 : i32
        %dma_start3A_478 = tpu.memref_slice %arg2[%add3A_471, %dma_start3A_477] : memref<320000x128xf32, #tpu.memory_space<hbm>> -> memref<40x128xf32, #tpu.memory_space<hbm>>
        %dma_start3A_479 = arith.constant 0 : i32
        %dma_start3A_480 = arith.constant 0 : i32
        %dma_start3A_481 = tpu.memref_slice %arg6[%dma_start3A_472, %dma_start3A_479, %dma_start3A_480] : memref<5x40x128xf32, #tpu.memory_space<vmem>> -> memref<1x40x128xf32, #tpu.memory_space<vmem>>
        %dma_start3A_482 = tpu.memref_squeeze %dma_start3A_481 : memref<1x40x128xf32, #tpu.memory_space<vmem>> -> memref<40x128xf32, #tpu.memory_space<vmem>>
        %dma_start3A_483 = arith.constant 0 : i32
        %dma_start3A_484 = tpu.memref_slice %arg2[%add3A_471, %dma_start3A_483] : memref<320000x128xf32, #tpu.memory_space<hbm>> -> memref<40x128xf32, #tpu.memory_space<hbm>>
        tpu.enqueue_dma source(%dma_start3A_484 : memref<40x128xf32, #tpu.memory_space<hbm>>) target(%dma_start3A_482 : memref<40x128xf32, #tpu.memory_space<vmem>>) target_semaphore(%arg12 : memref<!tpu.dma_semaphore, #tpu.memory_space<semaphore_mem>>)
        %dma_start3A_485 = arith.constant 4 : i32
        %dma_start3A_486 = arith.constant 0 : i32
        %dma_start3A_487 = tpu.memref_slice %arg7[%dma_start3A_485, %dma_start3A_486] : memref<5x40xi32, #tpu.memory_space<vmem>> -> memref<1x40xi32, #tpu.memory_space<vmem>>
        %dma_start3A_488 = tpu.memref_squeeze %dma_start3A_487 : memref<1x40xi32, #tpu.memory_space<vmem>> -> memref<40xi32, #tpu.memory_space<vmem>>
        %dma_start3A_489 = tpu.memref_slice %arg3[%add3A_471] : memref<320000xi32, #tpu.memory_space<hbm>> -> memref<40xi32, #tpu.memory_space<hbm>>
        %dma_start3A_490 = arith.constant 0 : i32
        %dma_start3A_491 = tpu.memref_slice %arg7[%dma_start3A_485, %dma_start3A_490] : memref<5x40xi32, #tpu.memory_space<vmem>> -> memref<1x40xi32, #tpu.memory_space<vmem>>
        %dma_start3A_492 = tpu.memref_squeeze %dma_start3A_491 : memref<1x40xi32, #tpu.memory_space<vmem>> -> memref<40xi32, #tpu.memory_space<vmem>>
        %dma_start3A_493 = tpu.memref_slice %arg3[%add3A_471] : memref<320000xi32, #tpu.memory_space<hbm>> -> memref<40xi32, #tpu.memory_space<hbm>>
        tpu.enqueue_dma source(%dma_start3A_493 : memref<40xi32, #tpu.memory_space<hbm>>) target(%dma_start3A_492 : memref<40xi32, #tpu.memory_space<vmem>>) target_semaphore(%arg17 : memref<!tpu.dma_semaphore, #tpu.memory_space<semaphore_mem>>)
      } else {
      }
      %dma_wait3A_307 = arith.constant 2 : i32
      %dma_wait3A_308 = arith.constant 0 : i32
      %dma_wait3A_309 = arith.constant 0 : i32
      %dma_wait3A_310 = tpu.memref_slice %arg6[%dma_wait3A_307, %dma_wait3A_308, %dma_wait3A_309] : memref<5x40x128xf32, #tpu.memory_space<vmem>> -> memref<1x40x128xf32, #tpu.memory_space<vmem>>
      %dma_wait3A_311 = tpu.memref_squeeze %dma_wait3A_310 : memref<1x40x128xf32, #tpu.memory_space<vmem>> -> memref<40x128xf32, #tpu.memory_space<vmem>>
      %dma_wait3A_312 = arith.constant 0 : i32
      %dma_wait3A_313 = arith.constant 0 : i32
      %dma_wait3A_314 = tpu.memref_slice %arg2[%dma_wait3A_312, %dma_wait3A_313] : memref<320000x128xf32, #tpu.memory_space<hbm>> -> memref<40x128xf32, #tpu.memory_space<hbm>>
      %dma_wait3A_315 = arith.constant 0 : i32
      %dma_wait3A_316 = arith.constant 0 : i32
      %dma_wait3A_317 = tpu.memref_slice %arg6[%dma_wait3A_307, %dma_wait3A_315, %dma_wait3A_316] : memref<5x40x128xf32, #tpu.memory_space<vmem>> -> memref<1x40x128xf32, #tpu.memory_space<vmem>>
      %dma_wait3A_318 = tpu.memref_squeeze %dma_wait3A_317 : memref<1x40x128xf32, #tpu.memory_space<vmem>> -> memref<40x128xf32, #tpu.memory_space<vmem>>
      %dma_wait3A_319 = arith.constant 0 : i32
      %dma_wait3A_320 = arith.constant 0 : i32
      %dma_wait3A_321 = tpu.memref_slice %arg2[%dma_wait3A_319, %dma_wait3A_320] : memref<320000x128xf32, #tpu.memory_space<hbm>> -> memref<40x128xf32, #tpu.memory_space<hbm>>
      tpu.wait_dma2 semaphore(%arg10 : memref<!tpu.dma_semaphore, #tpu.memory_space<semaphore_mem>>) src(%dma_wait3A_321 : memref<40x128xf32, #tpu.memory_space<hbm>>) dst(%dma_wait3A_318 : memref<40x128xf32, #tpu.memory_space<vmem>>)
      %dma_wait3A_322 = arith.constant 2 : i32
      %dma_wait3A_323 = arith.constant 0 : i32
      %dma_wait3A_324 = tpu.memref_slice %arg7[%dma_wait3A_322, %dma_wait3A_323] : memref<5x40xi32, #tpu.memory_space<vmem>> -> memref<1x40xi32, #tpu.memory_space<vmem>>
      %dma_wait3A_325 = tpu.memref_squeeze %dma_wait3A_324 : memref<1x40xi32, #tpu.memory_space<vmem>> -> memref<40xi32, #tpu.memory_space<vmem>>
      %dma_wait3A_326 = arith.constant 0 : i32
      %dma_wait3A_327 = tpu.memref_slice %arg3[%dma_wait3A_326] : memref<320000xi32, #tpu.memory_space<hbm>> -> memref<40xi32, #tpu.memory_space<hbm>>
      %dma_wait3A_328 = arith.constant 0 : i32
      %dma_wait3A_329 = tpu.memref_slice %arg7[%dma_wait3A_322, %dma_wait3A_328] : memref<5x40xi32, #tpu.memory_space<vmem>> -> memref<1x40xi32, #tpu.memory_space<vmem>>
      %dma_wait3A_330 = tpu.memref_squeeze %dma_wait3A_329 : memref<1x40xi32, #tpu.memory_space<vmem>> -> memref<40xi32, #tpu.memory_space<vmem>>
      %dma_wait3A_331 = arith.constant 0 : i32
      %dma_wait3A_332 = tpu.memref_slice %arg3[%dma_wait3A_331] : memref<320000xi32, #tpu.memory_space<hbm>> -> memref<40xi32, #tpu.memory_space<hbm>>
      tpu.wait_dma2 semaphore(%arg15 : memref<!tpu.dma_semaphore, #tpu.memory_space<semaphore_mem>>) src(%dma_wait3A_332 : memref<40xi32, #tpu.memory_space<hbm>>) dst(%dma_wait3A_330 : memref<40xi32, #tpu.memory_space<vmem>>)
      %scan3A_333 = arith.constant 0 : i32
      %scan3A_334 = arith.constant 0 : i32
      %scan3A_335 = arith.constant 10 : i32
      %scan3A_336 = arith.addi %scan3A_334, %scan3A_335 : i32
      %scan3A_337 = arith.constant 1 : i32
      scf.for %scan3A_467 = %scan3A_334 to %scan3A_336 step %scan3A_337  : i32 {
        %mul3A_468 = arith.constant 4 : i32
        %mul3A_469 = arith.muli %scan3A_467, %mul3A_468 : i32
        %add3A_470 = arith.constant 0 : i32
        %add3A_471 = arith.addi %mul3A_469, %add3A_470 : i32
        %get3A = arith.constant 2 : i32
        %get3A_472 = arith.index_cast %get3A : i32 to index
        %get3A_473 = arith.index_cast %add3A_471 : i32 to index
        %get3A_474 = arith.constant 0 : index
        %get3A_475 = tpu.vector_load %arg6[%get3A_472, %get3A_473, %get3A_474] {strides = array<i32>} : memref<5x40x128xf32, #tpu.memory_space<vmem>>, vector<1x1x16xf32>,
        %get3A_476 = vector.shape_cast %get3A_475 : vector<1x1x16xf32> to vector<16xf32>
        %exp3A = math.exp %get3A_476 : vector<16xf32>
        %add3A_477 = arith.constant 0 : i32
        %add3A_478 = arith.addi %mul3A_469, %add3A_477 : i32
        %swap3A = arith.constant 2 : i32
        %swap3A_479 = arith.index_cast %swap3A : i32 to index
        %swap3A_480 = arith.index_cast %add3A_478 : i32 to index
        %swap3A_481 = arith.constant 0 : index
        %swap3A_482 = tpu.vector_load %arg6[%swap3A_479, %swap3A_480, %swap3A_481] {strides = array<i32>} : memref<5x40x128xf32, #tpu.memory_space<vmem>>, vector<1x1x16xf32>,
        %swap3A_483 = vector.shape_cast %swap3A_482 : vector<1x1x16xf32> to vector<16xf32>
        %swap3A_484 = vector.shape_cast %exp3A : vector<16xf32> to vector<1x1x16xf32>
        tpu.vector_store %arg6[%swap3A_479, %swap3A_480, %swap3A_481], %swap3A_484 {strides = array<i32>} : memref<5x40x128xf32, #tpu.memory_space<vmem>>, vector<1x1x16xf32>,
        %add3A_485 = arith.constant 0 : i32
        %add3A_486 = arith.addi %mul3A_469, %add3A_485 : i32
        %get3A_487 = arith.constant 2 : i32
        %get3A_488 = arith.index_cast %get3A_487 : i32 to index
        %get3A_489 = arith.index_cast %add3A_486 : i32 to index
        %get3A_490 = arith.constant 16 : index
        %get3A_491 = tpu.vector_load %arg6[%get3A_488, %get3A_489, %get3A_490] {strides = array<i32>} : memref<5x40x128xf32, #tpu.memory_space<vmem>>, vector<1x1x16xf32>,
        %get3A_492 = vector.shape_cast %get3A_491 : vector<1x1x16xf32> to vector<16xf32>
        %exp3A_493 = math.exp %get3A_492 : vector<16xf32>
        %add3A_494 = arith.constant 0 : i32
        %add3A_495 = arith.addi %mul3A_469, %add3A_494 : i32
        %swap3A_496 = arith.constant 2 : i32
        %swap3A_497 = arith.index_cast %swap3A_496 : i32 to index
        %swap3A_498 = arith.index_cast %add3A_495 : i32 to index
        %swap3A_499 = arith.constant 16 : index
        %swap3A_500 = tpu.vector_load %arg6[%swap3A_497, %swap3A_498, %swap3A_499] {strides = array<i32>} : memref<5x40x128xf32, #tpu.memory_space<vmem>>, vector<1x1x16xf32>,
        %swap3A_501 = vector.shape_cast %swap3A_500 : vector<1x1x16xf32> to vector<16xf32>
        %swap3A_502 = vector.shape_cast %exp3A_493 : vector<16xf32> to vector<1x1x16xf32>
        tpu.vector_store %arg6[%swap3A_497, %swap3A_498, %swap3A_499], %swap3A_502 {strides = array<i32>} : memref<5x40x128xf32, #tpu.memory_space<vmem>>, vector<1x1x16xf32>,
        %add3A_503 = arith.constant 0 : i32
        %add3A_504 = arith.addi %mul3A_469, %add3A_503 : i32
        %get3A_505 = arith.constant 2 : i32
        %get3A_506 = arith.index_cast %get3A_505 : i32 to index
        %get3A_507 = arith.index_cast %add3A_504 : i32 to index
        %get3A_508 = arith.constant 32 : index
        %get3A_509 = tpu.vector_load %arg6[%get3A_506, %get3A_507, %get3A_508] {strides = array<i32>} : memref<5x40x128xf32, #tpu.memory_space<vmem>>, vector<1x1x16xf32>,
        %get3A_510 = vector.shape_cast %get3A_509 : vector<1x1x16xf32> to vector<16xf32>
        %exp3A_511 = math.exp %get3A_510 : vector<16xf32>
        %add3A_512 = arith.constant 0 : i32
        %add3A_513 = arith.addi %mul3A_469, %add3A_512 : i32
        %swap3A_514 = arith.constant 2 : i32
        %swap3A_515 = arith.index_cast %swap3A_514 : i32 to index
        %swap3A_516 = arith.index_cast %add3A_513 : i32 to index
        %swap3A_517 = arith.constant 32 : index
        %swap3A_518 = tpu.vector_load %arg6[%swap3A_515, %swap3A_516, %swap3A_517] {strides = array<i32>} : memref<5x40x128xf32, #tpu.memory_space<vmem>>, vector<1x1x16xf32>,
        %swap3A_519 = vector.shape_cast %swap3A_518 : vector<1x1x16xf32> to vector<16xf32>
        %swap3A_520 = vector.shape_cast %exp3A_511 : vector<16xf32> to vector<1x1x16xf32>
        tpu.vector_store %arg6[%swap3A_515, %swap3A_516, %swap3A_517], %swap3A_520 {strides = array<i32>} : memref<5x40x128xf32, #tpu.memory_space<vmem>>, vector<1x1x16xf32>,
        %add3A_521 = arith.constant 0 : i32
        %add3A_522 = arith.addi %mul3A_469, %add3A_521 : i32
        %get3A_523 = arith.constant 2 : i32
        %get3A_524 = arith.index_cast %get3A_523 : i32 to index
        %get3A_525 = arith.index_cast %add3A_522 : i32 to index
        %get3A_526 = arith.constant 48 : index
        %get3A_527 = tpu.vector_load %arg6[%get3A_524, %get3A_525, %get3A_526] {strides = array<i32>} : memref<5x40x128xf32, #tpu.memory_space<vmem>>, vector<1x1x16xf32>,
        %get3A_528 = vector.shape_cast %get3A_527 : vector<1x1x16xf32> to vector<16xf32>
        %exp3A_529 = math.exp %get3A_528 : vector<16xf32>
        %add3A_530 = arith.constant 0 : i32
        %add3A_531 = arith.addi %mul3A_469, %add3A_530 : i32
        %swap3A_532 = arith.constant 2 : i32
        %swap3A_533 = arith.index_cast %swap3A_532 : i32 to index
        %swap3A_534 = arith.index_cast %add3A_531 : i32 to index
        %swap3A_535 = arith.constant 48 : index
        %swap3A_536 = tpu.vector_load %arg6[%swap3A_533, %swap3A_534, %swap3A_535] {strides = array<i32>} : memref<5x40x128xf32, #tpu.memory_space<vmem>>, vector<1x1x16xf32>,
        %swap3A_537 = vector.shape_cast %swap3A_536 : vector<1x1x16xf32> to vector<16xf32>
        %swap3A_538 = vector.shape_cast %exp3A_529 : vector<16xf32> to vector<1x1x16xf32>
        tpu.vector_store %arg6[%swap3A_533, %swap3A_534, %swap3A_535], %swap3A_538 {strides = array<i32>} : memref<5x40x128xf32, #tpu.memory_space<vmem>>, vector<1x1x16xf32>,
        %add3A_539 = arith.constant 0 : i32
        %add3A_540 = arith.addi %mul3A_469, %add3A_539 : i32
        %get3A_541 = arith.constant 2 : i32
        %get3A_542 = arith.index_cast %get3A_541 : i32 to index
        %get3A_543 = arith.index_cast %add3A_540 : i32 to index
        %get3A_544 = arith.constant 64 : index
        %get3A_545 = tpu.vector_load %arg6[%get3A_542, %get3A_543, %get3A_544] {strides = array<i32>} : memref<5x40x128xf32, #tpu.memory_space<vmem>>, vector<1x1x16xf32>,
        %get3A_546 = vector.shape_cast %get3A_545 : vector<1x1x16xf32> to vector<16xf32>
        %exp3A_547 = math.exp %get3A_546 : vector<16xf32>
        %add3A_548 = arith.constant 0 : i32
        %add3A_549 = arith.addi %mul3A_469, %add3A_548 : i32
        %swap3A_550 = arith.constant 2 : i32
        %swap3A_551 = arith.index_cast %swap3A_550 : i32 to index
        %swap3A_552 = arith.index_cast %add3A_549 : i32 to index
        %swap3A_553 = arith.constant 64 : index
        %swap3A_554 = tpu.vector_load %arg6[%swap3A_551, %swap3A_552, %swap3A_553] {strides = array<i32>} : memref<5x40x128xf32, #tpu.memory_space<vmem>>, vector<1x1x16xf32>,
        %swap3A_555 = vector.shape_cast %swap3A_554 : vector<1x1x16xf32> to vector<16xf32>
        %swap3A_556 = vector.shape_cast %exp3A_547 : vector<16xf32> to vector<1x1x16xf32>
        tpu.vector_store %arg6[%swap3A_551, %swap3A_552, %swap3A_553], %swap3A_556 {strides = array<i32>} : memref<5x40x128xf32, #tpu.memory_space<vmem>>, vector<1x1x16xf32>,
        %add3A_557 = arith.constant 0 : i32
        %add3A_558 = arith.addi %mul3A_469, %add3A_557 : i32
        %get3A_559 = arith.constant 2 : i32
        %get3A_560 = arith.index_cast %get3A_559 : i32 to index
        %get3A_561 = arith.index_cast %add3A_558 : i32 to index
        %get3A_562 = arith.constant 80 : index
        %get3A_563 = tpu.vector_load %arg6[%get3A_560, %get3A_561, %get3A_562] {strides = array<i32>} : memref<5x40x128xf32, #tpu.memory_space<vmem>>, vector<1x1x16xf32>,
        %get3A_564 = vector.shape_cast %get3A_563 : vector<1x1x16xf32> to vector<16xf32>
        %exp3A_565 = math.exp %get3A_564 : vector<16xf32>
        %add3A_566 = arith.constant 0 : i32
        %add3A_567 = arith.addi %mul3A_469, %add3A_566 : i32
        %swap3A_568 = arith.constant 2 : i32
        %swap3A_569 = arith.index_cast %swap3A_568 : i32 to index
        %swap3A_570 = arith.index_cast %add3A_567 : i32 to index
        %swap3A_571 = arith.constant 80 : index
        %swap3A_572 = tpu.vector_load %arg6[%swap3A_569, %swap3A_570, %swap3A_571] {strides = array<i32>} : memref<5x40x128xf32, #tpu.memory_space<vmem>>, vector<1x1x16xf32>,
        %swap3A_573 = vector.shape_cast %swap3A_572 : vector<1x1x16xf32> to vector<16xf32>
        %swap3A_574 = vector.shape_cast %exp3A_565 : vector<16xf32> to vector<1x1x16xf32>
        tpu.vector_store %arg6[%swap3A_569, %swap3A_570, %swap3A_571], %swap3A_574 {strides = array<i32>} : memref<5x40x128xf32, #tpu.memory_space<vmem>>, vector<1x1x16xf32>,
        %add3A_575 = arith.constant 0 : i32
        %add3A_576 = arith.addi %mul3A_469, %add3A_575 : i32
        %get3A_577 = arith.constant 2 : i32
        %get3A_578 = arith.index_cast %get3A_577 : i32 to index
        %get3A_579 = arith.index_cast %add3A_576 : i32 to index
        %get3A_580 = arith.constant 96 : index
        %get3A_581 = tpu.vector_load %arg6[%get3A_578, %get3A_579, %get3A_580] {strides = array<i32>} : memref<5x40x128xf32, #tpu.memory_space<vmem>>, vector<1x1x16xf32>,
        %get3A_582 = vector.shape_cast %get3A_581 : vector<1x1x16xf32> to vector<16xf32>
        %exp3A_583 = math.exp %get3A_582 : vector<16xf32>
        %add3A_584 = arith.constant 0 : i32
        %add3A_585 = arith.addi %mul3A_469, %add3A_584 : i32
        %swap3A_586 = arith.constant 2 : i32
        %swap3A_587 = arith.index_cast %swap3A_586 : i32 to index
        %swap3A_588 = arith.index_cast %add3A_585 : i32 to index
        %swap3A_589 = arith.constant 96 : index
        %swap3A_590 = tpu.vector_load %arg6[%swap3A_587, %swap3A_588, %swap3A_589] {strides = array<i32>} : memref<5x40x128xf32, #tpu.memory_space<vmem>>, vector<1x1x16xf32>,
        %swap3A_591 = vector.shape_cast %swap3A_590 : vector<1x1x16xf32> to vector<16xf32>
        %swap3A_592 = vector.shape_cast %exp3A_583 : vector<16xf32> to vector<1x1x16xf32>
        tpu.vector_store %arg6[%swap3A_587, %swap3A_588, %swap3A_589], %swap3A_592 {strides = array<i32>} : memref<5x40x128xf32, #tpu.memory_space<vmem>>, vector<1x1x16xf32>,
        %add3A_593 = arith.constant 0 : i32
        %add3A_594 = arith.addi %mul3A_469, %add3A_593 : i32
        %get3A_595 = arith.constant 2 : i32
        %get3A_596 = arith.index_cast %get3A_595 : i32 to index
        %get3A_597 = arith.index_cast %add3A_594 : i32 to index
        %get3A_598 = arith.constant 112 : index
        %get3A_599 = tpu.vector_load %arg6[%get3A_596, %get3A_597, %get3A_598] {strides = array<i32>} : memref<5x40x128xf32, #tpu.memory_space<vmem>>, vector<1x1x16xf32>,
        %get3A_600 = vector.shape_cast %get3A_599 : vector<1x1x16xf32> to vector<16xf32>
        %exp3A_601 = math.exp %get3A_600 : vector<16xf32>
        %add3A_602 = arith.constant 0 : i32
        %add3A_603 = arith.addi %mul3A_469, %add3A_602 : i32
        %swap3A_604 = arith.constant 2 : i32
        %swap3A_605 = arith.index_cast %swap3A_604 : i32 to index
        %swap3A_606 = arith.index_cast %add3A_603 : i32 to index
        %swap3A_607 = arith.constant 112 : index
        %swap3A_608 = tpu.vector_load %arg6[%swap3A_605, %swap3A_606, %swap3A_607] {strides = array<i32>} : memref<5x40x128xf32, #tpu.memory_space<vmem>>, vector<1x1x16xf32>,
        %swap3A_609 = vector.shape_cast %swap3A_608 : vector<1x1x16xf32> to vector<16xf32>
        %swap3A_610 = vector.shape_cast %exp3A_601 : vector<16xf32> to vector<1x1x16xf32>
        tpu.vector_store %arg6[%swap3A_605, %swap3A_606, %swap3A_607], %swap3A_610 {strides = array<i32>} : memref<5x40x128xf32, #tpu.memory_space<vmem>>, vector<1x1x16xf32>,
        %add3A_611 = arith.constant 1 : i32
        %add3A_612 = arith.addi %mul3A_469, %add3A_611 : i32
        %get3A_613 = arith.constant 2 : i32
        %get3A_614 = arith.index_cast %get3A_613 : i32 to index
        %get3A_615 = arith.index_cast %add3A_612 : i32 to index
        %get3A_616 = arith.constant 0 : index
        %get3A_617 = tpu.vector_load %arg6[%get3A_614, %get3A_615, %get3A_616] {strides = array<i32>} : memref<5x40x128xf32, #tpu.memory_space<vmem>>, vector<1x1x16xf32>,
        %get3A_618 = vector.shape_cast %get3A_617 : vector<1x1x16xf32> to vector<16xf32>
        %exp3A_619 = math.exp %get3A_618 : vector<16xf32>
        %add3A_620 = arith.constant 1 : i32
        %add3A_621 = arith.addi %mul3A_469, %add3A_620 : i32
        %swap3A_622 = arith.constant 2 : i32
        %swap3A_623 = arith.index_cast %swap3A_622 : i32 to index
        %swap3A_624 = arith.index_cast %add3A_621 : i32 to index
        %swap3A_625 = arith.constant 0 : index
        %swap3A_626 = tpu.vector_load %arg6[%swap3A_623, %swap3A_624, %swap3A_625] {strides = array<i32>} : memref<5x40x128xf32, #tpu.memory_space<vmem>>, vector<1x1x16xf32>,
        %swap3A_627 = vector.shape_cast %swap3A_626 : vector<1x1x16xf32> to vector<16xf32>
        %swap3A_628 = vector.shape_cast %exp3A_619 : vector<16xf32> to vector<1x1x16xf32>
        tpu.vector_store %arg6[%swap3A_623, %swap3A_624, %swap3A_625], %swap3A_628 {strides = array<i32>} : memref<5x40x128xf32, #tpu.memory_space<vmem>>, vector<1x1x16xf32>,
        %add3A_629 = arith.constant 1 : i32
        %add3A_630 = arith.addi %mul3A_469, %add3A_629 : i32
        %get3A_631 = arith.constant 2 : i32
        %get3A_632 = arith.index_cast %get3A_631 : i32 to index
        %get3A_633 = arith.index_cast %add3A_630 : i32 to index
        %get3A_634 = arith.constant 16 : index
        %get3A_635 = tpu.vector_load %arg6[%get3A_632, %get3A_633, %get3A_634] {strides = array<i32>} : memref<5x40x128xf32, #tpu.memory_space<vmem>>, vector<1x1x16xf32>,
        %get3A_636 = vector.shape_cast %get3A_635 : vector<1x1x16xf32> to vector<16xf32>
        %exp3A_637 = math.exp %get3A_636 : vector<16xf32>
        %add3A_638 = arith.constant 1 : i32
        %add3A_639 = arith.addi %mul3A_469, %add3A_638 : i32
        %swap3A_640 = arith.constant 2 : i32
        %swap3A_641 = arith.index_cast %swap3A_640 : i32 to index
        %swap3A_642 = arith.index_cast %add3A_639 : i32 to index
        %swap3A_643 = arith.constant 16 : index
        %swap3A_644 = tpu.vector_load %arg6[%swap3A_641, %swap3A_642, %swap3A_643] {strides = array<i32>} : memref<5x40x128xf32, #tpu.memory_space<vmem>>, vector<1x1x16xf32>,
        %swap3A_645 = vector.shape_cast %swap3A_644 : vector<1x1x16xf32> to vector<16xf32>
        %swap3A_646 = vector.shape_cast %exp3A_637 : vector<16xf32> to vector<1x1x16xf32>
        tpu.vector_store %arg6[%swap3A_641, %swap3A_642, %swap3A_643], %swap3A_646 {strides = array<i32>} : memref<5x40x128xf32, #tpu.memory_space<vmem>>, vector<1x1x16xf32>,
        %add3A_647 = arith.constant 1 : i32
        %add3A_648 = arith.addi %mul3A_469, %add3A_647 : i32
        %get3A_649 = arith.constant 2 : i32
        %get3A_650 = arith.index_cast %get3A_649 : i32 to index
        %get3A_651 = arith.index_cast %add3A_648 : i32 to index
        %get3A_652 = arith.constant 32 : index
        %get3A_653 = tpu.vector_load %arg6[%get3A_650, %get3A_651, %get3A_652] {strides = array<i32>} : memref<5x40x128xf32, #tpu.memory_space<vmem>>, vector<1x1x16xf32>,
        %get3A_654 = vector.shape_cast %get3A_653 : vector<1x1x16xf32> to vector<16xf32>
        %exp3A_655 = math.exp %get3A_654 : vector<16xf32>
        %add3A_656 = arith.constant 1 : i32
        %add3A_657 = arith.addi %mul3A_469, %add3A_656 : i32
        %swap3A_658 = arith.constant 2 : i32
        %swap3A_659 = arith.index_cast %swap3A_658 : i32 to index
        %swap3A_660 = arith.index_cast %add3A_657 : i32 to index
        %swap3A_661 = arith.constant 32 : index
        %swap3A_662 = tpu.vector_load %arg6[%swap3A_659, %swap3A_660, %swap3A_661] {strides = array<i32>} : memref<5x40x128xf32, #tpu.memory_space<vmem>>, vector<1x1x16xf32>,
        %swap3A_663 = vector.shape_cast %swap3A_662 : vector<1x1x16xf32> to vector<16xf32>
        %swap3A_664 = vector.shape_cast %exp3A_655 : vector<16xf32> to vector<1x1x16xf32>
        tpu.vector_store %arg6[%swap3A_659, %swap3A_660, %swap3A_661], %swap3A_664 {strides = array<i32>} : memref<5x40x128xf32, #tpu.memory_space<vmem>>, vector<1x1x16xf32>,
        %add3A_665 = arith.constant 1 : i32
        %add3A_666 = arith.addi %mul3A_469, %add3A_665 : i32
        %get3A_667 = arith.constant 2 : i32
        %get3A_668 = arith.index_cast %get3A_667 : i32 to index
        %get3A_669 = arith.index_cast %add3A_666 : i32 to index
        %get3A_670 = arith.constant 48 : index
        %get3A_671 = tpu.vector_load %arg6[%get3A_668, %get3A_669, %get3A_670] {strides = array<i32>} : memref<5x40x128xf32, #tpu.memory_space<vmem>>, vector<1x1x16xf32>,
        %get3A_672 = vector.shape_cast %get3A_671 : vector<1x1x16xf32> to vector<16xf32>
        %exp3A_673 = math.exp %get3A_672 : vector<16xf32>
        %add3A_674 = arith.constant 1 : i32
        %add3A_675 = arith.addi %mul3A_469, %add3A_674 : i32
        %swap3A_676 = arith.constant 2 : i32
        %swap3A_677 = arith.index_cast %swap3A_676 : i32 to index
        %swap3A_678 = arith.index_cast %add3A_675 : i32 to index
        %swap3A_679 = arith.constant 48 : index
        %swap3A_680 = tpu.vector_load %arg6[%swap3A_677, %swap3A_678, %swap3A_679] {strides = array<i32>} : memref<5x40x128xf32, #tpu.memory_space<vmem>>, vector<1x1x16xf32>,
        %swap3A_681 = vector.shape_cast %swap3A_680 : vector<1x1x16xf32> to vector<16xf32>
        %swap3A_682 = vector.shape_cast %exp3A_673 : vector<16xf32> to vector<1x1x16xf32>
        tpu.vector_store %arg6[%swap3A_677, %swap3A_678, %swap3A_679], %swap3A_682 {strides = array<i32>} : memref<5x40x128xf32, #tpu.memory_space<vmem>>, vector<1x1x16xf32>,
        %add3A_683 = arith.constant 1 : i32
        %add3A_684 = arith.addi %mul3A_469, %add3A_683 : i32
        %get3A_685 = arith.constant 2 : i32
        %get3A_686 = arith.index_cast %get3A_685 : i32 to index
        %get3A_687 = arith.index_cast %add3A_684 : i32 to index
        %get3A_688 = arith.constant 64 : index
        %get3A_689 = tpu.vector_load %arg6[%get3A_686, %get3A_687, %get3A_688] {strides = array<i32>} : memref<5x40x128xf32, #tpu.memory_space<vmem>>, vector<1x1x16xf32>,
        %get3A_690 = vector.shape_cast %get3A_689 : vector<1x1x16xf32> to vector<16xf32>
        %exp3A_691 = math.exp %get3A_690 : vector<16xf32>
        %add3A_692 = arith.constant 1 : i32
        %add3A_693 = arith.addi %mul3A_469, %add3A_692 : i32
        %swap3A_694 = arith.constant 2 : i32
        %swap3A_695 = arith.index_cast %swap3A_694 : i32 to index
        %swap3A_696 = arith.index_cast %add3A_693 : i32 to index
        %swap3A_697 = arith.constant 64 : index
        %swap3A_698 = tpu.vector_load %arg6[%swap3A_695, %swap3A_696, %swap3A_697] {strides = array<i32>} : memref<5x40x128xf32, #tpu.memory_space<vmem>>, vector<1x1x16xf32>,
        %swap3A_699 = vector.shape_cast %swap3A_698 : vector<1x1x16xf32> to vector<16xf32>
        %swap3A_700 = vector.shape_cast %exp3A_691 : vector<16xf32> to vector<1x1x16xf32>
        tpu.vector_store %arg6[%swap3A_695, %swap3A_696, %swap3A_697], %swap3A_700 {strides = array<i32>} : memref<5x40x128xf32, #tpu.memory_space<vmem>>, vector<1x1x16xf32>,
        %add3A_701 = arith.constant 1 : i32
        %add3A_702 = arith.addi %mul3A_469, %add3A_701 : i32
        %get3A_703 = arith.constant 2 : i32
        %get3A_704 = arith.index_cast %get3A_703 : i32 to index
        %get3A_705 = arith.index_cast %add3A_702 : i32 to index
        %get3A_706 = arith.constant 80 : index
        %get3A_707 = tpu.vector_load %arg6[%get3A_704, %get3A_705, %get3A_706] {strides = array<i32>} : memref<5x40x128xf32, #tpu.memory_space<vmem>>, vector<1x1x16xf32>,
        %get3A_708 = vector.shape_cast %get3A_707 : vector<1x1x16xf32> to vector<16xf32>
        %exp3A_709 = math.exp %get3A_708 : vector<16xf32>
        %add3A_710 = arith.constant 1 : i32
        %add3A_711 = arith.addi %mul3A_469, %add3A_710 : i32
        %swap3A_712 = arith.constant 2 : i32
        %swap3A_713 = arith.index_cast %swap3A_712 : i32 to index
        %swap3A_714 = arith.index_cast %add3A_711 : i32 to index
        %swap3A_715 = arith.constant 80 : index
        %swap3A_716 = tpu.vector_load %arg6[%swap3A_713, %swap3A_714, %swap3A_715] {strides = array<i32>} : memref<5x40x128xf32, #tpu.memory_space<vmem>>, vector<1x1x16xf32>,
        %swap3A_717 = vector.shape_cast %swap3A_716 : vector<1x1x16xf32> to vector<16xf32>
        %swap3A_718 = vector.shape_cast %exp3A_709 : vector<16xf32> to vector<1x1x16xf32>
        tpu.vector_store %arg6[%swap3A_713, %swap3A_714, %swap3A_715], %swap3A_718 {strides = array<i32>} : memref<5x40x128xf32, #tpu.memory_space<vmem>>, vector<1x1x16xf32>,
        %add3A_719 = arith.constant 1 : i32
        %add3A_720 = arith.addi %mul3A_469, %add3A_719 : i32
        %get3A_721 = arith.constant 2 : i32
        %get3A_722 = arith.index_cast %get3A_721 : i32 to index
        %get3A_723 = arith.index_cast %add3A_720 : i32 to index
        %get3A_724 = arith.constant 96 : index
        %get3A_725 = tpu.vector_load %arg6[%get3A_722, %get3A_723, %get3A_724] {strides = array<i32>} : memref<5x40x128xf32, #tpu.memory_space<vmem>>, vector<1x1x16xf32>,
        %get3A_726 = vector.shape_cast %get3A_725 : vector<1x1x16xf32> to vector<16xf32>
        %exp3A_727 = math.exp %get3A_726 : vector<16xf32>
        %add3A_728 = arith.constant 1 : i32
        %add3A_729 = arith.addi %mul3A_469, %add3A_728 : i32
        %swap3A_730 = arith.constant 2 : i32
        %swap3A_731 = arith.index_cast %swap3A_730 : i32 to index
        %swap3A_732 = arith.index_cast %add3A_729 : i32 to index
        %swap3A_733 = arith.constant 96 : index
        %swap3A_734 = tpu.vector_load %arg6[%swap3A_731, %swap3A_732, %swap3A_733] {strides = array<i32>} : memref<5x40x128xf32, #tpu.memory_space<vmem>>, vector<1x1x16xf32>,
        %swap3A_735 = vector.shape_cast %swap3A_734 : vector<1x1x16xf32> to vector<16xf32>
        %swap3A_736 = vector.shape_cast %exp3A_727 : vector<16xf32> to vector<1x1x16xf32>
        tpu.vector_store %arg6[%swap3A_731, %swap3A_732, %swap3A_733], %swap3A_736 {strides = array<i32>} : memref<5x40x128xf32, #tpu.memory_space<vmem>>, vector<1x1x16xf32>,
        %add3A_737 = arith.constant 1 : i32
        %add3A_738 = arith.addi %mul3A_469, %add3A_737 : i32
        %get3A_739 = arith.constant 2 : i32
        %get3A_740 = arith.index_cast %get3A_739 : i32 to index
        %get3A_741 = arith.index_cast %add3A_738 : i32 to index
        %get3A_742 = arith.constant 112 : index
        %get3A_743 = tpu.vector_load %arg6[%get3A_740, %get3A_741, %get3A_742] {strides = array<i32>} : memref<5x40x128xf32, #tpu.memory_space<vmem>>, vector<1x1x16xf32>,
        %get3A_744 = vector.shape_cast %get3A_743 : vector<1x1x16xf32> to vector<16xf32>
        %exp3A_745 = math.exp %get3A_744 : vector<16xf32>
        %add3A_746 = arith.constant 1 : i32
        %add3A_747 = arith.addi %mul3A_469, %add3A_746 : i32
        %swap3A_748 = arith.constant 2 : i32
        %swap3A_749 = arith.index_cast %swap3A_748 : i32 to index
        %swap3A_750 = arith.index_cast %add3A_747 : i32 to index
        %swap3A_751 = arith.constant 112 : index
        %swap3A_752 = tpu.vector_load %arg6[%swap3A_749, %swap3A_750, %swap3A_751] {strides = array<i32>} : memref<5x40x128xf32, #tpu.memory_space<vmem>>, vector<1x1x16xf32>,
        %swap3A_753 = vector.shape_cast %swap3A_752 : vector<1x1x16xf32> to vector<16xf32>
        %swap3A_754 = vector.shape_cast %exp3A_745 : vector<16xf32> to vector<1x1x16xf32>
        tpu.vector_store %arg6[%swap3A_749, %swap3A_750, %swap3A_751], %swap3A_754 {strides = array<i32>} : memref<5x40x128xf32, #tpu.memory_space<vmem>>, vector<1x1x16xf32>,
        %add3A_755 = arith.constant 2 : i32
        %add3A_756 = arith.addi %mul3A_469, %add3A_755 : i32
        %get3A_757 = arith.constant 2 : i32
        %get3A_758 = arith.index_cast %get3A_757 : i32 to index
        %get3A_759 = arith.index_cast %add3A_756 : i32 to index
        %get3A_760 = arith.constant 0 : index
        %get3A_761 = tpu.vector_load %arg6[%get3A_758, %get3A_759, %get3A_760] {strides = array<i32>} : memref<5x40x128xf32, #tpu.memory_space<vmem>>, vector<1x1x16xf32>,
        %get3A_762 = vector.shape_cast %get3A_761 : vector<1x1x16xf32> to vector<16xf32>
        %exp3A_763 = math.exp %get3A_762 : vector<16xf32>
        %add3A_764 = arith.constant 2 : i32
        %add3A_765 = arith.addi %mul3A_469, %add3A_764 : i32
        %swap3A_766 = arith.constant 2 : i32
        %swap3A_767 = arith.index_cast %swap3A_766 : i32 to index
        %swap3A_768 = arith.index_cast %add3A_765 : i32 to index
        %swap3A_769 = arith.constant 0 : index
        %swap3A_770 = tpu.vector_load %arg6[%swap3A_767, %swap3A_768, %swap3A_769] {strides = array<i32>} : memref<5x40x128xf32, #tpu.memory_space<vmem>>, vector<1x1x16xf32>,
        %swap3A_771 = vector.shape_cast %swap3A_770 : vector<1x1x16xf32> to vector<16xf32>
        %swap3A_772 = vector.shape_cast %exp3A_763 : vector<16xf32> to vector<1x1x16xf32>
        tpu.vector_store %arg6[%swap3A_767, %swap3A_768, %swap3A_769], %swap3A_772 {strides = array<i32>} : memref<5x40x128xf32, #tpu.memory_space<vmem>>, vector<1x1x16xf32>,
        %add3A_773 = arith.constant 2 : i32
        %add3A_774 = arith.addi %mul3A_469, %add3A_773 : i32
        %get3A_775 = arith.constant 2 : i32
        %get3A_776 = arith.index_cast %get3A_775 : i32 to index
        %get3A_777 = arith.index_cast %add3A_774 : i32 to index
        %get3A_778 = arith.constant 16 : index
        %get3A_779 = tpu.vector_load %arg6[%get3A_776, %get3A_777, %get3A_778] {strides = array<i32>} : memref<5x40x128xf32, #tpu.memory_space<vmem>>, vector<1x1x16xf32>,
        %get3A_780 = vector.shape_cast %get3A_779 : vector<1x1x16xf32> to vector<16xf32>
        %exp3A_781 = math.exp %get3A_780 : vector<16xf32>
        %add3A_782 = arith.constant 2 : i32
        %add3A_783 = arith.addi %mul3A_469, %add3A_782 : i32
        %swap3A_784 = arith.constant 2 : i32
        %swap3A_785 = arith.index_cast %swap3A_784 : i32 to index
        %swap3A_786 = arith.index_cast %add3A_783 : i32 to index
        %swap3A_787 = arith.constant 16 : index
        %swap3A_788 = tpu.vector_load %arg6[%swap3A_785, %swap3A_786, %swap3A_787] {strides = array<i32>} : memref<5x40x128xf32, #tpu.memory_space<vmem>>, vector<1x1x16xf32>,
        %swap3A_789 = vector.shape_cast %swap3A_788 : vector<1x1x16xf32> to vector<16xf32>
        %swap3A_790 = vector.shape_cast %exp3A_781 : vector<16xf32> to vector<1x1x16xf32>
        tpu.vector_store %arg6[%swap3A_785, %swap3A_786, %swap3A_787], %swap3A_790 {strides = array<i32>} : memref<5x40x128xf32, #tpu.memory_space<vmem>>, vector<1x1x16xf32>,
        %add3A_791 = arith.constant 2 : i32
        %add3A_792 = arith.addi %mul3A_469, %add3A_791 : i32
        %get3A_793 = arith.constant 2 : i32
        %get3A_794 = arith.index_cast %get3A_793 : i32 to index
        %get3A_795 = arith.index_cast %add3A_792 : i32 to index
        %get3A_796 = arith.constant 32 : index
        %get3A_797 = tpu.vector_load %arg6[%get3A_794, %get3A_795, %get3A_796] {strides = array<i32>} : memref<5x40x128xf32, #tpu.memory_space<vmem>>, vector<1x1x16xf32>,
        %get3A_798 = vector.shape_cast %get3A_797 : vector<1x1x16xf32> to vector<16xf32>
        %exp3A_799 = math.exp %get3A_798 : vector<16xf32>
        %add3A_800 = arith.constant 2 : i32
        %add3A_801 = arith.addi %mul3A_469, %add3A_800 : i32
        %swap3A_802 = arith.constant 2 : i32
        %swap3A_803 = arith.index_cast %swap3A_802 : i32 to index
        %swap3A_804 = arith.index_cast %add3A_801 : i32 to index
        %swap3A_805 = arith.constant 32 : index
        %swap3A_806 = tpu.vector_load %arg6[%swap3A_803, %swap3A_804, %swap3A_805] {strides = array<i32>} : memref<5x40x128xf32, #tpu.memory_space<vmem>>, vector<1x1x16xf32>,
        %swap3A_807 = vector.shape_cast %swap3A_806 : vector<1x1x16xf32> to vector<16xf32>
        %swap3A_808 = vector.shape_cast %exp3A_799 : vector<16xf32> to vector<1x1x16xf32>
        tpu.vector_store %arg6[%swap3A_803, %swap3A_804, %swap3A_805], %swap3A_808 {strides = array<i32>} : memref<5x40x128xf32, #tpu.memory_space<vmem>>, vector<1x1x16xf32>,
        %add3A_809 = arith.constant 2 : i32
        %add3A_810 = arith.addi %mul3A_469, %add3A_809 : i32
        %get3A_811 = arith.constant 2 : i32
        %get3A_812 = arith.index_cast %get3A_811 : i32 to index
        %get3A_813 = arith.index_cast %add3A_810 : i32 to index
        %get3A_814 = arith.constant 48 : index
        %get3A_815 = tpu.vector_load %arg6[%get3A_812, %get3A_813, %get3A_814] {strides = array<i32>} : memref<5x40x128xf32, #tpu.memory_space<vmem>>, vector<1x1x16xf32>,
        %get3A_816 = vector.shape_cast %get3A_815 : vector<1x1x16xf32> to vector<16xf32>
        %exp3A_817 = math.exp %get3A_816 : vector<16xf32>
        %add3A_818 = arith.constant 2 : i32
        %add3A_819 = arith.addi %mul3A_469, %add3A_818 : i32
        %swap3A_820 = arith.constant 2 : i32
        %swap3A_821 = arith.index_cast %swap3A_820 : i32 to index
        %swap3A_822 = arith.index_cast %add3A_819 : i32 to index
        %swap3A_823 = arith.constant 48 : index
        %swap3A_824 = tpu.vector_load %arg6[%swap3A_821, %swap3A_822, %swap3A_823] {strides = array<i32>} : memref<5x40x128xf32, #tpu.memory_space<vmem>>, vector<1x1x16xf32>,
        %swap3A_825 = vector.shape_cast %swap3A_824 : vector<1x1x16xf32> to vector<16xf32>
        %swap3A_826 = vector.shape_cast %exp3A_817 : vector<16xf32> to vector<1x1x16xf32>
        tpu.vector_store %arg6[%swap3A_821, %swap3A_822, %swap3A_823], %swap3A_826 {strides = array<i32>} : memref<5x40x128xf32, #tpu.memory_space<vmem>>, vector<1x1x16xf32>,
        %add3A_827 = arith.constant 2 : i32
        %add3A_828 = arith.addi %mul3A_469, %add3A_827 : i32
        %get3A_829 = arith.constant 2 : i32
        %get3A_830 = arith.index_cast %get3A_829 : i32 to index
        %get3A_831 = arith.index_cast %add3A_828 : i32 to index
        %get3A_832 = arith.constant 64 : index
        %get3A_833 = tpu.vector_load %arg6[%get3A_830, %get3A_831, %get3A_832] {strides = array<i32>} : memref<5x40x128xf32, #tpu.memory_space<vmem>>, vector<1x1x16xf32>,
        %get3A_834 = vector.shape_cast %get3A_833 : vector<1x1x16xf32> to vector<16xf32>
        %exp3A_835 = math.exp %get3A_834 : vector<16xf32>
        %add3A_836 = arith.constant 2 : i32
        %add3A_837 = arith.addi %mul3A_469, %add3A_836 : i32
        %swap3A_838 = arith.constant 2 : i32
        %swap3A_839 = arith.index_cast %swap3A_838 : i32 to index
        %swap3A_840 = arith.index_cast %add3A_837 : i32 to index
        %swap3A_841 = arith.constant 64 : index
        %swap3A_842 = tpu.vector_load %arg6[%swap3A_839, %swap3A_840, %swap3A_841] {strides = array<i32>} : memref<5x40x128xf32, #tpu.memory_space<vmem>>, vector<1x1x16xf32>,
        %swap3A_843 = vector.shape_cast %swap3A_842 : vector<1x1x16xf32> to vector<16xf32>
        %swap3A_844 = vector.shape_cast %exp3A_835 : vector<16xf32> to vector<1x1x16xf32>
        tpu.vector_store %arg6[%swap3A_839, %swap3A_840, %swap3A_841], %swap3A_844 {strides = array<i32>} : memref<5x40x128xf32, #tpu.memory_space<vmem>>, vector<1x1x16xf32>,
        %add3A_845 = arith.constant 2 : i32
        %add3A_846 = arith.addi %mul3A_469, %add3A_845 : i32
        %get3A_847 = arith.constant 2 : i32
        %get3A_848 = arith.index_cast %get3A_847 : i32 to index
        %get3A_849 = arith.index_cast %add3A_846 : i32 to index
        %get3A_850 = arith.constant 80 : index
        %get3A_851 = tpu.vector_load %arg6[%get3A_848, %get3A_849, %get3A_850] {strides = array<i32>} : memref<5x40x128xf32, #tpu.memory_space<vmem>>, vector<1x1x16xf32>,
        %get3A_852 = vector.shape_cast %get3A_851 : vector<1x1x16xf32> to vector<16xf32>
        %exp3A_853 = math.exp %get3A_852 : vector<16xf32>
        %add3A_854 = arith.constant 2 : i32
        %add3A_855 = arith.addi %mul3A_469, %add3A_854 : i32
        %swap3A_856 = arith.constant 2 : i32
        %swap3A_857 = arith.index_cast %swap3A_856 : i32 to index
        %swap3A_858 = arith.index_cast %add3A_855 : i32 to index
        %swap3A_859 = arith.constant 80 : index
        %swap3A_860 = tpu.vector_load %arg6[%swap3A_857, %swap3A_858, %swap3A_859] {strides = array<i32>} : memref<5x40x128xf32, #tpu.memory_space<vmem>>, vector<1x1x16xf32>,
        %swap3A_861 = vector.shape_cast %swap3A_860 : vector<1x1x16xf32> to vector<16xf32>
        %swap3A_862 = vector.shape_cast %exp3A_853 : vector<16xf32> to vector<1x1x16xf32>
        tpu.vector_store %arg6[%swap3A_857, %swap3A_858, %swap3A_859], %swap3A_862 {strides = array<i32>} : memref<5x40x128xf32, #tpu.memory_space<vmem>>, vector<1x1x16xf32>,
        %add3A_863 = arith.constant 2 : i32
        %add3A_864 = arith.addi %mul3A_469, %add3A_863 : i32
        %get3A_865 = arith.constant 2 : i32
        %get3A_866 = arith.index_cast %get3A_865 : i32 to index
        %get3A_867 = arith.index_cast %add3A_864 : i32 to index
        %get3A_868 = arith.constant 96 : index
        %get3A_869 = tpu.vector_load %arg6[%get3A_866, %get3A_867, %get3A_868] {strides = array<i32>} : memref<5x40x128xf32, #tpu.memory_space<vmem>>, vector<1x1x16xf32>,
        %get3A_870 = vector.shape_cast %get3A_869 : vector<1x1x16xf32> to vector<16xf32>
        %exp3A_871 = math.exp %get3A_870 : vector<16xf32>
        %add3A_872 = arith.constant 2 : i32
        %add3A_873 = arith.addi %mul3A_469, %add3A_872 : i32
        %swap3A_874 = arith.constant 2 : i32
        %swap3A_875 = arith.index_cast %swap3A_874 : i32 to index
        %swap3A_876 = arith.index_cast %add3A_873 : i32 to index
        %swap3A_877 = arith.constant 96 : index
        %swap3A_878 = tpu.vector_load %arg6[%swap3A_875, %swap3A_876, %swap3A_877] {strides = array<i32>} : memref<5x40x128xf32, #tpu.memory_space<vmem>>, vector<1x1x16xf32>,
        %swap3A_879 = vector.shape_cast %swap3A_878 : vector<1x1x16xf32> to vector<16xf32>
        %swap3A_880 = vector.shape_cast %exp3A_871 : vector<16xf32> to vector<1x1x16xf32>
        tpu.vector_store %arg6[%swap3A_875, %swap3A_876, %swap3A_877], %swap3A_880 {strides = array<i32>} : memref<5x40x128xf32, #tpu.memory_space<vmem>>, vector<1x1x16xf32>,
        %add3A_881 = arith.constant 2 : i32
        %add3A_882 = arith.addi %mul3A_469, %add3A_881 : i32
        %get3A_883 = arith.constant 2 : i32
        %get3A_884 = arith.index_cast %get3A_883 : i32 to index
        %get3A_885 = arith.index_cast %add3A_882 : i32 to index
        %get3A_886 = arith.constant 112 : index
        %get3A_887 = tpu.vector_load %arg6[%get3A_884, %get3A_885, %get3A_886] {strides = array<i32>} : memref<5x40x128xf32, #tpu.memory_space<vmem>>, vector<1x1x16xf32>,
        %get3A_888 = vector.shape_cast %get3A_887 : vector<1x1x16xf32> to vector<16xf32>
        %exp3A_889 = math.exp %get3A_888 : vector<16xf32>
        %add3A_890 = arith.constant 2 : i32
        %add3A_891 = arith.addi %mul3A_469, %add3A_890 : i32
        %swap3A_892 = arith.constant 2 : i32
        %swap3A_893 = arith.index_cast %swap3A_892 : i32 to index
        %swap3A_894 = arith.index_cast %add3A_891 : i32 to index
        %swap3A_895 = arith.constant 112 : index
        %swap3A_896 = tpu.vector_load %arg6[%swap3A_893, %swap3A_894, %swap3A_895] {strides = array<i32>} : memref<5x40x128xf32, #tpu.memory_space<vmem>>, vector<1x1x16xf32>,
        %swap3A_897 = vector.shape_cast %swap3A_896 : vector<1x1x16xf32> to vector<16xf32>
        %swap3A_898 = vector.shape_cast %exp3A_889 : vector<16xf32> to vector<1x1x16xf32>
        tpu.vector_store %arg6[%swap3A_893, %swap3A_894, %swap3A_895], %swap3A_898 {strides = array<i32>} : memref<5x40x128xf32, #tpu.memory_space<vmem>>, vector<1x1x16xf32>,
        %add3A_899 = arith.constant 3 : i32
        %add3A_900 = arith.addi %mul3A_469, %add3A_899 : i32
        %get3A_901 = arith.constant 2 : i32
        %get3A_902 = arith.index_cast %get3A_901 : i32 to index
        %get3A_903 = arith.index_cast %add3A_900 : i32 to index
        %get3A_904 = arith.constant 0 : index
        %get3A_905 = tpu.vector_load %arg6[%get3A_902, %get3A_903, %get3A_904] {strides = array<i32>} : memref<5x40x128xf32, #tpu.memory_space<vmem>>, vector<1x1x16xf32>,
        %get3A_906 = vector.shape_cast %get3A_905 : vector<1x1x16xf32> to vector<16xf32>
        %exp3A_907 = math.exp %get3A_906 : vector<16xf32>
        %add3A_908 = arith.constant 3 : i32
        %add3A_909 = arith.addi %mul3A_469, %add3A_908 : i32
        %swap3A_910 = arith.constant 2 : i32
        %swap3A_911 = arith.index_cast %swap3A_910 : i32 to index
        %swap3A_912 = arith.index_cast %add3A_909 : i32 to index
        %swap3A_913 = arith.constant 0 : index
        %swap3A_914 = tpu.vector_load %arg6[%swap3A_911, %swap3A_912, %swap3A_913] {strides = array<i32>} : memref<5x40x128xf32, #tpu.memory_space<vmem>>, vector<1x1x16xf32>,
        %swap3A_915 = vector.shape_cast %swap3A_914 : vector<1x1x16xf32> to vector<16xf32>
        %swap3A_916 = vector.shape_cast %exp3A_907 : vector<16xf32> to vector<1x1x16xf32>
        tpu.vector_store %arg6[%swap3A_911, %swap3A_912, %swap3A_913], %swap3A_916 {strides = array<i32>} : memref<5x40x128xf32, #tpu.memory_space<vmem>>, vector<1x1x16xf32>,
        %add3A_917 = arith.constant 3 : i32
        %add3A_918 = arith.addi %mul3A_469, %add3A_917 : i32
        %get3A_919 = arith.constant 2 : i32
        %get3A_920 = arith.index_cast %get3A_919 : i32 to index
        %get3A_921 = arith.index_cast %add3A_918 : i32 to index
        %get3A_922 = arith.constant 16 : index
        %get3A_923 = tpu.vector_load %arg6[%get3A_920, %get3A_921, %get3A_922] {strides = array<i32>} : memref<5x40x128xf32, #tpu.memory_space<vmem>>, vector<1x1x16xf32>,
        %get3A_924 = vector.shape_cast %get3A_923 : vector<1x1x16xf32> to vector<16xf32>
        %exp3A_925 = math.exp %get3A_924 : vector<16xf32>
        %add3A_926 = arith.constant 3 : i32
        %add3A_927 = arith.addi %mul3A_469, %add3A_926 : i32
        %swap3A_928 = arith.constant 2 : i32
        %swap3A_929 = arith.index_cast %swap3A_928 : i32 to index
        %swap3A_930 = arith.index_cast %add3A_927 : i32 to index
        %swap3A_931 = arith.constant 16 : index
        %swap3A_932 = tpu.vector_load %arg6[%swap3A_929, %swap3A_930, %swap3A_931] {strides = array<i32>} : memref<5x40x128xf32, #tpu.memory_space<vmem>>, vector<1x1x16xf32>,
        %swap3A_933 = vector.shape_cast %swap3A_932 : vector<1x1x16xf32> to vector<16xf32>
        %swap3A_934 = vector.shape_cast %exp3A_925 : vector<16xf32> to vector<1x1x16xf32>
        tpu.vector_store %arg6[%swap3A_929, %swap3A_930, %swap3A_931], %swap3A_934 {strides = array<i32>} : memref<5x40x128xf32, #tpu.memory_space<vmem>>, vector<1x1x16xf32>,
        %add3A_935 = arith.constant 3 : i32
        %add3A_936 = arith.addi %mul3A_469, %add3A_935 : i32
        %get3A_937 = arith.constant 2 : i32
        %get3A_938 = arith.index_cast %get3A_937 : i32 to index
        %get3A_939 = arith.index_cast %add3A_936 : i32 to index
        %get3A_940 = arith.constant 32 : index
        %get3A_941 = tpu.vector_load %arg6[%get3A_938, %get3A_939, %get3A_940] {strides = array<i32>} : memref<5x40x128xf32, #tpu.memory_space<vmem>>, vector<1x1x16xf32>,
        %get3A_942 = vector.shape_cast %get3A_941 : vector<1x1x16xf32> to vector<16xf32>
        %exp3A_943 = math.exp %get3A_942 : vector<16xf32>
        %add3A_944 = arith.constant 3 : i32
        %add3A_945 = arith.addi %mul3A_469, %add3A_944 : i32
        %swap3A_946 = arith.constant 2 : i32
        %swap3A_947 = arith.index_cast %swap3A_946 : i32 to index
        %swap3A_948 = arith.index_cast %add3A_945 : i32 to index
        %swap3A_949 = arith.constant 32 : index
        %swap3A_950 = tpu.vector_load %arg6[%swap3A_947, %swap3A_948, %swap3A_949] {strides = array<i32>} : memref<5x40x128xf32, #tpu.memory_space<vmem>>, vector<1x1x16xf32>,
        %swap3A_951 = vector.shape_cast %swap3A_950 : vector<1x1x16xf32> to vector<16xf32>
        %swap3A_952 = vector.shape_cast %exp3A_943 : vector<16xf32> to vector<1x1x16xf32>
        tpu.vector_store %arg6[%swap3A_947, %swap3A_948, %swap3A_949], %swap3A_952 {strides = array<i32>} : memref<5x40x128xf32, #tpu.memory_space<vmem>>, vector<1x1x16xf32>,
        %add3A_953 = arith.constant 3 : i32
        %add3A_954 = arith.addi %mul3A_469, %add3A_953 : i32
        %get3A_955 = arith.constant 2 : i32
        %get3A_956 = arith.index_cast %get3A_955 : i32 to index
        %get3A_957 = arith.index_cast %add3A_954 : i32 to index
        %get3A_958 = arith.constant 48 : index
        %get3A_959 = tpu.vector_load %arg6[%get3A_956, %get3A_957, %get3A_958] {strides = array<i32>} : memref<5x40x128xf32, #tpu.memory_space<vmem>>, vector<1x1x16xf32>,
        %get3A_960 = vector.shape_cast %get3A_959 : vector<1x1x16xf32> to vector<16xf32>
        %exp3A_961 = math.exp %get3A_960 : vector<16xf32>
        %add3A_962 = arith.constant 3 : i32
        %add3A_963 = arith.addi %mul3A_469, %add3A_962 : i32
        %swap3A_964 = arith.constant 2 : i32
        %swap3A_965 = arith.index_cast %swap3A_964 : i32 to index
        %swap3A_966 = arith.index_cast %add3A_963 : i32 to index
        %swap3A_967 = arith.constant 48 : index
        %swap3A_968 = tpu.vector_load %arg6[%swap3A_965, %swap3A_966, %swap3A_967] {strides = array<i32>} : memref<5x40x128xf32, #tpu.memory_space<vmem>>, vector<1x1x16xf32>,
        %swap3A_969 = vector.shape_cast %swap3A_968 : vector<1x1x16xf32> to vector<16xf32>
        %swap3A_970 = vector.shape_cast %exp3A_961 : vector<16xf32> to vector<1x1x16xf32>
        tpu.vector_store %arg6[%swap3A_965, %swap3A_966, %swap3A_967], %swap3A_970 {strides = array<i32>} : memref<5x40x128xf32, #tpu.memory_space<vmem>>, vector<1x1x16xf32>,
        %add3A_971 = arith.constant 3 : i32
        %add3A_972 = arith.addi %mul3A_469, %add3A_971 : i32
        %get3A_973 = arith.constant 2 : i32
        %get3A_974 = arith.index_cast %get3A_973 : i32 to index
        %get3A_975 = arith.index_cast %add3A_972 : i32 to index
        %get3A_976 = arith.constant 64 : index
        %get3A_977 = tpu.vector_load %arg6[%get3A_974, %get3A_975, %get3A_976] {strides = array<i32>} : memref<5x40x128xf32, #tpu.memory_space<vmem>>, vector<1x1x16xf32>,
        %get3A_978 = vector.shape_cast %get3A_977 : vector<1x1x16xf32> to vector<16xf32>
        %exp3A_979 = math.exp %get3A_978 : vector<16xf32>
        %add3A_980 = arith.constant 3 : i32
        %add3A_981 = arith.addi %mul3A_469, %add3A_980 : i32
        %swap3A_982 = arith.constant 2 : i32
        %swap3A_983 = arith.index_cast %swap3A_982 : i32 to index
        %swap3A_984 = arith.index_cast %add3A_981 : i32 to index
        %swap3A_985 = arith.constant 64 : index
        %swap3A_986 = tpu.vector_load %arg6[%swap3A_983, %swap3A_984, %swap3A_985] {strides = array<i32>} : memref<5x40x128xf32, #tpu.memory_space<vmem>>, vector<1x1x16xf32>,
        %swap3A_987 = vector.shape_cast %swap3A_986 : vector<1x1x16xf32> to vector<16xf32>
        %swap3A_988 = vector.shape_cast %exp3A_979 : vector<16xf32> to vector<1x1x16xf32>
        tpu.vector_store %arg6[%swap3A_983, %swap3A_984, %swap3A_985], %swap3A_988 {strides = array<i32>} : memref<5x40x128xf32, #tpu.memory_space<vmem>>, vector<1x1x16xf32>,
        %add3A_989 = arith.constant 3 : i32
        %add3A_990 = arith.addi %mul3A_469, %add3A_989 : i32
        %get3A_991 = arith.constant 2 : i32
        %get3A_992 = arith.index_cast %get3A_991 : i32 to index
        %get3A_993 = arith.index_cast %add3A_990 : i32 to index
        %get3A_994 = arith.constant 80 : index
        %get3A_995 = tpu.vector_load %arg6[%get3A_992, %get3A_993, %get3A_994] {strides = array<i32>} : memref<5x40x128xf32, #tpu.memory_space<vmem>>, vector<1x1x16xf32>,
        %get3A_996 = vector.shape_cast %get3A_995 : vector<1x1x16xf32> to vector<16xf32>
        %exp3A_997 = math.exp %get3A_996 : vector<16xf32>
        %add3A_998 = arith.constant 3 : i32
        %add3A_999 = arith.addi %mul3A_469, %add3A_998 : i32
        %swap3A_1000 = arith.constant 2 : i32
        %swap3A_1001 = arith.index_cast %swap3A_1000 : i32 to index
        %swap3A_1002 = arith.index_cast %add3A_999 : i32 to index
        %swap3A_1003 = arith.constant 80 : index
        %swap3A_1004 = tpu.vector_load %arg6[%swap3A_1001, %swap3A_1002, %swap3A_1003] {strides = array<i32>} : memref<5x40x128xf32, #tpu.memory_space<vmem>>, vector<1x1x16xf32>,
        %swap3A_1005 = vector.shape_cast %swap3A_1004 : vector<1x1x16xf32> to vector<16xf32>
        %swap3A_1006 = vector.shape_cast %exp3A_997 : vector<16xf32> to vector<1x1x16xf32>
        tpu.vector_store %arg6[%swap3A_1001, %swap3A_1002, %swap3A_1003], %swap3A_1006 {strides = array<i32>} : memref<5x40x128xf32, #tpu.memory_space<vmem>>, vector<1x1x16xf32>,
        %add3A_1007 = arith.constant 3 : i32
        %add3A_1008 = arith.addi %mul3A_469, %add3A_1007 : i32
        %get3A_1009 = arith.constant 2 : i32
        %get3A_1010 = arith.index_cast %get3A_1009 : i32 to index
        %get3A_1011 = arith.index_cast %add3A_1008 : i32 to index
        %get3A_1012 = arith.constant 96 : index
        %get3A_1013 = tpu.vector_load %arg6[%get3A_1010, %get3A_1011, %get3A_1012] {strides = array<i32>} : memref<5x40x128xf32, #tpu.memory_space<vmem>>, vector<1x1x16xf32>,
        %get3A_1014 = vector.shape_cast %get3A_1013 : vector<1x1x16xf32> to vector<16xf32>
        %exp3A_1015 = math.exp %get3A_1014 : vector<16xf32>
        %add3A_1016 = arith.constant 3 : i32
        %add3A_1017 = arith.addi %mul3A_469, %add3A_1016 : i32
        %swap3A_1018 = arith.constant 2 : i32
        %swap3A_1019 = arith.index_cast %swap3A_1018 : i32 to index
        %swap3A_1020 = arith.index_cast %add3A_1017 : i32 to index
        %swap3A_1021 = arith.constant 96 : index
        %swap3A_1022 = tpu.vector_load %arg6[%swap3A_1019, %swap3A_1020, %swap3A_1021] {strides = array<i32>} : memref<5x40x128xf32, #tpu.memory_space<vmem>>, vector<1x1x16xf32>,
        %swap3A_1023 = vector.shape_cast %swap3A_1022 : vector<1x1x16xf32> to vector<16xf32>
        %swap3A_1024 = vector.shape_cast %exp3A_1015 : vector<16xf32> to vector<1x1x16xf32>
        tpu.vector_store %arg6[%swap3A_1019, %swap3A_1020, %swap3A_1021], %swap3A_1024 {strides = array<i32>} : memref<5x40x128xf32, #tpu.memory_space<vmem>>, vector<1x1x16xf32>,
        %add3A_1025 = arith.constant 3 : i32
        %add3A_1026 = arith.addi %mul3A_469, %add3A_1025 : i32
        %get3A_1027 = arith.constant 2 : i32
        %get3A_1028 = arith.index_cast %get3A_1027 : i32 to index
        %get3A_1029 = arith.index_cast %add3A_1026 : i32 to index
        %get3A_1030 = arith.constant 112 : index
        %get3A_1031 = tpu.vector_load %arg6[%get3A_1028, %get3A_1029, %get3A_1030] {strides = array<i32>} : memref<5x40x128xf32, #tpu.memory_space<vmem>>, vector<1x1x16xf32>,
        %get3A_1032 = vector.shape_cast %get3A_1031 : vector<1x1x16xf32> to vector<16xf32>
        %exp3A_1033 = math.exp %get3A_1032 : vector<16xf32>
        %add3A_1034 = arith.constant 3 : i32
        %add3A_1035 = arith.addi %mul3A_469, %add3A_1034 : i32
        %swap3A_1036 = arith.constant 2 : i32
        %swap3A_1037 = arith.index_cast %swap3A_1036 : i32 to index
        %swap3A_1038 = arith.index_cast %add3A_1035 : i32 to index
        %swap3A_1039 = arith.constant 112 : index
        %swap3A_1040 = tpu.vector_load %arg6[%swap3A_1037, %swap3A_1038, %swap3A_1039] {strides = array<i32>} : memref<5x40x128xf32, #tpu.memory_space<vmem>>, vector<1x1x16xf32>,
        %swap3A_1041 = vector.shape_cast %swap3A_1040 : vector<1x1x16xf32> to vector<16xf32>
        %swap3A_1042 = vector.shape_cast %exp3A_1033 : vector<16xf32> to vector<1x1x16xf32>
        tpu.vector_store %arg6[%swap3A_1037, %swap3A_1038, %swap3A_1039], %swap3A_1042 {strides = array<i32>} : memref<5x40x128xf32, #tpu.memory_space<vmem>>, vector<1x1x16xf32>,
      }
      %scan3A_338 = arith.constant 10 : i32
      %dma_start3A_339 = arith.constant 2 : i32
      %dma_start3A_340 = arith.constant 2 : i32
      %dma_start3A_341 = arith.constant 0 : i32
      %dma_start3A_342 = arith.constant 0 : i32
      %dma_start3A_343 = tpu.memref_slice %arg6[%dma_start3A_339, %dma_start3A_341, %dma_start3A_342] : memref<5x40x128xf32, #tpu.memory_space<vmem>> -> memref<1x40x128xf32, #tpu.memory_space<vmem>>
      %dma_start3A_344 = tpu.memref_squeeze %dma_start3A_343 : memref<1x40x128xf32, #tpu.memory_space<vmem>> -> memref<40x128xf32, #tpu.memory_space<vmem>>
      %dma_start3A_345 = arith.constant 0 : i32
      %dma_start3A_346 = tpu.memref_slice %arg7[%dma_start3A_340, %dma_start3A_345] : memref<5x40xi32, #tpu.memory_space<vmem>> -> memref<1x40xi32, #tpu.memory_space<vmem>>
      %dma_start3A_347 = tpu.memref_squeeze %dma_start3A_346 : memref<1x40xi32, #tpu.memory_space<vmem>> -> memref<40xi32, #tpu.memory_space<vmem>>
      %dma_start3A_348 = arith.constant 0 : i32
      %dma_start3A_349 = arith.constant 0 : i32
      %dma_start3A_350 = tpu.memref_slice %arg5[%dma_start3A_348, %dma_start3A_349] : memref<10000x128xf32, #tpu.memory_space<vmem_shared>> -> memref<10000x128xf32, #tpu.memory_space<vmem_shared>>
      tpu.enqueue_indirect_dma source(%dma_start3A_344 : memref<40x128xf32, #tpu.memory_space<vmem>>) target(%dma_start3A_350 : memref<10000x128xf32, #tpu.memory_space<vmem_shared>>) offsets(%dma_start3A_347 : memref<40xi32, #tpu.memory_space<vmem>>) semaphore(%arg20 : memref<!tpu.dma_semaphore, #tpu.memory_space<semaphore_mem>>) {add = true}
      %add3A_351 = arith.constant 3 : i32
      %add3A_352 = arith.addi %add3A_178, %add3A_351 : i32
      %ge3A_353 = arith.constant 3 : i32
      %ge3A_354 = arith.cmpi sge, %add3A_352, %ge3A_353 : i32
      %convert_element_type3A_355 = arith.extui %ge3A_354 : i1 to i32
      %cond3A_356 = arith.constant 0 : i32
      %cond3A_357 = arith.cmpi ne, %convert_element_type3A_355, %cond3A_356 : i32
      scf.if %cond3A_357 {
        %dma_wait3A_467 = arith.constant 0 : i32
        %dma_wait3A_468 = arith.constant 0 : i32
        %dma_wait3A_469 = arith.constant 0 : i32
        %dma_wait3A_470 = arith.constant 0 : i32
        %dma_wait3A_471 = tpu.memref_slice %arg6[%dma_wait3A_467, %dma_wait3A_469, %dma_wait3A_470] : memref<5x40x128xf32, #tpu.memory_space<vmem>> -> memref<1x40x128xf32, #tpu.memory_space<vmem>>
        %dma_wait3A_472 = tpu.memref_squeeze %dma_wait3A_471 : memref<1x40x128xf32, #tpu.memory_space<vmem>> -> memref<40x128xf32, #tpu.memory_space<vmem>>
        %dma_wait3A_473 = arith.constant 0 : i32
        %dma_wait3A_474 = tpu.memref_slice %arg7[%dma_wait3A_468, %dma_wait3A_473] : memref<5x40xi32, #tpu.memory_space<vmem>> -> memref<1x40xi32, #tpu.memory_space<vmem>>
        %dma_wait3A_475 = tpu.memref_squeeze %dma_wait3A_474 : memref<1x40xi32, #tpu.memory_space<vmem>> -> memref<40xi32, #tpu.memory_space<vmem>>
        %dma_wait3A_476 = arith.constant 0 : i32
        %dma_wait3A_477 = arith.constant 0 : i32
        %dma_wait3A_478 = tpu.memref_slice %arg5[%dma_wait3A_476, %dma_wait3A_477] : memref<10000x128xf32, #tpu.memory_space<vmem_shared>> -> memref<10000x128xf32, #tpu.memory_space<vmem_shared>>
        tpu.wait_indirect_dma semaphore(%arg18 : memref<!tpu.dma_semaphore, #tpu.memory_space<semaphore_mem>>) src(%dma_wait3A_472 : memref<40x128xf32, #tpu.memory_space<vmem>>) dst(%dma_wait3A_478 : memref<10000x128xf32, #tpu.memory_space<vmem_shared>>)
      } else {
      }
      %add3A_358 = arith.constant 2 : i32
      %add3A_359 = arith.addi %add3A_352, %add3A_358 : i32
      %lt3A_360 = arith.constant 250 : i32
      %lt3A_361 = arith.cmpi slt, %add3A_359, %lt3A_360 : i32
      %convert_element_type3A_362 = arith.extui %lt3A_361 : i1 to i32
      %cond3A_363 = arith.constant 0 : i32
      %cond3A_364 = arith.cmpi ne, %convert_element_type3A_362, %cond3A_363 : i32
      scf.if %cond3A_364 {
        %add3A_467 = arith.constant 2 : i32
        %add3A_468 = arith.addi %add3A_352, %add3A_467 : i32
        %mul3A_469 = arith.constant 40 : i32
        %mul3A_470 = arith.muli %add3A_468, %mul3A_469 : i32
        %add3A_471 = arith.addi %mul3A_2, %mul3A_470 : i32
        %dma_start3A_472 = arith.constant 0 : i32
        %dma_start3A_473 = arith.constant 0 : i32
        %dma_start3A_474 = arith.constant 0 : i32
        %dma_start3A_475 = tpu.memref_slice %arg6[%dma_start3A_472, %dma_start3A_473, %dma_start3A_474] : memref<5x40x128xf32, #tpu.memory_space<vmem>> -> memref<1x40x128xf32, #tpu.memory_space<vmem>>
        %dma_start3A_476 = tpu.memref_squeeze %dma_start3A_475 : memref<1x40x128xf32, #tpu.memory_space<vmem>> -> memref<40x128xf32, #tpu.memory_space<vmem>>
        %dma_start3A_477 = arith.constant 0 : i32
        %dma_start3A_478 = tpu.memref_slice %arg2[%add3A_471, %dma_start3A_477] : memref<320000x128xf32, #tpu.memory_space<hbm>> -> memref<40x128xf32, #tpu.memory_space<hbm>>
        %dma_start3A_479 = arith.constant 0 : i32
        %dma_start3A_480 = arith.constant 0 : i32
        %dma_start3A_481 = tpu.memref_slice %arg6[%dma_start3A_472, %dma_start3A_479, %dma_start3A_480] : memref<5x40x128xf32, #tpu.memory_space<vmem>> -> memref<1x40x128xf32, #tpu.memory_space<vmem>>
        %dma_start3A_482 = tpu.memref_squeeze %dma_start3A_481 : memref<1x40x128xf32, #tpu.memory_space<vmem>> -> memref<40x128xf32, #tpu.memory_space<vmem>>
        %dma_start3A_483 = arith.constant 0 : i32
        %dma_start3A_484 = tpu.memref_slice %arg2[%add3A_471, %dma_start3A_483] : memref<320000x128xf32, #tpu.memory_space<hbm>> -> memref<40x128xf32, #tpu.memory_space<hbm>>
        tpu.enqueue_dma source(%dma_start3A_484 : memref<40x128xf32, #tpu.memory_space<hbm>>) target(%dma_start3A_482 : memref<40x128xf32, #tpu.memory_space<vmem>>) target_semaphore(%arg8 : memref<!tpu.dma_semaphore, #tpu.memory_space<semaphore_mem>>)
        %dma_start3A_485 = arith.constant 0 : i32
        %dma_start3A_486 = arith.constant 0 : i32
        %dma_start3A_487 = tpu.memref_slice %arg7[%dma_start3A_485, %dma_start3A_486] : memref<5x40xi32, #tpu.memory_space<vmem>> -> memref<1x40xi32, #tpu.memory_space<vmem>>
        %dma_start3A_488 = tpu.memref_squeeze %dma_start3A_487 : memref<1x40xi32, #tpu.memory_space<vmem>> -> memref<40xi32, #tpu.memory_space<vmem>>
        %dma_start3A_489 = tpu.memref_slice %arg3[%add3A_471] : memref<320000xi32, #tpu.memory_space<hbm>> -> memref<40xi32, #tpu.memory_space<hbm>>
        %dma_start3A_490 = arith.constant 0 : i32
        %dma_start3A_491 = tpu.memref_slice %arg7[%dma_start3A_485, %dma_start3A_490] : memref<5x40xi32, #tpu.memory_space<vmem>> -> memref<1x40xi32, #tpu.memory_space<vmem>>
        %dma_start3A_492 = tpu.memref_squeeze %dma_start3A_491 : memref<1x40xi32, #tpu.memory_space<vmem>> -> memref<40xi32, #tpu.memory_space<vmem>>
        %dma_start3A_493 = tpu.memref_slice %arg3[%add3A_471] : memref<320000xi32, #tpu.memory_space<hbm>> -> memref<40xi32, #tpu.memory_space<hbm>>
        tpu.enqueue_dma source(%dma_start3A_493 : memref<40xi32, #tpu.memory_space<hbm>>) target(%dma_start3A_492 : memref<40xi32, #tpu.memory_space<vmem>>) target_semaphore(%arg13 : memref<!tpu.dma_semaphore, #tpu.memory_space<semaphore_mem>>)
      } else {
      }
      %dma_wait3A_365 = arith.constant 3 : i32
      %dma_wait3A_366 = arith.constant 0 : i32
      %dma_wait3A_367 = arith.constant 0 : i32
      %dma_wait3A_368 = tpu.memref_slice %arg6[%dma_wait3A_365, %dma_wait3A_366, %dma_wait3A_367] : memref<5x40x128xf32, #tpu.memory_space<vmem>> -> memref<1x40x128xf32, #tpu.memory_space<vmem>>
      %dma_wait3A_369 = tpu.memref_squeeze %dma_wait3A_368 : memref<1x40x128xf32, #tpu.memory_space<vmem>> -> memref<40x128xf32, #tpu.memory_space<vmem>>
      %dma_wait3A_370 = arith.constant 0 : i32
      %dma_wait3A_371 = arith.constant 0 : i32
      %dma_wait3A_372 = tpu.memref_slice %arg2[%dma_wait3A_370, %dma_wait3A_371] : memref<320000x128xf32, #tpu.memory_space<hbm>> -> memref<40x128xf32, #tpu.memory_space<hbm>>
      %dma_wait3A_373 = arith.constant 0 : i32
      %dma_wait3A_374 = arith.constant 0 : i32
      %dma_wait3A_375 = tpu.memref_slice %arg6[%dma_wait3A_365, %dma_wait3A_373, %dma_wait3A_374] : memref<5x40x128xf32, #tpu.memory_space<vmem>> -> memref<1x40x128xf32, #tpu.memory_space<vmem>>
      %dma_wait3A_376 = tpu.memref_squeeze %dma_wait3A_375 : memref<1x40x128xf32, #tpu.memory_space<vmem>> -> memref<40x128xf32, #tpu.memory_space<vmem>>
      %dma_wait3A_377 = arith.constant 0 : i32
      %dma_wait3A_378 = arith.constant 0 : i32
      %dma_wait3A_379 = tpu.memref_slice %arg2[%dma_wait3A_377, %dma_wait3A_378] : memref<320000x128xf32, #tpu.memory_space<hbm>> -> memref<40x128xf32, #tpu.memory_space<hbm>>
      tpu.wait_dma2 semaphore(%arg11 : memref<!tpu.dma_semaphore, #tpu.memory_space<semaphore_mem>>) src(%dma_wait3A_379 : memref<40x128xf32, #tpu.memory_space<hbm>>) dst(%dma_wait3A_376 : memref<40x128xf32, #tpu.memory_space<vmem>>)
      %dma_wait3A_380 = arith.constant 3 : i32
      %dma_wait3A_381 = arith.constant 0 : i32
      %dma_wait3A_382 = tpu.memref_slice %arg7[%dma_wait3A_380, %dma_wait3A_381] : memref<5x40xi32, #tpu.memory_space<vmem>> -> memref<1x40xi32, #tpu.memory_space<vmem>>
      %dma_wait3A_383 = tpu.memref_squeeze %dma_wait3A_382 : memref<1x40xi32, #tpu.memory_space<vmem>> -> memref<40xi32, #tpu.memory_space<vmem>>
      %dma_wait3A_384 = arith.constant 0 : i32
      %dma_wait3A_385 = tpu.memref_slice %arg3[%dma_wait3A_384] : memref<320000xi32, #tpu.memory_space<hbm>> -> memref<40xi32, #tpu.memory_space<hbm>>
      %dma_wait3A_386 = arith.constant 0 : i32
      %dma_wait3A_387 = tpu.memref_slice %arg7[%dma_wait3A_380, %dma_wait3A_386] : memref<5x40xi32, #tpu.memory_space<vmem>> -> memref<1x40xi32, #tpu.memory_space<vmem>>
      %dma_wait3A_388 = tpu.memref_squeeze %dma_wait3A_387 : memref<1x40xi32, #tpu.memory_space<vmem>> -> memref<40xi32, #tpu.memory_space<vmem>>
      %dma_wait3A_389 = arith.constant 0 : i32
      %dma_wait3A_390 = tpu.memref_slice %arg3[%dma_wait3A_389] : memref<320000xi32, #tpu.memory_space<hbm>> -> memref<40xi32, #tpu.memory_space<hbm>>
      tpu.wait_dma2 semaphore(%arg16 : memref<!tpu.dma_semaphore, #tpu.memory_space<semaphore_mem>>) src(%dma_wait3A_390 : memref<40xi32, #tpu.memory_space<hbm>>) dst(%dma_wait3A_388 : memref<40xi32, #tpu.memory_space<vmem>>)
      %scan3A_391 = arith.constant 0 : i32
      %scan3A_392 = arith.constant 0 : i32
      %scan3A_393 = arith.constant 10 : i32
      %scan3A_394 = arith.addi %scan3A_392, %scan3A_393 : i32
      %scan3A_395 = arith.constant 1 : i32
      scf.for %scan3A_467 = %scan3A_392 to %scan3A_394 step %scan3A_395  : i32 {
        %mul3A_468 = arith.constant 4 : i32
        %mul3A_469 = arith.muli %scan3A_467, %mul3A_468 : i32
        %add3A_470 = arith.constant 0 : i32
        %add3A_471 = arith.addi %mul3A_469, %add3A_470 : i32
        %get3A = arith.constant 3 : i32
        %get3A_472 = arith.index_cast %get3A : i32 to index
        %get3A_473 = arith.index_cast %add3A_471 : i32 to index
        %get3A_474 = arith.constant 0 : index
        %get3A_475 = tpu.vector_load %arg6[%get3A_472, %get3A_473, %get3A_474] {strides = array<i32>} : memref<5x40x128xf32, #tpu.memory_space<vmem>>, vector<1x1x16xf32>,
        %get3A_476 = vector.shape_cast %get3A_475 : vector<1x1x16xf32> to vector<16xf32>
        %exp3A = math.exp %get3A_476 : vector<16xf32>
        %add3A_477 = arith.constant 0 : i32
        %add3A_478 = arith.addi %mul3A_469, %add3A_477 : i32
        %swap3A = arith.constant 3 : i32
        %swap3A_479 = arith.index_cast %swap3A : i32 to index
        %swap3A_480 = arith.index_cast %add3A_478 : i32 to index
        %swap3A_481 = arith.constant 0 : index
        %swap3A_482 = tpu.vector_load %arg6[%swap3A_479, %swap3A_480, %swap3A_481] {strides = array<i32>} : memref<5x40x128xf32, #tpu.memory_space<vmem>>, vector<1x1x16xf32>,
        %swap3A_483 = vector.shape_cast %swap3A_482 : vector<1x1x16xf32> to vector<16xf32>
        %swap3A_484 = vector.shape_cast %exp3A : vector<16xf32> to vector<1x1x16xf32>
        tpu.vector_store %arg6[%swap3A_479, %swap3A_480, %swap3A_481], %swap3A_484 {strides = array<i32>} : memref<5x40x128xf32, #tpu.memory_space<vmem>>, vector<1x1x16xf32>,
        %add3A_485 = arith.constant 0 : i32
        %add3A_486 = arith.addi %mul3A_469, %add3A_485 : i32
        %get3A_487 = arith.constant 3 : i32
        %get3A_488 = arith.index_cast %get3A_487 : i32 to index
        %get3A_489 = arith.index_cast %add3A_486 : i32 to index
        %get3A_490 = arith.constant 16 : index
        %get3A_491 = tpu.vector_load %arg6[%get3A_488, %get3A_489, %get3A_490] {strides = array<i32>} : memref<5x40x128xf32, #tpu.memory_space<vmem>>, vector<1x1x16xf32>,
        %get3A_492 = vector.shape_cast %get3A_491 : vector<1x1x16xf32> to vector<16xf32>
        %exp3A_493 = math.exp %get3A_492 : vector<16xf32>
        %add3A_494 = arith.constant 0 : i32
        %add3A_495 = arith.addi %mul3A_469, %add3A_494 : i32
        %swap3A_496 = arith.constant 3 : i32
        %swap3A_497 = arith.index_cast %swap3A_496 : i32 to index
        %swap3A_498 = arith.index_cast %add3A_495 : i32 to index
        %swap3A_499 = arith.constant 16 : index
        %swap3A_500 = tpu.vector_load %arg6[%swap3A_497, %swap3A_498, %swap3A_499] {strides = array<i32>} : memref<5x40x128xf32, #tpu.memory_space<vmem>>, vector<1x1x16xf32>,
        %swap3A_501 = vector.shape_cast %swap3A_500 : vector<1x1x16xf32> to vector<16xf32>
        %swap3A_502 = vector.shape_cast %exp3A_493 : vector<16xf32> to vector<1x1x16xf32>
        tpu.vector_store %arg6[%swap3A_497, %swap3A_498, %swap3A_499], %swap3A_502 {strides = array<i32>} : memref<5x40x128xf32, #tpu.memory_space<vmem>>, vector<1x1x16xf32>,
        %add3A_503 = arith.constant 0 : i32
        %add3A_504 = arith.addi %mul3A_469, %add3A_503 : i32
        %get3A_505 = arith.constant 3 : i32
        %get3A_506 = arith.index_cast %get3A_505 : i32 to index
        %get3A_507 = arith.index_cast %add3A_504 : i32 to index
        %get3A_508 = arith.constant 32 : index
        %get3A_509 = tpu.vector_load %arg6[%get3A_506, %get3A_507, %get3A_508] {strides = array<i32>} : memref<5x40x128xf32, #tpu.memory_space<vmem>>, vector<1x1x16xf32>,
        %get3A_510 = vector.shape_cast %get3A_509 : vector<1x1x16xf32> to vector<16xf32>
        %exp3A_511 = math.exp %get3A_510 : vector<16xf32>
        %add3A_512 = arith.constant 0 : i32
        %add3A_513 = arith.addi %mul3A_469, %add3A_512 : i32
        %swap3A_514 = arith.constant 3 : i32
        %swap3A_515 = arith.index_cast %swap3A_514 : i32 to index
        %swap3A_516 = arith.index_cast %add3A_513 : i32 to index
        %swap3A_517 = arith.constant 32 : index
        %swap3A_518 = tpu.vector_load %arg6[%swap3A_515, %swap3A_516, %swap3A_517] {strides = array<i32>} : memref<5x40x128xf32, #tpu.memory_space<vmem>>, vector<1x1x16xf32>,
        %swap3A_519 = vector.shape_cast %swap3A_518 : vector<1x1x16xf32> to vector<16xf32>
        %swap3A_520 = vector.shape_cast %exp3A_511 : vector<16xf32> to vector<1x1x16xf32>
        tpu.vector_store %arg6[%swap3A_515, %swap3A_516, %swap3A_517], %swap3A_520 {strides = array<i32>} : memref<5x40x128xf32, #tpu.memory_space<vmem>>, vector<1x1x16xf32>,
        %add3A_521 = arith.constant 0 : i32
        %add3A_522 = arith.addi %mul3A_469, %add3A_521 : i32
        %get3A_523 = arith.constant 3 : i32
        %get3A_524 = arith.index_cast %get3A_523 : i32 to index
        %get3A_525 = arith.index_cast %add3A_522 : i32 to index
        %get3A_526 = arith.constant 48 : index
        %get3A_527 = tpu.vector_load %arg6[%get3A_524, %get3A_525, %get3A_526] {strides = array<i32>} : memref<5x40x128xf32, #tpu.memory_space<vmem>>, vector<1x1x16xf32>,
        %get3A_528 = vector.shape_cast %get3A_527 : vector<1x1x16xf32> to vector<16xf32>
        %exp3A_529 = math.exp %get3A_528 : vector<16xf32>
        %add3A_530 = arith.constant 0 : i32
        %add3A_531 = arith.addi %mul3A_469, %add3A_530 : i32
        %swap3A_532 = arith.constant 3 : i32
        %swap3A_533 = arith.index_cast %swap3A_532 : i32 to index
        %swap3A_534 = arith.index_cast %add3A_531 : i32 to index
        %swap3A_535 = arith.constant 48 : index
        %swap3A_536 = tpu.vector_load %arg6[%swap3A_533, %swap3A_534, %swap3A_535] {strides = array<i32>} : memref<5x40x128xf32, #tpu.memory_space<vmem>>, vector<1x1x16xf32>,
        %swap3A_537 = vector.shape_cast %swap3A_536 : vector<1x1x16xf32> to vector<16xf32>
        %swap3A_538 = vector.shape_cast %exp3A_529 : vector<16xf32> to vector<1x1x16xf32>
        tpu.vector_store %arg6[%swap3A_533, %swap3A_534, %swap3A_535], %swap3A_538 {strides = array<i32>} : memref<5x40x128xf32, #tpu.memory_space<vmem>>, vector<1x1x16xf32>,
        %add3A_539 = arith.constant 0 : i32
        %add3A_540 = arith.addi %mul3A_469, %add3A_539 : i32
        %get3A_541 = arith.constant 3 : i32
        %get3A_542 = arith.index_cast %get3A_541 : i32 to index
        %get3A_543 = arith.index_cast %add3A_540 : i32 to index
        %get3A_544 = arith.constant 64 : index
        %get3A_545 = tpu.vector_load %arg6[%get3A_542, %get3A_543, %get3A_544] {strides = array<i32>} : memref<5x40x128xf32, #tpu.memory_space<vmem>>, vector<1x1x16xf32>,
        %get3A_546 = vector.shape_cast %get3A_545 : vector<1x1x16xf32> to vector<16xf32>
        %exp3A_547 = math.exp %get3A_546 : vector<16xf32>
        %add3A_548 = arith.constant 0 : i32
        %add3A_549 = arith.addi %mul3A_469, %add3A_548 : i32
        %swap3A_550 = arith.constant 3 : i32
        %swap3A_551 = arith.index_cast %swap3A_550 : i32 to index
        %swap3A_552 = arith.index_cast %add3A_549 : i32 to index
        %swap3A_553 = arith.constant 64 : index
        %swap3A_554 = tpu.vector_load %arg6[%swap3A_551, %swap3A_552, %swap3A_553] {strides = array<i32>} : memref<5x40x128xf32, #tpu.memory_space<vmem>>, vector<1x1x16xf32>,
        %swap3A_555 = vector.shape_cast %swap3A_554 : vector<1x1x16xf32> to vector<16xf32>
        %swap3A_556 = vector.shape_cast %exp3A_547 : vector<16xf32> to vector<1x1x16xf32>
        tpu.vector_store %arg6[%swap3A_551, %swap3A_552, %swap3A_553], %swap3A_556 {strides = array<i32>} : memref<5x40x128xf32, #tpu.memory_space<vmem>>, vector<1x1x16xf32>,
        %add3A_557 = arith.constant 0 : i32
        %add3A_558 = arith.addi %mul3A_469, %add3A_557 : i32
        %get3A_559 = arith.constant 3 : i32
        %get3A_560 = arith.index_cast %get3A_559 : i32 to index
        %get3A_561 = arith.index_cast %add3A_558 : i32 to index
        %get3A_562 = arith.constant 80 : index
        %get3A_563 = tpu.vector_load %arg6[%get3A_560, %get3A_561, %get3A_562] {strides = array<i32>} : memref<5x40x128xf32, #tpu.memory_space<vmem>>, vector<1x1x16xf32>,
        %get3A_564 = vector.shape_cast %get3A_563 : vector<1x1x16xf32> to vector<16xf32>
        %exp3A_565 = math.exp %get3A_564 : vector<16xf32>
        %add3A_566 = arith.constant 0 : i32
        %add3A_567 = arith.addi %mul3A_469, %add3A_566 : i32
        %swap3A_568 = arith.constant 3 : i32
        %swap3A_569 = arith.index_cast %swap3A_568 : i32 to index
        %swap3A_570 = arith.index_cast %add3A_567 : i32 to index
        %swap3A_571 = arith.constant 80 : index
        %swap3A_572 = tpu.vector_load %arg6[%swap3A_569, %swap3A_570, %swap3A_571] {strides = array<i32>} : memref<5x40x128xf32, #tpu.memory_space<vmem>>, vector<1x1x16xf32>,
        %swap3A_573 = vector.shape_cast %swap3A_572 : vector<1x1x16xf32> to vector<16xf32>
        %swap3A_574 = vector.shape_cast %exp3A_565 : vector<16xf32> to vector<1x1x16xf32>
        tpu.vector_store %arg6[%swap3A_569, %swap3A_570, %swap3A_571], %swap3A_574 {strides = array<i32>} : memref<5x40x128xf32, #tpu.memory_space<vmem>>, vector<1x1x16xf32>,
        %add3A_575 = arith.constant 0 : i32
        %add3A_576 = arith.addi %mul3A_469, %add3A_575 : i32
        %get3A_577 = arith.constant 3 : i32
        %get3A_578 = arith.index_cast %get3A_577 : i32 to index
        %get3A_579 = arith.index_cast %add3A_576 : i32 to index
        %get3A_580 = arith.constant 96 : index
        %get3A_581 = tpu.vector_load %arg6[%get3A_578, %get3A_579, %get3A_580] {strides = array<i32>} : memref<5x40x128xf32, #tpu.memory_space<vmem>>, vector<1x1x16xf32>,
        %get3A_582 = vector.shape_cast %get3A_581 : vector<1x1x16xf32> to vector<16xf32>
        %exp3A_583 = math.exp %get3A_582 : vector<16xf32>
        %add3A_584 = arith.constant 0 : i32
        %add3A_585 = arith.addi %mul3A_469, %add3A_584 : i32
        %swap3A_586 = arith.constant 3 : i32
        %swap3A_587 = arith.index_cast %swap3A_586 : i32 to index
        %swap3A_588 = arith.index_cast %add3A_585 : i32 to index
        %swap3A_589 = arith.constant 96 : index
        %swap3A_590 = tpu.vector_load %arg6[%swap3A_587, %swap3A_588, %swap3A_589] {strides = array<i32>} : memref<5x40x128xf32, #tpu.memory_space<vmem>>, vector<1x1x16xf32>,
        %swap3A_591 = vector.shape_cast %swap3A_590 : vector<1x1x16xf32> to vector<16xf32>
        %swap3A_592 = vector.shape_cast %exp3A_583 : vector<16xf32> to vector<1x1x16xf32>
        tpu.vector_store %arg6[%swap3A_587, %swap3A_588, %swap3A_589], %swap3A_592 {strides = array<i32>} : memref<5x40x128xf32, #tpu.memory_space<vmem>>, vector<1x1x16xf32>,
        %add3A_593 = arith.constant 0 : i32
        %add3A_594 = arith.addi %mul3A_469, %add3A_593 : i32
        %get3A_595 = arith.constant 3 : i32
        %get3A_596 = arith.index_cast %get3A_595 : i32 to index
        %get3A_597 = arith.index_cast %add3A_594 : i32 to index
        %get3A_598 = arith.constant 112 : index
        %get3A_599 = tpu.vector_load %arg6[%get3A_596, %get3A_597, %get3A_598] {strides = array<i32>} : memref<5x40x128xf32, #tpu.memory_space<vmem>>, vector<1x1x16xf32>,
        %get3A_600 = vector.shape_cast %get3A_599 : vector<1x1x16xf32> to vector<16xf32>
        %exp3A_601 = math.exp %get3A_600 : vector<16xf32>
        %add3A_602 = arith.constant 0 : i32
        %add3A_603 = arith.addi %mul3A_469, %add3A_602 : i32
        %swap3A_604 = arith.constant 3 : i32
        %swap3A_605 = arith.index_cast %swap3A_604 : i32 to index
        %swap3A_606 = arith.index_cast %add3A_603 : i32 to index
        %swap3A_607 = arith.constant 112 : index
        %swap3A_608 = tpu.vector_load %arg6[%swap3A_605, %swap3A_606, %swap3A_607] {strides = array<i32>} : memref<5x40x128xf32, #tpu.memory_space<vmem>>, vector<1x1x16xf32>,
        %swap3A_609 = vector.shape_cast %swap3A_608 : vector<1x1x16xf32> to vector<16xf32>
        %swap3A_610 = vector.shape_cast %exp3A_601 : vector<16xf32> to vector<1x1x16xf32>
        tpu.vector_store %arg6[%swap3A_605, %swap3A_606, %swap3A_607], %swap3A_610 {strides = array<i32>} : memref<5x40x128xf32, #tpu.memory_space<vmem>>, vector<1x1x16xf32>,
        %add3A_611 = arith.constant 1 : i32
        %add3A_612 = arith.addi %mul3A_469, %add3A_611 : i32
        %get3A_613 = arith.constant 3 : i32
        %get3A_614 = arith.index_cast %get3A_613 : i32 to index
        %get3A_615 = arith.index_cast %add3A_612 : i32 to index
        %get3A_616 = arith.constant 0 : index
        %get3A_617 = tpu.vector_load %arg6[%get3A_614, %get3A_615, %get3A_616] {strides = array<i32>} : memref<5x40x128xf32, #tpu.memory_space<vmem>>, vector<1x1x16xf32>,
        %get3A_618 = vector.shape_cast %get3A_617 : vector<1x1x16xf32> to vector<16xf32>
        %exp3A_619 = math.exp %get3A_618 : vector<16xf32>
        %add3A_620 = arith.constant 1 : i32
        %add3A_621 = arith.addi %mul3A_469, %add3A_620 : i32
        %swap3A_622 = arith.constant 3 : i32
        %swap3A_623 = arith.index_cast %swap3A_622 : i32 to index
        %swap3A_624 = arith.index_cast %add3A_621 : i32 to index
        %swap3A_625 = arith.constant 0 : index
        %swap3A_626 = tpu.vector_load %arg6[%swap3A_623, %swap3A_624, %swap3A_625] {strides = array<i32>} : memref<5x40x128xf32, #tpu.memory_space<vmem>>, vector<1x1x16xf32>,
        %swap3A_627 = vector.shape_cast %swap3A_626 : vector<1x1x16xf32> to vector<16xf32>
        %swap3A_628 = vector.shape_cast %exp3A_619 : vector<16xf32> to vector<1x1x16xf32>
        tpu.vector_store %arg6[%swap3A_623, %swap3A_624, %swap3A_625], %swap3A_628 {strides = array<i32>} : memref<5x40x128xf32, #tpu.memory_space<vmem>>, vector<1x1x16xf32>,
        %add3A_629 = arith.constant 1 : i32
        %add3A_630 = arith.addi %mul3A_469, %add3A_629 : i32
        %get3A_631 = arith.constant 3 : i32
        %get3A_632 = arith.index_cast %get3A_631 : i32 to index
        %get3A_633 = arith.index_cast %add3A_630 : i32 to index
        %get3A_634 = arith.constant 16 : index
        %get3A_635 = tpu.vector_load %arg6[%get3A_632, %get3A_633, %get3A_634] {strides = array<i32>} : memref<5x40x128xf32, #tpu.memory_space<vmem>>, vector<1x1x16xf32>,
        %get3A_636 = vector.shape_cast %get3A_635 : vector<1x1x16xf32> to vector<16xf32>
        %exp3A_637 = math.exp %get3A_636 : vector<16xf32>
        %add3A_638 = arith.constant 1 : i32
        %add3A_639 = arith.addi %mul3A_469, %add3A_638 : i32
        %swap3A_640 = arith.constant 3 : i32
        %swap3A_641 = arith.index_cast %swap3A_640 : i32 to index
        %swap3A_642 = arith.index_cast %add3A_639 : i32 to index
        %swap3A_643 = arith.constant 16 : index
        %swap3A_644 = tpu.vector_load %arg6[%swap3A_641, %swap3A_642, %swap3A_643] {strides = array<i32>} : memref<5x40x128xf32, #tpu.memory_space<vmem>>, vector<1x1x16xf32>,
        %swap3A_645 = vector.shape_cast %swap3A_644 : vector<1x1x16xf32> to vector<16xf32>
        %swap3A_646 = vector.shape_cast %exp3A_637 : vector<16xf32> to vector<1x1x16xf32>
        tpu.vector_store %arg6[%swap3A_641, %swap3A_642, %swap3A_643], %swap3A_646 {strides = array<i32>} : memref<5x40x128xf32, #tpu.memory_space<vmem>>, vector<1x1x16xf32>,
        %add3A_647 = arith.constant 1 : i32
        %add3A_648 = arith.addi %mul3A_469, %add3A_647 : i32
        %get3A_649 = arith.constant 3 : i32
        %get3A_650 = arith.index_cast %get3A_649 : i32 to index
        %get3A_651 = arith.index_cast %add3A_648 : i32 to index
        %get3A_652 = arith.constant 32 : index
        %get3A_653 = tpu.vector_load %arg6[%get3A_650, %get3A_651, %get3A_652] {strides = array<i32>} : memref<5x40x128xf32, #tpu.memory_space<vmem>>, vector<1x1x16xf32>,
        %get3A_654 = vector.shape_cast %get3A_653 : vector<1x1x16xf32> to vector<16xf32>
        %exp3A_655 = math.exp %get3A_654 : vector<16xf32>
        %add3A_656 = arith.constant 1 : i32
        %add3A_657 = arith.addi %mul3A_469, %add3A_656 : i32
        %swap3A_658 = arith.constant 3 : i32
        %swap3A_659 = arith.index_cast %swap3A_658 : i32 to index
        %swap3A_660 = arith.index_cast %add3A_657 : i32 to index
        %swap3A_661 = arith.constant 32 : index
        %swap3A_662 = tpu.vector_load %arg6[%swap3A_659, %swap3A_660, %swap3A_661] {strides = array<i32>} : memref<5x40x128xf32, #tpu.memory_space<vmem>>, vector<1x1x16xf32>,
        %swap3A_663 = vector.shape_cast %swap3A_662 : vector<1x1x16xf32> to vector<16xf32>
        %swap3A_664 = vector.shape_cast %exp3A_655 : vector<16xf32> to vector<1x1x16xf32>
        tpu.vector_store %arg6[%swap3A_659, %swap3A_660, %swap3A_661], %swap3A_664 {strides = array<i32>} : memref<5x40x128xf32, #tpu.memory_space<vmem>>, vector<1x1x16xf32>,
        %add3A_665 = arith.constant 1 : i32
        %add3A_666 = arith.addi %mul3A_469, %add3A_665 : i32
        %get3A_667 = arith.constant 3 : i32
        %get3A_668 = arith.index_cast %get3A_667 : i32 to index
        %get3A_669 = arith.index_cast %add3A_666 : i32 to index
        %get3A_670 = arith.constant 48 : index
        %get3A_671 = tpu.vector_load %arg6[%get3A_668, %get3A_669, %get3A_670] {strides = array<i32>} : memref<5x40x128xf32, #tpu.memory_space<vmem>>, vector<1x1x16xf32>,
        %get3A_672 = vector.shape_cast %get3A_671 : vector<1x1x16xf32> to vector<16xf32>
        %exp3A_673 = math.exp %get3A_672 : vector<16xf32>
        %add3A_674 = arith.constant 1 : i32
        %add3A_675 = arith.addi %mul3A_469, %add3A_674 : i32
        %swap3A_676 = arith.constant 3 : i32
        %swap3A_677 = arith.index_cast %swap3A_676 : i32 to index
        %swap3A_678 = arith.index_cast %add3A_675 : i32 to index
        %swap3A_679 = arith.constant 48 : index
        %swap3A_680 = tpu.vector_load %arg6[%swap3A_677, %swap3A_678, %swap3A_679] {strides = array<i32>} : memref<5x40x128xf32, #tpu.memory_space<vmem>>, vector<1x1x16xf32>,
        %swap3A_681 = vector.shape_cast %swap3A_680 : vector<1x1x16xf32> to vector<16xf32>
        %swap3A_682 = vector.shape_cast %exp3A_673 : vector<16xf32> to vector<1x1x16xf32>
        tpu.vector_store %arg6[%swap3A_677, %swap3A_678, %swap3A_679], %swap3A_682 {strides = array<i32>} : memref<5x40x128xf32, #tpu.memory_space<vmem>>, vector<1x1x16xf32>,
        %add3A_683 = arith.constant 1 : i32
        %add3A_684 = arith.addi %mul3A_469, %add3A_683 : i32
        %get3A_685 = arith.constant 3 : i32
        %get3A_686 = arith.index_cast %get3A_685 : i32 to index
        %get3A_687 = arith.index_cast %add3A_684 : i32 to index
        %get3A_688 = arith.constant 64 : index
        %get3A_689 = tpu.vector_load %arg6[%get3A_686, %get3A_687, %get3A_688] {strides = array<i32>} : memref<5x40x128xf32, #tpu.memory_space<vmem>>, vector<1x1x16xf32>,
        %get3A_690 = vector.shape_cast %get3A_689 : vector<1x1x16xf32> to vector<16xf32>
        %exp3A_691 = math.exp %get3A_690 : vector<16xf32>
        %add3A_692 = arith.constant 1 : i32
        %add3A_693 = arith.addi %mul3A_469, %add3A_692 : i32
        %swap3A_694 = arith.constant 3 : i32
        %swap3A_695 = arith.index_cast %swap3A_694 : i32 to index
        %swap3A_696 = arith.index_cast %add3A_693 : i32 to index
        %swap3A_697 = arith.constant 64 : index
        %swap3A_698 = tpu.vector_load %arg6[%swap3A_695, %swap3A_696, %swap3A_697] {strides = array<i32>} : memref<5x40x128xf32, #tpu.memory_space<vmem>>, vector<1x1x16xf32>,
        %swap3A_699 = vector.shape_cast %swap3A_698 : vector<1x1x16xf32> to vector<16xf32>
        %swap3A_700 = vector.shape_cast %exp3A_691 : vector<16xf32> to vector<1x1x16xf32>
        tpu.vector_store %arg6[%swap3A_695, %swap3A_696, %swap3A_697], %swap3A_700 {strides = array<i32>} : memref<5x40x128xf32, #tpu.memory_space<vmem>>, vector<1x1x16xf32>,
        %add3A_701 = arith.constant 1 : i32
        %add3A_702 = arith.addi %mul3A_469, %add3A_701 : i32
        %get3A_703 = arith.constant 3 : i32
        %get3A_704 = arith.index_cast %get3A_703 : i32 to index
        %get3A_705 = arith.index_cast %add3A_702 : i32 to index
        %get3A_706 = arith.constant 80 : index
        %get3A_707 = tpu.vector_load %arg6[%get3A_704, %get3A_705, %get3A_706] {strides = array<i32>} : memref<5x40x128xf32, #tpu.memory_space<vmem>>, vector<1x1x16xf32>,
        %get3A_708 = vector.shape_cast %get3A_707 : vector<1x1x16xf32> to vector<16xf32>
        %exp3A_709 = math.exp %get3A_708 : vector<16xf32>
        %add3A_710 = arith.constant 1 : i32
        %add3A_711 = arith.addi %mul3A_469, %add3A_710 : i32
        %swap3A_712 = arith.constant 3 : i32
        %swap3A_713 = arith.index_cast %swap3A_712 : i32 to index
        %swap3A_714 = arith.index_cast %add3A_711 : i32 to index
        %swap3A_715 = arith.constant 80 : index
        %swap3A_716 = tpu.vector_load %arg6[%swap3A_713, %swap3A_714, %swap3A_715] {strides = array<i32>} : memref<5x40x128xf32, #tpu.memory_space<vmem>>, vector<1x1x16xf32>,
        %swap3A_717 = vector.shape_cast %swap3A_716 : vector<1x1x16xf32> to vector<16xf32>
        %swap3A_718 = vector.shape_cast %exp3A_709 : vector<16xf32> to vector<1x1x16xf32>
        tpu.vector_store %arg6[%swap3A_713, %swap3A_714, %swap3A_715], %swap3A_718 {strides = array<i32>} : memref<5x40x128xf32, #tpu.memory_space<vmem>>, vector<1x1x16xf32>,
        %add3A_719 = arith.constant 1 : i32
        %add3A_720 = arith.addi %mul3A_469, %add3A_719 : i32
        %get3A_721 = arith.constant 3 : i32
        %get3A_722 = arith.index_cast %get3A_721 : i32 to index
        %get3A_723 = arith.index_cast %add3A_720 : i32 to index
        %get3A_724 = arith.constant 96 : index
        %get3A_725 = tpu.vector_load %arg6[%get3A_722, %get3A_723, %get3A_724] {strides = array<i32>} : memref<5x40x128xf32, #tpu.memory_space<vmem>>, vector<1x1x16xf32>,
        %get3A_726 = vector.shape_cast %get3A_725 : vector<1x1x16xf32> to vector<16xf32>
        %exp3A_727 = math.exp %get3A_726 : vector<16xf32>
        %add3A_728 = arith.constant 1 : i32
        %add3A_729 = arith.addi %mul3A_469, %add3A_728 : i32
        %swap3A_730 = arith.constant 3 : i32
        %swap3A_731 = arith.index_cast %swap3A_730 : i32 to index
        %swap3A_732 = arith.index_cast %add3A_729 : i32 to index
        %swap3A_733 = arith.constant 96 : index
        %swap3A_734 = tpu.vector_load %arg6[%swap3A_731, %swap3A_732, %swap3A_733] {strides = array<i32>} : memref<5x40x128xf32, #tpu.memory_space<vmem>>, vector<1x1x16xf32>,
        %swap3A_735 = vector.shape_cast %swap3A_734 : vector<1x1x16xf32> to vector<16xf32>
        %swap3A_736 = vector.shape_cast %exp3A_727 : vector<16xf32> to vector<1x1x16xf32>
        tpu.vector_store %arg6[%swap3A_731, %swap3A_732, %swap3A_733], %swap3A_736 {strides = array<i32>} : memref<5x40x128xf32, #tpu.memory_space<vmem>>, vector<1x1x16xf32>,
        %add3A_737 = arith.constant 1 : i32
        %add3A_738 = arith.addi %mul3A_469, %add3A_737 : i32
        %get3A_739 = arith.constant 3 : i32
        %get3A_740 = arith.index_cast %get3A_739 : i32 to index
        %get3A_741 = arith.index_cast %add3A_738 : i32 to index
        %get3A_742 = arith.constant 112 : index
        %get3A_743 = tpu.vector_load %arg6[%get3A_740, %get3A_741, %get3A_742] {strides = array<i32>} : memref<5x40x128xf32, #tpu.memory_space<vmem>>, vector<1x1x16xf32>,
        %get3A_744 = vector.shape_cast %get3A_743 : vector<1x1x16xf32> to vector<16xf32>
        %exp3A_745 = math.exp %get3A_744 : vector<16xf32>
        %add3A_746 = arith.constant 1 : i32
        %add3A_747 = arith.addi %mul3A_469, %add3A_746 : i32
        %swap3A_748 = arith.constant 3 : i32
        %swap3A_749 = arith.index_cast %swap3A_748 : i32 to index
        %swap3A_750 = arith.index_cast %add3A_747 : i32 to index
        %swap3A_751 = arith.constant 112 : index
        %swap3A_752 = tpu.vector_load %arg6[%swap3A_749, %swap3A_750, %swap3A_751] {strides = array<i32>} : memref<5x40x128xf32, #tpu.memory_space<vmem>>, vector<1x1x16xf32>,
        %swap3A_753 = vector.shape_cast %swap3A_752 : vector<1x1x16xf32> to vector<16xf32>
        %swap3A_754 = vector.shape_cast %exp3A_745 : vector<16xf32> to vector<1x1x16xf32>
        tpu.vector_store %arg6[%swap3A_749, %swap3A_750, %swap3A_751], %swap3A_754 {strides = array<i32>} : memref<5x40x128xf32, #tpu.memory_space<vmem>>, vector<1x1x16xf32>,
        %add3A_755 = arith.constant 2 : i32
        %add3A_756 = arith.addi %mul3A_469, %add3A_755 : i32
        %get3A_757 = arith.constant 3 : i32
        %get3A_758 = arith.index_cast %get3A_757 : i32 to index
        %get3A_759 = arith.index_cast %add3A_756 : i32 to index
        %get3A_760 = arith.constant 0 : index
        %get3A_761 = tpu.vector_load %arg6[%get3A_758, %get3A_759, %get3A_760] {strides = array<i32>} : memref<5x40x128xf32, #tpu.memory_space<vmem>>, vector<1x1x16xf32>,
        %get3A_762 = vector.shape_cast %get3A_761 : vector<1x1x16xf32> to vector<16xf32>
        %exp3A_763 = math.exp %get3A_762 : vector<16xf32>
        %add3A_764 = arith.constant 2 : i32
        %add3A_765 = arith.addi %mul3A_469, %add3A_764 : i32
        %swap3A_766 = arith.constant 3 : i32
        %swap3A_767 = arith.index_cast %swap3A_766 : i32 to index
        %swap3A_768 = arith.index_cast %add3A_765 : i32 to index
        %swap3A_769 = arith.constant 0 : index
        %swap3A_770 = tpu.vector_load %arg6[%swap3A_767, %swap3A_768, %swap3A_769] {strides = array<i32>} : memref<5x40x128xf32, #tpu.memory_space<vmem>>, vector<1x1x16xf32>,
        %swap3A_771 = vector.shape_cast %swap3A_770 : vector<1x1x16xf32> to vector<16xf32>
        %swap3A_772 = vector.shape_cast %exp3A_763 : vector<16xf32> to vector<1x1x16xf32>
        tpu.vector_store %arg6[%swap3A_767, %swap3A_768, %swap3A_769], %swap3A_772 {strides = array<i32>} : memref<5x40x128xf32, #tpu.memory_space<vmem>>, vector<1x1x16xf32>,
        %add3A_773 = arith.constant 2 : i32
        %add3A_774 = arith.addi %mul3A_469, %add3A_773 : i32
        %get3A_775 = arith.constant 3 : i32
        %get3A_776 = arith.index_cast %get3A_775 : i32 to index
        %get3A_777 = arith.index_cast %add3A_774 : i32 to index
        %get3A_778 = arith.constant 16 : index
        %get3A_779 = tpu.vector_load %arg6[%get3A_776, %get3A_777, %get3A_778] {strides = array<i32>} : memref<5x40x128xf32, #tpu.memory_space<vmem>>, vector<1x1x16xf32>,
        %get3A_780 = vector.shape_cast %get3A_779 : vector<1x1x16xf32> to vector<16xf32>
        %exp3A_781 = math.exp %get3A_780 : vector<16xf32>
        %add3A_782 = arith.constant 2 : i32
        %add3A_783 = arith.addi %mul3A_469, %add3A_782 : i32
        %swap3A_784 = arith.constant 3 : i32
        %swap3A_785 = arith.index_cast %swap3A_784 : i32 to index
        %swap3A_786 = arith.index_cast %add3A_783 : i32 to index
        %swap3A_787 = arith.constant 16 : index
        %swap3A_788 = tpu.vector_load %arg6[%swap3A_785, %swap3A_786, %swap3A_787] {strides = array<i32>} : memref<5x40x128xf32, #tpu.memory_space<vmem>>, vector<1x1x16xf32>,
        %swap3A_789 = vector.shape_cast %swap3A_788 : vector<1x1x16xf32> to vector<16xf32>
        %swap3A_790 = vector.shape_cast %exp3A_781 : vector<16xf32> to vector<1x1x16xf32>
        tpu.vector_store %arg6[%swap3A_785, %swap3A_786, %swap3A_787], %swap3A_790 {strides = array<i32>} : memref<5x40x128xf32, #tpu.memory_space<vmem>>, vector<1x1x16xf32>,
        %add3A_791 = arith.constant 2 : i32
        %add3A_792 = arith.addi %mul3A_469, %add3A_791 : i32
        %get3A_793 = arith.constant 3 : i32
        %get3A_794 = arith.index_cast %get3A_793 : i32 to index
        %get3A_795 = arith.index_cast %add3A_792 : i32 to index
        %get3A_796 = arith.constant 32 : index
        %get3A_797 = tpu.vector_load %arg6[%get3A_794, %get3A_795, %get3A_796] {strides = array<i32>} : memref<5x40x128xf32, #tpu.memory_space<vmem>>, vector<1x1x16xf32>,
        %get3A_798 = vector.shape_cast %get3A_797 : vector<1x1x16xf32> to vector<16xf32>
        %exp3A_799 = math.exp %get3A_798 : vector<16xf32>
        %add3A_800 = arith.constant 2 : i32
        %add3A_801 = arith.addi %mul3A_469, %add3A_800 : i32
        %swap3A_802 = arith.constant 3 : i32
        %swap3A_803 = arith.index_cast %swap3A_802 : i32 to index
        %swap3A_804 = arith.index_cast %add3A_801 : i32 to index
        %swap3A_805 = arith.constant 32 : index
        %swap3A_806 = tpu.vector_load %arg6[%swap3A_803, %swap3A_804, %swap3A_805] {strides = array<i32>} : memref<5x40x128xf32, #tpu.memory_space<vmem>>, vector<1x1x16xf32>,
        %swap3A_807 = vector.shape_cast %swap3A_806 : vector<1x1x16xf32> to vector<16xf32>
        %swap3A_808 = vector.shape_cast %exp3A_799 : vector<16xf32> to vector<1x1x16xf32>
        tpu.vector_store %arg6[%swap3A_803, %swap3A_804, %swap3A_805], %swap3A_808 {strides = array<i32>} : memref<5x40x128xf32, #tpu.memory_space<vmem>>, vector<1x1x16xf32>,
        %add3A_809 = arith.constant 2 : i32
        %add3A_810 = arith.addi %mul3A_469, %add3A_809 : i32
        %get3A_811 = arith.constant 3 : i32
        %get3A_812 = arith.index_cast %get3A_811 : i32 to index
        %get3A_813 = arith.index_cast %add3A_810 : i32 to index
        %get3A_814 = arith.constant 48 : index
        %get3A_815 = tpu.vector_load %arg6[%get3A_812, %get3A_813, %get3A_814] {strides = array<i32>} : memref<5x40x128xf32, #tpu.memory_space<vmem>>, vector<1x1x16xf32>,
        %get3A_816 = vector.shape_cast %get3A_815 : vector<1x1x16xf32> to vector<16xf32>
        %exp3A_817 = math.exp %get3A_816 : vector<16xf32>
        %add3A_818 = arith.constant 2 : i32
        %add3A_819 = arith.addi %mul3A_469, %add3A_818 : i32
        %swap3A_820 = arith.constant 3 : i32
        %swap3A_821 = arith.index_cast %swap3A_820 : i32 to index
        %swap3A_822 = arith.index_cast %add3A_819 : i32 to index
        %swap3A_823 = arith.constant 48 : index
        %swap3A_824 = tpu.vector_load %arg6[%swap3A_821, %swap3A_822, %swap3A_823] {strides = array<i32>} : memref<5x40x128xf32, #tpu.memory_space<vmem>>, vector<1x1x16xf32>,
        %swap3A_825 = vector.shape_cast %swap3A_824 : vector<1x1x16xf32> to vector<16xf32>
        %swap3A_826 = vector.shape_cast %exp3A_817 : vector<16xf32> to vector<1x1x16xf32>
        tpu.vector_store %arg6[%swap3A_821, %swap3A_822, %swap3A_823], %swap3A_826 {strides = array<i32>} : memref<5x40x128xf32, #tpu.memory_space<vmem>>, vector<1x1x16xf32>,
        %add3A_827 = arith.constant 2 : i32
        %add3A_828 = arith.addi %mul3A_469, %add3A_827 : i32
        %get3A_829 = arith.constant 3 : i32
        %get3A_830 = arith.index_cast %get3A_829 : i32 to index
        %get3A_831 = arith.index_cast %add3A_828 : i32 to index
        %get3A_832 = arith.constant 64 : index
        %get3A_833 = tpu.vector_load %arg6[%get3A_830, %get3A_831, %get3A_832] {strides = array<i32>} : memref<5x40x128xf32, #tpu.memory_space<vmem>>, vector<1x1x16xf32>,
        %get3A_834 = vector.shape_cast %get3A_833 : vector<1x1x16xf32> to vector<16xf32>
        %exp3A_835 = math.exp %get3A_834 : vector<16xf32>
        %add3A_836 = arith.constant 2 : i32
        %add3A_837 = arith.addi %mul3A_469, %add3A_836 : i32
        %swap3A_838 = arith.constant 3 : i32
        %swap3A_839 = arith.index_cast %swap3A_838 : i32 to index
        %swap3A_840 = arith.index_cast %add3A_837 : i32 to index
        %swap3A_841 = arith.constant 64 : index
        %swap3A_842 = tpu.vector_load %arg6[%swap3A_839, %swap3A_840, %swap3A_841] {strides = array<i32>} : memref<5x40x128xf32, #tpu.memory_space<vmem>>, vector<1x1x16xf32>,
        %swap3A_843 = vector.shape_cast %swap3A_842 : vector<1x1x16xf32> to vector<16xf32>
        %swap3A_844 = vector.shape_cast %exp3A_835 : vector<16xf32> to vector<1x1x16xf32>
        tpu.vector_store %arg6[%swap3A_839, %swap3A_840, %swap3A_841], %swap3A_844 {strides = array<i32>} : memref<5x40x128xf32, #tpu.memory_space<vmem>>, vector<1x1x16xf32>,
        %add3A_845 = arith.constant 2 : i32
        %add3A_846 = arith.addi %mul3A_469, %add3A_845 : i32
        %get3A_847 = arith.constant 3 : i32
        %get3A_848 = arith.index_cast %get3A_847 : i32 to index
        %get3A_849 = arith.index_cast %add3A_846 : i32 to index
        %get3A_850 = arith.constant 80 : index
        %get3A_851 = tpu.vector_load %arg6[%get3A_848, %get3A_849, %get3A_850] {strides = array<i32>} : memref<5x40x128xf32, #tpu.memory_space<vmem>>, vector<1x1x16xf32>,
        %get3A_852 = vector.shape_cast %get3A_851 : vector<1x1x16xf32> to vector<16xf32>
        %exp3A_853 = math.exp %get3A_852 : vector<16xf32>
        %add3A_854 = arith.constant 2 : i32
        %add3A_855 = arith.addi %mul3A_469, %add3A_854 : i32
        %swap3A_856 = arith.constant 3 : i32
        %swap3A_857 = arith.index_cast %swap3A_856 : i32 to index
        %swap3A_858 = arith.index_cast %add3A_855 : i32 to index
        %swap3A_859 = arith.constant 80 : index
        %swap3A_860 = tpu.vector_load %arg6[%swap3A_857, %swap3A_858, %swap3A_859] {strides = array<i32>} : memref<5x40x128xf32, #tpu.memory_space<vmem>>, vector<1x1x16xf32>,
        %swap3A_861 = vector.shape_cast %swap3A_860 : vector<1x1x16xf32> to vector<16xf32>
        %swap3A_862 = vector.shape_cast %exp3A_853 : vector<16xf32> to vector<1x1x16xf32>
        tpu.vector_store %arg6[%swap3A_857, %swap3A_858, %swap3A_859], %swap3A_862 {strides = array<i32>} : memref<5x40x128xf32, #tpu.memory_space<vmem>>, vector<1x1x16xf32>,
        %add3A_863 = arith.constant 2 : i32
        %add3A_864 = arith.addi %mul3A_469, %add3A_863 : i32
        %get3A_865 = arith.constant 3 : i32
        %get3A_866 = arith.index_cast %get3A_865 : i32 to index
        %get3A_867 = arith.index_cast %add3A_864 : i32 to index
        %get3A_868 = arith.constant 96 : index
        %get3A_869 = tpu.vector_load %arg6[%get3A_866, %get3A_867, %get3A_868] {strides = array<i32>} : memref<5x40x128xf32, #tpu.memory_space<vmem>>, vector<1x1x16xf32>,
        %get3A_870 = vector.shape_cast %get3A_869 : vector<1x1x16xf32> to vector<16xf32>
        %exp3A_871 = math.exp %get3A_870 : vector<16xf32>
        %add3A_872 = arith.constant 2 : i32
        %add3A_873 = arith.addi %mul3A_469, %add3A_872 : i32
        %swap3A_874 = arith.constant 3 : i32
        %swap3A_875 = arith.index_cast %swap3A_874 : i32 to index
        %swap3A_876 = arith.index_cast %add3A_873 : i32 to index
        %swap3A_877 = arith.constant 96 : index
        %swap3A_878 = tpu.vector_load %arg6[%swap3A_875, %swap3A_876, %swap3A_877] {strides = array<i32>} : memref<5x40x128xf32, #tpu.memory_space<vmem>>, vector<1x1x16xf32>,
        %swap3A_879 = vector.shape_cast %swap3A_878 : vector<1x1x16xf32> to vector<16xf32>
        %swap3A_880 = vector.shape_cast %exp3A_871 : vector<16xf32> to vector<1x1x16xf32>
        tpu.vector_store %arg6[%swap3A_875, %swap3A_876, %swap3A_877], %swap3A_880 {strides = array<i32>} : memref<5x40x128xf32, #tpu.memory_space<vmem>>, vector<1x1x16xf32>,
        %add3A_881 = arith.constant 2 : i32
        %add3A_882 = arith.addi %mul3A_469, %add3A_881 : i32
        %get3A_883 = arith.constant 3 : i32
        %get3A_884 = arith.index_cast %get3A_883 : i32 to index
        %get3A_885 = arith.index_cast %add3A_882 : i32 to index
        %get3A_886 = arith.constant 112 : index
        %get3A_887 = tpu.vector_load %arg6[%get3A_884, %get3A_885, %get3A_886] {strides = array<i32>} : memref<5x40x128xf32, #tpu.memory_space<vmem>>, vector<1x1x16xf32>,
        %get3A_888 = vector.shape_cast %get3A_887 : vector<1x1x16xf32> to vector<16xf32>
        %exp3A_889 = math.exp %get3A_888 : vector<16xf32>
        %add3A_890 = arith.constant 2 : i32
        %add3A_891 = arith.addi %mul3A_469, %add3A_890 : i32
        %swap3A_892 = arith.constant 3 : i32
        %swap3A_893 = arith.index_cast %swap3A_892 : i32 to index
        %swap3A_894 = arith.index_cast %add3A_891 : i32 to index
        %swap3A_895 = arith.constant 112 : index
        %swap3A_896 = tpu.vector_load %arg6[%swap3A_893, %swap3A_894, %swap3A_895] {strides = array<i32>} : memref<5x40x128xf32, #tpu.memory_space<vmem>>, vector<1x1x16xf32>,
        %swap3A_897 = vector.shape_cast %swap3A_896 : vector<1x1x16xf32> to vector<16xf32>
        %swap3A_898 = vector.shape_cast %exp3A_889 : vector<16xf32> to vector<1x1x16xf32>
        tpu.vector_store %arg6[%swap3A_893, %swap3A_894, %swap3A_895], %swap3A_898 {strides = array<i32>} : memref<5x40x128xf32, #tpu.memory_space<vmem>>, vector<1x1x16xf32>,
        %add3A_899 = arith.constant 3 : i32
        %add3A_900 = arith.addi %mul3A_469, %add3A_899 : i32
        %get3A_901 = arith.constant 3 : i32
        %get3A_902 = arith.index_cast %get3A_901 : i32 to index
        %get3A_903 = arith.index_cast %add3A_900 : i32 to index
        %get3A_904 = arith.constant 0 : index
        %get3A_905 = tpu.vector_load %arg6[%get3A_902, %get3A_903, %get3A_904] {strides = array<i32>} : memref<5x40x128xf32, #tpu.memory_space<vmem>>, vector<1x1x16xf32>,
        %get3A_906 = vector.shape_cast %get3A_905 : vector<1x1x16xf32> to vector<16xf32>
        %exp3A_907 = math.exp %get3A_906 : vector<16xf32>
        %add3A_908 = arith.constant 3 : i32
        %add3A_909 = arith.addi %mul3A_469, %add3A_908 : i32
        %swap3A_910 = arith.constant 3 : i32
        %swap3A_911 = arith.index_cast %swap3A_910 : i32 to index
        %swap3A_912 = arith.index_cast %add3A_909 : i32 to index
        %swap3A_913 = arith.constant 0 : index
        %swap3A_914 = tpu.vector_load %arg6[%swap3A_911, %swap3A_912, %swap3A_913] {strides = array<i32>} : memref<5x40x128xf32, #tpu.memory_space<vmem>>, vector<1x1x16xf32>,
        %swap3A_915 = vector.shape_cast %swap3A_914 : vector<1x1x16xf32> to vector<16xf32>
        %swap3A_916 = vector.shape_cast %exp3A_907 : vector<16xf32> to vector<1x1x16xf32>
        tpu.vector_store %arg6[%swap3A_911, %swap3A_912, %swap3A_913], %swap3A_916 {strides = array<i32>} : memref<5x40x128xf32, #tpu.memory_space<vmem>>, vector<1x1x16xf32>,
        %add3A_917 = arith.constant 3 : i32
        %add3A_918 = arith.addi %mul3A_469, %add3A_917 : i32
        %get3A_919 = arith.constant 3 : i32
        %get3A_920 = arith.index_cast %get3A_919 : i32 to index
        %get3A_921 = arith.index_cast %add3A_918 : i32 to index
        %get3A_922 = arith.constant 16 : index
        %get3A_923 = tpu.vector_load %arg6[%get3A_920, %get3A_921, %get3A_922] {strides = array<i32>} : memref<5x40x128xf32, #tpu.memory_space<vmem>>, vector<1x1x16xf32>,
        %get3A_924 = vector.shape_cast %get3A_923 : vector<1x1x16xf32> to vector<16xf32>
        %exp3A_925 = math.exp %get3A_924 : vector<16xf32>
        %add3A_926 = arith.constant 3 : i32
        %add3A_927 = arith.addi %mul3A_469, %add3A_926 : i32
        %swap3A_928 = arith.constant 3 : i32
        %swap3A_929 = arith.index_cast %swap3A_928 : i32 to index
        %swap3A_930 = arith.index_cast %add3A_927 : i32 to index
        %swap3A_931 = arith.constant 16 : index
        %swap3A_932 = tpu.vector_load %arg6[%swap3A_929, %swap3A_930, %swap3A_931] {strides = array<i32>} : memref<5x40x128xf32, #tpu.memory_space<vmem>>, vector<1x1x16xf32>,
        %swap3A_933 = vector.shape_cast %swap3A_932 : vector<1x1x16xf32> to vector<16xf32>
        %swap3A_934 = vector.shape_cast %exp3A_925 : vector<16xf32> to vector<1x1x16xf32>
        tpu.vector_store %arg6[%swap3A_929, %swap3A_930, %swap3A_931], %swap3A_934 {strides = array<i32>} : memref<5x40x128xf32, #tpu.memory_space<vmem>>, vector<1x1x16xf32>,
        %add3A_935 = arith.constant 3 : i32
        %add3A_936 = arith.addi %mul3A_469, %add3A_935 : i32
        %get3A_937 = arith.constant 3 : i32
        %get3A_938 = arith.index_cast %get3A_937 : i32 to index
        %get3A_939 = arith.index_cast %add3A_936 : i32 to index
        %get3A_940 = arith.constant 32 : index
        %get3A_941 = tpu.vector_load %arg6[%get3A_938, %get3A_939, %get3A_940] {strides = array<i32>} : memref<5x40x128xf32, #tpu.memory_space<vmem>>, vector<1x1x16xf32>,
        %get3A_942 = vector.shape_cast %get3A_941 : vector<1x1x16xf32> to vector<16xf32>
        %exp3A_943 = math.exp %get3A_942 : vector<16xf32>
        %add3A_944 = arith.constant 3 : i32
        %add3A_945 = arith.addi %mul3A_469, %add3A_944 : i32
        %swap3A_946 = arith.constant 3 : i32
        %swap3A_947 = arith.index_cast %swap3A_946 : i32 to index
        %swap3A_948 = arith.index_cast %add3A_945 : i32 to index
        %swap3A_949 = arith.constant 32 : index
        %swap3A_950 = tpu.vector_load %arg6[%swap3A_947, %swap3A_948, %swap3A_949] {strides = array<i32>} : memref<5x40x128xf32, #tpu.memory_space<vmem>>, vector<1x1x16xf32>,
        %swap3A_951 = vector.shape_cast %swap3A_950 : vector<1x1x16xf32> to vector<16xf32>
        %swap3A_952 = vector.shape_cast %exp3A_943 : vector<16xf32> to vector<1x1x16xf32>
        tpu.vector_store %arg6[%swap3A_947, %swap3A_948, %swap3A_949], %swap3A_952 {strides = array<i32>} : memref<5x40x128xf32, #tpu.memory_space<vmem>>, vector<1x1x16xf32>,
        %add3A_953 = arith.constant 3 : i32
        %add3A_954 = arith.addi %mul3A_469, %add3A_953 : i32
        %get3A_955 = arith.constant 3 : i32
        %get3A_956 = arith.index_cast %get3A_955 : i32 to index
        %get3A_957 = arith.index_cast %add3A_954 : i32 to index
        %get3A_958 = arith.constant 48 : index
        %get3A_959 = tpu.vector_load %arg6[%get3A_956, %get3A_957, %get3A_958] {strides = array<i32>} : memref<5x40x128xf32, #tpu.memory_space<vmem>>, vector<1x1x16xf32>,
        %get3A_960 = vector.shape_cast %get3A_959 : vector<1x1x16xf32> to vector<16xf32>
        %exp3A_961 = math.exp %get3A_960 : vector<16xf32>
        %add3A_962 = arith.constant 3 : i32
        %add3A_963 = arith.addi %mul3A_469, %add3A_962 : i32
        %swap3A_964 = arith.constant 3 : i32
        %swap3A_965 = arith.index_cast %swap3A_964 : i32 to index
        %swap3A_966 = arith.index_cast %add3A_963 : i32 to index
        %swap3A_967 = arith.constant 48 : index
        %swap3A_968 = tpu.vector_load %arg6[%swap3A_965, %swap3A_966, %swap3A_967] {strides = array<i32>} : memref<5x40x128xf32, #tpu.memory_space<vmem>>, vector<1x1x16xf32>,
        %swap3A_969 = vector.shape_cast %swap3A_968 : vector<1x1x16xf32> to vector<16xf32>
        %swap3A_970 = vector.shape_cast %exp3A_961 : vector<16xf32> to vector<1x1x16xf32>
        tpu.vector_store %arg6[%swap3A_965, %swap3A_966, %swap3A_967], %swap3A_970 {strides = array<i32>} : memref<5x40x128xf32, #tpu.memory_space<vmem>>, vector<1x1x16xf32>,
        %add3A_971 = arith.constant 3 : i32
        %add3A_972 = arith.addi %mul3A_469, %add3A_971 : i32
        %get3A_973 = arith.constant 3 : i32
        %get3A_974 = arith.index_cast %get3A_973 : i32 to index
        %get3A_975 = arith.index_cast %add3A_972 : i32 to index
        %get3A_976 = arith.constant 64 : index
        %get3A_977 = tpu.vector_load %arg6[%get3A_974, %get3A_975, %get3A_976] {strides = array<i32>} : memref<5x40x128xf32, #tpu.memory_space<vmem>>, vector<1x1x16xf32>,
        %get3A_978 = vector.shape_cast %get3A_977 : vector<1x1x16xf32> to vector<16xf32>
        %exp3A_979 = math.exp %get3A_978 : vector<16xf32>
        %add3A_980 = arith.constant 3 : i32
        %add3A_981 = arith.addi %mul3A_469, %add3A_980 : i32
        %swap3A_982 = arith.constant 3 : i32
        %swap3A_983 = arith.index_cast %swap3A_982 : i32 to index
        %swap3A_984 = arith.index_cast %add3A_981 : i32 to index
        %swap3A_985 = arith.constant 64 : index
        %swap3A_986 = tpu.vector_load %arg6[%swap3A_983, %swap3A_984, %swap3A_985] {strides = array<i32>} : memref<5x40x128xf32, #tpu.memory_space<vmem>>, vector<1x1x16xf32>,
        %swap3A_987 = vector.shape_cast %swap3A_986 : vector<1x1x16xf32> to vector<16xf32>
        %swap3A_988 = vector.shape_cast %exp3A_979 : vector<16xf32> to vector<1x1x16xf32>
        tpu.vector_store %arg6[%swap3A_983, %swap3A_984, %swap3A_985], %swap3A_988 {strides = array<i32>} : memref<5x40x128xf32, #tpu.memory_space<vmem>>, vector<1x1x16xf32>,
        %add3A_989 = arith.constant 3 : i32
        %add3A_990 = arith.addi %mul3A_469, %add3A_989 : i32
        %get3A_991 = arith.constant 3 : i32
        %get3A_992 = arith.index_cast %get3A_991 : i32 to index
        %get3A_993 = arith.index_cast %add3A_990 : i32 to index
        %get3A_994 = arith.constant 80 : index
        %get3A_995 = tpu.vector_load %arg6[%get3A_992, %get3A_993, %get3A_994] {strides = array<i32>} : memref<5x40x128xf32, #tpu.memory_space<vmem>>, vector<1x1x16xf32>,
        %get3A_996 = vector.shape_cast %get3A_995 : vector<1x1x16xf32> to vector<16xf32>
        %exp3A_997 = math.exp %get3A_996 : vector<16xf32>
        %add3A_998 = arith.constant 3 : i32
        %add3A_999 = arith.addi %mul3A_469, %add3A_998 : i32
        %swap3A_1000 = arith.constant 3 : i32
        %swap3A_1001 = arith.index_cast %swap3A_1000 : i32 to index
        %swap3A_1002 = arith.index_cast %add3A_999 : i32 to index
        %swap3A_1003 = arith.constant 80 : index
        %swap3A_1004 = tpu.vector_load %arg6[%swap3A_1001, %swap3A_1002, %swap3A_1003] {strides = array<i32>} : memref<5x40x128xf32, #tpu.memory_space<vmem>>, vector<1x1x16xf32>,
        %swap3A_1005 = vector.shape_cast %swap3A_1004 : vector<1x1x16xf32> to vector<16xf32>
        %swap3A_1006 = vector.shape_cast %exp3A_997 : vector<16xf32> to vector<1x1x16xf32>
        tpu.vector_store %arg6[%swap3A_1001, %swap3A_1002, %swap3A_1003], %swap3A_1006 {strides = array<i32>} : memref<5x40x128xf32, #tpu.memory_space<vmem>>, vector<1x1x16xf32>,
        %add3A_1007 = arith.constant 3 : i32
        %add3A_1008 = arith.addi %mul3A_469, %add3A_1007 : i32
        %get3A_1009 = arith.constant 3 : i32
        %get3A_1010 = arith.index_cast %get3A_1009 : i32 to index
        %get3A_1011 = arith.index_cast %add3A_1008 : i32 to index
        %get3A_1012 = arith.constant 96 : index
        %get3A_1013 = tpu.vector_load %arg6[%get3A_1010, %get3A_1011, %get3A_1012] {strides = array<i32>} : memref<5x40x128xf32, #tpu.memory_space<vmem>>, vector<1x1x16xf32>,
        %get3A_1014 = vector.shape_cast %get3A_1013 : vector<1x1x16xf32> to vector<16xf32>
        %exp3A_1015 = math.exp %get3A_1014 : vector<16xf32>
        %add3A_1016 = arith.constant 3 : i32
        %add3A_1017 = arith.addi %mul3A_469, %add3A_1016 : i32
        %swap3A_1018 = arith.constant 3 : i32
        %swap3A_1019 = arith.index_cast %swap3A_1018 : i32 to index
        %swap3A_1020 = arith.index_cast %add3A_1017 : i32 to index
        %swap3A_1021 = arith.constant 96 : index
        %swap3A_1022 = tpu.vector_load %arg6[%swap3A_1019, %swap3A_1020, %swap3A_1021] {strides = array<i32>} : memref<5x40x128xf32, #tpu.memory_space<vmem>>, vector<1x1x16xf32>,
        %swap3A_1023 = vector.shape_cast %swap3A_1022 : vector<1x1x16xf32> to vector<16xf32>
        %swap3A_1024 = vector.shape_cast %exp3A_1015 : vector<16xf32> to vector<1x1x16xf32>
        tpu.vector_store %arg6[%swap3A_1019, %swap3A_1020, %swap3A_1021], %swap3A_1024 {strides = array<i32>} : memref<5x40x128xf32, #tpu.memory_space<vmem>>, vector<1x1x16xf32>,
        %add3A_1025 = arith.constant 3 : i32
        %add3A_1026 = arith.addi %mul3A_469, %add3A_1025 : i32
        %get3A_1027 = arith.constant 3 : i32
        %get3A_1028 = arith.index_cast %get3A_1027 : i32 to index
        %get3A_1029 = arith.index_cast %add3A_1026 : i32 to index
        %get3A_1030 = arith.constant 112 : index
        %get3A_1031 = tpu.vector_load %arg6[%get3A_1028, %get3A_1029, %get3A_1030] {strides = array<i32>} : memref<5x40x128xf32, #tpu.memory_space<vmem>>, vector<1x1x16xf32>,
        %get3A_1032 = vector.shape_cast %get3A_1031 : vector<1x1x16xf32> to vector<16xf32>
        %exp3A_1033 = math.exp %get3A_1032 : vector<16xf32>
        %add3A_1034 = arith.constant 3 : i32
        %add3A_1035 = arith.addi %mul3A_469, %add3A_1034 : i32
        %swap3A_1036 = arith.constant 3 : i32
        %swap3A_1037 = arith.index_cast %swap3A_1036 : i32 to index
        %swap3A_1038 = arith.index_cast %add3A_1035 : i32 to index
        %swap3A_1039 = arith.constant 112 : index
        %swap3A_1040 = tpu.vector_load %arg6[%swap3A_1037, %swap3A_1038, %swap3A_1039] {strides = array<i32>} : memref<5x40x128xf32, #tpu.memory_space<vmem>>, vector<1x1x16xf32>,
        %swap3A_1041 = vector.shape_cast %swap3A_1040 : vector<1x1x16xf32> to vector<16xf32>
        %swap3A_1042 = vector.shape_cast %exp3A_1033 : vector<16xf32> to vector<1x1x16xf32>
        tpu.vector_store %arg6[%swap3A_1037, %swap3A_1038, %swap3A_1039], %swap3A_1042 {strides = array<i32>} : memref<5x40x128xf32, #tpu.memory_space<vmem>>, vector<1x1x16xf32>,
      }
      %scan3A_396 = arith.constant 10 : i32
      %dma_start3A_397 = arith.constant 3 : i32
      %dma_start3A_398 = arith.constant 3 : i32
      %dma_start3A_399 = arith.constant 0 : i32
      %dma_start3A_400 = arith.constant 0 : i32
      %dma_start3A_401 = tpu.memref_slice %arg6[%dma_start3A_397, %dma_start3A_399, %dma_start3A_400] : memref<5x40x128xf32, #tpu.memory_space<vmem>> -> memref<1x40x128xf32, #tpu.memory_space<vmem>>
      %dma_start3A_402 = tpu.memref_squeeze %dma_start3A_401 : memref<1x40x128xf32, #tpu.memory_space<vmem>> -> memref<40x128xf32, #tpu.memory_space<vmem>>
      %dma_start3A_403 = arith.constant 0 : i32
      %dma_start3A_404 = tpu.memref_slice %arg7[%dma_start3A_398, %dma_start3A_403] : memref<5x40xi32, #tpu.memory_space<vmem>> -> memref<1x40xi32, #tpu.memory_space<vmem>>
      %dma_start3A_405 = tpu.memref_squeeze %dma_start3A_404 : memref<1x40xi32, #tpu.memory_space<vmem>> -> memref<40xi32, #tpu.memory_space<vmem>>
      %dma_start3A_406 = arith.constant 0 : i32
      %dma_start3A_407 = arith.constant 0 : i32
      %dma_start3A_408 = tpu.memref_slice %arg5[%dma_start3A_406, %dma_start3A_407] : memref<10000x128xf32, #tpu.memory_space<vmem_shared>> -> memref<10000x128xf32, #tpu.memory_space<vmem_shared>>
      tpu.enqueue_indirect_dma source(%dma_start3A_402 : memref<40x128xf32, #tpu.memory_space<vmem>>) target(%dma_start3A_408 : memref<10000x128xf32, #tpu.memory_space<vmem_shared>>) offsets(%dma_start3A_405 : memref<40xi32, #tpu.memory_space<vmem>>) semaphore(%arg21 : memref<!tpu.dma_semaphore, #tpu.memory_space<semaphore_mem>>) {add = true}
      %add3A_409 = arith.constant 4 : i32
      %add3A_410 = arith.addi %add3A_178, %add3A_409 : i32
      %ge3A_411 = arith.constant 3 : i32
      %ge3A_412 = arith.cmpi sge, %add3A_410, %ge3A_411 : i32
      %convert_element_type3A_413 = arith.extui %ge3A_412 : i1 to i32
      %cond3A_414 = arith.constant 0 : i32
      %cond3A_415 = arith.cmpi ne, %convert_element_type3A_413, %cond3A_414 : i32
      scf.if %cond3A_415 {
        %dma_wait3A_467 = arith.constant 1 : i32
        %dma_wait3A_468 = arith.constant 1 : i32
        %dma_wait3A_469 = arith.constant 0 : i32
        %dma_wait3A_470 = arith.constant 0 : i32
        %dma_wait3A_471 = tpu.memref_slice %arg6[%dma_wait3A_467, %dma_wait3A_469, %dma_wait3A_470] : memref<5x40x128xf32, #tpu.memory_space<vmem>> -> memref<1x40x128xf32, #tpu.memory_space<vmem>>
        %dma_wait3A_472 = tpu.memref_squeeze %dma_wait3A_471 : memref<1x40x128xf32, #tpu.memory_space<vmem>> -> memref<40x128xf32, #tpu.memory_space<vmem>>
        %dma_wait3A_473 = arith.constant 0 : i32
        %dma_wait3A_474 = tpu.memref_slice %arg7[%dma_wait3A_468, %dma_wait3A_473] : memref<5x40xi32, #tpu.memory_space<vmem>> -> memref<1x40xi32, #tpu.memory_space<vmem>>
        %dma_wait3A_475 = tpu.memref_squeeze %dma_wait3A_474 : memref<1x40xi32, #tpu.memory_space<vmem>> -> memref<40xi32, #tpu.memory_space<vmem>>
        %dma_wait3A_476 = arith.constant 0 : i32
        %dma_wait3A_477 = arith.constant 0 : i32
        %dma_wait3A_478 = tpu.memref_slice %arg5[%dma_wait3A_476, %dma_wait3A_477] : memref<10000x128xf32, #tpu.memory_space<vmem_shared>> -> memref<10000x128xf32, #tpu.memory_space<vmem_shared>>
        tpu.wait_indirect_dma semaphore(%arg19 : memref<!tpu.dma_semaphore, #tpu.memory_space<semaphore_mem>>) src(%dma_wait3A_472 : memref<40x128xf32, #tpu.memory_space<vmem>>) dst(%dma_wait3A_478 : memref<10000x128xf32, #tpu.memory_space<vmem_shared>>)
      } else {
      }
      %add3A_416 = arith.constant 2 : i32
      %add3A_417 = arith.addi %add3A_410, %add3A_416 : i32
      %lt3A_418 = arith.constant 250 : i32
      %lt3A_419 = arith.cmpi slt, %add3A_417, %lt3A_418 : i32
      %convert_element_type3A_420 = arith.extui %lt3A_419 : i1 to i32
      %cond3A_421 = arith.constant 0 : i32
      %cond3A_422 = arith.cmpi ne, %convert_element_type3A_420, %cond3A_421 : i32
      scf.if %cond3A_422 {
        %add3A_467 = arith.constant 2 : i32
        %add3A_468 = arith.addi %add3A_410, %add3A_467 : i32
        %mul3A_469 = arith.constant 40 : i32
        %mul3A_470 = arith.muli %add3A_468, %mul3A_469 : i32
        %add3A_471 = arith.addi %mul3A_2, %mul3A_470 : i32
        %dma_start3A_472 = arith.constant 1 : i32
        %dma_start3A_473 = arith.constant 0 : i32
        %dma_start3A_474 = arith.constant 0 : i32
        %dma_start3A_475 = tpu.memref_slice %arg6[%dma_start3A_472, %dma_start3A_473, %dma_start3A_474] : memref<5x40x128xf32, #tpu.memory_space<vmem>> -> memref<1x40x128xf32, #tpu.memory_space<vmem>>
        %dma_start3A_476 = tpu.memref_squeeze %dma_start3A_475 : memref<1x40x128xf32, #tpu.memory_space<vmem>> -> memref<40x128xf32, #tpu.memory_space<vmem>>
        %dma_start3A_477 = arith.constant 0 : i32
        %dma_start3A_478 = tpu.memref_slice %arg2[%add3A_471, %dma_start3A_477] : memref<320000x128xf32, #tpu.memory_space<hbm>> -> memref<40x128xf32, #tpu.memory_space<hbm>>
        %dma_start3A_479 = arith.constant 0 : i32
        %dma_start3A_480 = arith.constant 0 : i32
        %dma_start3A_481 = tpu.memref_slice %arg6[%dma_start3A_472, %dma_start3A_479, %dma_start3A_480] : memref<5x40x128xf32, #tpu.memory_space<vmem>> -> memref<1x40x128xf32, #tpu.memory_space<vmem>>
        %dma_start3A_482 = tpu.memref_squeeze %dma_start3A_481 : memref<1x40x128xf32, #tpu.memory_space<vmem>> -> memref<40x128xf32, #tpu.memory_space<vmem>>
        %dma_start3A_483 = arith.constant 0 : i32
        %dma_start3A_484 = tpu.memref_slice %arg2[%add3A_471, %dma_start3A_483] : memref<320000x128xf32, #tpu.memory_space<hbm>> -> memref<40x128xf32, #tpu.memory_space<hbm>>
        tpu.enqueue_dma source(%dma_start3A_484 : memref<40x128xf32, #tpu.memory_space<hbm>>) target(%dma_start3A_482 : memref<40x128xf32, #tpu.memory_space<vmem>>) target_semaphore(%arg9 : memref<!tpu.dma_semaphore, #tpu.memory_space<semaphore_mem>>)
        %dma_start3A_485 = arith.constant 1 : i32
        %dma_start3A_486 = arith.constant 0 : i32
        %dma_start3A_487 = tpu.memref_slice %arg7[%dma_start3A_485, %dma_start3A_486] : memref<5x40xi32, #tpu.memory_space<vmem>> -> memref<1x40xi32, #tpu.memory_space<vmem>>
        %dma_start3A_488 = tpu.memref_squeeze %dma_start3A_487 : memref<1x40xi32, #tpu.memory_space<vmem>> -> memref<40xi32, #tpu.memory_space<vmem>>
        %dma_start3A_489 = tpu.memref_slice %arg3[%add3A_471] : memref<320000xi32, #tpu.memory_space<hbm>> -> memref<40xi32, #tpu.memory_space<hbm>>
        %dma_start3A_490 = arith.constant 0 : i32
        %dma_start3A_491 = tpu.memref_slice %arg7[%dma_start3A_485, %dma_start3A_490] : memref<5x40xi32, #tpu.memory_space<vmem>> -> memref<1x40xi32, #tpu.memory_space<vmem>>
        %dma_start3A_492 = tpu.memref_squeeze %dma_start3A_491 : memref<1x40xi32, #tpu.memory_space<vmem>> -> memref<40xi32, #tpu.memory_space<vmem>>
        %dma_start3A_493 = tpu.memref_slice %arg3[%add3A_471] : memref<320000xi32, #tpu.memory_space<hbm>> -> memref<40xi32, #tpu.memory_space<hbm>>
        tpu.enqueue_dma source(%dma_start3A_493 : memref<40xi32, #tpu.memory_space<hbm>>) target(%dma_start3A_492 : memref<40xi32, #tpu.memory_space<vmem>>) target_semaphore(%arg14 : memref<!tpu.dma_semaphore, #tpu.memory_space<semaphore_mem>>)
      } else {
      }
      %dma_wait3A_423 = arith.constant 4 : i32
      %dma_wait3A_424 = arith.constant 0 : i32
      %dma_wait3A_425 = arith.constant 0 : i32
      %dma_wait3A_426 = tpu.memref_slice %arg6[%dma_wait3A_423, %dma_wait3A_424, %dma_wait3A_425] : memref<5x40x128xf32, #tpu.memory_space<vmem>> -> memref<1x40x128xf32, #tpu.memory_space<vmem>>
      %dma_wait3A_427 = tpu.memref_squeeze %dma_wait3A_426 : memref<1x40x128xf32, #tpu.memory_space<vmem>> -> memref<40x128xf32, #tpu.memory_space<vmem>>
      %dma_wait3A_428 = arith.constant 0 : i32
      %dma_wait3A_429 = arith.constant 0 : i32
      %dma_wait3A_430 = tpu.memref_slice %arg2[%dma_wait3A_428, %dma_wait3A_429] : memref<320000x128xf32, #tpu.memory_space<hbm>> -> memref<40x128xf32, #tpu.memory_space<hbm>>
      %dma_wait3A_431 = arith.constant 0 : i32
      %dma_wait3A_432 = arith.constant 0 : i32
      %dma_wait3A_433 = tpu.memref_slice %arg6[%dma_wait3A_423, %dma_wait3A_431, %dma_wait3A_432] : memref<5x40x128xf32, #tpu.memory_space<vmem>> -> memref<1x40x128xf32, #tpu.memory_space<vmem>>
      %dma_wait3A_434 = tpu.memref_squeeze %dma_wait3A_433 : memref<1x40x128xf32, #tpu.memory_space<vmem>> -> memref<40x128xf32, #tpu.memory_space<vmem>>
      %dma_wait3A_435 = arith.constant 0 : i32
      %dma_wait3A_436 = arith.constant 0 : i32
      %dma_wait3A_437 = tpu.memref_slice %arg2[%dma_wait3A_435, %dma_wait3A_436] : memref<320000x128xf32, #tpu.memory_space<hbm>> -> memref<40x128xf32, #tpu.memory_space<hbm>>
      tpu.wait_dma2 semaphore(%arg12 : memref<!tpu.dma_semaphore, #tpu.memory_space<semaphore_mem>>) src(%dma_wait3A_437 : memref<40x128xf32, #tpu.memory_space<hbm>>) dst(%dma_wait3A_434 : memref<40x128xf32, #tpu.memory_space<vmem>>)
      %dma_wait3A_438 = arith.constant 4 : i32
      %dma_wait3A_439 = arith.constant 0 : i32
      %dma_wait3A_440 = tpu.memref_slice %arg7[%dma_wait3A_438, %dma_wait3A_439] : memref<5x40xi32, #tpu.memory_space<vmem>> -> memref<1x40xi32, #tpu.memory_space<vmem>>
      %dma_wait3A_441 = tpu.memref_squeeze %dma_wait3A_440 : memref<1x40xi32, #tpu.memory_space<vmem>> -> memref<40xi32, #tpu.memory_space<vmem>>
      %dma_wait3A_442 = arith.constant 0 : i32
      %dma_wait3A_443 = tpu.memref_slice %arg3[%dma_wait3A_442] : memref<320000xi32, #tpu.memory_space<hbm>> -> memref<40xi32, #tpu.memory_space<hbm>>
      %dma_wait3A_444 = arith.constant 0 : i32
      %dma_wait3A_445 = tpu.memref_slice %arg7[%dma_wait3A_438, %dma_wait3A_444] : memref<5x40xi32, #tpu.memory_space<vmem>> -> memref<1x40xi32, #tpu.memory_space<vmem>>
      %dma_wait3A_446 = tpu.memref_squeeze %dma_wait3A_445 : memref<1x40xi32, #tpu.memory_space<vmem>> -> memref<40xi32, #tpu.memory_space<vmem>>
      %dma_wait3A_447 = arith.constant 0 : i32
      %dma_wait3A_448 = tpu.memref_slice %arg3[%dma_wait3A_447] : memref<320000xi32, #tpu.memory_space<hbm>> -> memref<40xi32, #tpu.memory_space<hbm>>
      tpu.wait_dma2 semaphore(%arg17 : memref<!tpu.dma_semaphore, #tpu.memory_space<semaphore_mem>>) src(%dma_wait3A_448 : memref<40xi32, #tpu.memory_space<hbm>>) dst(%dma_wait3A_446 : memref<40xi32, #tpu.memory_space<vmem>>)
      %scan3A_449 = arith.constant 0 : i32
      %scan3A_450 = arith.constant 0 : i32
      %scan3A_451 = arith.constant 10 : i32
      %scan3A_452 = arith.addi %scan3A_450, %scan3A_451 : i32
      %scan3A_453 = arith.constant 1 : i32
      scf.for %scan3A_467 = %scan3A_450 to %scan3A_452 step %scan3A_453  : i32 {
        %mul3A_468 = arith.constant 4 : i32
        %mul3A_469 = arith.muli %scan3A_467, %mul3A_468 : i32
        %add3A_470 = arith.constant 0 : i32
        %add3A_471 = arith.addi %mul3A_469, %add3A_470 : i32
        %get3A = arith.constant 4 : i32
        %get3A_472 = arith.index_cast %get3A : i32 to index
        %get3A_473 = arith.index_cast %add3A_471 : i32 to index
        %get3A_474 = arith.constant 0 : index
        %get3A_475 = tpu.vector_load %arg6[%get3A_472, %get3A_473, %get3A_474] {strides = array<i32>} : memref<5x40x128xf32, #tpu.memory_space<vmem>>, vector<1x1x16xf32>,
        %get3A_476 = vector.shape_cast %get3A_475 : vector<1x1x16xf32> to vector<16xf32>
        %exp3A = math.exp %get3A_476 : vector<16xf32>
        %add3A_477 = arith.constant 0 : i32
        %add3A_478 = arith.addi %mul3A_469, %add3A_477 : i32
        %swap3A = arith.constant 4 : i32
        %swap3A_479 = arith.index_cast %swap3A : i32 to index
        %swap3A_480 = arith.index_cast %add3A_478 : i32 to index
        %swap3A_481 = arith.constant 0 : index
        %swap3A_482 = tpu.vector_load %arg6[%swap3A_479, %swap3A_480, %swap3A_481] {strides = array<i32>} : memref<5x40x128xf32, #tpu.memory_space<vmem>>, vector<1x1x16xf32>,
        %swap3A_483 = vector.shape_cast %swap3A_482 : vector<1x1x16xf32> to vector<16xf32>
        %swap3A_484 = vector.shape_cast %exp3A : vector<16xf32> to vector<1x1x16xf32>
        tpu.vector_store %arg6[%swap3A_479, %swap3A_480, %swap3A_481], %swap3A_484 {strides = array<i32>} : memref<5x40x128xf32, #tpu.memory_space<vmem>>, vector<1x1x16xf32>,
        %add3A_485 = arith.constant 0 : i32
        %add3A_486 = arith.addi %mul3A_469, %add3A_485 : i32
        %get3A_487 = arith.constant 4 : i32
        %get3A_488 = arith.index_cast %get3A_487 : i32 to index
        %get3A_489 = arith.index_cast %add3A_486 : i32 to index
        %get3A_490 = arith.constant 16 : index
        %get3A_491 = tpu.vector_load %arg6[%get3A_488, %get3A_489, %get3A_490] {strides = array<i32>} : memref<5x40x128xf32, #tpu.memory_space<vmem>>, vector<1x1x16xf32>,
        %get3A_492 = vector.shape_cast %get3A_491 : vector<1x1x16xf32> to vector<16xf32>
        %exp3A_493 = math.exp %get3A_492 : vector<16xf32>
        %add3A_494 = arith.constant 0 : i32
        %add3A_495 = arith.addi %mul3A_469, %add3A_494 : i32
        %swap3A_496 = arith.constant 4 : i32
        %swap3A_497 = arith.index_cast %swap3A_496 : i32 to index
        %swap3A_498 = arith.index_cast %add3A_495 : i32 to index
        %swap3A_499 = arith.constant 16 : index
        %swap3A_500 = tpu.vector_load %arg6[%swap3A_497, %swap3A_498, %swap3A_499] {strides = array<i32>} : memref<5x40x128xf32, #tpu.memory_space<vmem>>, vector<1x1x16xf32>,
        %swap3A_501 = vector.shape_cast %swap3A_500 : vector<1x1x16xf32> to vector<16xf32>
        %swap3A_502 = vector.shape_cast %exp3A_493 : vector<16xf32> to vector<1x1x16xf32>
        tpu.vector_store %arg6[%swap3A_497, %swap3A_498, %swap3A_499], %swap3A_502 {strides = array<i32>} : memref<5x40x128xf32, #tpu.memory_space<vmem>>, vector<1x1x16xf32>,
        %add3A_503 = arith.constant 0 : i32
        %add3A_504 = arith.addi %mul3A_469, %add3A_503 : i32
        %get3A_505 = arith.constant 4 : i32
        %get3A_506 = arith.index_cast %get3A_505 : i32 to index
        %get3A_507 = arith.index_cast %add3A_504 : i32 to index
        %get3A_508 = arith.constant 32 : index
        %get3A_509 = tpu.vector_load %arg6[%get3A_506, %get3A_507, %get3A_508] {strides = array<i32>} : memref<5x40x128xf32, #tpu.memory_space<vmem>>, vector<1x1x16xf32>,
        %get3A_510 = vector.shape_cast %get3A_509 : vector<1x1x16xf32> to vector<16xf32>
        %exp3A_511 = math.exp %get3A_510 : vector<16xf32>
        %add3A_512 = arith.constant 0 : i32
        %add3A_513 = arith.addi %mul3A_469, %add3A_512 : i32
        %swap3A_514 = arith.constant 4 : i32
        %swap3A_515 = arith.index_cast %swap3A_514 : i32 to index
        %swap3A_516 = arith.index_cast %add3A_513 : i32 to index
        %swap3A_517 = arith.constant 32 : index
        %swap3A_518 = tpu.vector_load %arg6[%swap3A_515, %swap3A_516, %swap3A_517] {strides = array<i32>} : memref<5x40x128xf32, #tpu.memory_space<vmem>>, vector<1x1x16xf32>,
        %swap3A_519 = vector.shape_cast %swap3A_518 : vector<1x1x16xf32> to vector<16xf32>
        %swap3A_520 = vector.shape_cast %exp3A_511 : vector<16xf32> to vector<1x1x16xf32>
        tpu.vector_store %arg6[%swap3A_515, %swap3A_516, %swap3A_517], %swap3A_520 {strides = array<i32>} : memref<5x40x128xf32, #tpu.memory_space<vmem>>, vector<1x1x16xf32>,
        %add3A_521 = arith.constant 0 : i32
        %add3A_522 = arith.addi %mul3A_469, %add3A_521 : i32
        %get3A_523 = arith.constant 4 : i32
        %get3A_524 = arith.index_cast %get3A_523 : i32 to index
        %get3A_525 = arith.index_cast %add3A_522 : i32 to index
        %get3A_526 = arith.constant 48 : index
        %get3A_527 = tpu.vector_load %arg6[%get3A_524, %get3A_525, %get3A_526] {strides = array<i32>} : memref<5x40x128xf32, #tpu.memory_space<vmem>>, vector<1x1x16xf32>,
        %get3A_528 = vector.shape_cast %get3A_527 : vector<1x1x16xf32> to vector<16xf32>
        %exp3A_529 = math.exp %get3A_528 : vector<16xf32>
        %add3A_530 = arith.constant 0 : i32
        %add3A_531 = arith.addi %mul3A_469, %add3A_530 : i32
        %swap3A_532 = arith.constant 4 : i32
        %swap3A_533 = arith.index_cast %swap3A_532 : i32 to index
        %swap3A_534 = arith.index_cast %add3A_531 : i32 to index
        %swap3A_535 = arith.constant 48 : index
        %swap3A_536 = tpu.vector_load %arg6[%swap3A_533, %swap3A_534, %swap3A_535] {strides = array<i32>} : memref<5x40x128xf32, #tpu.memory_space<vmem>>, vector<1x1x16xf32>,
        %swap3A_537 = vector.shape_cast %swap3A_536 : vector<1x1x16xf32> to vector<16xf32>
        %swap3A_538 = vector.shape_cast %exp3A_529 : vector<16xf32> to vector<1x1x16xf32>
        tpu.vector_store %arg6[%swap3A_533, %swap3A_534, %swap3A_535], %swap3A_538 {strides = array<i32>} : memref<5x40x128xf32, #tpu.memory_space<vmem>>, vector<1x1x16xf32>,
        %add3A_539 = arith.constant 0 : i32
        %add3A_540 = arith.addi %mul3A_469, %add3A_539 : i32
        %get3A_541 = arith.constant 4 : i32
        %get3A_542 = arith.index_cast %get3A_541 : i32 to index
        %get3A_543 = arith.index_cast %add3A_540 : i32 to index
        %get3A_544 = arith.constant 64 : index
        %get3A_545 = tpu.vector_load %arg6[%get3A_542, %get3A_543, %get3A_544] {strides = array<i32>} : memref<5x40x128xf32, #tpu.memory_space<vmem>>, vector<1x1x16xf32>,
        %get3A_546 = vector.shape_cast %get3A_545 : vector<1x1x16xf32> to vector<16xf32>
        %exp3A_547 = math.exp %get3A_546 : vector<16xf32>
        %add3A_548 = arith.constant 0 : i32
        %add3A_549 = arith.addi %mul3A_469, %add3A_548 : i32
        %swap3A_550 = arith.constant 4 : i32
        %swap3A_551 = arith.index_cast %swap3A_550 : i32 to index
        %swap3A_552 = arith.index_cast %add3A_549 : i32 to index
        %swap3A_553 = arith.constant 64 : index
        %swap3A_554 = tpu.vector_load %arg6[%swap3A_551, %swap3A_552, %swap3A_553] {strides = array<i32>} : memref<5x40x128xf32, #tpu.memory_space<vmem>>, vector<1x1x16xf32>,
        %swap3A_555 = vector.shape_cast %swap3A_554 : vector<1x1x16xf32> to vector<16xf32>
        %swap3A_556 = vector.shape_cast %exp3A_547 : vector<16xf32> to vector<1x1x16xf32>
        tpu.vector_store %arg6[%swap3A_551, %swap3A_552, %swap3A_553], %swap3A_556 {strides = array<i32>} : memref<5x40x128xf32, #tpu.memory_space<vmem>>, vector<1x1x16xf32>,
        %add3A_557 = arith.constant 0 : i32
        %add3A_558 = arith.addi %mul3A_469, %add3A_557 : i32
        %get3A_559 = arith.constant 4 : i32
        %get3A_560 = arith.index_cast %get3A_559 : i32 to index
        %get3A_561 = arith.index_cast %add3A_558 : i32 to index
        %get3A_562 = arith.constant 80 : index
        %get3A_563 = tpu.vector_load %arg6[%get3A_560, %get3A_561, %get3A_562] {strides = array<i32>} : memref<5x40x128xf32, #tpu.memory_space<vmem>>, vector<1x1x16xf32>,
        %get3A_564 = vector.shape_cast %get3A_563 : vector<1x1x16xf32> to vector<16xf32>
        %exp3A_565 = math.exp %get3A_564 : vector<16xf32>
        %add3A_566 = arith.constant 0 : i32
        %add3A_567 = arith.addi %mul3A_469, %add3A_566 : i32
        %swap3A_568 = arith.constant 4 : i32
        %swap3A_569 = arith.index_cast %swap3A_568 : i32 to index
        %swap3A_570 = arith.index_cast %add3A_567 : i32 to index
        %swap3A_571 = arith.constant 80 : index
        %swap3A_572 = tpu.vector_load %arg6[%swap3A_569, %swap3A_570, %swap3A_571] {strides = array<i32>} : memref<5x40x128xf32, #tpu.memory_space<vmem>>, vector<1x1x16xf32>,
        %swap3A_573 = vector.shape_cast %swap3A_572 : vector<1x1x16xf32> to vector<16xf32>
        %swap3A_574 = vector.shape_cast %exp3A_565 : vector<16xf32> to vector<1x1x16xf32>
        tpu.vector_store %arg6[%swap3A_569, %swap3A_570, %swap3A_571], %swap3A_574 {strides = array<i32>} : memref<5x40x128xf32, #tpu.memory_space<vmem>>, vector<1x1x16xf32>,
        %add3A_575 = arith.constant 0 : i32
        %add3A_576 = arith.addi %mul3A_469, %add3A_575 : i32
        %get3A_577 = arith.constant 4 : i32
        %get3A_578 = arith.index_cast %get3A_577 : i32 to index
        %get3A_579 = arith.index_cast %add3A_576 : i32 to index
        %get3A_580 = arith.constant 96 : index
        %get3A_581 = tpu.vector_load %arg6[%get3A_578, %get3A_579, %get3A_580] {strides = array<i32>} : memref<5x40x128xf32, #tpu.memory_space<vmem>>, vector<1x1x16xf32>,
        %get3A_582 = vector.shape_cast %get3A_581 : vector<1x1x16xf32> to vector<16xf32>
        %exp3A_583 = math.exp %get3A_582 : vector<16xf32>
        %add3A_584 = arith.constant 0 : i32
        %add3A_585 = arith.addi %mul3A_469, %add3A_584 : i32
        %swap3A_586 = arith.constant 4 : i32
        %swap3A_587 = arith.index_cast %swap3A_586 : i32 to index
        %swap3A_588 = arith.index_cast %add3A_585 : i32 to index
        %swap3A_589 = arith.constant 96 : index
        %swap3A_590 = tpu.vector_load %arg6[%swap3A_587, %swap3A_588, %swap3A_589] {strides = array<i32>} : memref<5x40x128xf32, #tpu.memory_space<vmem>>, vector<1x1x16xf32>,
        %swap3A_591 = vector.shape_cast %swap3A_590 : vector<1x1x16xf32> to vector<16xf32>
        %swap3A_592 = vector.shape_cast %exp3A_583 : vector<16xf32> to vector<1x1x16xf32>
        tpu.vector_store %arg6[%swap3A_587, %swap3A_588, %swap3A_589], %swap3A_592 {strides = array<i32>} : memref<5x40x128xf32, #tpu.memory_space<vmem>>, vector<1x1x16xf32>,
        %add3A_593 = arith.constant 0 : i32
        %add3A_594 = arith.addi %mul3A_469, %add3A_593 : i32
        %get3A_595 = arith.constant 4 : i32
        %get3A_596 = arith.index_cast %get3A_595 : i32 to index
        %get3A_597 = arith.index_cast %add3A_594 : i32 to index
        %get3A_598 = arith.constant 112 : index
        %get3A_599 = tpu.vector_load %arg6[%get3A_596, %get3A_597, %get3A_598] {strides = array<i32>} : memref<5x40x128xf32, #tpu.memory_space<vmem>>, vector<1x1x16xf32>,
        %get3A_600 = vector.shape_cast %get3A_599 : vector<1x1x16xf32> to vector<16xf32>
        %exp3A_601 = math.exp %get3A_600 : vector<16xf32>
        %add3A_602 = arith.constant 0 : i32
        %add3A_603 = arith.addi %mul3A_469, %add3A_602 : i32
        %swap3A_604 = arith.constant 4 : i32
        %swap3A_605 = arith.index_cast %swap3A_604 : i32 to index
        %swap3A_606 = arith.index_cast %add3A_603 : i32 to index
        %swap3A_607 = arith.constant 112 : index
        %swap3A_608 = tpu.vector_load %arg6[%swap3A_605, %swap3A_606, %swap3A_607] {strides = array<i32>} : memref<5x40x128xf32, #tpu.memory_space<vmem>>, vector<1x1x16xf32>,
        %swap3A_609 = vector.shape_cast %swap3A_608 : vector<1x1x16xf32> to vector<16xf32>
        %swap3A_610 = vector.shape_cast %exp3A_601 : vector<16xf32> to vector<1x1x16xf32>
        tpu.vector_store %arg6[%swap3A_605, %swap3A_606, %swap3A_607], %swap3A_610 {strides = array<i32>} : memref<5x40x128xf32, #tpu.memory_space<vmem>>, vector<1x1x16xf32>,
        %add3A_611 = arith.constant 1 : i32
        %add3A_612 = arith.addi %mul3A_469, %add3A_611 : i32
        %get3A_613 = arith.constant 4 : i32
        %get3A_614 = arith.index_cast %get3A_613 : i32 to index
        %get3A_615 = arith.index_cast %add3A_612 : i32 to index
        %get3A_616 = arith.constant 0 : index
        %get3A_617 = tpu.vector_load %arg6[%get3A_614, %get3A_615, %get3A_616] {strides = array<i32>} : memref<5x40x128xf32, #tpu.memory_space<vmem>>, vector<1x1x16xf32>,
        %get3A_618 = vector.shape_cast %get3A_617 : vector<1x1x16xf32> to vector<16xf32>
        %exp3A_619 = math.exp %get3A_618 : vector<16xf32>
        %add3A_620 = arith.constant 1 : i32
        %add3A_621 = arith.addi %mul3A_469, %add3A_620 : i32
        %swap3A_622 = arith.constant 4 : i32
        %swap3A_623 = arith.index_cast %swap3A_622 : i32 to index
        %swap3A_624 = arith.index_cast %add3A_621 : i32 to index
        %swap3A_625 = arith.constant 0 : index
        %swap3A_626 = tpu.vector_load %arg6[%swap3A_623, %swap3A_624, %swap3A_625] {strides = array<i32>} : memref<5x40x128xf32, #tpu.memory_space<vmem>>, vector<1x1x16xf32>,
        %swap3A_627 = vector.shape_cast %swap3A_626 : vector<1x1x16xf32> to vector<16xf32>
        %swap3A_628 = vector.shape_cast %exp3A_619 : vector<16xf32> to vector<1x1x16xf32>
        tpu.vector_store %arg6[%swap3A_623, %swap3A_624, %swap3A_625], %swap3A_628 {strides = array<i32>} : memref<5x40x128xf32, #tpu.memory_space<vmem>>, vector<1x1x16xf32>,
        %add3A_629 = arith.constant 1 : i32
        %add3A_630 = arith.addi %mul3A_469, %add3A_629 : i32
        %get3A_631 = arith.constant 4 : i32
        %get3A_632 = arith.index_cast %get3A_631 : i32 to index
        %get3A_633 = arith.index_cast %add3A_630 : i32 to index
        %get3A_634 = arith.constant 16 : index
        %get3A_635 = tpu.vector_load %arg6[%get3A_632, %get3A_633, %get3A_634] {strides = array<i32>} : memref<5x40x128xf32, #tpu.memory_space<vmem>>, vector<1x1x16xf32>,
        %get3A_636 = vector.shape_cast %get3A_635 : vector<1x1x16xf32> to vector<16xf32>
        %exp3A_637 = math.exp %get3A_636 : vector<16xf32>
        %add3A_638 = arith.constant 1 : i32
        %add3A_639 = arith.addi %mul3A_469, %add3A_638 : i32
        %swap3A_640 = arith.constant 4 : i32
        %swap3A_641 = arith.index_cast %swap3A_640 : i32 to index
        %swap3A_642 = arith.index_cast %add3A_639 : i32 to index
        %swap3A_643 = arith.constant 16 : index
        %swap3A_644 = tpu.vector_load %arg6[%swap3A_641, %swap3A_642, %swap3A_643] {strides = array<i32>} : memref<5x40x128xf32, #tpu.memory_space<vmem>>, vector<1x1x16xf32>,
        %swap3A_645 = vector.shape_cast %swap3A_644 : vector<1x1x16xf32> to vector<16xf32>
        %swap3A_646 = vector.shape_cast %exp3A_637 : vector<16xf32> to vector<1x1x16xf32>
        tpu.vector_store %arg6[%swap3A_641, %swap3A_642, %swap3A_643], %swap3A_646 {strides = array<i32>} : memref<5x40x128xf32, #tpu.memory_space<vmem>>, vector<1x1x16xf32>,
        %add3A_647 = arith.constant 1 : i32
        %add3A_648 = arith.addi %mul3A_469, %add3A_647 : i32
        %get3A_649 = arith.constant 4 : i32
        %get3A_650 = arith.index_cast %get3A_649 : i32 to index
        %get3A_651 = arith.index_cast %add3A_648 : i32 to index
        %get3A_652 = arith.constant 32 : index
        %get3A_653 = tpu.vector_load %arg6[%get3A_650, %get3A_651, %get3A_652] {strides = array<i32>} : memref<5x40x128xf32, #tpu.memory_space<vmem>>, vector<1x1x16xf32>,
        %get3A_654 = vector.shape_cast %get3A_653 : vector<1x1x16xf32> to vector<16xf32>
        %exp3A_655 = math.exp %get3A_654 : vector<16xf32>
        %add3A_656 = arith.constant 1 : i32
        %add3A_657 = arith.addi %mul3A_469, %add3A_656 : i32
        %swap3A_658 = arith.constant 4 : i32
        %swap3A_659 = arith.index_cast %swap3A_658 : i32 to index
        %swap3A_660 = arith.index_cast %add3A_657 : i32 to index
        %swap3A_661 = arith.constant 32 : index
        %swap3A_662 = tpu.vector_load %arg6[%swap3A_659, %swap3A_660, %swap3A_661] {strides = array<i32>} : memref<5x40x128xf32, #tpu.memory_space<vmem>>, vector<1x1x16xf32>,
        %swap3A_663 = vector.shape_cast %swap3A_662 : vector<1x1x16xf32> to vector<16xf32>
        %swap3A_664 = vector.shape_cast %exp3A_655 : vector<16xf32> to vector<1x1x16xf32>
        tpu.vector_store %arg6[%swap3A_659, %swap3A_660, %swap3A_661], %swap3A_664 {strides = array<i32>} : memref<5x40x128xf32, #tpu.memory_space<vmem>>, vector<1x1x16xf32>,
        %add3A_665 = arith.constant 1 : i32
        %add3A_666 = arith.addi %mul3A_469, %add3A_665 : i32
        %get3A_667 = arith.constant 4 : i32
        %get3A_668 = arith.index_cast %get3A_667 : i32 to index
        %get3A_669 = arith.index_cast %add3A_666 : i32 to index
        %get3A_670 = arith.constant 48 : index
        %get3A_671 = tpu.vector_load %arg6[%get3A_668, %get3A_669, %get3A_670] {strides = array<i32>} : memref<5x40x128xf32, #tpu.memory_space<vmem>>, vector<1x1x16xf32>,
        %get3A_672 = vector.shape_cast %get3A_671 : vector<1x1x16xf32> to vector<16xf32>
        %exp3A_673 = math.exp %get3A_672 : vector<16xf32>
        %add3A_674 = arith.constant 1 : i32
        %add3A_675 = arith.addi %mul3A_469, %add3A_674 : i32
        %swap3A_676 = arith.constant 4 : i32
        %swap3A_677 = arith.index_cast %swap3A_676 : i32 to index
        %swap3A_678 = arith.index_cast %add3A_675 : i32 to index
        %swap3A_679 = arith.constant 48 : index
        %swap3A_680 = tpu.vector_load %arg6[%swap3A_677, %swap3A_678, %swap3A_679] {strides = array<i32>} : memref<5x40x128xf32, #tpu.memory_space<vmem>>, vector<1x1x16xf32>,
        %swap3A_681 = vector.shape_cast %swap3A_680 : vector<1x1x16xf32> to vector<16xf32>
        %swap3A_682 = vector.shape_cast %exp3A_673 : vector<16xf32> to vector<1x1x16xf32>
        tpu.vector_store %arg6[%swap3A_677, %swap3A_678, %swap3A_679], %swap3A_682 {strides = array<i32>} : memref<5x40x128xf32, #tpu.memory_space<vmem>>, vector<1x1x16xf32>,
        %add3A_683 = arith.constant 1 : i32
        %add3A_684 = arith.addi %mul3A_469, %add3A_683 : i32
        %get3A_685 = arith.constant 4 : i32
        %get3A_686 = arith.index_cast %get3A_685 : i32 to index
        %get3A_687 = arith.index_cast %add3A_684 : i32 to index
        %get3A_688 = arith.constant 64 : index
        %get3A_689 = tpu.vector_load %arg6[%get3A_686, %get3A_687, %get3A_688] {strides = array<i32>} : memref<5x40x128xf32, #tpu.memory_space<vmem>>, vector<1x1x16xf32>,
        %get3A_690 = vector.shape_cast %get3A_689 : vector<1x1x16xf32> to vector<16xf32>
        %exp3A_691 = math.exp %get3A_690 : vector<16xf32>
        %add3A_692 = arith.constant 1 : i32
        %add3A_693 = arith.addi %mul3A_469, %add3A_692 : i32
        %swap3A_694 = arith.constant 4 : i32
        %swap3A_695 = arith.index_cast %swap3A_694 : i32 to index
        %swap3A_696 = arith.index_cast %add3A_693 : i32 to index
        %swap3A_697 = arith.constant 64 : index
        %swap3A_698 = tpu.vector_load %arg6[%swap3A_695, %swap3A_696, %swap3A_697] {strides = array<i32>} : memref<5x40x128xf32, #tpu.memory_space<vmem>>, vector<1x1x16xf32>,
        %swap3A_699 = vector.shape_cast %swap3A_698 : vector<1x1x16xf32> to vector<16xf32>
        %swap3A_700 = vector.shape_cast %exp3A_691 : vector<16xf32> to vector<1x1x16xf32>
        tpu.vector_store %arg6[%swap3A_695, %swap3A_696, %swap3A_697], %swap3A_700 {strides = array<i32>} : memref<5x40x128xf32, #tpu.memory_space<vmem>>, vector<1x1x16xf32>,
        %add3A_701 = arith.constant 1 : i32
        %add3A_702 = arith.addi %mul3A_469, %add3A_701 : i32
        %get3A_703 = arith.constant 4 : i32
        %get3A_704 = arith.index_cast %get3A_703 : i32 to index
        %get3A_705 = arith.index_cast %add3A_702 : i32 to index
        %get3A_706 = arith.constant 80 : index
        %get3A_707 = tpu.vector_load %arg6[%get3A_704, %get3A_705, %get3A_706] {strides = array<i32>} : memref<5x40x128xf32, #tpu.memory_space<vmem>>, vector<1x1x16xf32>,
        %get3A_708 = vector.shape_cast %get3A_707 : vector<1x1x16xf32> to vector<16xf32>
        %exp3A_709 = math.exp %get3A_708 : vector<16xf32>
        %add3A_710 = arith.constant 1 : i32
        %add3A_711 = arith.addi %mul3A_469, %add3A_710 : i32
        %swap3A_712 = arith.constant 4 : i32
        %swap3A_713 = arith.index_cast %swap3A_712 : i32 to index
        %swap3A_714 = arith.index_cast %add3A_711 : i32 to index
        %swap3A_715 = arith.constant 80 : index
        %swap3A_716 = tpu.vector_load %arg6[%swap3A_713, %swap3A_714, %swap3A_715] {strides = array<i32>} : memref<5x40x128xf32, #tpu.memory_space<vmem>>, vector<1x1x16xf32>,
        %swap3A_717 = vector.shape_cast %swap3A_716 : vector<1x1x16xf32> to vector<16xf32>
        %swap3A_718 = vector.shape_cast %exp3A_709 : vector<16xf32> to vector<1x1x16xf32>
        tpu.vector_store %arg6[%swap3A_713, %swap3A_714, %swap3A_715], %swap3A_718 {strides = array<i32>} : memref<5x40x128xf32, #tpu.memory_space<vmem>>, vector<1x1x16xf32>,
        %add3A_719 = arith.constant 1 : i32
        %add3A_720 = arith.addi %mul3A_469, %add3A_719 : i32
        %get3A_721 = arith.constant 4 : i32
        %get3A_722 = arith.index_cast %get3A_721 : i32 to index
        %get3A_723 = arith.index_cast %add3A_720 : i32 to index
        %get3A_724 = arith.constant 96 : index
        %get3A_725 = tpu.vector_load %arg6[%get3A_722, %get3A_723, %get3A_724] {strides = array<i32>} : memref<5x40x128xf32, #tpu.memory_space<vmem>>, vector<1x1x16xf32>,
        %get3A_726 = vector.shape_cast %get3A_725 : vector<1x1x16xf32> to vector<16xf32>
        %exp3A_727 = math.exp %get3A_726 : vector<16xf32>
        %add3A_728 = arith.constant 1 : i32
        %add3A_729 = arith.addi %mul3A_469, %add3A_728 : i32
        %swap3A_730 = arith.constant 4 : i32
        %swap3A_731 = arith.index_cast %swap3A_730 : i32 to index
        %swap3A_732 = arith.index_cast %add3A_729 : i32 to index
        %swap3A_733 = arith.constant 96 : index
        %swap3A_734 = tpu.vector_load %arg6[%swap3A_731, %swap3A_732, %swap3A_733] {strides = array<i32>} : memref<5x40x128xf32, #tpu.memory_space<vmem>>, vector<1x1x16xf32>,
        %swap3A_735 = vector.shape_cast %swap3A_734 : vector<1x1x16xf32> to vector<16xf32>
        %swap3A_736 = vector.shape_cast %exp3A_727 : vector<16xf32> to vector<1x1x16xf32>
        tpu.vector_store %arg6[%swap3A_731, %swap3A_732, %swap3A_733], %swap3A_736 {strides = array<i32>} : memref<5x40x128xf32, #tpu.memory_space<vmem>>, vector<1x1x16xf32>,
        %add3A_737 = arith.constant 1 : i32
        %add3A_738 = arith.addi %mul3A_469, %add3A_737 : i32
        %get3A_739 = arith.constant 4 : i32
        %get3A_740 = arith.index_cast %get3A_739 : i32 to index
        %get3A_741 = arith.index_cast %add3A_738 : i32 to index
        %get3A_742 = arith.constant 112 : index
        %get3A_743 = tpu.vector_load %arg6[%get3A_740, %get3A_741, %get3A_742] {strides = array<i32>} : memref<5x40x128xf32, #tpu.memory_space<vmem>>, vector<1x1x16xf32>,
        %get3A_744 = vector.shape_cast %get3A_743 : vector<1x1x16xf32> to vector<16xf32>
        %exp3A_745 = math.exp %get3A_744 : vector<16xf32>
        %add3A_746 = arith.constant 1 : i32
        %add3A_747 = arith.addi %mul3A_469, %add3A_746 : i32
        %swap3A_748 = arith.constant 4 : i32
        %swap3A_749 = arith.index_cast %swap3A_748 : i32 to index
        %swap3A_750 = arith.index_cast %add3A_747 : i32 to index
        %swap3A_751 = arith.constant 112 : index
        %swap3A_752 = tpu.vector_load %arg6[%swap3A_749, %swap3A_750, %swap3A_751] {strides = array<i32>} : memref<5x40x128xf32, #tpu.memory_space<vmem>>, vector<1x1x16xf32>,
        %swap3A_753 = vector.shape_cast %swap3A_752 : vector<1x1x16xf32> to vector<16xf32>
        %swap3A_754 = vector.shape_cast %exp3A_745 : vector<16xf32> to vector<1x1x16xf32>
        tpu.vector_store %arg6[%swap3A_749, %swap3A_750, %swap3A_751], %swap3A_754 {strides = array<i32>} : memref<5x40x128xf32, #tpu.memory_space<vmem>>, vector<1x1x16xf32>,
        %add3A_755 = arith.constant 2 : i32
        %add3A_756 = arith.addi %mul3A_469, %add3A_755 : i32
        %get3A_757 = arith.constant 4 : i32
        %get3A_758 = arith.index_cast %get3A_757 : i32 to index
        %get3A_759 = arith.index_cast %add3A_756 : i32 to index
        %get3A_760 = arith.constant 0 : index
        %get3A_761 = tpu.vector_load %arg6[%get3A_758, %get3A_759, %get3A_760] {strides = array<i32>} : memref<5x40x128xf32, #tpu.memory_space<vmem>>, vector<1x1x16xf32>,
        %get3A_762 = vector.shape_cast %get3A_761 : vector<1x1x16xf32> to vector<16xf32>
        %exp3A_763 = math.exp %get3A_762 : vector<16xf32>
        %add3A_764 = arith.constant 2 : i32
        %add3A_765 = arith.addi %mul3A_469, %add3A_764 : i32
        %swap3A_766 = arith.constant 4 : i32
        %swap3A_767 = arith.index_cast %swap3A_766 : i32 to index
        %swap3A_768 = arith.index_cast %add3A_765 : i32 to index
        %swap3A_769 = arith.constant 0 : index
        %swap3A_770 = tpu.vector_load %arg6[%swap3A_767, %swap3A_768, %swap3A_769] {strides = array<i32>} : memref<5x40x128xf32, #tpu.memory_space<vmem>>, vector<1x1x16xf32>,
        %swap3A_771 = vector.shape_cast %swap3A_770 : vector<1x1x16xf32> to vector<16xf32>
        %swap3A_772 = vector.shape_cast %exp3A_763 : vector<16xf32> to vector<1x1x16xf32>
        tpu.vector_store %arg6[%swap3A_767, %swap3A_768, %swap3A_769], %swap3A_772 {strides = array<i32>} : memref<5x40x128xf32, #tpu.memory_space<vmem>>, vector<1x1x16xf32>,
        %add3A_773 = arith.constant 2 : i32
        %add3A_774 = arith.addi %mul3A_469, %add3A_773 : i32
        %get3A_775 = arith.constant 4 : i32
        %get3A_776 = arith.index_cast %get3A_775 : i32 to index
        %get3A_777 = arith.index_cast %add3A_774 : i32 to index
        %get3A_778 = arith.constant 16 : index
        %get3A_779 = tpu.vector_load %arg6[%get3A_776, %get3A_777, %get3A_778] {strides = array<i32>} : memref<5x40x128xf32, #tpu.memory_space<vmem>>, vector<1x1x16xf32>,
        %get3A_780 = vector.shape_cast %get3A_779 : vector<1x1x16xf32> to vector<16xf32>
        %exp3A_781 = math.exp %get3A_780 : vector<16xf32>
        %add3A_782 = arith.constant 2 : i32
        %add3A_783 = arith.addi %mul3A_469, %add3A_782 : i32
        %swap3A_784 = arith.constant 4 : i32
        %swap3A_785 = arith.index_cast %swap3A_784 : i32 to index
        %swap3A_786 = arith.index_cast %add3A_783 : i32 to index
        %swap3A_787 = arith.constant 16 : index
        %swap3A_788 = tpu.vector_load %arg6[%swap3A_785, %swap3A_786, %swap3A_787] {strides = array<i32>} : memref<5x40x128xf32, #tpu.memory_space<vmem>>, vector<1x1x16xf32>,
        %swap3A_789 = vector.shape_cast %swap3A_788 : vector<1x1x16xf32> to vector<16xf32>
        %swap3A_790 = vector.shape_cast %exp3A_781 : vector<16xf32> to vector<1x1x16xf32>
        tpu.vector_store %arg6[%swap3A_785, %swap3A_786, %swap3A_787], %swap3A_790 {strides = array<i32>} : memref<5x40x128xf32, #tpu.memory_space<vmem>>, vector<1x1x16xf32>,
        %add3A_791 = arith.constant 2 : i32
        %add3A_792 = arith.addi %mul3A_469, %add3A_791 : i32
        %get3A_793 = arith.constant 4 : i32
        %get3A_794 = arith.index_cast %get3A_793 : i32 to index
        %get3A_795 = arith.index_cast %add3A_792 : i32 to index
        %get3A_796 = arith.constant 32 : index
        %get3A_797 = tpu.vector_load %arg6[%get3A_794, %get3A_795, %get3A_796] {strides = array<i32>} : memref<5x40x128xf32, #tpu.memory_space<vmem>>, vector<1x1x16xf32>,
        %get3A_798 = vector.shape_cast %get3A_797 : vector<1x1x16xf32> to vector<16xf32>
        %exp3A_799 = math.exp %get3A_798 : vector<16xf32>
        %add3A_800 = arith.constant 2 : i32
        %add3A_801 = arith.addi %mul3A_469, %add3A_800 : i32
        %swap3A_802 = arith.constant 4 : i32
        %swap3A_803 = arith.index_cast %swap3A_802 : i32 to index
        %swap3A_804 = arith.index_cast %add3A_801 : i32 to index
        %swap3A_805 = arith.constant 32 : index
        %swap3A_806 = tpu.vector_load %arg6[%swap3A_803, %swap3A_804, %swap3A_805] {strides = array<i32>} : memref<5x40x128xf32, #tpu.memory_space<vmem>>, vector<1x1x16xf32>,
        %swap3A_807 = vector.shape_cast %swap3A_806 : vector<1x1x16xf32> to vector<16xf32>
        %swap3A_808 = vector.shape_cast %exp3A_799 : vector<16xf32> to vector<1x1x16xf32>
        tpu.vector_store %arg6[%swap3A_803, %swap3A_804, %swap3A_805], %swap3A_808 {strides = array<i32>} : memref<5x40x128xf32, #tpu.memory_space<vmem>>, vector<1x1x16xf32>,
        %add3A_809 = arith.constant 2 : i32
        %add3A_810 = arith.addi %mul3A_469, %add3A_809 : i32
        %get3A_811 = arith.constant 4 : i32
        %get3A_812 = arith.index_cast %get3A_811 : i32 to index
        %get3A_813 = arith.index_cast %add3A_810 : i32 to index
        %get3A_814 = arith.constant 48 : index
        %get3A_815 = tpu.vector_load %arg6[%get3A_812, %get3A_813, %get3A_814] {strides = array<i32>} : memref<5x40x128xf32, #tpu.memory_space<vmem>>, vector<1x1x16xf32>,
        %get3A_816 = vector.shape_cast %get3A_815 : vector<1x1x16xf32> to vector<16xf32>
        %exp3A_817 = math.exp %get3A_816 : vector<16xf32>
        %add3A_818 = arith.constant 2 : i32
        %add3A_819 = arith.addi %mul3A_469, %add3A_818 : i32
        %swap3A_820 = arith.constant 4 : i32
        %swap3A_821 = arith.index_cast %swap3A_820 : i32 to index
        %swap3A_822 = arith.index_cast %add3A_819 : i32 to index
        %swap3A_823 = arith.constant 48 : index
        %swap3A_824 = tpu.vector_load %arg6[%swap3A_821, %swap3A_822, %swap3A_823] {strides = array<i32>} : memref<5x40x128xf32, #tpu.memory_space<vmem>>, vector<1x1x16xf32>,
        %swap3A_825 = vector.shape_cast %swap3A_824 : vector<1x1x16xf32> to vector<16xf32>
        %swap3A_826 = vector.shape_cast %exp3A_817 : vector<16xf32> to vector<1x1x16xf32>
        tpu.vector_store %arg6[%swap3A_821, %swap3A_822, %swap3A_823], %swap3A_826 {strides = array<i32>} : memref<5x40x128xf32, #tpu.memory_space<vmem>>, vector<1x1x16xf32>,
        %add3A_827 = arith.constant 2 : i32
        %add3A_828 = arith.addi %mul3A_469, %add3A_827 : i32
        %get3A_829 = arith.constant 4 : i32
        %get3A_830 = arith.index_cast %get3A_829 : i32 to index
        %get3A_831 = arith.index_cast %add3A_828 : i32 to index
        %get3A_832 = arith.constant 64 : index
        %get3A_833 = tpu.vector_load %arg6[%get3A_830, %get3A_831, %get3A_832] {strides = array<i32>} : memref<5x40x128xf32, #tpu.memory_space<vmem>>, vector<1x1x16xf32>,
        %get3A_834 = vector.shape_cast %get3A_833 : vector<1x1x16xf32> to vector<16xf32>
        %exp3A_835 = math.exp %get3A_834 : vector<16xf32>
        %add3A_836 = arith.constant 2 : i32
        %add3A_837 = arith.addi %mul3A_469, %add3A_836 : i32
        %swap3A_838 = arith.constant 4 : i32
        %swap3A_839 = arith.index_cast %swap3A_838 : i32 to index
        %swap3A_840 = arith.index_cast %add3A_837 : i32 to index
        %swap3A_841 = arith.constant 64 : index
        %swap3A_842 = tpu.vector_load %arg6[%swap3A_839, %swap3A_840, %swap3A_841] {strides = array<i32>} : memref<5x40x128xf32, #tpu.memory_space<vmem>>, vector<1x1x16xf32>,
        %swap3A_843 = vector.shape_cast %swap3A_842 : vector<1x1x16xf32> to vector<16xf32>
        %swap3A_844 = vector.shape_cast %exp3A_835 : vector<16xf32> to vector<1x1x16xf32>
        tpu.vector_store %arg6[%swap3A_839, %swap3A_840, %swap3A_841], %swap3A_844 {strides = array<i32>} : memref<5x40x128xf32, #tpu.memory_space<vmem>>, vector<1x1x16xf32>,
        %add3A_845 = arith.constant 2 : i32
        %add3A_846 = arith.addi %mul3A_469, %add3A_845 : i32
        %get3A_847 = arith.constant 4 : i32
        %get3A_848 = arith.index_cast %get3A_847 : i32 to index
        %get3A_849 = arith.index_cast %add3A_846 : i32 to index
        %get3A_850 = arith.constant 80 : index
        %get3A_851 = tpu.vector_load %arg6[%get3A_848, %get3A_849, %get3A_850] {strides = array<i32>} : memref<5x40x128xf32, #tpu.memory_space<vmem>>, vector<1x1x16xf32>,
        %get3A_852 = vector.shape_cast %get3A_851 : vector<1x1x16xf32> to vector<16xf32>
        %exp3A_853 = math.exp %get3A_852 : vector<16xf32>
        %add3A_854 = arith.constant 2 : i32
        %add3A_855 = arith.addi %mul3A_469, %add3A_854 : i32
        %swap3A_856 = arith.constant 4 : i32
        %swap3A_857 = arith.index_cast %swap3A_856 : i32 to index
        %swap3A_858 = arith.index_cast %add3A_855 : i32 to index
        %swap3A_859 = arith.constant 80 : index
        %swap3A_860 = tpu.vector_load %arg6[%swap3A_857, %swap3A_858, %swap3A_859] {strides = array<i32>} : memref<5x40x128xf32, #tpu.memory_space<vmem>>, vector<1x1x16xf32>,
        %swap3A_861 = vector.shape_cast %swap3A_860 : vector<1x1x16xf32> to vector<16xf32>
        %swap3A_862 = vector.shape_cast %exp3A_853 : vector<16xf32> to vector<1x1x16xf32>
        tpu.vector_store %arg6[%swap3A_857, %swap3A_858, %swap3A_859], %swap3A_862 {strides = array<i32>} : memref<5x40x128xf32, #tpu.memory_space<vmem>>, vector<1x1x16xf32>,
        %add3A_863 = arith.constant 2 : i32
        %add3A_864 = arith.addi %mul3A_469, %add3A_863 : i32
        %get3A_865 = arith.constant 4 : i32
        %get3A_866 = arith.index_cast %get3A_865 : i32 to index
        %get3A_867 = arith.index_cast %add3A_864 : i32 to index
        %get3A_868 = arith.constant 96 : index
        %get3A_869 = tpu.vector_load %arg6[%get3A_866, %get3A_867, %get3A_868] {strides = array<i32>} : memref<5x40x128xf32, #tpu.memory_space<vmem>>, vector<1x1x16xf32>,
        %get3A_870 = vector.shape_cast %get3A_869 : vector<1x1x16xf32> to vector<16xf32>
        %exp3A_871 = math.exp %get3A_870 : vector<16xf32>
        %add3A_872 = arith.constant 2 : i32
        %add3A_873 = arith.addi %mul3A_469, %add3A_872 : i32
        %swap3A_874 = arith.constant 4 : i32
        %swap3A_875 = arith.index_cast %swap3A_874 : i32 to index
        %swap3A_876 = arith.index_cast %add3A_873 : i32 to index
        %swap3A_877 = arith.constant 96 : index
        %swap3A_878 = tpu.vector_load %arg6[%swap3A_875, %swap3A_876, %swap3A_877] {strides = array<i32>} : memref<5x40x128xf32, #tpu.memory_space<vmem>>, vector<1x1x16xf32>,
        %swap3A_879 = vector.shape_cast %swap3A_878 : vector<1x1x16xf32> to vector<16xf32>
        %swap3A_880 = vector.shape_cast %exp3A_871 : vector<16xf32> to vector<1x1x16xf32>
        tpu.vector_store %arg6[%swap3A_875, %swap3A_876, %swap3A_877], %swap3A_880 {strides = array<i32>} : memref<5x40x128xf32, #tpu.memory_space<vmem>>, vector<1x1x16xf32>,
        %add3A_881 = arith.constant 2 : i32
        %add3A_882 = arith.addi %mul3A_469, %add3A_881 : i32
        %get3A_883 = arith.constant 4 : i32
        %get3A_884 = arith.index_cast %get3A_883 : i32 to index
        %get3A_885 = arith.index_cast %add3A_882 : i32 to index
        %get3A_886 = arith.constant 112 : index
        %get3A_887 = tpu.vector_load %arg6[%get3A_884, %get3A_885, %get3A_886] {strides = array<i32>} : memref<5x40x128xf32, #tpu.memory_space<vmem>>, vector<1x1x16xf32>,
        %get3A_888 = vector.shape_cast %get3A_887 : vector<1x1x16xf32> to vector<16xf32>
        %exp3A_889 = math.exp %get3A_888 : vector<16xf32>
        %add3A_890 = arith.constant 2 : i32
        %add3A_891 = arith.addi %mul3A_469, %add3A_890 : i32
        %swap3A_892 = arith.constant 4 : i32
        %swap3A_893 = arith.index_cast %swap3A_892 : i32 to index
        %swap3A_894 = arith.index_cast %add3A_891 : i32 to index
        %swap3A_895 = arith.constant 112 : index
        %swap3A_896 = tpu.vector_load %arg6[%swap3A_893, %swap3A_894, %swap3A_895] {strides = array<i32>} : memref<5x40x128xf32, #tpu.memory_space<vmem>>, vector<1x1x16xf32>,
        %swap3A_897 = vector.shape_cast %swap3A_896 : vector<1x1x16xf32> to vector<16xf32>
        %swap3A_898 = vector.shape_cast %exp3A_889 : vector<16xf32> to vector<1x1x16xf32>
        tpu.vector_store %arg6[%swap3A_893, %swap3A_894, %swap3A_895], %swap3A_898 {strides = array<i32>} : memref<5x40x128xf32, #tpu.memory_space<vmem>>, vector<1x1x16xf32>,
        %add3A_899 = arith.constant 3 : i32
        %add3A_900 = arith.addi %mul3A_469, %add3A_899 : i32
        %get3A_901 = arith.constant 4 : i32
        %get3A_902 = arith.index_cast %get3A_901 : i32 to index
        %get3A_903 = arith.index_cast %add3A_900 : i32 to index
        %get3A_904 = arith.constant 0 : index
        %get3A_905 = tpu.vector_load %arg6[%get3A_902, %get3A_903, %get3A_904] {strides = array<i32>} : memref<5x40x128xf32, #tpu.memory_space<vmem>>, vector<1x1x16xf32>,
        %get3A_906 = vector.shape_cast %get3A_905 : vector<1x1x16xf32> to vector<16xf32>
        %exp3A_907 = math.exp %get3A_906 : vector<16xf32>
        %add3A_908 = arith.constant 3 : i32
        %add3A_909 = arith.addi %mul3A_469, %add3A_908 : i32
        %swap3A_910 = arith.constant 4 : i32
        %swap3A_911 = arith.index_cast %swap3A_910 : i32 to index
        %swap3A_912 = arith.index_cast %add3A_909 : i32 to index
        %swap3A_913 = arith.constant 0 : index
        %swap3A_914 = tpu.vector_load %arg6[%swap3A_911, %swap3A_912, %swap3A_913] {strides = array<i32>} : memref<5x40x128xf32, #tpu.memory_space<vmem>>, vector<1x1x16xf32>,
        %swap3A_915 = vector.shape_cast %swap3A_914 : vector<1x1x16xf32> to vector<16xf32>
        %swap3A_916 = vector.shape_cast %exp3A_907 : vector<16xf32> to vector<1x1x16xf32>
        tpu.vector_store %arg6[%swap3A_911, %swap3A_912, %swap3A_913], %swap3A_916 {strides = array<i32>} : memref<5x40x128xf32, #tpu.memory_space<vmem>>, vector<1x1x16xf32>,
        %add3A_917 = arith.constant 3 : i32
        %add3A_918 = arith.addi %mul3A_469, %add3A_917 : i32
        %get3A_919 = arith.constant 4 : i32
        %get3A_920 = arith.index_cast %get3A_919 : i32 to index
        %get3A_921 = arith.index_cast %add3A_918 : i32 to index
        %get3A_922 = arith.constant 16 : index
        %get3A_923 = tpu.vector_load %arg6[%get3A_920, %get3A_921, %get3A_922] {strides = array<i32>} : memref<5x40x128xf32, #tpu.memory_space<vmem>>, vector<1x1x16xf32>,
        %get3A_924 = vector.shape_cast %get3A_923 : vector<1x1x16xf32> to vector<16xf32>
        %exp3A_925 = math.exp %get3A_924 : vector<16xf32>
        %add3A_926 = arith.constant 3 : i32
        %add3A_927 = arith.addi %mul3A_469, %add3A_926 : i32
        %swap3A_928 = arith.constant 4 : i32
        %swap3A_929 = arith.index_cast %swap3A_928 : i32 to index
        %swap3A_930 = arith.index_cast %add3A_927 : i32 to index
        %swap3A_931 = arith.constant 16 : index
        %swap3A_932 = tpu.vector_load %arg6[%swap3A_929, %swap3A_930, %swap3A_931] {strides = array<i32>} : memref<5x40x128xf32, #tpu.memory_space<vmem>>, vector<1x1x16xf32>,
        %swap3A_933 = vector.shape_cast %swap3A_932 : vector<1x1x16xf32> to vector<16xf32>
        %swap3A_934 = vector.shape_cast %exp3A_925 : vector<16xf32> to vector<1x1x16xf32>
        tpu.vector_store %arg6[%swap3A_929, %swap3A_930, %swap3A_931], %swap3A_934 {strides = array<i32>} : memref<5x40x128xf32, #tpu.memory_space<vmem>>, vector<1x1x16xf32>,
        %add3A_935 = arith.constant 3 : i32
        %add3A_936 = arith.addi %mul3A_469, %add3A_935 : i32
        %get3A_937 = arith.constant 4 : i32
        %get3A_938 = arith.index_cast %get3A_937 : i32 to index
        %get3A_939 = arith.index_cast %add3A_936 : i32 to index
        %get3A_940 = arith.constant 32 : index
        %get3A_941 = tpu.vector_load %arg6[%get3A_938, %get3A_939, %get3A_940] {strides = array<i32>} : memref<5x40x128xf32, #tpu.memory_space<vmem>>, vector<1x1x16xf32>,
        %get3A_942 = vector.shape_cast %get3A_941 : vector<1x1x16xf32> to vector<16xf32>
        %exp3A_943 = math.exp %get3A_942 : vector<16xf32>
        %add3A_944 = arith.constant 3 : i32
        %add3A_945 = arith.addi %mul3A_469, %add3A_944 : i32
        %swap3A_946 = arith.constant 4 : i32
        %swap3A_947 = arith.index_cast %swap3A_946 : i32 to index
        %swap3A_948 = arith.index_cast %add3A_945 : i32 to index
        %swap3A_949 = arith.constant 32 : index
        %swap3A_950 = tpu.vector_load %arg6[%swap3A_947, %swap3A_948, %swap3A_949] {strides = array<i32>} : memref<5x40x128xf32, #tpu.memory_space<vmem>>, vector<1x1x16xf32>,
        %swap3A_951 = vector.shape_cast %swap3A_950 : vector<1x1x16xf32> to vector<16xf32>
        %swap3A_952 = vector.shape_cast %exp3A_943 : vector<16xf32> to vector<1x1x16xf32>
        tpu.vector_store %arg6[%swap3A_947, %swap3A_948, %swap3A_949], %swap3A_952 {strides = array<i32>} : memref<5x40x128xf32, #tpu.memory_space<vmem>>, vector<1x1x16xf32>,
        %add3A_953 = arith.constant 3 : i32
        %add3A_954 = arith.addi %mul3A_469, %add3A_953 : i32
        %get3A_955 = arith.constant 4 : i32
        %get3A_956 = arith.index_cast %get3A_955 : i32 to index
        %get3A_957 = arith.index_cast %add3A_954 : i32 to index
        %get3A_958 = arith.constant 48 : index
        %get3A_959 = tpu.vector_load %arg6[%get3A_956, %get3A_957, %get3A_958] {strides = array<i32>} : memref<5x40x128xf32, #tpu.memory_space<vmem>>, vector<1x1x16xf32>,
        %get3A_960 = vector.shape_cast %get3A_959 : vector<1x1x16xf32> to vector<16xf32>
        %exp3A_961 = math.exp %get3A_960 : vector<16xf32>
        %add3A_962 = arith.constant 3 : i32
        %add3A_963 = arith.addi %mul3A_469, %add3A_962 : i32
        %swap3A_964 = arith.constant 4 : i32
        %swap3A_965 = arith.index_cast %swap3A_964 : i32 to index
        %swap3A_966 = arith.index_cast %add3A_963 : i32 to index
        %swap3A_967 = arith.constant 48 : index
        %swap3A_968 = tpu.vector_load %arg6[%swap3A_965, %swap3A_966, %swap3A_967] {strides = array<i32>} : memref<5x40x128xf32, #tpu.memory_space<vmem>>, vector<1x1x16xf32>,
        %swap3A_969 = vector.shape_cast %swap3A_968 : vector<1x1x16xf32> to vector<16xf32>
        %swap3A_970 = vector.shape_cast %exp3A_961 : vector<16xf32> to vector<1x1x16xf32>
        tpu.vector_store %arg6[%swap3A_965, %swap3A_966, %swap3A_967], %swap3A_970 {strides = array<i32>} : memref<5x40x128xf32, #tpu.memory_space<vmem>>, vector<1x1x16xf32>,
        %add3A_971 = arith.constant 3 : i32
        %add3A_972 = arith.addi %mul3A_469, %add3A_971 : i32
        %get3A_973 = arith.constant 4 : i32
        %get3A_974 = arith.index_cast %get3A_973 : i32 to index
        %get3A_975 = arith.index_cast %add3A_972 : i32 to index
        %get3A_976 = arith.constant 64 : index
        %get3A_977 = tpu.vector_load %arg6[%get3A_974, %get3A_975, %get3A_976] {strides = array<i32>} : memref<5x40x128xf32, #tpu.memory_space<vmem>>, vector<1x1x16xf32>,
        %get3A_978 = vector.shape_cast %get3A_977 : vector<1x1x16xf32> to vector<16xf32>
        %exp3A_979 = math.exp %get3A_978 : vector<16xf32>
        %add3A_980 = arith.constant 3 : i32
        %add3A_981 = arith.addi %mul3A_469, %add3A_980 : i32
        %swap3A_982 = arith.constant 4 : i32
        %swap3A_983 = arith.index_cast %swap3A_982 : i32 to index
        %swap3A_984 = arith.index_cast %add3A_981 : i32 to index
        %swap3A_985 = arith.constant 64 : index
        %swap3A_986 = tpu.vector_load %arg6[%swap3A_983, %swap3A_984, %swap3A_985] {strides = array<i32>} : memref<5x40x128xf32, #tpu.memory_space<vmem>>, vector<1x1x16xf32>,
        %swap3A_987 = vector.shape_cast %swap3A_986 : vector<1x1x16xf32> to vector<16xf32>
        %swap3A_988 = vector.shape_cast %exp3A_979 : vector<16xf32> to vector<1x1x16xf32>
        tpu.vector_store %arg6[%swap3A_983, %swap3A_984, %swap3A_985], %swap3A_988 {strides = array<i32>} : memref<5x40x128xf32, #tpu.memory_space<vmem>>, vector<1x1x16xf32>,
        %add3A_989 = arith.constant 3 : i32
        %add3A_990 = arith.addi %mul3A_469, %add3A_989 : i32
        %get3A_991 = arith.constant 4 : i32
        %get3A_992 = arith.index_cast %get3A_991 : i32 to index
        %get3A_993 = arith.index_cast %add3A_990 : i32 to index
        %get3A_994 = arith.constant 80 : index
        %get3A_995 = tpu.vector_load %arg6[%get3A_992, %get3A_993, %get3A_994] {strides = array<i32>} : memref<5x40x128xf32, #tpu.memory_space<vmem>>, vector<1x1x16xf32>,
        %get3A_996 = vector.shape_cast %get3A_995 : vector<1x1x16xf32> to vector<16xf32>
        %exp3A_997 = math.exp %get3A_996 : vector<16xf32>
        %add3A_998 = arith.constant 3 : i32
        %add3A_999 = arith.addi %mul3A_469, %add3A_998 : i32
        %swap3A_1000 = arith.constant 4 : i32
        %swap3A_1001 = arith.index_cast %swap3A_1000 : i32 to index
        %swap3A_1002 = arith.index_cast %add3A_999 : i32 to index
        %swap3A_1003 = arith.constant 80 : index
        %swap3A_1004 = tpu.vector_load %arg6[%swap3A_1001, %swap3A_1002, %swap3A_1003] {strides = array<i32>} : memref<5x40x128xf32, #tpu.memory_space<vmem>>, vector<1x1x16xf32>,
        %swap3A_1005 = vector.shape_cast %swap3A_1004 : vector<1x1x16xf32> to vector<16xf32>
        %swap3A_1006 = vector.shape_cast %exp3A_997 : vector<16xf32> to vector<1x1x16xf32>
        tpu.vector_store %arg6[%swap3A_1001, %swap3A_1002, %swap3A_1003], %swap3A_1006 {strides = array<i32>} : memref<5x40x128xf32, #tpu.memory_space<vmem>>, vector<1x1x16xf32>,
        %add3A_1007 = arith.constant 3 : i32
        %add3A_1008 = arith.addi %mul3A_469, %add3A_1007 : i32
        %get3A_1009 = arith.constant 4 : i32
        %get3A_1010 = arith.index_cast %get3A_1009 : i32 to index
        %get3A_1011 = arith.index_cast %add3A_1008 : i32 to index
        %get3A_1012 = arith.constant 96 : index
        %get3A_1013 = tpu.vector_load %arg6[%get3A_1010, %get3A_1011, %get3A_1012] {strides = array<i32>} : memref<5x40x128xf32, #tpu.memory_space<vmem>>, vector<1x1x16xf32>,
        %get3A_1014 = vector.shape_cast %get3A_1013 : vector<1x1x16xf32> to vector<16xf32>
        %exp3A_1015 = math.exp %get3A_1014 : vector<16xf32>
        %add3A_1016 = arith.constant 3 : i32
        %add3A_1017 = arith.addi %mul3A_469, %add3A_1016 : i32
        %swap3A_1018 = arith.constant 4 : i32
        %swap3A_1019 = arith.index_cast %swap3A_1018 : i32 to index
        %swap3A_1020 = arith.index_cast %add3A_1017 : i32 to index
        %swap3A_1021 = arith.constant 96 : index
        %swap3A_1022 = tpu.vector_load %arg6[%swap3A_1019, %swap3A_1020, %swap3A_1021] {strides = array<i32>} : memref<5x40x128xf32, #tpu.memory_space<vmem>>, vector<1x1x16xf32>,
        %swap3A_1023 = vector.shape_cast %swap3A_1022 : vector<1x1x16xf32> to vector<16xf32>
        %swap3A_1024 = vector.shape_cast %exp3A_1015 : vector<16xf32> to vector<1x1x16xf32>
        tpu.vector_store %arg6[%swap3A_1019, %swap3A_1020, %swap3A_1021], %swap3A_1024 {strides = array<i32>} : memref<5x40x128xf32, #tpu.memory_space<vmem>>, vector<1x1x16xf32>,
        %add3A_1025 = arith.constant 3 : i32
        %add3A_1026 = arith.addi %mul3A_469, %add3A_1025 : i32
        %get3A_1027 = arith.constant 4 : i32
        %get3A_1028 = arith.index_cast %get3A_1027 : i32 to index
        %get3A_1029 = arith.index_cast %add3A_1026 : i32 to index
        %get3A_1030 = arith.constant 112 : index
        %get3A_1031 = tpu.vector_load %arg6[%get3A_1028, %get3A_1029, %get3A_1030] {strides = array<i32>} : memref<5x40x128xf32, #tpu.memory_space<vmem>>, vector<1x1x16xf32>,
        %get3A_1032 = vector.shape_cast %get3A_1031 : vector<1x1x16xf32> to vector<16xf32>
        %exp3A_1033 = math.exp %get3A_1032 : vector<16xf32>
        %add3A_1034 = arith.constant 3 : i32
        %add3A_1035 = arith.addi %mul3A_469, %add3A_1034 : i32
        %swap3A_1036 = arith.constant 4 : i32
        %swap3A_1037 = arith.index_cast %swap3A_1036 : i32 to index
        %swap3A_1038 = arith.index_cast %add3A_1035 : i32 to index
        %swap3A_1039 = arith.constant 112 : index
        %swap3A_1040 = tpu.vector_load %arg6[%swap3A_1037, %swap3A_1038, %swap3A_1039] {strides = array<i32>} : memref<5x40x128xf32, #tpu.memory_space<vmem>>, vector<1x1x16xf32>,
        %swap3A_1041 = vector.shape_cast %swap3A_1040 : vector<1x1x16xf32> to vector<16xf32>
        %swap3A_1042 = vector.shape_cast %exp3A_1033 : vector<16xf32> to vector<1x1x16xf32>
        tpu.vector_store %arg6[%swap3A_1037, %swap3A_1038, %swap3A_1039], %swap3A_1042 {strides = array<i32>} : memref<5x40x128xf32, #tpu.memory_space<vmem>>, vector<1x1x16xf32>,
      }
      %scan3A_454 = arith.constant 10 : i32
      %dma_start3A_455 = arith.constant 4 : i32
      %dma_start3A_456 = arith.constant 4 : i32
      %dma_start3A_457 = arith.constant 0 : i32
      %dma_start3A_458 = arith.constant 0 : i32
      %dma_start3A_459 = tpu.memref_slice %arg6[%dma_start3A_455, %dma_start3A_457, %dma_start3A_458] : memref<5x40x128xf32, #tpu.memory_space<vmem>> -> memref<1x40x128xf32, #tpu.memory_space<vmem>>
      %dma_start3A_460 = tpu.memref_squeeze %dma_start3A_459 : memref<1x40x128xf32, #tpu.memory_space<vmem>> -> memref<40x128xf32, #tpu.memory_space<vmem>>
      %dma_start3A_461 = arith.constant 0 : i32
      %dma_start3A_462 = tpu.memref_slice %arg7[%dma_start3A_456, %dma_start3A_461] : memref<5x40xi32, #tpu.memory_space<vmem>> -> memref<1x40xi32, #tpu.memory_space<vmem>>
      %dma_start3A_463 = tpu.memref_squeeze %dma_start3A_462 : memref<1x40xi32, #tpu.memory_space<vmem>> -> memref<40xi32, #tpu.memory_space<vmem>>
      %dma_start3A_464 = arith.constant 0 : i32
      %dma_start3A_465 = arith.constant 0 : i32
      %dma_start3A_466 = tpu.memref_slice %arg5[%dma_start3A_464, %dma_start3A_465] : memref<10000x128xf32, #tpu.memory_space<vmem_shared>> -> memref<10000x128xf32, #tpu.memory_space<vmem_shared>>
      tpu.enqueue_indirect_dma source(%dma_start3A_460 : memref<40x128xf32, #tpu.memory_space<vmem>>) target(%dma_start3A_466 : memref<10000x128xf32, #tpu.memory_space<vmem_shared>>) offsets(%dma_start3A_463 : memref<40xi32, #tpu.memory_space<vmem>>) semaphore(%arg22 : memref<!tpu.dma_semaphore, #tpu.memory_space<semaphore_mem>>) {add = true}
    }
    %scan3A_112 = arith.constant 50 : i32
    %dma_wait3A = arith.constant 2 : i32
    %dma_wait3A_113 = arith.constant 2 : i32
    %dma_wait3A_114 = arith.constant 0 : i32
    %dma_wait3A_115 = arith.constant 0 : i32
    %dma_wait3A_116 = tpu.memref_slice %arg6[%dma_wait3A, %dma_wait3A_114, %dma_wait3A_115] : memref<5x40x128xf32, #tpu.memory_space<vmem>> -> memref<1x40x128xf32, #tpu.memory_space<vmem>>
    %dma_wait3A_117 = tpu.memref_squeeze %dma_wait3A_116 : memref<1x40x128xf32, #tpu.memory_space<vmem>> -> memref<40x128xf32, #tpu.memory_space<vmem>>
    %dma_wait3A_118 = arith.constant 0 : i32
    %dma_wait3A_119 = tpu.memref_slice %arg7[%dma_wait3A_113, %dma_wait3A_118] : memref<5x40xi32, #tpu.memory_space<vmem>> -> memref<1x40xi32, #tpu.memory_space<vmem>>
    %dma_wait3A_120 = tpu.memref_squeeze %dma_wait3A_119 : memref<1x40xi32, #tpu.memory_space<vmem>> -> memref<40xi32, #tpu.memory_space<vmem>>
    %dma_wait3A_121 = arith.constant 0 : i32
    %dma_wait3A_122 = arith.constant 0 : i32
    %dma_wait3A_123 = tpu.memref_slice %arg5[%dma_wait3A_121, %dma_wait3A_122] : memref<10000x128xf32, #tpu.memory_space<vmem_shared>> -> memref<10000x128xf32, #tpu.memory_space<vmem_shared>>
    tpu.wait_indirect_dma semaphore(%arg20 : memref<!tpu.dma_semaphore, #tpu.memory_space<semaphore_mem>>) src(%dma_wait3A_117 : memref<40x128xf32, #tpu.memory_space<vmem>>) dst(%dma_wait3A_123 : memref<10000x128xf32, #tpu.memory_space<vmem_shared>>)
    %dma_wait3A_124 = arith.constant 3 : i32
    %dma_wait3A_125 = arith.constant 3 : i32
    %dma_wait3A_126 = arith.constant 0 : i32
    %dma_wait3A_127 = arith.constant 0 : i32
    %dma_wait3A_128 = tpu.memref_slice %arg6[%dma_wait3A_124, %dma_wait3A_126, %dma_wait3A_127] : memref<5x40x128xf32, #tpu.memory_space<vmem>> -> memref<1x40x128xf32, #tpu.memory_space<vmem>>
    %dma_wait3A_129 = tpu.memref_squeeze %dma_wait3A_128 : memref<1x40x128xf32, #tpu.memory_space<vmem>> -> memref<40x128xf32, #tpu.memory_space<vmem>>
    %dma_wait3A_130 = arith.constant 0 : i32
    %dma_wait3A_131 = tpu.memref_slice %arg7[%dma_wait3A_125, %dma_wait3A_130] : memref<5x40xi32, #tpu.memory_space<vmem>> -> memref<1x40xi32, #tpu.memory_space<vmem>>
    %dma_wait3A_132 = tpu.memref_squeeze %dma_wait3A_131 : memref<1x40xi32, #tpu.memory_space<vmem>> -> memref<40xi32, #tpu.memory_space<vmem>>
    %dma_wait3A_133 = arith.constant 0 : i32
    %dma_wait3A_134 = arith.constant 0 : i32
    %dma_wait3A_135 = tpu.memref_slice %arg5[%dma_wait3A_133, %dma_wait3A_134] : memref<10000x128xf32, #tpu.memory_space<vmem_shared>> -> memref<10000x128xf32, #tpu.memory_space<vmem_shared>>
    tpu.wait_indirect_dma semaphore(%arg21 : memref<!tpu.dma_semaphore, #tpu.memory_space<semaphore_mem>>) src(%dma_wait3A_129 : memref<40x128xf32, #tpu.memory_space<vmem>>) dst(%dma_wait3A_135 : memref<10000x128xf32, #tpu.memory_space<vmem_shared>>)
    %dma_wait3A_136 = arith.constant 4 : i32
    %dma_wait3A_137 = arith.constant 4 : i32
    %dma_wait3A_138 = arith.constant 0 : i32
    %dma_wait3A_139 = arith.constant 0 : i32
    %dma_wait3A_140 = tpu.memref_slice %arg6[%dma_wait3A_136, %dma_wait3A_138, %dma_wait3A_139] : memref<5x40x128xf32, #tpu.memory_space<vmem>> -> memref<1x40x128xf32, #tpu.memory_space<vmem>>
    %dma_wait3A_141 = tpu.memref_squeeze %dma_wait3A_140 : memref<1x40x128xf32, #tpu.memory_space<vmem>> -> memref<40x128xf32, #tpu.memory_space<vmem>>
    %dma_wait3A_142 = arith.constant 0 : i32
    %dma_wait3A_143 = tpu.memref_slice %arg7[%dma_wait3A_137, %dma_wait3A_142] : memref<5x40xi32, #tpu.memory_space<vmem>> -> memref<1x40xi32, #tpu.memory_space<vmem>>
    %dma_wait3A_144 = tpu.memref_squeeze %dma_wait3A_143 : memref<1x40xi32, #tpu.memory_space<vmem>> -> memref<40xi32, #tpu.memory_space<vmem>>
    %dma_wait3A_145 = arith.constant 0 : i32
    %dma_wait3A_146 = arith.constant 0 : i32
    %dma_wait3A_147 = tpu.memref_slice %arg5[%dma_wait3A_145, %dma_wait3A_146] : memref<10000x128xf32, #tpu.memory_space<vmem_shared>> -> memref<10000x128xf32, #tpu.memory_space<vmem_shared>>
    tpu.wait_indirect_dma semaphore(%arg22 : memref<!tpu.dma_semaphore, #tpu.memory_space<semaphore_mem>>) src(%dma_wait3A_141 : memref<40x128xf32, #tpu.memory_space<vmem>>) dst(%dma_wait3A_147 : memref<10000x128xf32, #tpu.memory_space<vmem_shared>>)
    %barrier3A_148 = arith.constant 0 : index
    tpu.barrier barrier_id(%barrier3A_148)
    %add3A_149 = arith.constant 0 : i32
    %add3A_150 = arith.addi %mul3A_10, %add3A_149 : i32
    %add3A_151 = arith.constant 0 : i32
    %add3A_152 = arith.addi %mul3A_10, %add3A_151 : i32
    "tpu.region"() ({
      %run_scoped3A_174 = tpu.sem_alloc : memref<!tpu.dma_semaphore, #tpu.memory_space<semaphore_mem>>
      %dma_start3A_175 = arith.constant 0 : i32
      %dma_start3A_176 = tpu.memref_slice %arg4[%arg0, %add3A_152, %dma_start3A_175] : memref<2x10000x128xf32, #tpu.memory_space<hbm>> -> memref<1x128x128xf32, #tpu.memory_space<hbm>>
      %dma_start3A_177 = tpu.memref_squeeze %dma_start3A_176 : memref<1x128x128xf32, #tpu.memory_space<hbm>> -> memref<128x128xf32, #tpu.memory_space<hbm>>
      %dma_start3A_178 = arith.constant 0 : i32
      %dma_start3A_179 = tpu.memref_slice %arg5[%add3A_150, %dma_start3A_178] : memref<10000x128xf32, #tpu.memory_space<vmem_shared>> -> memref<128x128xf32, #tpu.memory_space<vmem_shared>>
      tpu.enqueue_dma source(%dma_start3A_179 : memref<128x128xf32, #tpu.memory_space<vmem_shared>>) target(%dma_start3A_177 : memref<128x128xf32, #tpu.memory_space<hbm>>) target_semaphore(%run_scoped3A_174 : memref<!tpu.dma_semaphore, #tpu.memory_space<semaphore_mem>>)
      %dma_wait3A_180 = arith.constant 0 : i32
      %dma_wait3A_181 = tpu.memref_slice %arg4[%arg0, %add3A_152, %dma_wait3A_180] : memref<2x10000x128xf32, #tpu.memory_space<hbm>> -> memref<1x128x128xf32, #tpu.memory_space<hbm>>
      %dma_wait3A_182 = tpu.memref_squeeze %dma_wait3A_181 : memref<1x128x128xf32, #tpu.memory_space<hbm>> -> memref<128x128xf32, #tpu.memory_space<hbm>>
      %dma_wait3A_183 = arith.constant 0 : i32
      %dma_wait3A_184 = tpu.memref_slice %arg5[%add3A_150, %dma_wait3A_183] : memref<10000x128xf32, #tpu.memory_space<vmem_shared>> -> memref<128x128xf32, #tpu.memory_space<vmem_shared>>
      tpu.wait_dma2 semaphore(%run_scoped3A_174 : memref<!tpu.dma_semaphore, #tpu.memory_space<semaphore_mem>>) src(%dma_wait3A_184 : memref<128x128xf32, #tpu.memory_space<vmem_shared>>) dst(%dma_wait3A_182 : memref<128x128xf32, #tpu.memory_space<hbm>>)
      tpu.yield
    }) : () -> ()
    %add3A_153 = arith.constant 128 : i32
    %add3A_154 = arith.addi %mul3A_10, %add3A_153 : i32
    %add3A_155 = arith.constant 128 : i32
    %add3A_156 = arith.addi %mul3A_10, %add3A_155 : i32
    "tpu.region"() ({
      %run_scoped3A_174 = tpu.sem_alloc : memref<!tpu.dma_semaphore, #tpu.memory_space<semaphore_mem>>
      %dma_start3A_175 = arith.constant 0 : i32
      %dma_start3A_176 = tpu.memref_slice %arg4[%arg0, %add3A_156, %dma_start3A_175] : memref<2x10000x128xf32, #tpu.memory_space<hbm>> -> memref<1x128x128xf32, #tpu.memory_space<hbm>>
      %dma_start3A_177 = tpu.memref_squeeze %dma_start3A_176 : memref<1x128x128xf32, #tpu.memory_space<hbm>> -> memref<128x128xf32, #tpu.memory_space<hbm>>
      %dma_start3A_178 = arith.constant 0 : i32
      %dma_start3A_179 = tpu.memref_slice %arg5[%add3A_154, %dma_start3A_178] : memref<10000x128xf32, #tpu.memory_space<vmem_shared>> -> memref<128x128xf32, #tpu.memory_space<vmem_shared>>
      tpu.enqueue_dma source(%dma_start3A_179 : memref<128x128xf32, #tpu.memory_space<vmem_shared>>) target(%dma_start3A_177 : memref<128x128xf32, #tpu.memory_space<hbm>>) target_semaphore(%run_scoped3A_174 : memref<!tpu.dma_semaphore, #tpu.memory_space<semaphore_mem>>)
      %dma_wait3A_180 = arith.constant 0 : i32
      %dma_wait3A_181 = tpu.memref_slice %arg4[%arg0, %add3A_156, %dma_wait3A_180] : memref<2x10000x128xf32, #tpu.memory_space<hbm>> -> memref<1x128x128xf32, #tpu.memory_space<hbm>>
      %dma_wait3A_182 = tpu.memref_squeeze %dma_wait3A_181 : memref<1x128x128xf32, #tpu.memory_space<hbm>> -> memref<128x128xf32, #tpu.memory_space<hbm>>
      %dma_wait3A_183 = arith.constant 0 : i32
      %dma_wait3A_184 = tpu.memref_slice %arg5[%add3A_154, %dma_wait3A_183] : memref<10000x128xf32, #tpu.memory_space<vmem_shared>> -> memref<128x128xf32, #tpu.memory_space<vmem_shared>>
      tpu.wait_dma2 semaphore(%run_scoped3A_174 : memref<!tpu.dma_semaphore, #tpu.memory_space<semaphore_mem>>) src(%dma_wait3A_184 : memref<128x128xf32, #tpu.memory_space<vmem_shared>>) dst(%dma_wait3A_182 : memref<128x128xf32, #tpu.memory_space<hbm>>)
      tpu.yield
    }) : () -> ()
    %add3A_157 = arith.constant 256 : i32
    %add3A_158 = arith.addi %mul3A_10, %add3A_157 : i32
    %add3A_159 = arith.constant 256 : i32
    %add3A_160 = arith.addi %mul3A_10, %add3A_159 : i32
    "tpu.region"() ({
      %run_scoped3A_174 = tpu.sem_alloc : memref<!tpu.dma_semaphore, #tpu.memory_space<semaphore_mem>>
      %dma_start3A_175 = arith.constant 0 : i32
      %dma_start3A_176 = tpu.memref_slice %arg4[%arg0, %add3A_160, %dma_start3A_175] : memref<2x10000x128xf32, #tpu.memory_space<hbm>> -> memref<1x128x128xf32, #tpu.memory_space<hbm>>
      %dma_start3A_177 = tpu.memref_squeeze %dma_start3A_176 : memref<1x128x128xf32, #tpu.memory_space<hbm>> -> memref<128x128xf32, #tpu.memory_space<hbm>>
      %dma_start3A_178 = arith.constant 0 : i32
      %dma_start3A_179 = tpu.memref_slice %arg5[%add3A_158, %dma_start3A_178] : memref<10000x128xf32, #tpu.memory_space<vmem_shared>> -> memref<128x128xf32, #tpu.memory_space<vmem_shared>>
      tpu.enqueue_dma source(%dma_start3A_179 : memref<128x128xf32, #tpu.memory_space<vmem_shared>>) target(%dma_start3A_177 : memref<128x128xf32, #tpu.memory_space<hbm>>) target_semaphore(%run_scoped3A_174 : memref<!tpu.dma_semaphore, #tpu.memory_space<semaphore_mem>>)
      %dma_wait3A_180 = arith.constant 0 : i32
      %dma_wait3A_181 = tpu.memref_slice %arg4[%arg0, %add3A_160, %dma_wait3A_180] : memref<2x10000x128xf32, #tpu.memory_space<hbm>> -> memref<1x128x128xf32, #tpu.memory_space<hbm>>
      %dma_wait3A_182 = tpu.memref_squeeze %dma_wait3A_181 : memref<1x128x128xf32, #tpu.memory_space<hbm>> -> memref<128x128xf32, #tpu.memory_space<hbm>>
      %dma_wait3A_183 = arith.constant 0 : i32
      %dma_wait3A_184 = tpu.memref_slice %arg5[%add3A_158, %dma_wait3A_183] : memref<10000x128xf32, #tpu.memory_space<vmem_shared>> -> memref<128x128xf32, #tpu.memory_space<vmem_shared>>
      tpu.wait_dma2 semaphore(%run_scoped3A_174 : memref<!tpu.dma_semaphore, #tpu.memory_space<semaphore_mem>>) src(%dma_wait3A_184 : memref<128x128xf32, #tpu.memory_space<vmem_shared>>) dst(%dma_wait3A_182 : memref<128x128xf32, #tpu.memory_space<hbm>>)
      tpu.yield
    }) : () -> ()
    %add3A_161 = arith.constant 384 : i32
    %add3A_162 = arith.addi %mul3A_10, %add3A_161 : i32
    %add3A_163 = arith.constant 384 : i32
    %add3A_164 = arith.addi %mul3A_10, %add3A_163 : i32
    "tpu.region"() ({
      %run_scoped3A_174 = tpu.sem_alloc : memref<!tpu.dma_semaphore, #tpu.memory_space<semaphore_mem>>
      %dma_start3A_175 = arith.constant 0 : i32
      %dma_start3A_176 = tpu.memref_slice %arg4[%arg0, %add3A_164, %dma_start3A_175] : memref<2x10000x128xf32, #tpu.memory_space<hbm>> -> memref<1x128x128xf32, #tpu.memory_space<hbm>>
      %dma_start3A_177 = tpu.memref_squeeze %dma_start3A_176 : memref<1x128x128xf32, #tpu.memory_space<hbm>> -> memref<128x128xf32, #tpu.memory_space<hbm>>
      %dma_start3A_178 = arith.constant 0 : i32
      %dma_start3A_179 = tpu.memref_slice %arg5[%add3A_162, %dma_start3A_178] : memref<10000x128xf32, #tpu.memory_space<vmem_shared>> -> memref<128x128xf32, #tpu.memory_space<vmem_shared>>
      tpu.enqueue_dma source(%dma_start3A_179 : memref<128x128xf32, #tpu.memory_space<vmem_shared>>) target(%dma_start3A_177 : memref<128x128xf32, #tpu.memory_space<hbm>>) target_semaphore(%run_scoped3A_174 : memref<!tpu.dma_semaphore, #tpu.memory_space<semaphore_mem>>)
      %dma_wait3A_180 = arith.constant 0 : i32
      %dma_wait3A_181 = tpu.memref_slice %arg4[%arg0, %add3A_164, %dma_wait3A_180] : memref<2x10000x128xf32, #tpu.memory_space<hbm>> -> memref<1x128x128xf32, #tpu.memory_space<hbm>>
      %dma_wait3A_182 = tpu.memref_squeeze %dma_wait3A_181 : memref<1x128x128xf32, #tpu.memory_space<hbm>> -> memref<128x128xf32, #tpu.memory_space<hbm>>
      %dma_wait3A_183 = arith.constant 0 : i32
      %dma_wait3A_184 = tpu.memref_slice %arg5[%add3A_162, %dma_wait3A_183] : memref<10000x128xf32, #tpu.memory_space<vmem_shared>> -> memref<128x128xf32, #tpu.memory_space<vmem_shared>>
      tpu.wait_dma2 semaphore(%run_scoped3A_174 : memref<!tpu.dma_semaphore, #tpu.memory_space<semaphore_mem>>) src(%dma_wait3A_184 : memref<128x128xf32, #tpu.memory_space<vmem_shared>>) dst(%dma_wait3A_182 : memref<128x128xf32, #tpu.memory_space<hbm>>)
      tpu.yield
    }) : () -> ()
    %add3A_165 = arith.constant 512 : i32
    %add3A_166 = arith.addi %mul3A_10, %add3A_165 : i32
    %add3A_167 = arith.constant 512 : i32
    %add3A_168 = arith.addi %mul3A_10, %add3A_167 : i32
    "tpu.region"() ({
      %run_scoped3A_174 = tpu.sem_alloc : memref<!tpu.dma_semaphore, #tpu.memory_space<semaphore_mem>>
      %dma_start3A_175 = arith.constant 0 : i32
      %dma_start3A_176 = tpu.memref_slice %arg4[%arg0, %add3A_168, %dma_start3A_175] : memref<2x10000x128xf32, #tpu.memory_space<hbm>> -> memref<1x112x128xf32, #tpu.memory_space<hbm>>
      %dma_start3A_177 = tpu.memref_squeeze %dma_start3A_176 : memref<1x112x128xf32, #tpu.memory_space<hbm>> -> memref<112x128xf32, #tpu.memory_space<hbm>>
      %dma_start3A_178 = arith.constant 0 : i32
      %dma_start3A_179 = tpu.memref_slice %arg5[%add3A_166, %dma_start3A_178] : memref<10000x128xf32, #tpu.memory_space<vmem_shared>> -> memref<112x128xf32, #tpu.memory_space<vmem_shared>>
      tpu.enqueue_dma source(%dma_start3A_179 : memref<112x128xf32, #tpu.memory_space<vmem_shared>>) target(%dma_start3A_177 : memref<112x128xf32, #tpu.memory_space<hbm>>) target_semaphore(%run_scoped3A_174 : memref<!tpu.dma_semaphore, #tpu.memory_space<semaphore_mem>>)
      %dma_wait3A_180 = arith.constant 0 : i32
      %dma_wait3A_181 = tpu.memref_slice %arg4[%arg0, %add3A_168, %dma_wait3A_180] : memref<2x10000x128xf32, #tpu.memory_space<hbm>> -> memref<1x112x128xf32, #tpu.memory_space<hbm>>
      %dma_wait3A_182 = tpu.memref_squeeze %dma_wait3A_181 : memref<1x112x128xf32, #tpu.memory_space<hbm>> -> memref<112x128xf32, #tpu.memory_space<hbm>>
      %dma_wait3A_183 = arith.constant 0 : i32
      %dma_wait3A_184 = tpu.memref_slice %arg5[%add3A_166, %dma_wait3A_183] : memref<10000x128xf32, #tpu.memory_space<vmem_shared>> -> memref<112x128xf32, #tpu.memory_space<vmem_shared>>
      tpu.wait_dma2 semaphore(%run_scoped3A_174 : memref<!tpu.dma_semaphore, #tpu.memory_space<semaphore_mem>>) src(%dma_wait3A_184 : memref<112x128xf32, #tpu.memory_space<vmem_shared>>) dst(%dma_wait3A_182 : memref<112x128xf32, #tpu.memory_space<hbm>>)
      tpu.yield
    }) : () -> ()
    %eq3A_169 = arith.constant 15 : i32
    %eq3A_170 = arith.cmpi eq, %arg1, %eq3A_169 : i32
    %convert_element_type3A_171 = arith.extui %eq3A_170 : i1 to i32
    %cond3A_172 = arith.constant 0 : i32
    %cond3A_173 = arith.cmpi ne, %convert_element_type3A_171, %cond3A_172 : i32
    scf.if %cond3A_173 {
      "tpu.region"() ({
        %run_scoped3A_174 = tpu.sem_alloc : memref<!tpu.dma_semaphore, #tpu.memory_space<semaphore_mem>>
        %dma_start3A_175 = arith.constant 9984 : i32
        %dma_start3A_176 = arith.constant 0 : i32
        %dma_start3A_177 = tpu.memref_slice %arg4[%arg0, %dma_start3A_175, %dma_start3A_176] : memref<2x10000x128xf32, #tpu.memory_space<hbm>> -> memref<1x16x128xf32, #tpu.memory_space<hbm>>
        %dma_start3A_178 = tpu.memref_squeeze %dma_start3A_177 : memref<1x16x128xf32, #tpu.memory_space<hbm>> -> memref<16x128xf32, #tpu.memory_space<hbm>>
        %dma_start3A_179 = arith.constant 9984 : i32
        %dma_start3A_180 = arith.constant 0 : i32
        %dma_start3A_181 = tpu.memref_slice %arg5[%dma_start3A_179, %dma_start3A_180] : memref<10000x128xf32, #tpu.memory_space<vmem_shared>> -> memref<16x128xf32, #tpu.memory_space<vmem_shared>>
        tpu.enqueue_dma source(%dma_start3A_181 : memref<16x128xf32, #tpu.memory_space<vmem_shared>>) target(%dma_start3A_178 : memref<16x128xf32, #tpu.memory_space<hbm>>) target_semaphore(%run_scoped3A_174 : memref<!tpu.dma_semaphore, #tpu.memory_space<semaphore_mem>>)
        %dma_wait3A_182 = arith.constant 9984 : i32
        %dma_wait3A_183 = arith.constant 0 : i32
        %dma_wait3A_184 = tpu.memref_slice %arg4[%arg0, %dma_wait3A_182, %dma_wait3A_183] : memref<2x10000x128xf32, #tpu.memory_space<hbm>> -> memref<1x16x128xf32, #tpu.memory_space<hbm>>
        %dma_wait3A_185 = tpu.memref_squeeze %dma_wait3A_184 : memref<1x16x128xf32, #tpu.memory_space<hbm>> -> memref<16x128xf32, #tpu.memory_space<hbm>>
        %dma_wait3A_186 = arith.constant 9984 : i32
        %dma_wait3A_187 = arith.constant 0 : i32
        %dma_wait3A_188 = tpu.memref_slice %arg5[%dma_wait3A_186, %dma_wait3A_187] : memref<10000x128xf32, #tpu.memory_space<vmem_shared>> -> memref<16x128xf32, #tpu.memory_space<vmem_shared>>
        tpu.wait_dma2 semaphore(%run_scoped3A_174 : memref<!tpu.dma_semaphore, #tpu.memory_space<semaphore_mem>>) src(%dma_wait3A_188 : memref<16x128xf32, #tpu.memory_space<vmem_shared>>) dst(%dma_wait3A_185 : memref<16x128xf32, #tpu.memory_space<hbm>>)
        tpu.yield
      }) : () -> ()
    } else {
    }
    return
  }
}

module attributes {stable_mosaic.version = 14 : i64} {
  func.func @_merge_log_body(%arg0: i32, %arg1: memref<2x1000x128xf32, #tpu.memory_space<vmem>>, %arg2: memref<1000x128xf32, #tpu.memory_space<vmem>>) attributes {dimension_semantics = [#tpu.dimension_semantics<arbitrary>], iteration_bounds = array<i64: 10>, scalar_prefetch = 0 : i64, scratch_operands = 0 : i64, tpu.core_type = #tpu.core_type<tc>, window_params = [{transform_indices = @transform_0, window_bounds = array<i64: 2, 1000, 128>}, {transform_indices = @transform_1, window_bounds = array<i64: 1000, 128>}]} {
    %get3A = arith.constant 0 : index
    %get3A_0 = arith.constant 0 : index
    %get3A_1 = arith.constant 0 : index
    %get3A_2 = vector.load %arg1[%get3A, %get3A_0, %get3A_1] : memref<2x1000x128xf32, #tpu.memory_space<vmem>>, vector<1x1000x128xf32>
    %get3A_3 = vector.shape_cast %get3A_2 : vector<1x1000x128xf32> to vector<1000x128xf32>
    %get3A_4 = arith.constant 1 : index
    %get3A_5 = arith.constant 0 : index
    %get3A_6 = arith.constant 0 : index
    %get3A_7 = vector.load %arg1[%get3A_4, %get3A_5, %get3A_6] : memref<2x1000x128xf32, #tpu.memory_space<vmem>>, vector<1x1000x128xf32>
    %get3A_8 = vector.shape_cast %get3A_7 : vector<1x1000x128xf32> to vector<1000x128xf32>
    %add3A = arith.addf %get3A_3, %get3A_8 : vector<1000x128xf32>
    %gt3A = arith.constant 0.000000e+00 : f32
    %gt3A_9 = vector.broadcast %gt3A : f32 to vector<1000x128xf32>
    %gt3A_10 = arith.cmpf ogt, %add3A, %gt3A_9 : vector<1000x128xf32>
    %log3A = math.log %add3A : vector<1000x128xf32>
    %jit3A = arith.constant 0xFF800000 : f32
    %broadcast_in_dim3A = vector.broadcast %jit3A : f32 to vector<1000x128xf32>
    %select_n3A = arith.select %gt3A_10, %log3A, %broadcast_in_dim3A : vector<1000x128xi1>, vector<1000x128xf32>
    %swap3A = arith.constant 0 : index
    %swap3A_11 = arith.constant 0 : index
    %swap3A_12 = vector.load %arg2[%swap3A, %swap3A_11] : memref<1000x128xf32, #tpu.memory_space<vmem>>, vector<1000x128xf32>
    tpu.vector_store %arg2[%swap3A, %swap3A_11], %select_n3A {strides = array<i32>} : memref<1000x128xf32, #tpu.memory_space<vmem>>, vector<1000x128xf32>,
    return
  }
  func.func @transform_0(%arg0: i32) -> (i32, i32, i32) {
    %c0_i32 = arith.constant 0 : i32
    %c0_i32_0 = arith.constant 0 : i32
    %c0_i32_1 = arith.constant 0 : i32
    return %c0_i32, %arg0, %c0_i32_0 : i32, i32, i32
  }
  func.func @transform_1(%arg0: i32) -> (i32, i32) {
    %c0_i32 = arith.constant 0 : i32
    %c0_i32_0 = arith.constant 0 : i32
    return %arg0, %c0_i32 : i32, i32
  }
}

</mosaic_0001>

<sc_bundles>
// kernel: kernel.4.cloned.1.call-start
scs
__scs_entry_jumppad:
0x0: {  	(pc) =	sbr.rel $0x88, $3  }
0x1: {  	(tag) =	ssettag $0x0;
	lr =	simm.s32 $0x1  }
0x2: {  	[smem:$0x3F9F] =	sst lr;
	_ =	strace $0xD0000000  }
0x3: {  	_ = 	snop  }
0x4: {  	_ = 	snop  }
0x5: {  	_ = 	snop  }
0x6: {  	_ = 	snop  }
0x7: {  	_ = 	snop  }
__scs_overlays_trampoline_lowered:
0x8: {  	[smem:$0x3FAE] =	sst s0  }
0x9: {  	[smem:$0x3FAF] =	sst s1  }
0xa: {  	[smem:$0x3FB0] =	sst s2  }
0xb: {  	[smem:$0x3FB1] =	sst s3  }
0xc: {  	[smem:$0x3FB2] =	sst s4  }
0xd: {  	[smem:$0x3FB3] =	sst s5  }
0xe: {  	[smem:$0x3FB4] =	sst s6  }
0xf: {  	[smem:$0x3FB5] =	sst s7  }
0x10: {  	[smem:$0x3FB6] =	sst s8  }
0x11: {  	[smem:$0x3FB7] =	sst s9;
	s0 =	simm.s32 @!p0 $0x0  }
0x12: {  	s1 =	sld [smem:$0x3F9D];
	s0 =	simm.s32 @p0 $0x1  }
0x13: {  	[smem:$0x3FB8] =	sst s0;
	s0 =	simm.s32 @!p1 $0x0  }
0x14: {  	s2 =	sld [smem:$0x3F9C];
	s0 =	simm.s32 @p1 $0x1  }
0x15: {  	[smem:$0x3FB9] =	sst s0;
	s0 =	simm.s32 @!p2 $0x0  }
0x16: {  	s3 =	sld [smem:$0x3FDB];
	s0 =	simm.s32 @p2 $0x1  }
0x17: {  	s4 =	simm.s32 $0x1BF5;
	[smem:$0x3FBB] =	sst s0  }
0x18: {  	s0 =	sld [smem:$0x3F9E];
	_ =	swait.ge [sflag:s4], $0x0  }
0x19: {  	s7 =	sld [smem:$0x3F9F]  }
0x1a: {  	s8 =	sadd.s32 $0xFFFFE003, lr  }
0x1b: {  	s9 =	sadd.s32 $0xFFFFFEF7, lr;
	s5 =	simm.s32 $0xFFFFFFFF;
	p2 =	slt.u32 s8, $0xFFFFF086  }
0x1c: {  	p1 =	slt.u32 s9, $0xF7A;
	s5 =	simm.s32 @!p2 $0x0  }
0x1d: {  	s5 =	simm.s32 @p1 $0x1;
	p0 =	seq.s32 s7, s2  }
0x1e: {  	s7 =	smul.u32 @!p0 $0xF7A, s2;
	p2 =	seq.s32 @!p0 s5, $0x0  }
0x1f: {  	s9 =	smul.u32 $0xF7A, s1;
	s8 =	simm.s32 @!p0 $0x1BF5;
	p2 =	por !p2, p0  }
0x20: {  	[sflag:s8] =	ssyncset.s32 @!p0 $0xFFFFF086;
	s6 =	sadd.s32 @!p0 s3, s7;
	s7 =	simm.s32 @!p0 $0x108  }
0x21: {  	s3 =	sadd.s32 s3, s9;
	s6 =	sadd.s32 @!p0 $0x88, s6;
	s7 =	simm.s32 @p2 $0x1082  }
0x22: {  	[simem:s7], [sflag:s8] =	dma.local @!p0 [hbm:s6], $0xF7A  }
0x23: {  	s9 =	sor.u32 $0xD0000000, s2;
	s6 =	simm.s32 $0x108;
	_ =	swait.ge @!p0 [sflag:s8], $0x0  }
0x24: {  	s3 =	sadd.s32 $0x88, s3;
	s6 =	simm.s32 @!p1 $0x1082;
	[sflag:s4] =	ssyncset.s32 $0xFFFFF086  }
0x25: {  	[simem:s6], [sflag:s4] =	dma.local [hbm:s3], $0xF7A  }
0x26: {  	[smem:$0x3F9F] =	sst s1;
	(tag) =	ssettag s2;
	_ =	strace s9  }
0x27: {  	s1 =	sld [smem:$0x3FAF]  }
0x28: {  	s2 =	sld [smem:$0x3FB0]  }
0x29: {  	s4 =	sld [smem:$0x3FB2]  }
0x2a: {  	p0 =	seq.s32 s5, $0x0;
	s5 =	sld [smem:$0x3FB3]  }
0x2b: {  	s6 =	sld [smem:$0x3FB4]  }
0x2c: {  	s7 =	sld [smem:$0x3FB5]  }
0x2d: {  	s3 =	simm.s32 $0x108;
	s8 =	sld [smem:$0x3FB6]  }
0x2e: {  	s3 =	simm.s32 @!p0 $0x1082;
	s9 =	sld [smem:$0x3FB7]  }
0x2f: {  	lr =	sadd.s32 s0, s3;
	s0 =	sld [smem:$0x3FAE]  }
0x30: {  	s3 =	sld [smem:$0x3FB1]  }
0x31: {  	[smem:$0x3FBA] =	sst s10  }
0x32: {  	s10 =	sld [smem:$0x3FB8];
	_ =	sdelay $0x3  }
0x33: {  	p0 =	seq.s32 s10, $0x1;
	s10 =	sld [smem:$0x3FBA];
	_ =	sdelay $0x3  }
0x34: {  	[smem:$0x3FBA] =	sst s10  }
0x35: {  	s10 =	sld [smem:$0x3FB9];
	_ =	sdelay $0x3  }
0x36: {  	p1 =	seq.s32 s10, $0x1;
	s10 =	sld [smem:$0x3FBA];
	_ =	sdelay $0x3  }
0x37: {  	[smem:$0x3FBA] =	sst s10  }
0x38: {  	s10 =	sld [smem:$0x3FBB]  }
0x39: {  	_ = 	snop;
	(pc) =	sbr.ind lr, $3  }
0x3a: {  	_ = 	snop  }
0x3b: {  	_ = 	snop  }
0x3c: {  	p2 =	seq.s32 s10, $0x1;
	s10 =	sld [smem:$0x3FBA]  }
0x3d: {  	_ =	shalt  }
0x3e: {  	_ =	shalt  }
0x3f: {  	_ =	shalt  }
0x40: {  	_ =	shalt  }
0x41: {  	_ =	shalt  }
0x42: {  	_ =	shalt  }
0x43: {  	_ =	shalt  }
0x44: {  	_ =	shalt  }
0x45: {  	_ =	shalt  }
0x46: {  	_ =	shalt  }
0x47: {  	_ =	shalt  }
0x48: {  	_ =	shalt  }
0x49: {  	_ =	shalt  }
0x4a: {  	_ =	shalt  }
0x4b: {  	_ =	shalt  }
0x4c: {  	_ =	shalt  }
0x4d: {  	_ =	shalt  }
0x4e: {  	_ =	shalt  }
0x4f: {  	_ =	shalt  }
0x50: {  	_ =	shalt  }
0x51: {  	_ =	shalt  }
0x52: {  	_ =	shalt  }
0x53: {  	_ =	shalt  }
0x54: {  	_ =	shalt  }
0x55: {  	_ =	shalt  }
0x56: {  	_ =	shalt  }
0x57: {  	_ =	shalt  }
0x58: {  	_ =	shalt  }
0x59: {  	_ =	shalt  }
0x5a: {  	_ =	shalt  }
0x5b: {  	_ =	shalt  }
0x5c: {  	_ =	shalt  }
0x5d: {  	_ =	shalt  }
0x5e: {  	_ =	shalt  }
0x5f: {  	_ =	shalt  }
0x60: {  	_ =	shalt  }
0x61: {  	_ =	shalt  }
0x62: {  	_ =	shalt  }
0x63: {  	_ =	shalt  }
0x64: {  	_ =	shalt  }
0x65: {  	_ =	shalt  }
0x66: {  	_ =	shalt  }
0x67: {  	_ =	shalt  }
0x68: {  	_ =	shalt  }
0x69: {  	_ =	shalt  }
0x6a: {  	_ =	shalt  }
0x6b: {  	_ =	shalt  }
0x6c: {  	_ =	shalt  }
0x6d: {  	_ =	shalt  }
0x6e: {  	_ =	shalt  }
0x6f: {  	_ =	shalt  }
0x70: {  	_ =	shalt  }
0x71: {  	_ =	shalt  }
0x72: {  	_ =	shalt  }
0x73: {  	_ =	shalt  }
0x74: {  	_ =	shalt  }
0x75: {  	_ =	shalt  }
0x76: {  	_ =	shalt  }
0x77: {  	_ =	shalt  }
0x78: {  	_ =	shalt  }
0x79: {  	_ =	shalt  }
0x7a: {  	_ =	shalt  }
0x7b: {  	_ =	shalt  }
0x7c: {  	_ =	shalt  }
0x7d: {  	_ =	shalt  }
0x7e: {  	_ =	shalt  }
0x7f: {  	_ =	shalt  }
0x80: {  	_ =	shalt  }
0x81: {  	_ =	shalt  }
0x82: {  	_ =	shalt  }
0x83: {  	_ =	shalt  }
0x84: {  	_ =	shalt  }
0x85: {  	_ =	shalt  }
0x86: {  	_ =	shalt  }
0x87: {  	_ =	shalt  }
.Lfunc_end0:
.L_simem_size_0:
called_computation_lowered:
.L_overlay_start_0:
0x88: {  	s2 =	sld [smem:$0x3FD9]  }
0x89: {  	s3 =	sld [smem:$0x3FFE];
	_ =	sdelay $0x1  }
0x8a: {  	s1 =	srdreg.scid  }
0x8b: {  	s0 =	sand.u32 $0x1, s1  }
0x8c: {  	s17 =	sshll.u32 s0, $0xA;
	s2 =	sadd.s32 s3, s2  }
0x8d: {  	s2 =	sadd.s32 s2, s17  }
0x8e: {  	[smem:$0x3FC6] =	sst s2  }
0x8f: {  	_ = 	snop  }
0x90: {  	s2 =	sld [smem:$0x3FC9]  }
0x91: {  	s18 =	sld [smem:$0x3FC8];
	(tm) =	ssettm $0x1  }
0x92: {  	s4 =	sld [smem:$0x3FFB];
	_ =	sdelay $0x3  }
0x93: {  	_ =	strace s4  }
0x94: {  	s4 =	sld [smem:$0x3FFC];
	_ =	sdelay $0x3  }
0x95: {  	_ =	strace s4  }
0x96: {  	s4 =	sld [smem:$0x3FFD];
	_ =	sdelay $0x3  }
0x97: {  	_ =	strace s4  }
0x98: {  	_ =	strace $0x8FFFFFFF  }
0x99: {  	s19 =	sld [smem:$0x3FDB];
	_ =	sdelay $0x1  }
0x9a: {  	s5 =	simm.s32 $_scs_section_size  }
0x9b: {  	s6 =	simm.s32 $_size__tile_overlayer_lowered;
	s7 =	simm.s32 $_tile_overlayer_lowered  }
0x9c: {  	s22 =	simm.s32 $0x1BFF;
	s21 =	sshll.u32 s7, $0x1;
	s4 =	sadd.s32 s5, s19  }
0x9d: {  	s8 =	simm.s32 $0x0;
	s20 =	sshll.u32 s6, $0x1;
	s6 =	sadd.s32 s21, s4  }
0x9e: {  	[timem:s8], [sflag:s22] =	dma.local [hbm:s6], s20  }
0x9f: {  	_ =	swait.ge [sflag:s22], s20  }
0xa0: {  	s5 =	ssub.s32 $0x0, s20;
	[sflag:s22] =	ssyncset.done $0x0  }
0xa1: {  	[sflag:s22] =	ssyncadd.s32 s5;
	_ =	sdelay $0x1  }
0xa2: {  	s23 =	simm.s32 $0x1B8B  }
0xa3: {  	_ =	swait.ge [sflag:s23], $0x1  }
0xa4: {  	[sflag:s23] =	ssyncset.done $0x0  }
0xa5: {  	s25 =	simm.s32 $0x1B8E;
	s24 =	sld [smem:$0x3FFE];
	[sflag:s23] =	ssyncadd.s32 $0xFFFFFFFF  }
0xa6: {  	s26 =	simm.s32 $execute0_lowered;
	[smem:$0x3FD2] =	sst s25  }
0xa7: {  	s6 =	sshll.u32 s26, $0x1;
	_ =	strace $0x80000046;
	[dreg:$0x1] =	wrdreg $0xFFFFFFFF  }
0xa8: {  	s28 =	simm.s32 $_size_execute0_lowered;
	s4 =	sadd.s32 s4, s6;
	[dreg:$0x0] =	wrdreg $0x0  }
0xa9: {  	s6 =	sshll.u32 s28, $0x1;
	[dreg:$0x2] =	wrdreg s4  }
0xaa: {  	[dreg:$0x3] =	wrdreg s6  }
0xab: {  	[dreg:$0x4] =	wrdreg $0xC0  }
0xac: {  	_ =	task [dreg:s8], $0x5FFFF  }
0xad: {  	[dreg:$0x1] =	wrdreg $0xFFFFFFFF  }
0xae: {  	[dreg:$0x0] =	wrdreg $0x60  }
0xaf: {  	[dreg:$0x2] =	wrdreg s2  }
0xb0: {  	[dreg:$0x3] =	wrdreg s18  }
0xb1: {  	[dreg:$0x4] =	wrdreg s24  }
0xb2: {  	[dreg:$0x5] =	wrdreg $0x0  }
0xb3: {  	[dreg:$0x6] =	wrdreg $0x9  }
0xb4: {  	_ =	task.clear_ibuf [dreg:s8], $0x7FFFF;
	_ =	strace $0x90000046  }
0xb5: {  	s29 =	simm.s32 $0x9;
	_ =	strace $0x80000048  }
0xb6: {  	_ =	swait.ge [sflag:s29], $0x1  }
0xb7: {  	[sflag:s29] =	ssyncadd.s32 $0xFFFFFFFF  }
0xb8: {  	_ =	strace $0x90000048  }
0xb9: {  	_ =	sfence  }
0xba: {  	s30 =	sld [smem:$0x0];
	_ =	sdelay $0x2  }
0xbb: {  	s31 =	sshll.u32 s1, $0xD;
	s1 =	sshrl.u32 s1, $0x2  }
0xbc: {  	s3 =	sand.u32 $0x4000, s31;
	s1 =	sadd.s32 s1, s30  }
0xbd: {  	s0 =	sor.u32 s3, s0;
	s1 =	sshll.u32 s1, $0x11  }
0xbe: {  	s0 =	sor.u32 s1, s0  }
0xbf: {  	s0 =	sadd.s32 $0x8F2B, s0  }
0xc0: {  	[sflag:s0] =	ssyncadd.remote.s32 $0x1  }
0xc1: {  	_ =	sfence.sel $0xFFFF  }
0xc2: {  	[dreg:$0x0] =	wrdreg $0xFFFFFFFF;
	(pc) =	sbr.abs _section_cstart, $3  }
0xc3: {  	[dreg:$0x1] =	wrdreg $0xFFFFFFFF  }
0xc4: {  	_ =	task.clear_ibuf [dreg:s8], $0x2FFFF;
	_ =	strace $0x9FFFFFFF  }
0xc5: {  	(tm) =	ssettm $0x7FFFFFFF  }
tec
execute0_lowered:
.L_overlay_start_1:
0x0: {  	(tag) =	ssettag $0x1  }
0x1: {  	s1 =	rddreg [dreg:$0x0]  }
0x2: {  	s2 =	rddreg [dreg:$0x1]  }
0x3: {  	s0 =	rddreg [dreg:$0x2]  }
0x4: {  	s4 =	rddreg [dreg:$0x3];
	s5 =	simm.s32 $0x0  }
0x5: {  	s3 =	srdreg.scid;
	s13 =	stileid.u32;
	s28 =	simm.s32 $0x19D80  }
0x6: {  	s29 =	simm.s32 $0x1;
	s30 =	simm.s32 $0x6;
	[smem:$0x7FF] =	sst s5  }
0x7: {  	s3 =	sand.u32 $0x1, s3;
	s16 =	sshll.u32 s13, $0x1;
	s6 =	smul.u32 $0x4E000, s13  }
0x8: {  	s0 =	sadd.s32 $0x600, s0;
	s10 =	smul.u32 $0x13800, s13;
	p0 =	sne.s32 s13, $0xF  }
0x9: {  	s5 =	sor.u32 s3, s16;
	s7 =	ssub.s32 $0x2, s3;
	s3 =	smul.u32 $0x138800, s3  }
0xa: {  	_ =	strace $0x80000047;
	s8 =	smul.u32 $0x27100, s5;
	s9 =	sshrl.u32 s7, $0x1  }
0xb: {  	s5 =	smul.u32 $0x2710, s5;
	s6 =	sshrl.u32 s6, $0x2;
	s26 =	sadd.s32 $0x4000, s10  }
0xc: {  	s15 =	sadd.s32 $0x8000, s10;
	s7 =	ssub.s32 s7, s9;
	s18 =	sadd.s32 s6, s4  }
0xd: {  	s25 =	sadd.s32 s10, s3;
	s12 =	sadd.s32 s3, s26;
	s17 =	sadd.s32 s1, s8  }
0xe: {  	s19 =	sshrl.u32 s5, $0x3;
	s20 =	sadd.s32 $0x28, s5;
	[dreg:$0x5] =	wrdreg s18  }
0xf: {  	s24 =	sadd.s32 $0x50, s5;
	s11 =	sadd.s32 $0x78, s5;
	[dreg:$0x6] =	wrdreg s17  }
0x10: {  	s14 =	sshrl.u32 s12, $0x3;
	s9 =	sadd.s32 $0x1400, s18;
	[dreg:$0xa] =	wrdreg s24  }
0x11: {  	s13 =	sadd.s32 $0x6400, s18;
	s21 =	sshll.u32 s20, $0x4;
	[dreg:$0xb] =	wrdreg s11  }
0x12: {  	s8 =	sshrl.u32 s20, $0x3;
	s6 =	sadd.s32 s2, s19;
	[dreg:$0x18] =	wrdreg s9  }
0x13: {  	s11 =	sadd.s32 $0xC000, s10;
	s10 =	sadd.s32 $0x10000, s10;
	[dreg:$0x1c] =	wrdreg s13  }
0x14: {  	[dreg:$0x7] =	wrdreg s6;
	s22 =	sadd.s32 s1, s21;
	s23 =	sadd.s32 s2, s8  }
0x15: {  	s6 =	sshrl.u32 s25, $0x3;
	s12 =	sadd.s32 s3, s11;
	[dreg:$0x8] =	wrdreg s22  }
0x16: {  	s19 =	sadd.s32 s3, s10;
	s21 =	sadd.s32 $0xA0, s5;
	[dreg:$0x9] =	wrdreg s23  }
0x17: {  	s25 =	sadd.s32 s10, s4;
	s10 =	sadd.s32 $0x2800, s18;
	[dreg:$0x11] =	wrdreg s21  }
0x18: {  	s24 =	sadd.s32 s11, s4;
	s11 =	sadd.s32 $0x3C00, s18;
	[dreg:$0x19] =	wrdreg s10  }
0x19: {  	s31 =	simm.s32 $0x28;
	s6 =	sadd.s32 s0, s6;
	[dreg:$0x1a] =	wrdreg s11  }
0x1a: {  	s22 =	sadd.s32 s26, s4;
	s26 =	smax.u32 s7, $0x1;
	[dreg:$0xc] =	wrdreg s6  }
0x1b: {  	s16 =	sadd.s32 s3, s15;
	s7 =	sshrl.u32 s24, $0x3;
	[dreg:$0x13] =	wrdreg s26  }
0x1c: {  	s9 =	simm.s32 $0x19E80;
	s8 =	sshrl.u32 s25, $0x3;
	[dreg:$0x16] =	wrdreg s7  }
0x1d: {  	s17 =	sshrl.u32 s12, $0x3;
	s12 =	sadd.s32 $0x5000, s18;
	[dreg:$0x17] =	wrdreg s8  }
0x1e: {  	s23 =	sadd.s32 s15, s4;
	s15 =	sadd.s32 $0x8C00, s18;
	[dreg:$0x1b] =	wrdreg s12  }
0x1f: {  	s13 =	simm.s32 $0x8;
	s21 =	sadd.s32 $0xC800, s18;
	[dreg:$0x1e] =	wrdreg s15  }
0x20: {  	s3 =	sshrl.u32 s3, $0x3;
	s24 =	sadd.s32 $0x10400, s18;
	[smem:$0x7F7] =	sst s21  }
0x21: {  	s20 =	sshrl.u32 s19, $0x3;
	s25 =	sadd.s32 $0x11800, s18;
	[smem:$0x7FA] =	sst s24  }
0x22: {  	s19 =	sadd.s32 $0xC8, s5;
	s6 =	sadd.s32 s0, s14;
	[smem:$0x7FB] =	sst s25  }
0x23: {  	s10 =	simm.s32 $0x3;
	s14 =	sadd.s32 $0x7800, s18;
	[dreg:$0xd] =	wrdreg s6  }
0x24: {  	s26 =	sadd.s32 $0x12C00, s18;
	s24 =	sadd.s32 $0x138000, s4;
	[dreg:$0x1d] =	wrdreg s14  }
0x25: {  	s25 =	simm.s32 $0x10;
	s7 =	simm.s32 $0x7;
	[smem:$0x7FC] =	sst s26  }
0x26: {  	s6 =	sshrl.u32 s16, $0x3;
	s16 =	sadd.s32 $0xA000, s18;
	[smem:$0x7FD] =	sst s24  }
0x27: {  	s8 =	simm.s32 $0x18880;
	s6 =	sadd.s32 s0, s6;
	[dreg:$0x1f] =	wrdreg s16  }
0x28: {  	s15 =	simm.s32 $0x4;
	[dreg:$0xe] =	wrdreg s6;
	s6 =	sadd.s32 s0, s17  }
0x29: {  	s21 =	simm.s32 $0x0;
	s17 =	sadd.s32 $0xB400, s18;
	[dreg:$0xf] =	wrdreg s6  }
0x2a: {  	s26 =	simm.s32 $0x16080;
	s6 =	sadd.s32 s0, s20;
	[smem:$0x7F6] =	sst s17  }
0x2b: {  	s0 =	sadd.s32 s0, s3;
	s3 =	sshrl.u32 s22, $0x3;
	[dreg:$0x10] =	wrdreg s6  }
0x2c: {  	s20 =	sadd.s32 $0xF0, s5;
	s5 =	sshrl.u32 s23, $0x3;
	[dreg:$0x14] =	wrdreg s3  }
0x2d: {  	s14 =	simm.s32 $0xB;
	s22 =	sadd.s32 $0xDC00, s18;
	[dreg:$0x15] =	wrdreg s5  }
0x2e: {  	s16 =	simm.s32 $0x9;
	s23 =	sadd.s32 $0xF000, s18;
	[smem:$0x7F8] =	sst s22  }
0x2f: {  	s17 =	simm.s32 $0xC;
	s0 =	sadd.s32 $0x27000, s0;
	[smem:$0x7F9] =	sst s23  }
0x30: {  	s3 =	simm.s32 $0x19E00;
	s5 =	simm.s32 $0x2;
	s6 =	simm.s32 $0x5  }
0x31: {  	v0 =	vimm.f32 $0.0e+00;
	s23 =	simm.s32 $0xA;
	[dreg:$0x12] =	wrdreg s0;
	s0 =	simm.s32 $0x17480  }
.LBB2_1:
0x32: {  	s12 =	simm.s32 $0x0  }
0x33: {  	s11 =	sand.u32 $0x7E00, s12  }
0x34: {  	[smem:$0x7F5] =	sst s21;
	s12 =	sand.u32 $0x70, s12;
	s22 =	sshrl.u32 s11, $0x2  }
0x35: {  	s11 =	simm.s32 $0x40;
	s21 =	sor.u32 s12, s22;
	s12 =	simm.s32 $0x0  }
.LBB2_2:
0x36: {  	p1 =	sne.s32 s11, $0x4FC0  }
0x37: {  	[tilespmem:s21+$0x13880] =	vst v0;
	s12 =	sadd.s32 $0x10, s12;
	s21 =	smov.u32 s11;
	s11 =	sadd.s32 $0x40, s11  }
.Ltmp0:
0x38: {  	(pc) =	sbr.rel @p1 .LBB2_2-.Ltmp0, $4  }
0x39: {  	_ = 	snop  }
0x3a: {  	s21 =	sand.u32 $0x7E00, s21  }
0x3b: {  	s22 =	sand.u32 $0x70, s12;
	s21 =	sshrl.u32 s21, $0x2  }
0x3c: {  	s21 =	sor.u32 s22, s21  }
0x3d: {  	[tilespmem:s21+$0x13880] =	vst v0;
	s12 =	simm.s32 $0x13880  }
0x3e: {  	[spmem:s18] =	stream.linear.scatter [tilespmem:s12], [sflag:$0x10], $0x1400, $0x38;
	[tilespmem:$0x1A080] =	vst v63  }
0x3f: {  	_ =	swait.ge [sflag:s25], $0x1400  }
0x40: {  	[sflag:s25] =	ssyncset.done $0x0  }
0x41: {  	s11 =	rddreg [dreg:$0x18];
	[sflag:s25] =	ssyncadd.s32 $0xFFFFEC00  }
0x42: {  	[spmem:s11] =	stream.linear.scatter [tilespmem:s12], [sflag:$0x10], $0x1400, $0x38;
	[tilespmem:$0x1A080] =	vst v63  }
0x43: {  	_ =	swait.ge [sflag:s25], $0x1400  }
0x44: {  	[sflag:s25] =	ssyncset.done $0x0  }
0x45: {  	s22 =	rddreg [dreg:$0x19];
	[sflag:s25] =	ssyncadd.s32 $0xFFFFEC00  }
0x46: {  	[spmem:s22] =	stream.linear.scatter [tilespmem:s12], [sflag:$0x10], $0x1400, $0x38;
	[tilespmem:$0x1A080] =	vst v63  }
0x47: {  	_ =	swait.ge [sflag:s25], $0x1400  }
0x48: {  	[sflag:s25] =	ssyncset.done $0x0  }
0x49: {  	s18 =	rddreg [dreg:$0x1a];
	[sflag:s25] =	ssyncadd.s32 $0xFFFFEC00  }
0x4a: {  	[spmem:s18] =	stream.linear.scatter [tilespmem:s12], [sflag:$0x10], $0x1400, $0x38;
	[tilespmem:$0x1A080] =	vst v63  }
0x4b: {  	_ =	swait.ge [sflag:s25], $0x1400  }
0x4c: {  	[sflag:s25] =	ssyncset.done $0x0  }
0x4d: {  	s21 =	rddreg [dreg:$0x1b];
	[sflag:s25] =	ssyncadd.s32 $0xFFFFEC00  }
0x4e: {  	[spmem:s21] =	stream.linear.scatter [tilespmem:s12], [sflag:$0x10], $0x1400, $0x38;
	[tilespmem:$0x1A080] =	vst v63  }
0x4f: {  	_ =	swait.ge [sflag:s25], $0x1400  }
0x50: {  	[sflag:s25] =	ssyncset.done $0x0  }
0x51: {  	s22 =	rddreg [dreg:$0x1c];
	[sflag:s25] =	ssyncadd.s32 $0xFFFFEC00  }
0x52: {  	[spmem:s22] =	stream.linear.scatter [tilespmem:s12], [sflag:$0x10], $0x1400, $0x38;
	[tilespmem:$0x1A080] =	vst v63  }
0x53: {  	_ =	swait.ge [sflag:s25], $0x1400  }
0x54: {  	[sflag:s25] =	ssyncset.done $0x0  }
0x55: {  	s18 =	rddreg [dreg:$0x1d];
	[sflag:s25] =	ssyncadd.s32 $0xFFFFEC00  }
0x56: {  	[spmem:s18] =	stream.linear.scatter [tilespmem:s12], [sflag:$0x10], $0x1400, $0x38;
	[tilespmem:$0x1A080] =	vst v63  }
0x57: {  	_ =	swait.ge [sflag:s25], $0x1400  }
0x58: {  	[sflag:s25] =	ssyncset.done $0x0  }
0x59: {  	s21 =	rddreg [dreg:$0x1e];
	[sflag:s25] =	ssyncadd.s32 $0xFFFFEC00  }
0x5a: {  	[spmem:s21] =	stream.linear.scatter [tilespmem:s12], [sflag:$0x10], $0x1400, $0x38;
	[tilespmem:$0x1A080] =	vst v63  }
0x5b: {  	_ =	swait.ge [sflag:s25], $0x1400  }
0x5c: {  	[sflag:s25] =	ssyncset.done $0x0  }
0x5d: {  	s22 =	rddreg [dreg:$0x1f];
	[sflag:s25] =	ssyncadd.s32 $0xFFFFEC00  }
0x5e: {  	[spmem:s22] =	stream.linear.scatter [tilespmem:s12], [sflag:$0x10], $0x1400, $0x38;
	[tilespmem:$0x1A080] =	vst v63  }
0x5f: {  	_ =	swait.ge [sflag:s25], $0x1400  }
0x60: {  	s18 =	sld [smem:$0x7F6]  }
0x61: {  	[sflag:s25] =	ssyncset.done $0x0  }
0x62: {  	[sflag:s25] =	ssyncadd.s32 $0xFFFFEC00  }
0x63: {  	[spmem:s18] =	stream.linear.scatter [tilespmem:s12], [sflag:$0x10], $0x1400, $0x38;
	[tilespmem:$0x1A080] =	vst v63  }
0x64: {  	_ =	swait.ge [sflag:s25], $0x1400  }
0x65: {  	s21 =	sld [smem:$0x7F7]  }
0x66: {  	[sflag:s25] =	ssyncset.done $0x0  }
0x67: {  	[sflag:s25] =	ssyncadd.s32 $0xFFFFEC00  }
0x68: {  	[spmem:s21] =	stream.linear.scatter [tilespmem:s12], [sflag:$0x10], $0x1400, $0x38;
	[tilespmem:$0x1A080] =	vst v63  }
0x69: {  	_ =	swait.ge [sflag:s25], $0x1400  }
0x6a: {  	s22 =	sld [smem:$0x7F8]  }
0x6b: {  	[sflag:s25] =	ssyncset.done $0x0  }
0x6c: {  	[sflag:s25] =	ssyncadd.s32 $0xFFFFEC00  }
0x6d: {  	[spmem:s22] =	stream.linear.scatter [tilespmem:s12], [sflag:$0x10], $0x1400, $0x38;
	[tilespmem:$0x1A080] =	vst v63  }
0x6e: {  	_ =	swait.ge [sflag:s25], $0x1400  }
0x6f: {  	s18 =	sld [smem:$0x7F9]  }
0x70: {  	[sflag:s25] =	ssyncset.done $0x0  }
0x71: {  	[sflag:s25] =	ssyncadd.s32 $0xFFFFEC00  }
0x72: {  	[spmem:s18] =	stream.linear.scatter [tilespmem:s12], [sflag:$0x10], $0x1400, $0x38;
	[tilespmem:$0x1A080] =	vst v63  }
0x73: {  	_ =	swait.ge [sflag:s25], $0x1400  }
0x74: {  	s21 =	sld [smem:$0x7FA]  }
0x75: {  	[sflag:s25] =	ssyncset.done $0x0  }
0x76: {  	[sflag:s25] =	ssyncadd.s32 $0xFFFFEC00  }
0x77: {  	[spmem:s21] =	stream.linear.scatter [tilespmem:s12], [sflag:$0x10], $0x1400, $0x38;
	[tilespmem:$0x1A080] =	vst v63  }
0x78: {  	_ =	swait.ge [sflag:s25], $0x1400  }
0x79: {  	s22 =	sld [smem:$0x7FB]  }
0x7a: {  	[sflag:s25] =	ssyncset.done $0x0  }
0x7b: {  	[sflag:s25] =	ssyncadd.s32 $0xFFFFEC00  }
0x7c: {  	[spmem:s22] =	stream.linear.scatter [tilespmem:s12], [sflag:$0x10], $0x1400, $0x38;
	[tilespmem:$0x1A080] =	vst v63  }
0x7d: {  	_ =	swait.ge [sflag:s25], $0x1400  }
0x7e: {  	s18 =	sld [smem:$0x7FC]  }
0x7f: {  	[sflag:s25] =	ssyncset.done $0x0  }
0x80: {  	[sflag:s25] =	ssyncadd.s32 $0xFFFFEC00  }
0x81: {  	[spmem:s18] =	stream.linear.scatter [tilespmem:s12], [sflag:$0x10], $0xC00, $0x38;
	[tilespmem:$0x1A080] =	vst v63  }
0x82: {  	_ =	swait.ge [sflag:s25], $0xC00  }
0x83: {  	[sflag:s25] =	ssyncset.done $0x0  }
0x84: {  	s11 =	simm.s32 @!p0 $0x13880;
	[sflag:s25] =	ssyncadd.s32 $0xFFFFF400  }
0x85: {  	[spmem:s24] =	stream.linear.scatter @!p0 [tilespmem:s11], [sflag:$0x10], $0x800, $0x38;
	[tilespmem:$0x1A080] =	vst v63  }
0x86: {  	s11 =	simm.s32 @!p0 $0x10  }
0x87: {  	_ =	swait.ge @!p0 [sflag:s11], $0x800  }
0x88: {  	[sflag:s11] =	ssyncset.done @!p0 $0x0  }
0x89: {  	[sflag:s11] =	ssyncadd.s32 @!p0 $0xFFFFF800  }
0x8a: {  	[bflag:$0x0] =	sbarrier.arrive $0xFFFF  }
0x8b: {  	s24 =	simm.s32 $0x0;
	s21 =	rddreg [dreg:$0x6]  }
0x8c: {  	[tilespmem:s12], [sflag:$0x1] =	stream.linear.gather [hbm4b:s21+s24], $0x1400, $0x38;
	[tilespmem:$0x1A080] =	vst v63  }
0x8d: {  	s25 =	simm.s32 $0x19C80;
	s22 =	rddreg [dreg:$0x7]  }
0x8e: {  	[tilespmem:s25], [sflag:$0x6] =	stream.linear.gather [hbm4b:s22+s24], $0x28, $0x38;
	[tilespmem:$0x1A080] =	vst v63  }
0x8f: {  	s18 =	rddreg [dreg:$0x8];
	s21 =	simm.s32 $0x14C80  }
0x90: {  	[tilespmem:s21], [sflag:$0x2] =	stream.linear.gather [hbm4b:s18+s24], $0x1400, $0x38;
	[tilespmem:$0x1A080] =	vst v63  }
0x91: {  	s22 =	rddreg [dreg:$0x9];
	s25 =	simm.s32 $0x19D00  }
0x92: {  	[tilespmem:s25], [sflag:$0x7] =	stream.linear.gather [hbm4b:s22+s24], $0x28, $0x38;
	[tilespmem:$0x1A080] =	vst v63  }
0x93: {  	s25 =	simm.s32 $0x0  }
.LBB2_4:
0x94: {  	p1 =	seq.s32 s25, $0x0  }
0x95: {  	s11 =	simm.s32 @!p1 $0xD  }
0x96: {  	s21 =	smul.u32 $0xC8, s25;
	_ =	swait.ge @!p1 [sflag:s11], $0x1400  }
0x97: {  	s12 =	rddreg [dreg:$0xa]  }
0x98: {  	s12 =	sadd.s32 s21, s12  }
0x99: {  	[sflag:s11] =	ssyncset.done @!p1 $0x0;
	s22 =	sshll.u32 s12, $0x4  }
0x9a: {  	[sflag:s11] =	ssyncadd.s32 @!p1 $0xFFFFEC00;
	s18 =	sadd.s32 s1, s22;
	s22 =	sshrl.u32 s12, $0x3  }
0x9b: {  	[tilespmem:s26], [sflag:$0x3] =	stream.linear.gather [hbm4b:s18+s24], $0x1400, $0x38;
	[tilespmem:$0x1A080] =	vst v63  }
0x9c: {  	s11 =	sadd.s32 s2, s22  }
0x9d: {  	[tilespmem:s28], [sflag:$0x8] =	stream.linear.gather [hbm4b:s11+s24], $0x28, $0x38;
	[tilespmem:$0x1A080] =	vst v63  }
0x9e: {  	_ =	swait.ge [sflag:s29], $0x1400  }
0x9f: {  	[sflag:s29] =	ssyncset.done $0x0  }
0xa0: {  	[sflag:s29] =	ssyncadd.s32 $0xFFFFEC00  }
0xa1: {  	_ =	swait.ge [sflag:s30], $0x28  }
0xa2: {  	[sflag:s30] =	ssyncset.done $0x0  }
0xa3: {  	s11 =	simm.s32 $0x0;
	[sflag:s30] =	ssyncadd.s32 $0xFFFFFFD8  }
0xa4: {  	v1 =	vld [tilespmem:s11+$0x13880]  }
0xa5: {  	v2 =	vld [tilespmem:s11+$0x13890]  }
0xa6: {  	v3 =	vld [tilespmem:s11+$0x138A0]  }
0xa7: {  	v4 =	vld [tilespmem:s11+$0x138B0]  }
0xa8: {  	v5 =	vld [tilespmem:s11+$0x138C0]  }
0xa9: {  	v6 =	vld [tilespmem:s11+$0x138D0];
	v1 =	vmul.f32 $1.442695020e+00, v1  }
0xaa: {  	v2 =	vmul.f32 $1.442695020e+00, v2  }
0xab: {  	v7 =	vld [tilespmem:s11+$0x138E0];
	v3 =	vmul.f32 $1.442695020e+00, v3;
	(erf) = vpow2.f32 v1  }
0xac: {  	v8 =	vld [tilespmem:s11+$0x138F0];
	v4 =	vmul.f32 $1.442695020e+00, v4;
	(erf) = vpow2.f32 v2  }
0xad: {  	v5 =	vmul.f32 $1.442695020e+00, v5;
	v1 =	vld [tilespmem:s11+$0x13900];
	(erf) = vpow2.f32 v3  }
0xae: {  	v6 =	vmul.f32 $1.442695020e+00, v6;
	(erf) = vpow2.f32 v4  }
0xaf: {  	v2 =	vld [tilespmem:s11+$0x13910];
	(erf) = vpow2.f32 v5  }
0xb0: {  	v7 =	vmul.f32 $1.442695020e+00, v7;
	(erf) = vpow2.f32 v6  }
0xb1: {  	v8 =	vmul.f32 $1.442695020e+00, v8  }
0xb2: {  	v9 =	vld [tilespmem:s11+$0x13920];
	v1 =	vmul.f32 $1.442695020e+00, v1;
	(erf) = vpow2.f32 v7  }
0xb3: {  	v3 =	vld [tilespmem:s11+$0x13930];
	(erf) = vpow2.f32 v8  }
0xb4: {  	v2 =	vmul.f32 $1.442695020e+00, v2;
	(erf) = vpow2.f32 v1;
	v13 =	vpop (erf)  }
0xb5: {  	v10 =	vld [tilespmem:s11+$0x13940];
	v60 =	vpop (erf)  }
0xb6: {  	v4 =	vld [tilespmem:s11+$0x13950];
	(erf) = vpow2.f32 v2;
	v61 =	vpop (erf)  }
0xb7: {  	v9 =	vmul.f32 $1.442695020e+00, v9;
	v62 =	vpop (erf)  }
0xb8: {  	v11 =	vld [tilespmem:s11+$0x13960];
	v2 =	vmul.f32 $1.442695020e+00, v3;
	v1 =	vpop (erf)  }
0xb9: {  	v5 =	vld [tilespmem:s11+$0x13970];
	[tilespmem:s11+$0x138C0] =	vst v1;
	v1 =	vpop (erf);
	(erf) = vpow2.f32 v9  }
0xba: {  	v12 =	vld [tilespmem:s11+$0x13980];
	(erf) = vpow2.f32 v2  }
0xbb: {  	v63 =	vld [tilespmem:s11+$0x139C0];
	v3 =	vmul.f32 $1.442695020e+00, v10;
	[tilespmem:s11+$0x138D0] =	vst v1;
	v1 =	vpop (erf);
	v2 =	vmul.f32 $1.442695020e+00, v4  }
0xbc: {  	v6 =	vld [tilespmem:s11+$0x13990];
	[tilespmem:s11+$0x138E0] =	vst v1;
	v1 =	vpop (erf)  }
0xbd: {  	v7 =	vld [tilespmem:s11+$0x139A0];
	(erf) = vpow2.f32 v3;
	v3 =	vmul.f32 $1.442695020e+00, v11;
	[tilespmem:s11+$0x138F0] =	vst v1;
	v1 =	vpop (erf)  }
0xbe: {  	v8 =	vld [tilespmem:s11+$0x139B0];
	(erf) = vpow2.f32 v2;
	[tilespmem:s11+$0x13900] =	vst v1;
	v1 =	vmul.f32 $1.442695020e+00, v5  }
0xbf: {  	v14 =	vld [tilespmem:s11+$0x139D0];
	v2 =	vpop (erf);
	(erf) = vpow2.f32 v3;
	v3 =	vmul.f32 $1.442695020e+00, v12  }
0xc0: {  	v9 =	vld [tilespmem:s11+$0x139E0];
	(erf) = vpow2.f32 v1  }
0xc1: {  	[tilespmem:s11+$0x13910] =	vst v2;
	v2 =	vmul.f32 $1.442695020e+00, v6;
	(erf) = vpow2.f32 v3  }
0xc2: {  	v10 =	vld [tilespmem:s11+$0x139F0];
	[tilespmem:s11+$0x13880] =	vst v13;
	v3 =	vmul.f32 $1.442695020e+00, v7;
	v7 =	vmul.f32 $1.442695020e+00, v63;
	v4 =	vpop (erf)  }
0xc3: {  	v15 =	vld [tilespmem:s11+$0x13A00];
	(erf) = vpow2.f32 v2;
	[tilespmem:s11+$0x13920] =	vst v4;
	v4 =	vmul.f32 $1.442695020e+00, v8;
	v6 =	vpop (erf)  }
0xc4: {  	v5 =	vld [tilespmem:s11+$0x13A10];
	(erf) = vpow2.f32 v3;
	[tilespmem:s11+$0x13930] =	vst v6;
	v6 =	vmul.f32 $1.442695020e+00, v14  }
0xc5: {  	[tilespmem:s11+$0x13890] =	vst v60;
	v1 =	vld [tilespmem:s11+$0x13A20];
	v8 =	vmul.f32 $1.442695020e+00, v9;
	(erf) = vpow2.f32 v4  }
0xc6: {  	[tilespmem:s11+$0x138A0] =	vst v61;
	v2 =	vld [tilespmem:s11+$0x13A30];
	(erf) = vpow2.f32 v7  }
0xc7: {  	[tilespmem:s11+$0x138B0] =	vst v62;
	v3 =	vld [tilespmem:s11+$0x13A40];
	v9 =	vmul.f32 $1.442695020e+00, v10;
	v4 =	vpop (erf);
	(erf) = vpow2.f32 v6  }
0xc8: {  	v7 =	vmul.f32 $1.442695020e+00, v15;
	[tilespmem:s11+$0x13940] =	vst v4;
	v4 =	vld [tilespmem:s11+$0x13A50];
	v6 =	vpop (erf);
	(erf) = vpow2.f32 v8  }
0xc9: {  	s12 =	simm.s32 $0x800;
	[tilespmem:s11+$0x13950] =	vst v6;
	v6 =	vmul.f32 $1.442695020e+00, v5;
	v5 =	vld [tilespmem:s11+$0x13A60];
	v8 =	vpop (erf);
	(erf) = vpow2.f32 v9  }
.LBB2_5:
0xca: {  	s22 =	sshra.s32 s12, $0x2;
	p2 =	sne.s32 s12, $0x4800;
	[tilespmem:s11+$0x13960] =	vst v8;
	v1 =	vmul.f32 $1.442695020e+00, v1;
	v8 =	vld [tilespmem:s11+$0x13A70];
	v9 =	vpop (erf);
	(erf) = vpow2.f32 v7  }
0xcb: {  	v7 =	vld [tilespmem:s22+$0x13880];
	[tilespmem:s11+$0x13970] =	vst v9;
	v2 =	vmul.f32 $1.442695020e+00, v2;
	v9 =	vpop (erf);
	(erf) = vpow2.f32 v6  }
0xcc: {  	v6 =	vld [tilespmem:s22+$0x13890];
	[tilespmem:s11+$0x13980] =	vst v9;
	v3 =	vmul.f32 $1.442695020e+00, v3;
	v9 =	vpop (erf);
	(erf) = vpow2.f32 v1  }
0xcd: {  	v1 =	vld [tilespmem:s22+$0x138A0];
	[tilespmem:s11+$0x13990] =	vst v9;
	v4 =	vmul.f32 $1.442695020e+00, v4;
	v9 =	vpop (erf);
	(erf) = vpow2.f32 v2  }
0xce: {  	v2 =	vld [tilespmem:s22+$0x138B0];
	[tilespmem:s11+$0x139A0] =	vst v9;
	v5 =	vmul.f32 $1.442695020e+00, v5;
	v9 =	vpop (erf);
	(erf) = vpow2.f32 v3  }
0xcf: {  	v3 =	vld [tilespmem:s22+$0x138C0];
	[tilespmem:s11+$0x139B0] =	vst v9;
	v8 =	vmul.f32 $1.442695020e+00, v8;
	v9 =	vpop (erf);
	(erf) = vpow2.f32 v4  }
0xd0: {  	v10 =	vmul.f32 $1.442695020e+00, v7;
	v7 =	vld [tilespmem:s22+$0x138D0];
	[tilespmem:s11+$0x139C0] =	vst v9;
	v9 =	vpop (erf);
	(erf) = vpow2.f32 v5  }
0xd1: {  	v5 =	vmul.f32 $1.442695020e+00, v6;
	v6 =	vld [tilespmem:s22+$0x138E0];
	[tilespmem:s11+$0x139D0] =	vst v9;
	v9 =	vpop (erf);
	(erf) = vpow2.f32 v8  }
0xd2: {  	v11 =	vmul.f32 $1.442695020e+00, v1;
	v8 =	vld [tilespmem:s22+$0x138F0];
	(erf) = vpow2.f32 v10;
	[tilespmem:s11+$0x139E0] =	vst v9;
	v4 =	vpop (erf)  }
0xd3: {  	v2 =	vmul.f32 $1.442695020e+00, v2;
	v9 =	vld [tilespmem:s22+$0x13900];
	(erf) = vpow2.f32 v5;
	[tilespmem:s11+$0x139F0] =	vst v4;
	v4 =	vpop (erf)  }
0xd4: {  	v3 =	vmul.f32 $1.442695020e+00, v3;
	v5 =	vld [tilespmem:s22+$0x13910];
	(erf) = vpow2.f32 v11;
	[tilespmem:s11+$0x13A00] =	vst v4;
	v1 =	vpop (erf)  }
0xd5: {  	v4 =	vmul.f32 $1.442695020e+00, v7;
	v7 =	vld [tilespmem:s22+$0x13920];
	(erf) = vpow2.f32 v2;
	[tilespmem:s11+$0x13A10] =	vst v1;
	v1 =	vpop (erf)  }
0xd6: {  	v2 =	vmul.f32 $1.442695020e+00, v6;
	v6 =	vld [tilespmem:s22+$0x13930];
	(erf) = vpow2.f32 v3;
	[tilespmem:s11+$0x13A20] =	vst v1;
	v1 =	vpop (erf)  }
0xd7: {  	v3 =	vmul.f32 $1.442695020e+00, v8;
	v8 =	vld [tilespmem:s22+$0x13940];
	(erf) = vpow2.f32 v4;
	[tilespmem:s11+$0x13A30] =	vst v1;
	v1 =	vpop (erf)  }
0xd8: {  	v4 =	vmul.f32 $1.442695020e+00, v9;
	v9 =	vld [tilespmem:s22+$0x13950];
	(erf) = vpow2.f32 v2;
	[tilespmem:s11+$0x13A40] =	vst v1;
	v1 =	vpop (erf)  }
0xd9: {  	v2 =	vmul.f32 $1.442695020e+00, v5;
	v5 =	vld [tilespmem:s22+$0x13960];
	(erf) = vpow2.f32 v3;
	[tilespmem:s11+$0x13A50] =	vst v1;
	v1 =	vpop (erf)  }
0xda: {  	v3 =	vmul.f32 $1.442695020e+00, v7;
	v7 =	vld [tilespmem:s22+$0x13970];
	(erf) = vpow2.f32 v4;
	[tilespmem:s11+$0x13A60] =	vst v1;
	v1 =	vpop (erf)  }
0xdb: {  	v4 =	vmul.f32 $1.442695020e+00, v6;
	v6 =	vld [tilespmem:s22+$0x13980];
	v10 =	vpop (erf);
	(erf) = vpow2.f32 v2;
	[tilespmem:s11+$0x13A70] =	vst v1;
	s11 =	smov.u32 s22  }
0xdc: {  	[tilespmem:s11+$0x13880] =	vst v10;
	v1 =	vmul.f32 $1.442695020e+00, v8;
	v2 =	vld [tilespmem:s11+$0x13990];
	v8 =	vpop (erf);
	(erf) = vpow2.f32 v3  }
0xdd: {  	[tilespmem:s11+$0x13890] =	vst v8;
	v3 =	vmul.f32 $1.442695020e+00, v9;
	v8 =	vld [tilespmem:s11+$0x139A0];
	v9 =	vpop (erf);
	(erf) = vpow2.f32 v4  }
0xde: {  	[tilespmem:s11+$0x138A0] =	vst v9;
	v4 =	vmul.f32 $1.442695020e+00, v5;
	v5 =	vld [tilespmem:s11+$0x139B0];
	v9 =	vpop (erf);
	(erf) = vpow2.f32 v1  }
0xdf: {  	[tilespmem:s11+$0x138B0] =	vst v9;
	v1 =	vmul.f32 $1.442695020e+00, v7;
	v7 =	vld [tilespmem:s11+$0x139C0];
	v9 =	vpop (erf);
	(erf) = vpow2.f32 v3  }
0xe0: {  	[tilespmem:s11+$0x138C0] =	vst v9;
	v3 =	vmul.f32 $1.442695020e+00, v6;
	v6 =	vld [tilespmem:s11+$0x139D0];
	v9 =	vpop (erf);
	(erf) = vpow2.f32 v4  }
0xe1: {  	[tilespmem:s11+$0x138D0] =	vst v9;
	v10 =	vmul.f32 $1.442695020e+00, v2;
	v4 =	vld [tilespmem:s11+$0x139E0];
	v9 =	vpop (erf);
	(erf) = vpow2.f32 v1  }
0xe2: {  	[tilespmem:s11+$0x138E0] =	vst v9;
	v1 =	vmul.f32 $1.442695020e+00, v8;
	v8 =	vld [tilespmem:s11+$0x139F0];
	v9 =	vpop (erf);
	(erf) = vpow2.f32 v3  }
0xe3: {  	[tilespmem:s11+$0x138F0] =	vst v9;
	v11 =	vmul.f32 $1.442695020e+00, v5;
	v5 =	vld [tilespmem:s11+$0x13A00];
	v9 =	vpop (erf);
	(erf) = vpow2.f32 v10  }
0xe4: {  	[tilespmem:s11+$0x13900] =	vst v9;
	v7 =	vmul.f32 $1.442695020e+00, v7;
	v9 =	vld [tilespmem:s11+$0x13A10];
	v2 =	vpop (erf);
	(erf) = vpow2.f32 v1  }
.Ltmp1:
0xe5: {  	[tilespmem:s11+$0x13910] =	vst v2;
	v6 =	vmul.f32 $1.442695020e+00, v6;
	v1 =	vld [tilespmem:s11+$0x13A20];
	v2 =	vpop (erf);
	(erf) = vpow2.f32 v11;
	(pc) =	sbr.rel @p2 .LBB2_5-.Ltmp1, $4  }
0xe6: {  	[tilespmem:s11+$0x13920] =	vst v2;
	v10 =	vmul.f32 $1.442695020e+00, v4;
	v2 =	vld [tilespmem:s11+$0x13A30];
	v3 =	vpop (erf);
	(erf) = vpow2.f32 v7  }
0xe7: {  	[tilespmem:s11+$0x13930] =	vst v3;
	v11 =	vmul.f32 $1.442695020e+00, v8;
	v3 =	vld [tilespmem:s11+$0x13A40];
	v4 =	vpop (erf);
	(erf) = vpow2.f32 v6  }
0xe8: {  	[tilespmem:s11+$0x13940] =	vst v4;
	v7 =	vmul.f32 $1.442695020e+00, v5;
	v4 =	vld [tilespmem:s11+$0x13A50];
	v5 =	vpop (erf);
	(erf) = vpow2.f32 v10  }
0xe9: {  	s12 =	sadd.s32 $0x800, s12;
	[tilespmem:s11+$0x13950] =	vst v5;
	v6 =	vmul.f32 $1.442695020e+00, v9;
	v5 =	vld [tilespmem:s11+$0x13A60];
	v8 =	vpop (erf);
	(erf) = vpow2.f32 v11  }
0xea: {  	v1 =	vmul.f32 $1.442695020e+00, v1  }
0xeb: {  	[tilespmem:s11+$0x13960] =	vst v8;
	v8 =	vld [tilespmem:s11+$0x13A70];
	v9 =	vpop (erf);
	(erf) = vpow2.f32 v7;
	v2 =	vmul.f32 $1.442695020e+00, v2  }
0xec: {  	[tilespmem:s11+$0x13970] =	vst v9;
	v7 =	vpop (erf);
	(erf) = vpow2.f32 v6;
	v3 =	vmul.f32 $1.442695020e+00, v3  }
0xed: {  	[tilespmem:s11+$0x13980] =	vst v7;
	v6 =	vpop (erf);
	(erf) = vpow2.f32 v1;
	v1 =	vmul.f32 $1.442695020e+00, v4  }
0xee: {  	[tilespmem:s11+$0x13990] =	vst v6;
	v4 =	vpop (erf);
	(erf) = vpow2.f32 v2  }
0xef: {  	[tilespmem:s11+$0x139A0] =	vst v4;
	v2 =	vmul.f32 $1.442695020e+00, v5;
	v4 =	vpop (erf);
	(erf) = vpow2.f32 v3  }
0xf0: {  	[tilespmem:s11+$0x139B0] =	vst v4;
	v3 =	vmul.f32 $1.442695020e+00, v8;
	v4 =	vpop (erf);
	(erf) = vpow2.f32 v1  }
0xf1: {  	[tilespmem:s11+$0x139C0] =	vst v4;
	v1 =	vpop (erf);
	(erf) = vpow2.f32 v2  }
0xf2: {  	[tilespmem:s11+$0x139D0] =	vst v1;
	v1 =	vpop (erf);
	(erf) = vpow2.f32 v3  }
0xf3: {  	[tilespmem:s11+$0x139E0] =	vst v1;
	v1 =	vpop (erf)  }
0xf4: {  	[tilespmem:s11+$0x139F0] =	vst v1;
	v1 =	vpop (erf)  }
0xf5: {  	[tilespmem:s11+$0x13A00] =	vst v1;
	v1 =	vpop (erf)  }
0xf6: {  	[tilespmem:s11+$0x13A10] =	vst v1;
	v1 =	vpop (erf)  }
0xf7: {  	[tilespmem:s11+$0x13A20] =	vst v1;
	v1 =	vpop (erf)  }
0xf8: {  	[tilespmem:s11+$0x13A30] =	vst v1;
	v1 =	vpop (erf)  }
0xf9: {  	[tilespmem:s11+$0x13A40] =	vst v1;
	v1 =	vpop (erf)  }
0xfa: {  	[tilespmem:s11+$0x13A50] =	vst v1;
	v1 =	vpop (erf)  }
0xfb: {  	[tilespmem:s11+$0x13A60] =	vst v1;
	v1 =	vpop (erf)  }
0xfc: {  	s18 =	simm.s32 $0x13880;
	s12 =	simm.s32 $0x19C80;
	[tilespmem:s11+$0x13A70] =	vst v1;
	s11 =	simm.s32 @!p1 $0xE  }
0xfd: {  	[spmem:s4] =	stream.indirect.scatter.add.f32 [tilespmem:s18], [sflag:$0xB], $0x80, s12, s31, $0xb8;
	[tilespmem:$0x1A080] =	vst v63  }
0xfe: {  	_ =	swait.ge @!p1 [sflag:s11], $0x1400  }
0xff: {  	s22 =	rddreg [dreg:$0xb]  }
0x100: {  	s12 =	sadd.s32 s21, s22  }
0x101: {  	[sflag:s11] =	ssyncset.done @!p1 $0x0;
	s22 =	sshll.u32 s12, $0x4  }
0x102: {  	[sflag:s11] =	ssyncadd.s32 @!p1 $0xFFFFEC00;
	s18 =	sadd.s32 s1, s22;
	s22 =	simm.s32 $0x0  }
0x103: {  	[tilespmem:s0], [sflag:$0x4] =	stream.linear.gather [hbm4b:s18+s22], $0x1400, $0x38;
	[tilespmem:$0x1A080] =	vst v63  }
0x104: {  	s18 =	sshrl.u32 s12, $0x3  }
0x105: {  	s11 =	sadd.s32 s2, s18  }
0x106: {  	[tilespmem:s3], [sflag:$0x9] =	stream.linear.gather [hbm4b:s11+s22], $0x28, $0x38;
	[tilespmem:$0x1A080] =	vst v63  }
0x107: {  	_ =	swait.ge [sflag:s5], $0x1400  }
0x108: {  	[sflag:s5] =	ssyncset.done $0x0  }
0x109: {  	[sflag:s5] =	ssyncadd.s32 $0xFFFFEC00  }
0x10a: {  	_ =	swait.ge [sflag:s7], $0x28  }
0x10b: {  	[sflag:s7] =	ssyncset.done $0x0  }
0x10c: {  	s11 =	simm.s32 $0x0;
	[sflag:s7] =	ssyncadd.s32 $0xFFFFFFD8  }
0x10d: {  	v1 =	vld [tilespmem:s11+$0x14C80];
	_ =	sdelay $0x1  }
0x10e: {  	v2 =	vld [tilespmem:s11+$0x14C90]  }
0x10f: {  	v3 =	vld [tilespmem:s11+$0x14CA0]  }
0x110: {  	v4 =	vld [tilespmem:s11+$0x14CB0]  }
0x111: {  	v1 =	vmul.f32 $1.442695020e+00, v1  }
0x112: {  	v5 =	vld [tilespmem:s11+$0x14CC0]  }
0x113: {  	v2 =	vmul.f32 $1.442695020e+00, v2;
	(erf) = vpow2.f32 v1  }
0x114: {  	v3 =	vmul.f32 $1.442695020e+00, v3  }
0x115: {  	v6 =	vld [tilespmem:s11+$0x14CD0];
	v4 =	vmul.f32 $1.442695020e+00, v4;
	(erf) = vpow2.f32 v2  }
0x116: {  	(erf) = vpow2.f32 v3  }
0x117: {  	v7 =	vld [tilespmem:s11+$0x14CE0];
	v5 =	vmul.f32 $1.442695020e+00, v5;
	(erf) = vpow2.f32 v4  }
0x118: {  	v8 =	vld [tilespmem:s11+$0x14CF0]  }
0x119: {  	v1 =	vld [tilespmem:s11+$0x14D00];
	(erf) = vpow2.f32 v5  }
0x11a: {  	v6 =	vmul.f32 $1.442695020e+00, v6  }
0x11b: {  	v2 =	vld [tilespmem:s11+$0x14D10]  }
0x11c: {  	v7 =	vmul.f32 $1.442695020e+00, v7;
	v13 =	vpop (erf);
	(erf) = vpow2.f32 v6  }
0x11d: {  	v8 =	vmul.f32 $1.442695020e+00, v8  }
0x11e: {  	v9 =	vld [tilespmem:s11+$0x14D20];
	v1 =	vmul.f32 $1.442695020e+00, v1;
	v60 =	vpop (erf);
	(erf) = vpow2.f32 v7  }
0x11f: {  	v3 =	vld [tilespmem:s11+$0x14D30];
	v61 =	vpop (erf);
	(erf) = vpow2.f32 v8  }
0x120: {  	v2 =	vmul.f32 $1.442695020e+00, v2;
	v62 =	vpop (erf);
	(erf) = vpow2.f32 v1  }
0x121: {  	v10 =	vld [tilespmem:s11+$0x14D40]  }
0x122: {  	v4 =	vld [tilespmem:s11+$0x14D50];
	v1 =	vpop (erf);
	(erf) = vpow2.f32 v2  }
0x123: {  	v9 =	vmul.f32 $1.442695020e+00, v9  }
0x124: {  	v11 =	vld [tilespmem:s11+$0x14D60];
	v2 =	vmul.f32 $1.442695020e+00, v3  }
0x125: {  	v5 =	vld [tilespmem:s11+$0x14D70];
	[tilespmem:s11+$0x14CC0] =	vst v1;
	v1 =	vpop (erf);
	(erf) = vpow2.f32 v9  }
0x126: {  	v12 =	vld [tilespmem:s11+$0x14D80];
	(erf) = vpow2.f32 v2  }
0x127: {  	v63 =	vld [tilespmem:s11+$0x14DC0];
	v3 =	vmul.f32 $1.442695020e+00, v10;
	[tilespmem:s11+$0x14CD0] =	vst v1;
	v1 =	vpop (erf);
	v2 =	vmul.f32 $1.442695020e+00, v4  }
0x128: {  	v6 =	vld [tilespmem:s11+$0x14D90];
	[tilespmem:s11+$0x14CE0] =	vst v1;
	v1 =	vpop (erf)  }
0x129: {  	v7 =	vld [tilespmem:s11+$0x14DA0];
	(erf) = vpow2.f32 v3;
	v3 =	vmul.f32 $1.442695020e+00, v11;
	[tilespmem:s11+$0x14CF0] =	vst v1;
	v1 =	vpop (erf)  }
0x12a: {  	v8 =	vld [tilespmem:s11+$0x14DB0];
	(erf) = vpow2.f32 v2;
	[tilespmem:s11+$0x14D00] =	vst v1;
	v1 =	vmul.f32 $1.442695020e+00, v5  }
0x12b: {  	v14 =	vld [tilespmem:s11+$0x14DD0];
	v2 =	vpop (erf);
	(erf) = vpow2.f32 v3;
	v3 =	vmul.f32 $1.442695020e+00, v12  }
0x12c: {  	v9 =	vld [tilespmem:s11+$0x14DE0];
	(erf) = vpow2.f32 v1  }
0x12d: {  	[tilespmem:s11+$0x14D10] =	vst v2;
	v2 =	vmul.f32 $1.442695020e+00, v6;
	(erf) = vpow2.f32 v3  }
0x12e: {  	[tilespmem:s11+$0x14C80] =	vst v13;
	v10 =	vld [tilespmem:s11+$0x14DF0];
	v3 =	vmul.f32 $1.442695020e+00, v7;
	v7 =	vmul.f32 $1.442695020e+00, v63;
	v4 =	vpop (erf)  }
0x12f: {  	v15 =	vld [tilespmem:s11+$0x14E00];
	(erf) = vpow2.f32 v2;
	[tilespmem:s11+$0x14D20] =	vst v4;
	v4 =	vmul.f32 $1.442695020e+00, v8;
	v6 =	vpop (erf)  }
0x130: {  	v5 =	vld [tilespmem:s11+$0x14E10];
	(erf) = vpow2.f32 v3;
	[tilespmem:s11+$0x14D30] =	vst v6;
	v6 =	vmul.f32 $1.442695020e+00, v14  }
0x131: {  	[tilespmem:s11+$0x14C90] =	vst v60;
	v1 =	vld [tilespmem:s11+$0x14E20];
	v8 =	vmul.f32 $1.442695020e+00, v9;
	(erf) = vpow2.f32 v4  }
0x132: {  	[tilespmem:s11+$0x14CA0] =	vst v61;
	v2 =	vld [tilespmem:s11+$0x14E30];
	(erf) = vpow2.f32 v7  }
0x133: {  	[tilespmem:s11+$0x14CB0] =	vst v62;
	v3 =	vld [tilespmem:s11+$0x14E40];
	v9 =	vmul.f32 $1.442695020e+00, v10;
	v4 =	vpop (erf);
	(erf) = vpow2.f32 v6  }
0x134: {  	v7 =	vmul.f32 $1.442695020e+00, v15;
	[tilespmem:s11+$0x14D40] =	vst v4;
	v4 =	vld [tilespmem:s11+$0x14E50];
	v6 =	vpop (erf);
	(erf) = vpow2.f32 v8  }
0x135: {  	s12 =	simm.s32 $0x800;
	[tilespmem:s11+$0x14D50] =	vst v6;
	v6 =	vmul.f32 $1.442695020e+00, v5;
	v5 =	vld [tilespmem:s11+$0x14E60];
	v8 =	vpop (erf);
	(erf) = vpow2.f32 v9  }
.LBB2_7:
0x136: {  	s22 =	sshra.s32 s12, $0x2;
	p2 =	sne.s32 s12, $0x4800;
	[tilespmem:s11+$0x14D60] =	vst v8;
	v1 =	vmul.f32 $1.442695020e+00, v1;
	v8 =	vld [tilespmem:s11+$0x14E70];
	v9 =	vpop (erf);
	(erf) = vpow2.f32 v7  }
0x137: {  	v7 =	vld [tilespmem:s22+$0x14C80];
	[tilespmem:s11+$0x14D70] =	vst v9;
	v2 =	vmul.f32 $1.442695020e+00, v2;
	v9 =	vpop (erf);
	(erf) = vpow2.f32 v6  }
0x138: {  	v6 =	vld [tilespmem:s22+$0x14C90];
	[tilespmem:s11+$0x14D80] =	vst v9;
	v3 =	vmul.f32 $1.442695020e+00, v3;
	v9 =	vpop (erf);
	(erf) = vpow2.f32 v1  }
0x139: {  	v1 =	vld [tilespmem:s22+$0x14CA0];
	[tilespmem:s11+$0x14D90] =	vst v9;
	v4 =	vmul.f32 $1.442695020e+00, v4;
	v9 =	vpop (erf);
	(erf) = vpow2.f32 v2  }
0x13a: {  	v2 =	vld [tilespmem:s22+$0x14CB0];
	[tilespmem:s11+$0x14DA0] =	vst v9;
	v5 =	vmul.f32 $1.442695020e+00, v5;
	v9 =	vpop (erf);
	(erf) = vpow2.f32 v3  }
0x13b: {  	v3 =	vld [tilespmem:s22+$0x14CC0];
	[tilespmem:s11+$0x14DB0] =	vst v9;
	v8 =	vmul.f32 $1.442695020e+00, v8;
	v9 =	vpop (erf);
	(erf) = vpow2.f32 v4  }
0x13c: {  	v10 =	vmul.f32 $1.442695020e+00, v7;
	v7 =	vld [tilespmem:s22+$0x14CD0];
	[tilespmem:s11+$0x14DC0] =	vst v9;
	v9 =	vpop (erf);
	(erf) = vpow2.f32 v5  }
0x13d: {  	v5 =	vmul.f32 $1.442695020e+00, v6;
	v6 =	vld [tilespmem:s22+$0x14CE0];
	[tilespmem:s11+$0x14DD0] =	vst v9;
	v9 =	vpop (erf);
	(erf) = vpow2.f32 v8  }
0x13e: {  	v11 =	vmul.f32 $1.442695020e+00, v1;
	v8 =	vld [tilespmem:s22+$0x14CF0];
	(erf) = vpow2.f32 v10;
	[tilespmem:s11+$0x14DE0] =	vst v9;
	v4 =	vpop (erf)  }
0x13f: {  	v2 =	vmul.f32 $1.442695020e+00, v2;
	v9 =	vld [tilespmem:s22+$0x14D00];
	(erf) = vpow2.f32 v5;
	[tilespmem:s11+$0x14DF0] =	vst v4;
	v4 =	vpop (erf)  }
0x140: {  	v3 =	vmul.f32 $1.442695020e+00, v3;
	v5 =	vld [tilespmem:s22+$0x14D10];
	(erf) = vpow2.f32 v11;
	[tilespmem:s11+$0x14E00] =	vst v4;
	v1 =	vpop (erf)  }
0x141: {  	v4 =	vmul.f32 $1.442695020e+00, v7;
	v7 =	vld [tilespmem:s22+$0x14D20];
	(erf) = vpow2.f32 v2;
	[tilespmem:s11+$0x14E10] =	vst v1;
	v1 =	vpop (erf)  }
0x142: {  	v2 =	vmul.f32 $1.442695020e+00, v6;
	v6 =	vld [tilespmem:s22+$0x14D30];
	(erf) = vpow2.f32 v3;
	[tilespmem:s11+$0x14E20] =	vst v1;
	v1 =	vpop (erf)  }
0x143: {  	v3 =	vmul.f32 $1.442695020e+00, v8;
	v8 =	vld [tilespmem:s22+$0x14D40];
	(erf) = vpow2.f32 v4;
	[tilespmem:s11+$0x14E30] =	vst v1;
	v1 =	vpop (erf)  }
0x144: {  	v4 =	vmul.f32 $1.442695020e+00, v9;
	v9 =	vld [tilespmem:s22+$0x14D50];
	(erf) = vpow2.f32 v2;
	[tilespmem:s11+$0x14E40] =	vst v1;
	v1 =	vpop (erf)  }
0x145: {  	v2 =	vmul.f32 $1.442695020e+00, v5;
	v5 =	vld [tilespmem:s22+$0x14D60];
	(erf) = vpow2.f32 v3;
	[tilespmem:s11+$0x14E50] =	vst v1;
	v1 =	vpop (erf)  }
0x146: {  	v3 =	vmul.f32 $1.442695020e+00, v7;
	v7 =	vld [tilespmem:s22+$0x14D70];
	(erf) = vpow2.f32 v4;
	[tilespmem:s11+$0x14E60] =	vst v1;
	v1 =	vpop (erf)  }
0x147: {  	v4 =	vmul.f32 $1.442695020e+00, v6;
	v6 =	vld [tilespmem:s22+$0x14D80];
	v10 =	vpop (erf);
	(erf) = vpow2.f32 v2;
	[tilespmem:s11+$0x14E70] =	vst v1;
	s11 =	smov.u32 s22  }
0x148: {  	[tilespmem:s11+$0x14C80] =	vst v10;
	v1 =	vmul.f32 $1.442695020e+00, v8;
	v2 =	vld [tilespmem:s11+$0x14D90];
	v8 =	vpop (erf);
	(erf) = vpow2.f32 v3  }
0x149: {  	[tilespmem:s11+$0x14C90] =	vst v8;
	v3 =	vmul.f32 $1.442695020e+00, v9;
	v8 =	vld [tilespmem:s11+$0x14DA0];
	v9 =	vpop (erf);
	(erf) = vpow2.f32 v4  }
0x14a: {  	[tilespmem:s11+$0x14CA0] =	vst v9;
	v4 =	vmul.f32 $1.442695020e+00, v5;
	v5 =	vld [tilespmem:s11+$0x14DB0];
	v9 =	vpop (erf);
	(erf) = vpow2.f32 v1  }
0x14b: {  	[tilespmem:s11+$0x14CB0] =	vst v9;
	v1 =	vmul.f32 $1.442695020e+00, v7;
	v7 =	vld [tilespmem:s11+$0x14DC0];
	v9 =	vpop (erf);
	(erf) = vpow2.f32 v3  }
0x14c: {  	[tilespmem:s11+$0x14CC0] =	vst v9;
	v3 =	vmul.f32 $1.442695020e+00, v6;
	v6 =	vld [tilespmem:s11+$0x14DD0];
	v9 =	vpop (erf);
	(erf) = vpow2.f32 v4  }
0x14d: {  	[tilespmem:s11+$0x14CD0] =	vst v9;
	v10 =	vmul.f32 $1.442695020e+00, v2;
	v4 =	vld [tilespmem:s11+$0x14DE0];
	v9 =	vpop (erf);
	(erf) = vpow2.f32 v1  }
0x14e: {  	[tilespmem:s11+$0x14CE0] =	vst v9;
	v1 =	vmul.f32 $1.442695020e+00, v8;
	v8 =	vld [tilespmem:s11+$0x14DF0];
	v9 =	vpop (erf);
	(erf) = vpow2.f32 v3  }
0x14f: {  	[tilespmem:s11+$0x14CF0] =	vst v9;
	v11 =	vmul.f32 $1.442695020e+00, v5;
	v5 =	vld [tilespmem:s11+$0x14E00];
	v9 =	vpop (erf);
	(erf) = vpow2.f32 v10  }
0x150: {  	[tilespmem:s11+$0x14D00] =	vst v9;
	v7 =	vmul.f32 $1.442695020e+00, v7;
	v9 =	vld [tilespmem:s11+$0x14E10];
	v2 =	vpop (erf);
	(erf) = vpow2.f32 v1  }
.Ltmp2:
0x151: {  	[tilespmem:s11+$0x14D10] =	vst v2;
	v6 =	vmul.f32 $1.442695020e+00, v6;
	v1 =	vld [tilespmem:s11+$0x14E20];
	v2 =	vpop (erf);
	(erf) = vpow2.f32 v11;
	(pc) =	sbr.rel @p2 .LBB2_7-.Ltmp2, $4  }
0x152: {  	[tilespmem:s11+$0x14D20] =	vst v2;
	v10 =	vmul.f32 $1.442695020e+00, v4;
	v2 =	vld [tilespmem:s11+$0x14E30];
	v3 =	vpop (erf);
	(erf) = vpow2.f32 v7  }
0x153: {  	[tilespmem:s11+$0x14D30] =	vst v3;
	v11 =	vmul.f32 $1.442695020e+00, v8;
	v3 =	vld [tilespmem:s11+$0x14E40];
	v4 =	vpop (erf);
	(erf) = vpow2.f32 v6  }
0x154: {  	[tilespmem:s11+$0x14D40] =	vst v4;
	v7 =	vmul.f32 $1.442695020e+00, v5;
	v4 =	vld [tilespmem:s11+$0x14E50];
	v5 =	vpop (erf);
	(erf) = vpow2.f32 v10  }
0x155: {  	s12 =	sadd.s32 $0x800, s12;
	[tilespmem:s11+$0x14D50] =	vst v5;
	v6 =	vmul.f32 $1.442695020e+00, v9;
	v5 =	vld [tilespmem:s11+$0x14E60];
	v8 =	vpop (erf);
	(erf) = vpow2.f32 v11  }
0x156: {  	v1 =	vmul.f32 $1.442695020e+00, v1  }
0x157: {  	[tilespmem:s11+$0x14D60] =	vst v8;
	v8 =	vld [tilespmem:s11+$0x14E70];
	v9 =	vpop (erf);
	(erf) = vpow2.f32 v7;
	v2 =	vmul.f32 $1.442695020e+00, v2  }
0x158: {  	[tilespmem:s11+$0x14D70] =	vst v9;
	v7 =	vpop (erf);
	(erf) = vpow2.f32 v6;
	v3 =	vmul.f32 $1.442695020e+00, v3  }
0x159: {  	[tilespmem:s11+$0x14D80] =	vst v7;
	v6 =	vpop (erf);
	(erf) = vpow2.f32 v1;
	v1 =	vmul.f32 $1.442695020e+00, v4  }
0x15a: {  	[tilespmem:s11+$0x14D90] =	vst v6;
	v4 =	vpop (erf);
	(erf) = vpow2.f32 v2  }
0x15b: {  	[tilespmem:s11+$0x14DA0] =	vst v4;
	v2 =	vmul.f32 $1.442695020e+00, v5;
	v4 =	vpop (erf);
	(erf) = vpow2.f32 v3  }
0x15c: {  	[tilespmem:s11+$0x14DB0] =	vst v4;
	v3 =	vmul.f32 $1.442695020e+00, v8;
	v4 =	vpop (erf);
	(erf) = vpow2.f32 v1  }
0x15d: {  	[tilespmem:s11+$0x14DC0] =	vst v4;
	v1 =	vpop (erf);
	(erf) = vpow2.f32 v2  }
0x15e: {  	[tilespmem:s11+$0x14DD0] =	vst v1;
	v1 =	vpop (erf);
	(erf) = vpow2.f32 v3  }
0x15f: {  	[tilespmem:s11+$0x14DE0] =	vst v1;
	v1 =	vpop (erf)  }
0x160: {  	[tilespmem:s11+$0x14DF0] =	vst v1;
	v1 =	vpop (erf)  }
0x161: {  	[tilespmem:s11+$0x14E00] =	vst v1;
	v1 =	vpop (erf)  }
0x162: {  	[tilespmem:s11+$0x14E10] =	vst v1;
	v1 =	vpop (erf)  }
0x163: {  	[tilespmem:s11+$0x14E20] =	vst v1;
	v1 =	vpop (erf)  }
0x164: {  	[tilespmem:s11+$0x14E30] =	vst v1;
	v1 =	vpop (erf)  }
0x165: {  	[tilespmem:s11+$0x14E40] =	vst v1;
	v1 =	vpop (erf)  }
0x166: {  	[tilespmem:s11+$0x14E50] =	vst v1;
	v1 =	vpop (erf)  }
0x167: {  	[tilespmem:s11+$0x14E60] =	vst v1;
	v1 =	vpop (erf)  }
0x168: {  	s18 =	simm.s32 $0x14C80;
	s12 =	simm.s32 $0x19D00;
	[tilespmem:s11+$0x14E70] =	vst v1;
	s11 =	simm.s32 @!p1 $0xF  }
0x169: {  	[spmem:s4] =	stream.indirect.scatter.add.f32 [tilespmem:s18], [sflag:$0xC], $0x80, s12, s31, $0xb8;
	[tilespmem:$0x1A080] =	vst v63  }
0x16a: {  	_ =	swait.ge @!p1 [sflag:s11], $0x1400  }
0x16b: {  	s22 =	rddreg [dreg:$0x11]  }
0x16c: {  	s12 =	sadd.s32 s21, s22  }
0x16d: {  	[sflag:s11] =	ssyncset.done @!p1 $0x0;
	s22 =	sshll.u32 s12, $0x4  }
0x16e: {  	[sflag:s11] =	ssyncadd.s32 @!p1 $0xFFFFEC00;
	s18 =	sadd.s32 s1, s22;
	s22 =	simm.s32 $0x0  }
0x16f: {  	[tilespmem:s8], [sflag:$0x5] =	stream.linear.gather [hbm4b:s18+s22], $0x1400, $0x38;
	[tilespmem:$0x1A080] =	vst v63  }
0x170: {  	s18 =	sshrl.u32 s12, $0x3  }
0x171: {  	s11 =	sadd.s32 s2, s18  }
0x172: {  	[tilespmem:s9], [sflag:$0xA] =	stream.linear.gather [hbm4b:s11+s22], $0x28, $0x38;
	[tilespmem:$0x1A080] =	vst v63  }
0x173: {  	_ =	swait.ge [sflag:s10], $0x1400  }
0x174: {  	[sflag:s10] =	ssyncset.done $0x0  }
0x175: {  	[sflag:s10] =	ssyncadd.s32 $0xFFFFEC00  }
0x176: {  	_ =	swait.ge [sflag:s13], $0x28  }
0x177: {  	[sflag:s13] =	ssyncset.done $0x0  }
0x178: {  	s11 =	simm.s32 $0x0;
	[sflag:s13] =	ssyncadd.s32 $0xFFFFFFD8  }
0x179: {  	v1 =	vld [tilespmem:s11+$0x16080];
	_ =	sdelay $0x1  }
0x17a: {  	v2 =	vld [tilespmem:s11+$0x16090]  }
0x17b: {  	v3 =	vld [tilespmem:s11+$0x160A0]  }
0x17c: {  	v4 =	vld [tilespmem:s11+$0x160B0]  }
0x17d: {  	v1 =	vmul.f32 $1.442695020e+00, v1  }
0x17e: {  	v5 =	vld [tilespmem:s11+$0x160C0]  }
0x17f: {  	v2 =	vmul.f32 $1.442695020e+00, v2;
	(erf) = vpow2.f32 v1  }
0x180: {  	v3 =	vmul.f32 $1.442695020e+00, v3  }
0x181: {  	v6 =	vld [tilespmem:s11+$0x160D0];
	v4 =	vmul.f32 $1.442695020e+00, v4;
	(erf) = vpow2.f32 v2  }
0x182: {  	(erf) = vpow2.f32 v3  }
0x183: {  	v7 =	vld [tilespmem:s11+$0x160E0];
	v5 =	vmul.f32 $1.442695020e+00, v5;
	(erf) = vpow2.f32 v4  }
0x184: {  	v8 =	vld [tilespmem:s11+$0x160F0]  }
0x185: {  	v1 =	vld [tilespmem:s11+$0x16100];
	(erf) = vpow2.f32 v5  }
0x186: {  	v6 =	vmul.f32 $1.442695020e+00, v6  }
0x187: {  	v2 =	vld [tilespmem:s11+$0x16110]  }
0x188: {  	v7 =	vmul.f32 $1.442695020e+00, v7;
	v13 =	vpop (erf);
	(erf) = vpow2.f32 v6  }
0x189: {  	v8 =	vmul.f32 $1.442695020e+00, v8  }
0x18a: {  	v9 =	vld [tilespmem:s11+$0x16120];
	v1 =	vmul.f32 $1.442695020e+00, v1;
	v60 =	vpop (erf);
	(erf) = vpow2.f32 v7  }
0x18b: {  	v3 =	vld [tilespmem:s11+$0x16130];
	v61 =	vpop (erf);
	(erf) = vpow2.f32 v8  }
0x18c: {  	v2 =	vmul.f32 $1.442695020e+00, v2;
	v62 =	vpop (erf);
	(erf) = vpow2.f32 v1  }
0x18d: {  	v10 =	vld [tilespmem:s11+$0x16140]  }
0x18e: {  	v4 =	vld [tilespmem:s11+$0x16150];
	v1 =	vpop (erf);
	(erf) = vpow2.f32 v2  }
0x18f: {  	v9 =	vmul.f32 $1.442695020e+00, v9  }
0x190: {  	v11 =	vld [tilespmem:s11+$0x16160];
	v2 =	vmul.f32 $1.442695020e+00, v3  }
0x191: {  	v5 =	vld [tilespmem:s11+$0x16170];
	[tilespmem:s11+$0x160C0] =	vst v1;
	v1 =	vpop (erf);
	(erf) = vpow2.f32 v9  }
0x192: {  	v12 =	vld [tilespmem:s11+$0x16180];
	(erf) = vpow2.f32 v2  }
0x193: {  	v63 =	vld [tilespmem:s11+$0x161C0];
	v3 =	vmul.f32 $1.442695020e+00, v10;
	[tilespmem:s11+$0x160D0] =	vst v1;
	v1 =	vpop (erf);
	v2 =	vmul.f32 $1.442695020e+00, v4  }
0x194: {  	v6 =	vld [tilespmem:s11+$0x16190];
	[tilespmem:s11+$0x160E0] =	vst v1;
	v1 =	vpop (erf)  }
0x195: {  	v7 =	vld [tilespmem:s11+$0x161A0];
	(erf) = vpow2.f32 v3;
	v3 =	vmul.f32 $1.442695020e+00, v11;
	[tilespmem:s11+$0x160F0] =	vst v1;
	v1 =	vpop (erf)  }
0x196: {  	v8 =	vld [tilespmem:s11+$0x161B0];
	(erf) = vpow2.f32 v2;
	[tilespmem:s11+$0x16100] =	vst v1;
	v1 =	vmul.f32 $1.442695020e+00, v5  }
0x197: {  	v14 =	vld [tilespmem:s11+$0x161D0];
	v2 =	vpop (erf);
	(erf) = vpow2.f32 v3;
	v3 =	vmul.f32 $1.442695020e+00, v12  }
0x198: {  	v9 =	vld [tilespmem:s11+$0x161E0];
	(erf) = vpow2.f32 v1  }
0x199: {  	[tilespmem:s11+$0x16110] =	vst v2;
	v2 =	vmul.f32 $1.442695020e+00, v6;
	(erf) = vpow2.f32 v3  }
0x19a: {  	[tilespmem:s11+$0x16080] =	vst v13;
	v10 =	vld [tilespmem:s11+$0x161F0];
	v3 =	vmul.f32 $1.442695020e+00, v7;
	v7 =	vmul.f32 $1.442695020e+00, v63;
	v4 =	vpop (erf)  }
0x19b: {  	v15 =	vld [tilespmem:s11+$0x16200];
	(erf) = vpow2.f32 v2;
	[tilespmem:s11+$0x16120] =	vst v4;
	v4 =	vmul.f32 $1.442695020e+00, v8;
	v6 =	vpop (erf)  }
0x19c: {  	v5 =	vld [tilespmem:s11+$0x16210];
	(erf) = vpow2.f32 v3;
	[tilespmem:s11+$0x16130] =	vst v6;
	v6 =	vmul.f32 $1.442695020e+00, v14  }
0x19d: {  	[tilespmem:s11+$0x16090] =	vst v60;
	v1 =	vld [tilespmem:s11+$0x16220];
	v8 =	vmul.f32 $1.442695020e+00, v9;
	(erf) = vpow2.f32 v4  }
0x19e: {  	[tilespmem:s11+$0x160A0] =	vst v61;
	v2 =	vld [tilespmem:s11+$0x16230];
	(erf) = vpow2.f32 v7  }
0x19f: {  	[tilespmem:s11+$0x160B0] =	vst v62;
	v3 =	vld [tilespmem:s11+$0x16240];
	v9 =	vmul.f32 $1.442695020e+00, v10;
	v4 =	vpop (erf);
	(erf) = vpow2.f32 v6  }
0x1a0: {  	v7 =	vmul.f32 $1.442695020e+00, v15;
	[tilespmem:s11+$0x16140] =	vst v4;
	v4 =	vld [tilespmem:s11+$0x16250];
	v6 =	vpop (erf);
	(erf) = vpow2.f32 v8  }
0x1a1: {  	s12 =	simm.s32 $0x800;
	[tilespmem:s11+$0x16150] =	vst v6;
	v6 =	vmul.f32 $1.442695020e+00, v5;
	v5 =	vld [tilespmem:s11+$0x16260];
	v8 =	vpop (erf);
	(erf) = vpow2.f32 v9  }
.LBB2_9:
0x1a2: {  	s22 =	sshra.s32 s12, $0x2;
	p1 =	sne.s32 s12, $0x4800;
	[tilespmem:s11+$0x16160] =	vst v8;
	v1 =	vmul.f32 $1.442695020e+00, v1;
	v8 =	vld [tilespmem:s11+$0x16270];
	v9 =	vpop (erf);
	(erf) = vpow2.f32 v7  }
0x1a3: {  	v7 =	vld [tilespmem:s22+$0x16080];
	[tilespmem:s11+$0x16170] =	vst v9;
	v2 =	vmul.f32 $1.442695020e+00, v2;
	v9 =	vpop (erf);
	(erf) = vpow2.f32 v6  }
0x1a4: {  	v6 =	vld [tilespmem:s22+$0x16090];
	[tilespmem:s11+$0x16180] =	vst v9;
	v3 =	vmul.f32 $1.442695020e+00, v3;
	v9 =	vpop (erf);
	(erf) = vpow2.f32 v1  }
0x1a5: {  	v1 =	vld [tilespmem:s22+$0x160A0];
	[tilespmem:s11+$0x16190] =	vst v9;
	v4 =	vmul.f32 $1.442695020e+00, v4;
	v9 =	vpop (erf);
	(erf) = vpow2.f32 v2  }
0x1a6: {  	v2 =	vld [tilespmem:s22+$0x160B0];
	[tilespmem:s11+$0x161A0] =	vst v9;
	v5 =	vmul.f32 $1.442695020e+00, v5;
	v9 =	vpop (erf);
	(erf) = vpow2.f32 v3  }
0x1a7: {  	v3 =	vld [tilespmem:s22+$0x160C0];
	[tilespmem:s11+$0x161B0] =	vst v9;
	v8 =	vmul.f32 $1.442695020e+00, v8;
	v9 =	vpop (erf);
	(erf) = vpow2.f32 v4  }
0x1a8: {  	v10 =	vmul.f32 $1.442695020e+00, v7;
	v7 =	vld [tilespmem:s22+$0x160D0];
	[tilespmem:s11+$0x161C0] =	vst v9;
	v9 =	vpop (erf);
	(erf) = vpow2.f32 v5  }
0x1a9: {  	v5 =	vmul.f32 $1.442695020e+00, v6;
	v6 =	vld [tilespmem:s22+$0x160E0];
	[tilespmem:s11+$0x161D0] =	vst v9;
	v9 =	vpop (erf);
	(erf) = vpow2.f32 v8  }
0x1aa: {  	v11 =	vmul.f32 $1.442695020e+00, v1;
	v8 =	vld [tilespmem:s22+$0x160F0];
	(erf) = vpow2.f32 v10;
	[tilespmem:s11+$0x161E0] =	vst v9;
	v4 =	vpop (erf)  }
0x1ab: {  	v2 =	vmul.f32 $1.442695020e+00, v2;
	v9 =	vld [tilespmem:s22+$0x16100];
	(erf) = vpow2.f32 v5;
	[tilespmem:s11+$0x161F0] =	vst v4;
	v4 =	vpop (erf)  }
0x1ac: {  	v3 =	vmul.f32 $1.442695020e+00, v3;
	v5 =	vld [tilespmem:s22+$0x16110];
	(erf) = vpow2.f32 v11;
	[tilespmem:s11+$0x16200] =	vst v4;
	v1 =	vpop (erf)  }
0x1ad: {  	v4 =	vmul.f32 $1.442695020e+00, v7;
	v7 =	vld [tilespmem:s22+$0x16120];
	(erf) = vpow2.f32 v2;
	[tilespmem:s11+$0x16210] =	vst v1;
	v1 =	vpop (erf)  }
0x1ae: {  	v2 =	vmul.f32 $1.442695020e+00, v6;
	v6 =	vld [tilespmem:s22+$0x16130];
	(erf) = vpow2.f32 v3;
	[tilespmem:s11+$0x16220] =	vst v1;
	v1 =	vpop (erf)  }
0x1af: {  	v3 =	vmul.f32 $1.442695020e+00, v8;
	v8 =	vld [tilespmem:s22+$0x16140];
	(erf) = vpow2.f32 v4;
	[tilespmem:s11+$0x16230] =	vst v1;
	v1 =	vpop (erf)  }
0x1b0: {  	v4 =	vmul.f32 $1.442695020e+00, v9;
	v9 =	vld [tilespmem:s22+$0x16150];
	(erf) = vpow2.f32 v2;
	[tilespmem:s11+$0x16240] =	vst v1;
	v1 =	vpop (erf)  }
0x1b1: {  	v2 =	vmul.f32 $1.442695020e+00, v5;
	v5 =	vld [tilespmem:s22+$0x16160];
	(erf) = vpow2.f32 v3;
	[tilespmem:s11+$0x16250] =	vst v1;
	v1 =	vpop (erf)  }
0x1b2: {  	v3 =	vmul.f32 $1.442695020e+00, v7;
	v7 =	vld [tilespmem:s22+$0x16170];
	(erf) = vpow2.f32 v4;
	[tilespmem:s11+$0x16260] =	vst v1;
	v1 =	vpop (erf)  }
0x1b3: {  	v4 =	vmul.f32 $1.442695020e+00, v6;
	v6 =	vld [tilespmem:s22+$0x16180];
	v10 =	vpop (erf);
	(erf) = vpow2.f32 v2;
	[tilespmem:s11+$0x16270] =	vst v1;
	s11 =	smov.u32 s22  }
0x1b4: {  	[tilespmem:s11+$0x16080] =	vst v10;
	v1 =	vmul.f32 $1.442695020e+00, v8;
	v2 =	vld [tilespmem:s11+$0x16190];
	v8 =	vpop (erf);
	(erf) = vpow2.f32 v3  }
0x1b5: {  	[tilespmem:s11+$0x16090] =	vst v8;
	v3 =	vmul.f32 $1.442695020e+00, v9;
	v8 =	vld [tilespmem:s11+$0x161A0];
	v9 =	vpop (erf);
	(erf) = vpow2.f32 v4  }
0x1b6: {  	[tilespmem:s11+$0x160A0] =	vst v9;
	v4 =	vmul.f32 $1.442695020e+00, v5;
	v5 =	vld [tilespmem:s11+$0x161B0];
	v9 =	vpop (erf);
	(erf) = vpow2.f32 v1  }
0x1b7: {  	[tilespmem:s11+$0x160B0] =	vst v9;
	v1 =	vmul.f32 $1.442695020e+00, v7;
	v7 =	vld [tilespmem:s11+$0x161C0];
	v9 =	vpop (erf);
	(erf) = vpow2.f32 v3  }
0x1b8: {  	[tilespmem:s11+$0x160C0] =	vst v9;
	v3 =	vmul.f32 $1.442695020e+00, v6;
	v6 =	vld [tilespmem:s11+$0x161D0];
	v9 =	vpop (erf);
	(erf) = vpow2.f32 v4  }
0x1b9: {  	[tilespmem:s11+$0x160D0] =	vst v9;
	v10 =	vmul.f32 $1.442695020e+00, v2;
	v4 =	vld [tilespmem:s11+$0x161E0];
	v9 =	vpop (erf);
	(erf) = vpow2.f32 v1  }
0x1ba: {  	[tilespmem:s11+$0x160E0] =	vst v9;
	v1 =	vmul.f32 $1.442695020e+00, v8;
	v8 =	vld [tilespmem:s11+$0x161F0];
	v9 =	vpop (erf);
	(erf) = vpow2.f32 v3  }
0x1bb: {  	[tilespmem:s11+$0x160F0] =	vst v9;
	v11 =	vmul.f32 $1.442695020e+00, v5;
	v5 =	vld [tilespmem:s11+$0x16200];
	v9 =	vpop (erf);
	(erf) = vpow2.f32 v10  }
0x1bc: {  	[tilespmem:s11+$0x16100] =	vst v9;
	v7 =	vmul.f32 $1.442695020e+00, v7;
	v9 =	vld [tilespmem:s11+$0x16210];
	v2 =	vpop (erf);
	(erf) = vpow2.f32 v1  }
.Ltmp3:
0x1bd: {  	[tilespmem:s11+$0x16110] =	vst v2;
	v6 =	vmul.f32 $1.442695020e+00, v6;
	v1 =	vld [tilespmem:s11+$0x16220];
	v2 =	vpop (erf);
	(erf) = vpow2.f32 v11;
	(pc) =	sbr.rel @p1 .LBB2_9-.Ltmp3, $4  }
0x1be: {  	[tilespmem:s11+$0x16120] =	vst v2;
	v10 =	vmul.f32 $1.442695020e+00, v4;
	v2 =	vld [tilespmem:s11+$0x16230];
	v3 =	vpop (erf);
	(erf) = vpow2.f32 v7  }
0x1bf: {  	[tilespmem:s11+$0x16130] =	vst v3;
	v11 =	vmul.f32 $1.442695020e+00, v8;
	v3 =	vld [tilespmem:s11+$0x16240];
	v4 =	vpop (erf);
	(erf) = vpow2.f32 v6  }
0x1c0: {  	[tilespmem:s11+$0x16140] =	vst v4;
	v7 =	vmul.f32 $1.442695020e+00, v5;
	v4 =	vld [tilespmem:s11+$0x16250];
	v5 =	vpop (erf);
	(erf) = vpow2.f32 v10  }
0x1c1: {  	s12 =	sadd.s32 $0x800, s12;
	[tilespmem:s11+$0x16150] =	vst v5;
	v6 =	vmul.f32 $1.442695020e+00, v9;
	v5 =	vld [tilespmem:s11+$0x16260];
	v8 =	vpop (erf);
	(erf) = vpow2.f32 v11  }
0x1c2: {  	v1 =	vmul.f32 $1.442695020e+00, v1  }
0x1c3: {  	[tilespmem:s11+$0x16160] =	vst v8;
	v8 =	vld [tilespmem:s11+$0x16270];
	v9 =	vpop (erf);
	(erf) = vpow2.f32 v7;
	v2 =	vmul.f32 $1.442695020e+00, v2  }
0x1c4: {  	[tilespmem:s11+$0x16170] =	vst v9;
	v7 =	vpop (erf);
	(erf) = vpow2.f32 v6;
	v3 =	vmul.f32 $1.442695020e+00, v3  }
0x1c5: {  	[tilespmem:s11+$0x16180] =	vst v7;
	v6 =	vpop (erf);
	(erf) = vpow2.f32 v1;
	v1 =	vmul.f32 $1.442695020e+00, v4  }
0x1c6: {  	[tilespmem:s11+$0x16190] =	vst v6;
	v4 =	vpop (erf);
	(erf) = vpow2.f32 v2  }
0x1c7: {  	[tilespmem:s11+$0x161A0] =	vst v4;
	v2 =	vmul.f32 $1.442695020e+00, v5;
	v4 =	vpop (erf);
	(erf) = vpow2.f32 v3  }
0x1c8: {  	[tilespmem:s11+$0x161B0] =	vst v4;
	v3 =	vmul.f32 $1.442695020e+00, v8;
	v4 =	vpop (erf);
	(erf) = vpow2.f32 v1  }
0x1c9: {  	[tilespmem:s11+$0x161C0] =	vst v4;
	v1 =	vpop (erf);
	(erf) = vpow2.f32 v2  }
0x1ca: {  	[tilespmem:s11+$0x161D0] =	vst v1;
	v1 =	vpop (erf);
	(erf) = vpow2.f32 v3  }
0x1cb: {  	[tilespmem:s11+$0x161E0] =	vst v1;
	v1 =	vpop (erf)  }
0x1cc: {  	[tilespmem:s11+$0x161F0] =	vst v1;
	v1 =	vpop (erf)  }
0x1cd: {  	[tilespmem:s11+$0x16200] =	vst v1;
	v1 =	vpop (erf)  }
0x1ce: {  	[tilespmem:s11+$0x16210] =	vst v1;
	v1 =	vpop (erf)  }
0x1cf: {  	[tilespmem:s11+$0x16220] =	vst v1;
	v1 =	vpop (erf)  }
0x1d0: {  	[tilespmem:s11+$0x16230] =	vst v1;
	v1 =	vpop (erf)  }
0x1d1: {  	[tilespmem:s11+$0x16240] =	vst v1;
	v1 =	vpop (erf)  }
0x1d2: {  	[tilespmem:s11+$0x16250] =	vst v1;
	v1 =	vpop (erf)  }
0x1d3: {  	[tilespmem:s11+$0x16260] =	vst v1;
	v1 =	vpop (erf)  }
0x1d4: {  	p1 =	seq.s32 s25, $0x31;
	[tilespmem:s11+$0x16270] =	vst v1  }
0x1d5: {  	[spmem:s4] =	stream.indirect.scatter.add.f32 [tilespmem:s26], [sflag:$0xD], $0x80, s28, s31, $0xb8;
	[tilespmem:$0x1A080] =	vst v63  }
0x1d6: {  	s22 =	simm.s32 @!p1 $0x0;
	s11 =	sadd.s32 @!p1 s21, s19;
	_ =	swait.ge [sflag:s14], $0x1400  }
0x1d7: {  	s18 =	simm.s32 @!p1 $0x13880;
	s12 =	sshll.u32 @!p1 s11, $0x4;
	[sflag:s14] =	ssyncset.done $0x0  }
0x1d8: {  	s11 =	sshrl.u32 @!p1 s11, $0x3;
	s12 =	sadd.s32 @!p1 s1, s12;
	[sflag:s14] =	ssyncadd.s32 $0xFFFFEC00  }
0x1d9: {  	[tilespmem:s18], [sflag:$0x1] =	stream.linear.gather @!p1 [hbm4b:s12+s22], $0x1400, $0x38;
	[tilespmem:$0x1A080] =	vst v63  }
0x1da: {  	s11 =	sadd.s32 @!p1 s2, s11;
	s12 =	simm.s32 @!p1 $0x19C80  }
0x1db: {  	[tilespmem:s12], [sflag:$0x6] =	stream.linear.gather @!p1 [hbm4b:s11+s22], $0x28, $0x38;
	[tilespmem:$0x1A080] =	vst v63  }
0x1dc: {  	_ =	swait.ge [sflag:s15], $0x1400  }
0x1dd: {  	[sflag:s15] =	ssyncset.done $0x0  }
0x1de: {  	[sflag:s15] =	ssyncadd.s32 $0xFFFFEC00  }
0x1df: {  	_ =	swait.ge [sflag:s16], $0x28  }
0x1e0: {  	[sflag:s16] =	ssyncset.done $0x0  }
0x1e1: {  	s11 =	simm.s32 $0x0;
	[sflag:s16] =	ssyncadd.s32 $0xFFFFFFD8  }
0x1e2: {  	v1 =	vld [tilespmem:s11+$0x17480];
	_ =	sdelay $0x1  }
0x1e3: {  	v2 =	vld [tilespmem:s11+$0x17490]  }
0x1e4: {  	v3 =	vld [tilespmem:s11+$0x174A0]  }
0x1e5: {  	v4 =	vld [tilespmem:s11+$0x174B0]  }
0x1e6: {  	v1 =	vmul.f32 $1.442695020e+00, v1  }
0x1e7: {  	v5 =	vld [tilespmem:s11+$0x174C0]  }
0x1e8: {  	v2 =	vmul.f32 $1.442695020e+00, v2;
	(erf) = vpow2.f32 v1  }
0x1e9: {  	v3 =	vmul.f32 $1.442695020e+00, v3  }
0x1ea: {  	v6 =	vld [tilespmem:s11+$0x174D0];
	v4 =	vmul.f32 $1.442695020e+00, v4;
	(erf) = vpow2.f32 v2  }
0x1eb: {  	(erf) = vpow2.f32 v3  }
0x1ec: {  	v7 =	vld [tilespmem:s11+$0x174E0];
	v5 =	vmul.f32 $1.442695020e+00, v5;
	(erf) = vpow2.f32 v4  }
0x1ed: {  	v8 =	vld [tilespmem:s11+$0x174F0]  }
0x1ee: {  	v1 =	vld [tilespmem:s11+$0x17500];
	(erf) = vpow2.f32 v5  }
0x1ef: {  	v6 =	vmul.f32 $1.442695020e+00, v6  }
0x1f0: {  	v2 =	vld [tilespmem:s11+$0x17510]  }
0x1f1: {  	v7 =	vmul.f32 $1.442695020e+00, v7;
	v13 =	vpop (erf);
	(erf) = vpow2.f32 v6  }
0x1f2: {  	v8 =	vmul.f32 $1.442695020e+00, v8  }
0x1f3: {  	v9 =	vld [tilespmem:s11+$0x17520];
	v1 =	vmul.f32 $1.442695020e+00, v1;
	v60 =	vpop (erf);
	(erf) = vpow2.f32 v7  }
0x1f4: {  	v3 =	vld [tilespmem:s11+$0x17530];
	v61 =	vpop (erf);
	(erf) = vpow2.f32 v8  }
0x1f5: {  	v2 =	vmul.f32 $1.442695020e+00, v2;
	v62 =	vpop (erf);
	(erf) = vpow2.f32 v1  }
0x1f6: {  	v10 =	vld [tilespmem:s11+$0x17540]  }
0x1f7: {  	v4 =	vld [tilespmem:s11+$0x17550];
	v1 =	vpop (erf);
	(erf) = vpow2.f32 v2  }
0x1f8: {  	v9 =	vmul.f32 $1.442695020e+00, v9  }
0x1f9: {  	v11 =	vld [tilespmem:s11+$0x17560];
	v2 =	vmul.f32 $1.442695020e+00, v3  }
0x1fa: {  	v5 =	vld [tilespmem:s11+$0x17570];
	[tilespmem:s11+$0x174C0] =	vst v1;
	v1 =	vpop (erf);
	(erf) = vpow2.f32 v9  }
0x1fb: {  	v12 =	vld [tilespmem:s11+$0x17580];
	(erf) = vpow2.f32 v2  }
0x1fc: {  	v63 =	vld [tilespmem:s11+$0x175C0];
	v3 =	vmul.f32 $1.442695020e+00, v10;
	[tilespmem:s11+$0x174D0] =	vst v1;
	v1 =	vpop (erf);
	v2 =	vmul.f32 $1.442695020e+00, v4  }
0x1fd: {  	v6 =	vld [tilespmem:s11+$0x17590];
	[tilespmem:s11+$0x174E0] =	vst v1;
	v1 =	vpop (erf)  }
0x1fe: {  	v7 =	vld [tilespmem:s11+$0x175A0];
	(erf) = vpow2.f32 v3;
	v3 =	vmul.f32 $1.442695020e+00, v11;
	[tilespmem:s11+$0x174F0] =	vst v1;
	v1 =	vpop (erf)  }
0x1ff: {  	v8 =	vld [tilespmem:s11+$0x175B0];
	(erf) = vpow2.f32 v2;
	[tilespmem:s11+$0x17500] =	vst v1;
	v1 =	vmul.f32 $1.442695020e+00, v5  }
0x200: {  	v14 =	vld [tilespmem:s11+$0x175D0];
	v2 =	vpop (erf);
	(erf) = vpow2.f32 v3;
	v3 =	vmul.f32 $1.442695020e+00, v12  }
0x201: {  	v9 =	vld [tilespmem:s11+$0x175E0];
	(erf) = vpow2.f32 v1  }
0x202: {  	[tilespmem:s11+$0x17510] =	vst v2;
	v2 =	vmul.f32 $1.442695020e+00, v6;
	(erf) = vpow2.f32 v3  }
0x203: {  	[tilespmem:s11+$0x17480] =	vst v13;
	v10 =	vld [tilespmem:s11+$0x175F0];
	v3 =	vmul.f32 $1.442695020e+00, v7;
	v7 =	vmul.f32 $1.442695020e+00, v63;
	v4 =	vpop (erf)  }
0x204: {  	v15 =	vld [tilespmem:s11+$0x17600];
	(erf) = vpow2.f32 v2;
	[tilespmem:s11+$0x17520] =	vst v4;
	v4 =	vmul.f32 $1.442695020e+00, v8;
	v6 =	vpop (erf)  }
0x205: {  	v5 =	vld [tilespmem:s11+$0x17610];
	(erf) = vpow2.f32 v3;
	[tilespmem:s11+$0x17530] =	vst v6;
	v6 =	vmul.f32 $1.442695020e+00, v14  }
0x206: {  	[tilespmem:s11+$0x17490] =	vst v60;
	v1 =	vld [tilespmem:s11+$0x17620];
	v8 =	vmul.f32 $1.442695020e+00, v9;
	(erf) = vpow2.f32 v4  }
0x207: {  	[tilespmem:s11+$0x174A0] =	vst v61;
	v2 =	vld [tilespmem:s11+$0x17630];
	(erf) = vpow2.f32 v7  }
0x208: {  	[tilespmem:s11+$0x174B0] =	vst v62;
	v3 =	vld [tilespmem:s11+$0x17640];
	v9 =	vmul.f32 $1.442695020e+00, v10;
	v4 =	vpop (erf);
	(erf) = vpow2.f32 v6  }
0x209: {  	v7 =	vmul.f32 $1.442695020e+00, v15;
	[tilespmem:s11+$0x17540] =	vst v4;
	v4 =	vld [tilespmem:s11+$0x17650];
	v6 =	vpop (erf);
	(erf) = vpow2.f32 v8  }
0x20a: {  	s12 =	simm.s32 $0x800;
	[tilespmem:s11+$0x17550] =	vst v6;
	v6 =	vmul.f32 $1.442695020e+00, v5;
	v5 =	vld [tilespmem:s11+$0x17660];
	v8 =	vpop (erf);
	(erf) = vpow2.f32 v9  }
.LBB2_11:
0x20b: {  	s22 =	sshra.s32 s12, $0x2;
	p2 =	sne.s32 s12, $0x4800;
	[tilespmem:s11+$0x17560] =	vst v8;
	v1 =	vmul.f32 $1.442695020e+00, v1;
	v8 =	vld [tilespmem:s11+$0x17670];
	v9 =	vpop (erf);
	(erf) = vpow2.f32 v7  }
0x20c: {  	v7 =	vld [tilespmem:s22+$0x17480];
	[tilespmem:s11+$0x17570] =	vst v9;
	v2 =	vmul.f32 $1.442695020e+00, v2;
	v9 =	vpop (erf);
	(erf) = vpow2.f32 v6  }
0x20d: {  	v6 =	vld [tilespmem:s22+$0x17490];
	[tilespmem:s11+$0x17580] =	vst v9;
	v3 =	vmul.f32 $1.442695020e+00, v3;
	v9 =	vpop (erf);
	(erf) = vpow2.f32 v1  }
0x20e: {  	v1 =	vld [tilespmem:s22+$0x174A0];
	[tilespmem:s11+$0x17590] =	vst v9;
	v4 =	vmul.f32 $1.442695020e+00, v4;
	v9 =	vpop (erf);
	(erf) = vpow2.f32 v2  }
0x20f: {  	v2 =	vld [tilespmem:s22+$0x174B0];
	[tilespmem:s11+$0x175A0] =	vst v9;
	v5 =	vmul.f32 $1.442695020e+00, v5;
	v9 =	vpop (erf);
	(erf) = vpow2.f32 v3  }
0x210: {  	v3 =	vld [tilespmem:s22+$0x174C0];
	[tilespmem:s11+$0x175B0] =	vst v9;
	v8 =	vmul.f32 $1.442695020e+00, v8;
	v9 =	vpop (erf);
	(erf) = vpow2.f32 v4  }
0x211: {  	v10 =	vmul.f32 $1.442695020e+00, v7;
	v7 =	vld [tilespmem:s22+$0x174D0];
	[tilespmem:s11+$0x175C0] =	vst v9;
	v9 =	vpop (erf);
	(erf) = vpow2.f32 v5  }
0x212: {  	v5 =	vmul.f32 $1.442695020e+00, v6;
	v6 =	vld [tilespmem:s22+$0x174E0];
	[tilespmem:s11+$0x175D0] =	vst v9;
	v9 =	vpop (erf);
	(erf) = vpow2.f32 v8  }
0x213: {  	v11 =	vmul.f32 $1.442695020e+00, v1;
	v8 =	vld [tilespmem:s22+$0x174F0];
	(erf) = vpow2.f32 v10;
	[tilespmem:s11+$0x175E0] =	vst v9;
	v4 =	vpop (erf)  }
0x214: {  	v2 =	vmul.f32 $1.442695020e+00, v2;
	v9 =	vld [tilespmem:s22+$0x17500];
	(erf) = vpow2.f32 v5;
	[tilespmem:s11+$0x175F0] =	vst v4;
	v4 =	vpop (erf)  }
0x215: {  	v3 =	vmul.f32 $1.442695020e+00, v3;
	v5 =	vld [tilespmem:s22+$0x17510];
	(erf) = vpow2.f32 v11;
	[tilespmem:s11+$0x17600] =	vst v4;
	v1 =	vpop (erf)  }
0x216: {  	v4 =	vmul.f32 $1.442695020e+00, v7;
	v7 =	vld [tilespmem:s22+$0x17520];
	(erf) = vpow2.f32 v2;
	[tilespmem:s11+$0x17610] =	vst v1;
	v1 =	vpop (erf)  }
0x217: {  	v2 =	vmul.f32 $1.442695020e+00, v6;
	v6 =	vld [tilespmem:s22+$0x17530];
	(erf) = vpow2.f32 v3;
	[tilespmem:s11+$0x17620] =	vst v1;
	v1 =	vpop (erf)  }
0x218: {  	v3 =	vmul.f32 $1.442695020e+00, v8;
	v8 =	vld [tilespmem:s22+$0x17540];
	(erf) = vpow2.f32 v4;
	[tilespmem:s11+$0x17630] =	vst v1;
	v1 =	vpop (erf)  }
0x219: {  	v4 =	vmul.f32 $1.442695020e+00, v9;
	v9 =	vld [tilespmem:s22+$0x17550];
	(erf) = vpow2.f32 v2;
	[tilespmem:s11+$0x17640] =	vst v1;
	v1 =	vpop (erf)  }
0x21a: {  	v2 =	vmul.f32 $1.442695020e+00, v5;
	v5 =	vld [tilespmem:s22+$0x17560];
	(erf) = vpow2.f32 v3;
	[tilespmem:s11+$0x17650] =	vst v1;
	v1 =	vpop (erf)  }
0x21b: {  	v3 =	vmul.f32 $1.442695020e+00, v7;
	v7 =	vld [tilespmem:s22+$0x17570];
	(erf) = vpow2.f32 v4;
	[tilespmem:s11+$0x17660] =	vst v1;
	v1 =	vpop (erf)  }
0x21c: {  	v4 =	vmul.f32 $1.442695020e+00, v6;
	v6 =	vld [tilespmem:s22+$0x17580];
	v10 =	vpop (erf);
	(erf) = vpow2.f32 v2;
	[tilespmem:s11+$0x17670] =	vst v1;
	s11 =	smov.u32 s22  }
0x21d: {  	[tilespmem:s11+$0x17480] =	vst v10;
	v1 =	vmul.f32 $1.442695020e+00, v8;
	v2 =	vld [tilespmem:s11+$0x17590];
	v8 =	vpop (erf);
	(erf) = vpow2.f32 v3  }
0x21e: {  	[tilespmem:s11+$0x17490] =	vst v8;
	v3 =	vmul.f32 $1.442695020e+00, v9;
	v8 =	vld [tilespmem:s11+$0x175A0];
	v9 =	vpop (erf);
	(erf) = vpow2.f32 v4  }
0x21f: {  	[tilespmem:s11+$0x174A0] =	vst v9;
	v4 =	vmul.f32 $1.442695020e+00, v5;
	v5 =	vld [tilespmem:s11+$0x175B0];
	v9 =	vpop (erf);
	(erf) = vpow2.f32 v1  }
0x220: {  	[tilespmem:s11+$0x174B0] =	vst v9;
	v1 =	vmul.f32 $1.442695020e+00, v7;
	v7 =	vld [tilespmem:s11+$0x175C0];
	v9 =	vpop (erf);
	(erf) = vpow2.f32 v3  }
0x221: {  	[tilespmem:s11+$0x174C0] =	vst v9;
	v3 =	vmul.f32 $1.442695020e+00, v6;
	v6 =	vld [tilespmem:s11+$0x175D0];
	v9 =	vpop (erf);
	(erf) = vpow2.f32 v4  }
0x222: {  	[tilespmem:s11+$0x174D0] =	vst v9;
	v10 =	vmul.f32 $1.442695020e+00, v2;
	v4 =	vld [tilespmem:s11+$0x175E0];
	v9 =	vpop (erf);
	(erf) = vpow2.f32 v1  }
0x223: {  	[tilespmem:s11+$0x174E0] =	vst v9;
	v1 =	vmul.f32 $1.442695020e+00, v8;
	v8 =	vld [tilespmem:s11+$0x175F0];
	v9 =	vpop (erf);
	(erf) = vpow2.f32 v3  }
0x224: {  	[tilespmem:s11+$0x174F0] =	vst v9;
	v11 =	vmul.f32 $1.442695020e+00, v5;
	v5 =	vld [tilespmem:s11+$0x17600];
	v9 =	vpop (erf);
	(erf) = vpow2.f32 v10  }
0x225: {  	[tilespmem:s11+$0x17500] =	vst v9;
	v7 =	vmul.f32 $1.442695020e+00, v7;
	v9 =	vld [tilespmem:s11+$0x17610];
	v2 =	vpop (erf);
	(erf) = vpow2.f32 v1  }
.Ltmp4:
0x226: {  	[tilespmem:s11+$0x17510] =	vst v2;
	v6 =	vmul.f32 $1.442695020e+00, v6;
	v1 =	vld [tilespmem:s11+$0x17620];
	v2 =	vpop (erf);
	(erf) = vpow2.f32 v11;
	(pc) =	sbr.rel @p2 .LBB2_11-.Ltmp4, $4  }
0x227: {  	[tilespmem:s11+$0x17520] =	vst v2;
	v10 =	vmul.f32 $1.442695020e+00, v4;
	v2 =	vld [tilespmem:s11+$0x17630];
	v3 =	vpop (erf);
	(erf) = vpow2.f32 v7  }
0x228: {  	[tilespmem:s11+$0x17530] =	vst v3;
	v11 =	vmul.f32 $1.442695020e+00, v8;
	v3 =	vld [tilespmem:s11+$0x17640];
	v4 =	vpop (erf);
	(erf) = vpow2.f32 v6  }
0x229: {  	[tilespmem:s11+$0x17540] =	vst v4;
	v7 =	vmul.f32 $1.442695020e+00, v5;
	v4 =	vld [tilespmem:s11+$0x17650];
	v5 =	vpop (erf);
	(erf) = vpow2.f32 v10  }
0x22a: {  	s12 =	sadd.s32 $0x800, s12;
	[tilespmem:s11+$0x17550] =	vst v5;
	v6 =	vmul.f32 $1.442695020e+00, v9;
	v5 =	vld [tilespmem:s11+$0x17660];
	v8 =	vpop (erf);
	(erf) = vpow2.f32 v11  }
0x22b: {  	v1 =	vmul.f32 $1.442695020e+00, v1  }
0x22c: {  	[tilespmem:s11+$0x17560] =	vst v8;
	v8 =	vld [tilespmem:s11+$0x17670];
	v9 =	vpop (erf);
	(erf) = vpow2.f32 v7;
	v2 =	vmul.f32 $1.442695020e+00, v2  }
0x22d: {  	[tilespmem:s11+$0x17570] =	vst v9;
	v7 =	vpop (erf);
	(erf) = vpow2.f32 v6;
	v3 =	vmul.f32 $1.442695020e+00, v3  }
0x22e: {  	[tilespmem:s11+$0x17580] =	vst v7;
	v6 =	vpop (erf);
	(erf) = vpow2.f32 v1;
	v1 =	vmul.f32 $1.442695020e+00, v4  }
0x22f: {  	[tilespmem:s11+$0x17590] =	vst v6;
	v4 =	vpop (erf);
	(erf) = vpow2.f32 v2  }
0x230: {  	[tilespmem:s11+$0x175A0] =	vst v4;
	v2 =	vmul.f32 $1.442695020e+00, v5;
	v4 =	vpop (erf);
	(erf) = vpow2.f32 v3  }
0x231: {  	[tilespmem:s11+$0x175B0] =	vst v4;
	v3 =	vmul.f32 $1.442695020e+00, v8;
	v4 =	vpop (erf);
	(erf) = vpow2.f32 v1  }
0x232: {  	[tilespmem:s11+$0x175C0] =	vst v4;
	v1 =	vpop (erf);
	(erf) = vpow2.f32 v2  }
0x233: {  	[tilespmem:s11+$0x175D0] =	vst v1;
	v1 =	vpop (erf);
	(erf) = vpow2.f32 v3  }
0x234: {  	[tilespmem:s11+$0x175E0] =	vst v1;
	v1 =	vpop (erf)  }
0x235: {  	[tilespmem:s11+$0x175F0] =	vst v1;
	v1 =	vpop (erf)  }
0x236: {  	[tilespmem:s11+$0x17600] =	vst v1;
	v1 =	vpop (erf)  }
0x237: {  	[tilespmem:s11+$0x17610] =	vst v1;
	v1 =	vpop (erf)  }
0x238: {  	[tilespmem:s11+$0x17620] =	vst v1;
	v1 =	vpop (erf)  }
0x239: {  	[tilespmem:s11+$0x17630] =	vst v1;
	v1 =	vpop (erf)  }
0x23a: {  	[tilespmem:s11+$0x17640] =	vst v1;
	v1 =	vpop (erf)  }
0x23b: {  	[tilespmem:s11+$0x17650] =	vst v1;
	v1 =	vpop (erf)  }
0x23c: {  	[tilespmem:s11+$0x17660] =	vst v1;
	v1 =	vpop (erf)  }
0x23d: {  	[tilespmem:s11+$0x17670] =	vst v1  }
0x23e: {  	[spmem:s4] =	stream.indirect.scatter.add.f32 [tilespmem:s0], [sflag:$0xE], $0x80, s3, s31, $0xb8;
	[tilespmem:$0x1A080] =	vst v63  }
0x23f: {  	s18 =	simm.s32 @!p1 $0x0;
	s11 =	sadd.s32 @!p1 s21, s20;
	_ =	swait.ge [sflag:s17], $0x1400  }
0x240: {  	s21 =	simm.s32 @!p1 $0x14C80;
	s12 =	sshll.u32 @!p1 s11, $0x4;
	[sflag:s17] =	ssyncset.done $0x0  }
0x241: {  	s11 =	sshrl.u32 @!p1 s11, $0x3;
	s12 =	sadd.s32 @!p1 s1, s12;
	[sflag:s17] =	ssyncadd.s32 $0xFFFFEC00  }
0x242: {  	[tilespmem:s21], [sflag:$0x2] =	stream.linear.gather @!p1 [hbm4b:s12+s18], $0x1400, $0x38;
	[tilespmem:$0x1A080] =	vst v63  }
0x243: {  	s11 =	sadd.s32 @!p1 s2, s11;
	s12 =	simm.s32 @!p1 $0x19D00  }
0x244: {  	[tilespmem:s12], [sflag:$0x7] =	stream.linear.gather @!p1 [hbm4b:s11+s18], $0x28, $0x38;
	[tilespmem:$0x1A080] =	vst v63  }
0x245: {  	_ =	swait.ge [sflag:s6], $0x1400  }
0x246: {  	[sflag:s6] =	ssyncset.done $0x0  }
0x247: {  	[sflag:s6] =	ssyncadd.s32 $0xFFFFEC00  }
0x248: {  	_ =	swait.ge [sflag:s23], $0x28  }
0x249: {  	[sflag:s23] =	ssyncset.done $0x0  }
0x24a: {  	s11 =	simm.s32 $0x0;
	[sflag:s23] =	ssyncadd.s32 $0xFFFFFFD8  }
0x24b: {  	v1 =	vld [tilespmem:s11+$0x18880];
	_ =	sdelay $0x1  }
0x24c: {  	v2 =	vld [tilespmem:s11+$0x18890]  }
0x24d: {  	v3 =	vld [tilespmem:s11+$0x188A0]  }
0x24e: {  	v4 =	vld [tilespmem:s11+$0x188B0]  }
0x24f: {  	v1 =	vmul.f32 $1.442695020e+00, v1  }
0x250: {  	v5 =	vld [tilespmem:s11+$0x188C0]  }
0x251: {  	v2 =	vmul.f32 $1.442695020e+00, v2;
	(erf) = vpow2.f32 v1  }
0x252: {  	v3 =	vmul.f32 $1.442695020e+00, v3  }
0x253: {  	v6 =	vld [tilespmem:s11+$0x188D0];
	v4 =	vmul.f32 $1.442695020e+00, v4;
	(erf) = vpow2.f32 v2  }
0x254: {  	(erf) = vpow2.f32 v3  }
0x255: {  	v7 =	vld [tilespmem:s11+$0x188E0];
	v5 =	vmul.f32 $1.442695020e+00, v5;
	(erf) = vpow2.f32 v4  }
0x256: {  	v8 =	vld [tilespmem:s11+$0x188F0]  }
0x257: {  	v1 =	vld [tilespmem:s11+$0x18900];
	(erf) = vpow2.f32 v5  }
0x258: {  	v6 =	vmul.f32 $1.442695020e+00, v6  }
0x259: {  	v2 =	vld [tilespmem:s11+$0x18910]  }
0x25a: {  	v7 =	vmul.f32 $1.442695020e+00, v7;
	v13 =	vpop (erf);
	(erf) = vpow2.f32 v6  }
0x25b: {  	v8 =	vmul.f32 $1.442695020e+00, v8  }
0x25c: {  	v9 =	vld [tilespmem:s11+$0x18920];
	v1 =	vmul.f32 $1.442695020e+00, v1;
	v60 =	vpop (erf);
	(erf) = vpow2.f32 v7  }
0x25d: {  	v3 =	vld [tilespmem:s11+$0x18930];
	v61 =	vpop (erf);
	(erf) = vpow2.f32 v8  }
0x25e: {  	v2 =	vmul.f32 $1.442695020e+00, v2;
	v62 =	vpop (erf);
	(erf) = vpow2.f32 v1  }
0x25f: {  	v10 =	vld [tilespmem:s11+$0x18940]  }
0x260: {  	v4 =	vld [tilespmem:s11+$0x18950];
	v1 =	vpop (erf);
	(erf) = vpow2.f32 v2  }
0x261: {  	v9 =	vmul.f32 $1.442695020e+00, v9  }
0x262: {  	v11 =	vld [tilespmem:s11+$0x18960];
	v2 =	vmul.f32 $1.442695020e+00, v3  }
0x263: {  	v5 =	vld [tilespmem:s11+$0x18970];
	[tilespmem:s11+$0x188C0] =	vst v1;
	v1 =	vpop (erf);
	(erf) = vpow2.f32 v9  }
0x264: {  	v12 =	vld [tilespmem:s11+$0x18980];
	(erf) = vpow2.f32 v2  }
0x265: {  	v63 =	vld [tilespmem:s11+$0x189C0];
	v3 =	vmul.f32 $1.442695020e+00, v10;
	[tilespmem:s11+$0x188D0] =	vst v1;
	v1 =	vpop (erf);
	v2 =	vmul.f32 $1.442695020e+00, v4  }
0x266: {  	v6 =	vld [tilespmem:s11+$0x18990];
	[tilespmem:s11+$0x188E0] =	vst v1;
	v1 =	vpop (erf)  }
0x267: {  	v7 =	vld [tilespmem:s11+$0x189A0];
	(erf) = vpow2.f32 v3;
	v3 =	vmul.f32 $1.442695020e+00, v11;
	[tilespmem:s11+$0x188F0] =	vst v1;
	v1 =	vpop (erf)  }
0x268: {  	v8 =	vld [tilespmem:s11+$0x189B0];
	(erf) = vpow2.f32 v2;
	[tilespmem:s11+$0x18900] =	vst v1;
	v1 =	vmul.f32 $1.442695020e+00, v5  }
0x269: {  	v14 =	vld [tilespmem:s11+$0x189D0];
	v2 =	vpop (erf);
	(erf) = vpow2.f32 v3;
	v3 =	vmul.f32 $1.442695020e+00, v12  }
0x26a: {  	v9 =	vld [tilespmem:s11+$0x189E0];
	(erf) = vpow2.f32 v1  }
0x26b: {  	[tilespmem:s11+$0x18910] =	vst v2;
	v2 =	vmul.f32 $1.442695020e+00, v6;
	(erf) = vpow2.f32 v3  }
0x26c: {  	[tilespmem:s11+$0x18880] =	vst v13;
	v10 =	vld [tilespmem:s11+$0x189F0];
	v3 =	vmul.f32 $1.442695020e+00, v7;
	v7 =	vmul.f32 $1.442695020e+00, v63;
	v4 =	vpop (erf)  }
0x26d: {  	v15 =	vld [tilespmem:s11+$0x18A00];
	(erf) = vpow2.f32 v2;
	[tilespmem:s11+$0x18920] =	vst v4;
	v4 =	vmul.f32 $1.442695020e+00, v8;
	v6 =	vpop (erf)  }
0x26e: {  	v5 =	vld [tilespmem:s11+$0x18A10];
	(erf) = vpow2.f32 v3;
	[tilespmem:s11+$0x18930] =	vst v6;
	v6 =	vmul.f32 $1.442695020e+00, v14  }
0x26f: {  	[tilespmem:s11+$0x18890] =	vst v60;
	v1 =	vld [tilespmem:s11+$0x18A20];
	v8 =	vmul.f32 $1.442695020e+00, v9;
	(erf) = vpow2.f32 v4  }
0x270: {  	[tilespmem:s11+$0x188A0] =	vst v61;
	v2 =	vld [tilespmem:s11+$0x18A30];
	(erf) = vpow2.f32 v7  }
0x271: {  	[tilespmem:s11+$0x188B0] =	vst v62;
	v3 =	vld [tilespmem:s11+$0x18A40];
	v9 =	vmul.f32 $1.442695020e+00, v10;
	v4 =	vpop (erf);
	(erf) = vpow2.f32 v6  }
0x272: {  	v7 =	vmul.f32 $1.442695020e+00, v15;
	[tilespmem:s11+$0x18940] =	vst v4;
	v4 =	vld [tilespmem:s11+$0x18A50];
	v6 =	vpop (erf);
	(erf) = vpow2.f32 v8  }
0x273: {  	s12 =	simm.s32 $0x800;
	[tilespmem:s11+$0x18950] =	vst v6;
	v6 =	vmul.f32 $1.442695020e+00, v5;
	v5 =	vld [tilespmem:s11+$0x18A60];
	v8 =	vpop (erf);
	(erf) = vpow2.f32 v9  }
.LBB2_13:
0x274: {  	s21 =	sshra.s32 s12, $0x2;
	p1 =	sne.s32 s12, $0x4800;
	[tilespmem:s11+$0x18960] =	vst v8;
	v1 =	vmul.f32 $1.442695020e+00, v1;
	v8 =	vld [tilespmem:s11+$0x18A70];
	v9 =	vpop (erf);
	(erf) = vpow2.f32 v7  }
0x275: {  	v7 =	vld [tilespmem:s21+$0x18880];
	[tilespmem:s11+$0x18970] =	vst v9;
	v2 =	vmul.f32 $1.442695020e+00, v2;
	v9 =	vpop (erf);
	(erf) = vpow2.f32 v6  }
0x276: {  	v6 =	vld [tilespmem:s21+$0x18890];
	[tilespmem:s11+$0x18980] =	vst v9;
	v3 =	vmul.f32 $1.442695020e+00, v3;
	v9 =	vpop (erf);
	(erf) = vpow2.f32 v1  }
0x277: {  	v1 =	vld [tilespmem:s21+$0x188A0];
	[tilespmem:s11+$0x18990] =	vst v9;
	v4 =	vmul.f32 $1.442695020e+00, v4;
	v9 =	vpop (erf);
	(erf) = vpow2.f32 v2  }
0x278: {  	v2 =	vld [tilespmem:s21+$0x188B0];
	[tilespmem:s11+$0x189A0] =	vst v9;
	v5 =	vmul.f32 $1.442695020e+00, v5;
	v9 =	vpop (erf);
	(erf) = vpow2.f32 v3  }
0x279: {  	v3 =	vld [tilespmem:s21+$0x188C0];
	[tilespmem:s11+$0x189B0] =	vst v9;
	v8 =	vmul.f32 $1.442695020e+00, v8;
	v9 =	vpop (erf);
	(erf) = vpow2.f32 v4  }
0x27a: {  	v10 =	vmul.f32 $1.442695020e+00, v7;
	v7 =	vld [tilespmem:s21+$0x188D0];
	[tilespmem:s11+$0x189C0] =	vst v9;
	v9 =	vpop (erf);
	(erf) = vpow2.f32 v5  }
0x27b: {  	v5 =	vmul.f32 $1.442695020e+00, v6;
	v6 =	vld [tilespmem:s21+$0x188E0];
	[tilespmem:s11+$0x189D0] =	vst v9;
	v9 =	vpop (erf);
	(erf) = vpow2.f32 v8  }
0x27c: {  	v11 =	vmul.f32 $1.442695020e+00, v1;
	v8 =	vld [tilespmem:s21+$0x188F0];
	(erf) = vpow2.f32 v10;
	[tilespmem:s11+$0x189E0] =	vst v9;
	v4 =	vpop (erf)  }
0x27d: {  	v2 =	vmul.f32 $1.442695020e+00, v2;
	v9 =	vld [tilespmem:s21+$0x18900];
	(erf) = vpow2.f32 v5;
	[tilespmem:s11+$0x189F0] =	vst v4;
	v4 =	vpop (erf)  }
0x27e: {  	v3 =	vmul.f32 $1.442695020e+00, v3;
	v5 =	vld [tilespmem:s21+$0x18910];
	(erf) = vpow2.f32 v11;
	[tilespmem:s11+$0x18A00] =	vst v4;
	v1 =	vpop (erf)  }
0x27f: {  	v4 =	vmul.f32 $1.442695020e+00, v7;
	v7 =	vld [tilespmem:s21+$0x18920];
	(erf) = vpow2.f32 v2;
	[tilespmem:s11+$0x18A10] =	vst v1;
	v1 =	vpop (erf)  }
0x280: {  	v2 =	vmul.f32 $1.442695020e+00, v6;
	v6 =	vld [tilespmem:s21+$0x18930];
	(erf) = vpow2.f32 v3;
	[tilespmem:s11+$0x18A20] =	vst v1;
	v1 =	vpop (erf)  }
0x281: {  	v3 =	vmul.f32 $1.442695020e+00, v8;
	v8 =	vld [tilespmem:s21+$0x18940];
	(erf) = vpow2.f32 v4;
	[tilespmem:s11+$0x18A30] =	vst v1;
	v1 =	vpop (erf)  }
0x282: {  	v4 =	vmul.f32 $1.442695020e+00, v9;
	v9 =	vld [tilespmem:s21+$0x18950];
	(erf) = vpow2.f32 v2;
	[tilespmem:s11+$0x18A40] =	vst v1;
	v1 =	vpop (erf)  }
0x283: {  	v2 =	vmul.f32 $1.442695020e+00, v5;
	v5 =	vld [tilespmem:s21+$0x18960];
	(erf) = vpow2.f32 v3;
	[tilespmem:s11+$0x18A50] =	vst v1;
	v1 =	vpop (erf)  }
0x284: {  	v3 =	vmul.f32 $1.442695020e+00, v7;
	v7 =	vld [tilespmem:s21+$0x18970];
	(erf) = vpow2.f32 v4;
	[tilespmem:s11+$0x18A60] =	vst v1;
	v1 =	vpop (erf)  }
0x285: {  	v4 =	vmul.f32 $1.442695020e+00, v6;
	v6 =	vld [tilespmem:s21+$0x18980];
	v10 =	vpop (erf);
	(erf) = vpow2.f32 v2;
	[tilespmem:s11+$0x18A70] =	vst v1;
	s11 =	smov.u32 s21  }
0x286: {  	[tilespmem:s11+$0x18880] =	vst v10;
	v1 =	vmul.f32 $1.442695020e+00, v8;
	v2 =	vld [tilespmem:s11+$0x18990];
	v8 =	vpop (erf);
	(erf) = vpow2.f32 v3  }
0x287: {  	[tilespmem:s11+$0x18890] =	vst v8;
	v3 =	vmul.f32 $1.442695020e+00, v9;
	v8 =	vld [tilespmem:s11+$0x189A0];
	v9 =	vpop (erf);
	(erf) = vpow2.f32 v4  }
0x288: {  	[tilespmem:s11+$0x188A0] =	vst v9;
	v4 =	vmul.f32 $1.442695020e+00, v5;
	v5 =	vld [tilespmem:s11+$0x189B0];
	v9 =	vpop (erf);
	(erf) = vpow2.f32 v1  }
0x289: {  	[tilespmem:s11+$0x188B0] =	vst v9;
	v1 =	vmul.f32 $1.442695020e+00, v7;
	v7 =	vld [tilespmem:s11+$0x189C0];
	v9 =	vpop (erf);
	(erf) = vpow2.f32 v3  }
0x28a: {  	[tilespmem:s11+$0x188C0] =	vst v9;
	v3 =	vmul.f32 $1.442695020e+00, v6;
	v6 =	vld [tilespmem:s11+$0x189D0];
	v9 =	vpop (erf);
	(erf) = vpow2.f32 v4  }
0x28b: {  	[tilespmem:s11+$0x188D0] =	vst v9;
	v10 =	vmul.f32 $1.442695020e+00, v2;
	v4 =	vld [tilespmem:s11+$0x189E0];
	v9 =	vpop (erf);
	(erf) = vpow2.f32 v1  }
0x28c: {  	[tilespmem:s11+$0x188E0] =	vst v9;
	v1 =	vmul.f32 $1.442695020e+00, v8;
	v8 =	vld [tilespmem:s11+$0x189F0];
	v9 =	vpop (erf);
	(erf) = vpow2.f32 v3  }
0x28d: {  	[tilespmem:s11+$0x188F0] =	vst v9;
	v11 =	vmul.f32 $1.442695020e+00, v5;
	v5 =	vld [tilespmem:s11+$0x18A00];
	v9 =	vpop (erf);
	(erf) = vpow2.f32 v10  }
0x28e: {  	[tilespmem:s11+$0x18900] =	vst v9;
	v7 =	vmul.f32 $1.442695020e+00, v7;
	v9 =	vld [tilespmem:s11+$0x18A10];
	v2 =	vpop (erf);
	(erf) = vpow2.f32 v1  }
.Ltmp5:
0x28f: {  	[tilespmem:s11+$0x18910] =	vst v2;
	v6 =	vmul.f32 $1.442695020e+00, v6;
	v1 =	vld [tilespmem:s11+$0x18A20];
	v2 =	vpop (erf);
	(erf) = vpow2.f32 v11;
	(pc) =	sbr.rel @p1 .LBB2_13-.Ltmp5, $4  }
0x290: {  	[tilespmem:s11+$0x18920] =	vst v2;
	v10 =	vmul.f32 $1.442695020e+00, v4;
	v2 =	vld [tilespmem:s11+$0x18A30];
	v3 =	vpop (erf);
	(erf) = vpow2.f32 v7  }
0x291: {  	[tilespmem:s11+$0x18930] =	vst v3;
	v11 =	vmul.f32 $1.442695020e+00, v8;
	v3 =	vld [tilespmem:s11+$0x18A40];
	v4 =	vpop (erf);
	(erf) = vpow2.f32 v6  }
0x292: {  	[tilespmem:s11+$0x18940] =	vst v4;
	v7 =	vmul.f32 $1.442695020e+00, v5;
	v4 =	vld [tilespmem:s11+$0x18A50];
	v5 =	vpop (erf);
	(erf) = vpow2.f32 v10  }
0x293: {  	s12 =	sadd.s32 $0x800, s12;
	[tilespmem:s11+$0x18950] =	vst v5;
	v6 =	vmul.f32 $1.442695020e+00, v9;
	v5 =	vld [tilespmem:s11+$0x18A60];
	v8 =	vpop (erf);
	(erf) = vpow2.f32 v11  }
0x294: {  	v1 =	vmul.f32 $1.442695020e+00, v1  }
0x295: {  	[tilespmem:s11+$0x18960] =	vst v8;
	v58 =	vld [tilespmem:s11+$0x18A70];
	v9 =	vpop (erf);
	(erf) = vpow2.f32 v7;
	v2 =	vmul.f32 $1.442695020e+00, v2  }
0x296: {  	[tilespmem:s11+$0x18970] =	vst v9;
	v59 =	vpop (erf);
	(erf) = vpow2.f32 v6;
	v3 =	vmul.f32 $1.442695020e+00, v3  }
0x297: {  	[tilespmem:s11+$0x18980] =	vst v59;
	v60 =	vpop (erf);
	(erf) = vpow2.f32 v1;
	v1 =	vmul.f32 $1.442695020e+00, v4  }
0x298: {  	[tilespmem:s11+$0x18990] =	vst v60;
	v61 =	vpop (erf);
	(erf) = vpow2.f32 v2  }
0x299: {  	[tilespmem:s11+$0x189A0] =	vst v61;
	v2 =	vmul.f32 $1.442695020e+00, v5;
	v62 =	vpop (erf);
	(erf) = vpow2.f32 v3  }
0x29a: {  	[tilespmem:s11+$0x189B0] =	vst v62;
	v3 =	vmul.f32 $1.442695020e+00, v58;
	v63 =	vpop (erf);
	(erf) = vpow2.f32 v1  }
0x29b: {  	[tilespmem:s11+$0x189C0] =	vst v63;
	v1 =	vpop (erf);
	(erf) = vpow2.f32 v2  }
0x29c: {  	[tilespmem:s11+$0x189D0] =	vst v1;
	v1 =	vpop (erf);
	(erf) = vpow2.f32 v3  }
0x29d: {  	[tilespmem:s11+$0x189E0] =	vst v1;
	v1 =	vpop (erf)  }
0x29e: {  	[tilespmem:s11+$0x189F0] =	vst v1;
	v1 =	vpop (erf)  }
0x29f: {  	[tilespmem:s11+$0x18A00] =	vst v1;
	v1 =	vpop (erf)  }
0x2a0: {  	[tilespmem:s11+$0x18A10] =	vst v1;
	v1 =	vpop (erf)  }
0x2a1: {  	s25 =	sadd.s32 $0x1, s25;
	[tilespmem:s11+$0x18A20] =	vst v1;
	v1 =	vpop (erf)  }
0x2a2: {  	p1 =	sne.s32 s25, $0x32;
	[tilespmem:s11+$0x18A30] =	vst v1;
	v1 =	vpop (erf)  }
.Ltmp6:
0x2a3: {  	[tilespmem:s11+$0x18A40] =	vst v1;
	v1 =	vpop (erf);
	(pc) =	sbr.rel @p1 .LBB2_4-.Ltmp6, $4  }
0x2a4: {  	[tilespmem:s11+$0x18A50] =	vst v1;
	v1 =	vpop (erf)  }
0x2a5: {  	[tilespmem:s11+$0x18A60] =	vst v1;
	v1 =	vpop (erf)  }
0x2a6: {  	[tilespmem:s11+$0x18A70] =	vst v1  }
0x2a7: {  	[spmem:s4] =	stream.indirect.scatter.add.f32 [tilespmem:s8], [sflag:$0xF], $0x80, s9, s31, $0xb8;
	[tilespmem:$0x1A080] =	vst v63  }
0x2a8: {  	s11 =	simm.s32 $0xD  }
0x2a9: {  	_ =	swait.ge [sflag:s11], $0x1400  }
0x2aa: {  	[sflag:s11] =	ssyncset.done $0x0  }
0x2ab: {  	s12 =	simm.s32 $0xE;
	[sflag:s11] =	ssyncadd.s32 $0xFFFFEC00  }
0x2ac: {  	_ =	swait.ge [sflag:s12], $0x1400  }
0x2ad: {  	[sflag:s12] =	ssyncset.done $0x0  }
0x2ae: {  	s18 =	simm.s32 $0xF;
	[sflag:s12] =	ssyncadd.s32 $0xFFFFEC00  }
0x2af: {  	_ =	swait.ge [sflag:s18], $0x1400  }
0x2b0: {  	[sflag:s18] =	ssyncset.done $0x0  }
0x2b1: {  	[sflag:s18] =	ssyncadd.s32 $0xFFFFEC00  }
0x2b2: {  	s21 =	stileid.u32;
	[bflag:$0x0] =	sbarrier.arrive $0xFFFF  }
0x2b3: {  	s25 =	simm.s32 $0x10;
	s11 =	sshll.u32 s21, $0x6;
	s18 =	rddreg [dreg:$0x5]  }
0x2b4: {  	s11 =	sor.u32 $0x1C10, s11;
	s21 =	rddreg [dreg:$0xc];
	s12 =	sshrl.u32 s18, $0x3  }
0x2b5: {  	[hbm:s21], [sflag:s11] =	dma.local [spmem:s12], $0x800  }
0x2b6: {  	_ =	swait.ge [sflag:s25], $0x800  }
0x2b7: {  	[sflag:s25] =	ssyncset.done $0x0;
	s22 =	rddreg [dreg:$0xd]  }
0x2b8: {  	s24 =	rddreg [dreg:$0x14];
	[sflag:s25] =	ssyncadd.s32 $0xFFFFF800  }
0x2b9: {  	[hbm:s22], [sflag:s11] =	dma.local [spmem:s24], $0x800  }
0x2ba: {  	_ =	swait.ge [sflag:s25], $0x800  }
0x2bb: {  	[sflag:s25] =	ssyncset.done $0x0;
	s22 =	rddreg [dreg:$0xe]  }
0x2bc: {  	s24 =	rddreg [dreg:$0x15];
	[sflag:s25] =	ssyncadd.s32 $0xFFFFF800  }
0x2bd: {  	[hbm:s22], [sflag:s11] =	dma.local [spmem:s24], $0x800  }
0x2be: {  	_ =	swait.ge [sflag:s25], $0x800  }
0x2bf: {  	[sflag:s25] =	ssyncset.done $0x0;
	s22 =	rddreg [dreg:$0xf]  }
0x2c0: {  	s24 =	rddreg [dreg:$0x16];
	[sflag:s25] =	ssyncadd.s32 $0xFFFFF800  }
0x2c1: {  	[hbm:s22], [sflag:s11] =	dma.local [spmem:s24], $0x800  }
0x2c2: {  	_ =	swait.ge [sflag:s25], $0x800  }
0x2c3: {  	[sflag:s25] =	ssyncset.done $0x0;
	s22 =	rddreg [dreg:$0x10]  }
0x2c4: {  	s24 =	rddreg [dreg:$0x17];
	[sflag:s25] =	ssyncadd.s32 $0xFFFFF800  }
0x2c5: {  	[hbm:s22], [sflag:s11] =	dma.local [spmem:s24], $0x700  }
0x2c6: {  	_ =	swait.ge [sflag:s25], $0x700  }
0x2c7: {  	s24 =	sld [smem:$0x7FD];
	_ =	sdelay $0x1  }
0x2c8: {  	[sflag:s25] =	ssyncset.done $0x0  }
0x2c9: {  	s21 =	rddreg [dreg:$0x12];
	[sflag:s25] =	ssyncadd.s32 $0xFFFFF900;
	s12 =	sshrl.u32 @!p0 s24, $0x3  }
0x2ca: {  	[hbm:s21], [sflag:s11] =	dma.local @!p0 [spmem:s12], $0x100  }
0x2cb: {  	s11 =	simm.s32 @!p0 $0x10  }
0x2cc: {  	_ =	swait.ge @!p0 [sflag:s11], $0x100  }
0x2cd: {  	s12 =	sld [smem:$0x7F5];
	_ =	sdelay $0x2  }
0x2ce: {  	s22 =	rddreg [dreg:$0x13];
	s21 =	sadd.s32 $0x1, s12  }
0x2cf: {  	p1 =	sne.s32 s21, s22  }
.Ltmp7:
0x2d0: {  	_ = 	snop;
	(pc) =	sbr.rel @p1 .LBB2_1-.Ltmp7, $3  }
0x2d1: {  	_ =	sdelay $0x1  }
0x2d2: {  	[sflag:s11] =	ssyncset.done @!p0 $0x0  }
0x2d3: {  	[sflag:s11] =	ssyncadd.s32 @!p0 $0xFFFFFF00  }
0x2d4: {  	_ =	sfence.sel $0x180000  }
0x2d5: {  	[bflag:$0x0] =	sbarrier.arrive $0xFFFF  }
0x2d6: {  	_ =	strace $0x90000047  }
0x2d7: {  	s0 =	stileid.u32;
	[bflag:$0x2] =	sbarrier.arrive $0xFFFF  }
0x2d8: {  	p0 =	sne.s32 s0, $0x0;
	s0 =	rddreg [dreg:$0x4]  }
0x2d9: {  	s0 =	sadd.s32 @!p0 $0x100000, s0  }
0x2da: {  	[sflag:s0] =	ssyncadd.tile.s32 @!p0 $0x1;
	_ =	shalt  }
.Lfunc_end2:
_tile_overlayer_lowered:
.L_overlay_start_2:
0x2db: {  	(tag) =	ssettag $0x2  }
0x2dc: {  	s0 =	rddreg [dreg:$0x0];
	s2 =	stileid.u32  }
0x2dd: {  	s1 =	rddreg [dreg:$0x1];
	p0 =	sne.s32 s2, $0x0  }
0x2de: {  	s3 =	rddreg [dreg:$0x2];
	[bflag:$0x3] =	sbarrier.arrive $0xFFFF;
	s2 =	simm.s32 @!p0 $0x1C10  }
0x2df: {  	[timem:s3], [sflag:s2] =	dma.local @!p0 [hbm:s0], s1  }
0x2e0: {  	s0 =	simm.s32 @!p0 $0x10  }
0x2e1: {  	_ =	swait.ge @!p0 [sflag:s0], s1  }
0x2e2: {  	s1 =	ssub.s32 @!p0 $0x0, s1;
	[sflag:s0] =	ssyncset.done @!p0 $0x0  }
0x2e3: {  	[sflag:s0] =	ssyncadd.s32 @!p0 s1  }
0x2e4: {  	[bflag:$0x3] =	sbarrier.arrive $0xFFFF  }
0x2e5: {  	_ =	shalt  }

</sc_bundles>
